<compile_context>
chip_gen: v7x
topology: tpu7x:2x2x1
jax: 0.10.2.dev20260603
libtpu: 0.0.44.dev20260713+nightly
codegen_flags: <defaults>
</compile_context>

<pallas_src>
import functools

import jax
import jax.numpy as jnp
from jax import lax
from jax.experimental import pallas as pl
from jax.experimental.pallas import tpu as pltpu
from jax.experimental.pallas import tpu_sc as plsc

N = 10000
E = 320000
D = 128
G = 64

NUM_CORES = 2
NUM_SUBCORES = 16
NUM_WORKERS = NUM_CORES * NUM_SUBCORES
CHUNK = 128
NBUF = 2
IRING = 8
STEPS = 80
MROUNDS = STEPS // IRING
EDGES_PER_WORKER = STEPS * CHUNK
E_PAD = NUM_WORKERS * EDGES_PER_WORKER
N_ACC = 10112
STRIPE = N_ACC // NUM_SUBCORES

ROWS_BLK = 2000
N_BLOCKS = N // ROWS_BLK


@functools.lru_cache(maxsize=1)
def _make_sc_agg():
    mesh = plsc.VectorSubcoreMesh(core_axis_name="c", subcore_axis_name="s",
                                  num_cores=NUM_CORES, num_subcores=NUM_SUBCORES)

    @functools.partial(
        pl.kernel,
        mesh=mesh,
        out_type=jax.ShapeDtypeStruct((NUM_CORES, N_ACC, D), jnp.float32),
        scratch_types=[
            pltpu.VMEM((IRING, 2, CHUNK), jnp.int32),
            pltpu.VMEM((NBUF, CHUNK, D), jnp.float32),
            pltpu.VMEM_SHARED((N_ACC, D), jnp.float32),
        ] + [pltpu.SemaphoreType.DMA] * (2 * NBUF + IRING),
    )
    def agg(feat, idxr, zeros, out, islot, rows, acc, *sems):
        semg = sems[:NBUF]
        semsc = sems[NBUF:2 * NBUF]
        semi = sems[2 * NBUF:]
        cid = lax.axis_index("c")
        sid = lax.axis_index("s")
        wid = sid * NUM_CORES + cid

        pltpu.sync_copy(zeros, acc.at[pl.ds(sid * STRIPE, STRIPE)])
        plsc.subcore_barrier()

        def iissue(c, s):
            pltpu.async_copy(idxr.at[wid, c], islot.at[s], semi[s])

        def iwait(s):
            pltpu.make_async_copy(idxr.at[wid, 0], islot.at[s], semi[s]).wait()

        def gissue(s, b):
            pltpu.async_copy(feat.at[islot.at[s].at[0]], rows.at[b], semg[b])

        def gwait(b):
            pltpu.make_async_copy(feat.at[islot.at[0].at[0]], rows.at[b],
                                  semg[b]).wait()

        def scat(s, b):
            pltpu.async_copy(rows.at[b], acc.at[islot.at[s].at[1]], semsc[b],
                             add=True)

        def swait(b):
            pltpu.make_async_copy(rows.at[b], acc.at[islot.at[0].at[1]],
                                  semsc[b]).wait()

        for s in range(IRING):
            iissue(s, s)
        for b in range(NBUF):
            iwait(b)
            gissue(b, b)

        def macro_round(m, carry):
            for k in range(IRING):
                b = k % NBUF
                c = m * IRING + k
                gwait(b)
                scat(k, b)
                nxt = (k + NBUF) % IRING
                iwait(nxt)
                swait(b)
                iissue(c + IRING, k)
                gissue(nxt, b)
            return carry

        lax.fori_loop(0, MROUNDS - 1, macro_round, 0)

        for k in range(IRING):
            b = k % NBUF
            gwait(b)
            scat(k, b)
            swait(b)
            if k < IRING - NBUF:
                nxt = (k + NBUF) % IRING
                iwait(nxt)
                gissue(nxt, b)
        plsc.subcore_barrier()

        pltpu.sync_copy(
            acc.at[pl.ds(sid * STRIPE, STRIPE)],
            out.at[cid, pl.ds(sid * STRIPE, STRIPE)],
        )

    return agg


def _mm_relu_body(x_ref, p_ref, w_ref, b_ref, o_ref):
    xa = x_ref[...] + p_ref[0] + p_ref[1]
    h = jnp.dot(xa, w_ref[...], preferred_element_type=jnp.float32)
    o_ref[...] = jnp.maximum(h + b_ref[...], 0.0)


def _mm_relu(x, parts, w, b):
    return pl.pallas_call(
        _mm_relu_body,
        grid=(N_BLOCKS,),
        in_specs=[
            pl.BlockSpec((ROWS_BLK, D), lambda i: (i, 0)),
            pl.BlockSpec((NUM_CORES, ROWS_BLK, D), lambda i: (0, i, 0)),
            pl.BlockSpec((D, D), lambda i: (0, 0)),
            pl.BlockSpec((1, D), lambda i: (0, 0)),
        ],
        out_specs=pl.BlockSpec((ROWS_BLK, D), lambda i: (i, 0)),
        out_shape=jax.ShapeDtypeStruct((N, D), jnp.float32),
    )(x, parts, w, b)


def _mm_pool_body(x_ref, p_ref, w_ref, b_ref, batch_ref, w3_ref, b3_ref,
                  out_ref, sums_ref, cnts_ref):
    i = pl.program_id(0)
    xa = x_ref[...] + p_ref[0] + p_ref[1]
    h = jnp.dot(xa, w_ref[...], preferred_element_type=jnp.float32)
    h = jnp.maximum(h + b_ref[...], 0.0)

    seg = batch_ref[0, 0]
    onehot = (seg[:, None] == lax.broadcasted_iota(jnp.int32, (ROWS_BLK, G), 1))
    onehot = onehot.astype(jnp.float32)
    psum = lax.dot_general(onehot, h, (((0,), (0,)), ((), ())),
                           preferred_element_type=jnp.float32)
    pcnt = lax.dot_general(onehot, jnp.ones((ROWS_BLK, D), jnp.float32),
                           (((0,), (0,)), ((), ())),
                           preferred_element_type=jnp.float32)

    @pl.when(i == 0)
    def _():
        sums_ref[...] = jnp.zeros_like(sums_ref)
        cnts_ref[...] = jnp.zeros_like(cnts_ref)

    sums_ref[...] += psum
    cnts_ref[...] += pcnt

    @pl.when(i == N_BLOCKS - 1)
    def _():
        pooled = sums_ref[...] / jnp.maximum(cnts_ref[...], 1.0)
        logits = jnp.dot(pooled, w3_ref[...], preferred_element_type=jnp.float32)
        out_ref[...] = logits + b3_ref[...]


def _mm_pool(h1, parts, w2, b2, batch_r, w3, b3):
    c = w3.shape[1]
    out, _, _ = pl.pallas_call(
        _mm_pool_body,
        grid=(N_BLOCKS,),
        in_specs=[
            pl.BlockSpec((ROWS_BLK, D), lambda i: (i, 0)),
            pl.BlockSpec((NUM_CORES, ROWS_BLK, D), lambda i: (0, i, 0)),
            pl.BlockSpec((D, D), lambda i: (0, 0)),
            pl.BlockSpec((1, D), lambda i: (0, 0)),
            pl.BlockSpec((1, 1, ROWS_BLK), lambda i: (i, 0, 0)),
            pl.BlockSpec((D, c), lambda i: (0, 0)),
            pl.BlockSpec((1, c), lambda i: (0, 0)),
        ],
        out_specs=[
            pl.BlockSpec((G, c), lambda i: (0, 0)),
            pl.BlockSpec((G, D), lambda i: (0, 0)),
            pl.BlockSpec((G, D), lambda i: (0, 0)),
        ],
        out_shape=[
            jax.ShapeDtypeStruct((G, c), jnp.float32),
            jax.ShapeDtypeStruct((G, D), jnp.float32),
            jax.ShapeDtypeStruct((G, D), jnp.float32),
        ],
    )(h1, parts, w2, b2, batch_r, w3, b3)
    return out


def kernel(x, edge_index, batch, W1, b1, W2, b2, W3, b3):
    src = edge_index[0]
    dst = edge_index[1]

    pad = E_PAD - E
    src_p = jnp.concatenate(
        [src, jnp.arange(pad, dtype=jnp.int32) * 64 % N])
    junk = N + jnp.arange(pad, dtype=jnp.int32) % (N_ACC - N)
    dst_p = jnp.concatenate([dst, junk])
    srcr = src_p.reshape(NUM_WORKERS, STEPS, 1, CHUNK)
    dstr = dst_p.reshape(NUM_WORKERS, STEPS, 1, CHUNK)
    idxr = jnp.concatenate([srcr, dstr], axis=2)
    zeros = jnp.zeros((STRIPE, D), jnp.float32)

    sc_agg = _make_sc_agg()
    parts1 = sc_agg(x, idxr, zeros)
    h1 = _mm_relu(x, parts1, W1, b1.reshape(1, D))
    parts2 = sc_agg(h1, idxr, zeros)

    batch_r = batch.reshape(N_BLOCKS, 1, ROWS_BLK)
    out = _mm_pool(h1, parts2, W2, b2.reshape(1, D), batch_r,
                   W3, b3.reshape(1, -1))
    return out

# --- scband reference (transcript-rebuilt; emitter-appended) ---
"""Pipeline reference for scband-gin-73710228734579 (READ-ONLY COPY).

The authoritative reference and input builder live on the scoring server;
editing this copy changes nothing except your own understanding.
"""

import jax, jax.numpy as jnp
import numpy as np

N = 10000
E = 320000
D = 128
H1 = 128
H2 = 128
C = 10
G = 64


def setup_inputs(seed: int = 0) -> dict:
    key = jax.random.key(seed)
    ks = jax.random.split(key, 10)
    x = jax.random.normal(ks[0], (N, D), dtype=jnp.float32)
    edge_index = jax.random.randint(ks[1], (2, E), 0, N, dtype=jnp.int32)
    batch = jnp.sort(jax.random.randint(ks[2], (N,), 0, G, dtype=jnp.int32))
    W1 = jax.random.normal(ks[3], (D, H1), dtype=jnp.float32) * 0.05
    b1 = jnp.zeros((H1,), dtype=jnp.float32)
    W2 = jax.random.normal(ks[4], (H1, H2), dtype=jnp.float32) * 0.05
    b2 = jnp.zeros((H2,), dtype=jnp.float32)
    W3 = jax.random.normal(ks[5], (H2, C), dtype=jnp.float32) * 0.05
    b3 = jnp.zeros((C,), dtype=jnp.float32)
    return {"x": x, "edge_index": edge_index, "batch": batch,
            "W1": W1, "b1": b1, "W2": W2, "b2": b2, "W3": W3, "b3": b3}


def reference(x, edge_index, batch, W1, b1, W2, b2, W3, b3):
    # GINConv (eps=0, MLP = single Linear):  h_i = Linear((1+eps)*x_i + sum_{j->i} x_j)
    src = edge_index[0]
    dst = edge_index[1]

    agg1 = jax.ops.segment_sum(x[src], dst, num_segments=N)
    h1 = jax.nn.relu(jnp.dot(x + agg1, W1) + b1)

    agg2 = jax.ops.segment_sum(h1[src], dst, num_segments=N)
    h2 = jax.nn.relu(jnp.dot(h1 + agg2, W2) + b2)

    # global_mean_pool over batch assignment
    sums = jax.ops.segment_sum(h2, batch, num_segments=G)
    counts = jax.ops.segment_sum(jnp.ones((N,), dtype=jnp.float32), batch, num_segments=G)
    pooled = sums / jnp.maximum(counts, 1.0)[:, None]

    return jnp.dot(pooled, W3) + b3

if __name__ == "__main__":
    import jax
    _d = setup_inputs()
    print(jax.jit(kernel)(*tuple(_d.values())))

</pallas_src>

<mosaic_0001>
#map = affine_map<(d0, d1) -> (0, 0)>
#map1 = affine_map<(d0, d1) -> (0, 0, 0, 0)>
#map2 = affine_map<(d0, d1) -> (0, 0, 0)>
module attributes {stable_mosaic.version = 14 : i64} {
  func.func @agg(%arg0: i32, %arg1: i32, %arg2: memref<10000x128xf32, #tpu.memory_space<hbm>>, %arg3: memref<32x80x2x128xi32, #tpu.memory_space<hbm>>, %arg4: memref<632x128xf32, #tpu.memory_space<hbm>>, %arg5: memref<2x10112x128xf32, #tpu.memory_space<hbm>>, %arg6: memref<8x2x128xi32, #tpu.memory_space<vmem>>, %arg7: memref<2x128x128xf32, #tpu.memory_space<vmem>>, %arg8: memref<10112x128xf32, #tpu.memory_space<vmem_shared>>, %arg9: memref<!tpu.dma_semaphore, #tpu.memory_space<semaphore_mem>>, %arg10: memref<!tpu.dma_semaphore, #tpu.memory_space<semaphore_mem>>, %arg11: memref<!tpu.dma_semaphore, #tpu.memory_space<semaphore_mem>>, %arg12: memref<!tpu.dma_semaphore, #tpu.memory_space<semaphore_mem>>, %arg13: memref<!tpu.dma_semaphore, #tpu.memory_space<semaphore_mem>>, %arg14: memref<!tpu.dma_semaphore, #tpu.memory_space<semaphore_mem>>, %arg15: memref<!tpu.dma_semaphore, #tpu.memory_space<semaphore_mem>>, %arg16: memref<!tpu.dma_semaphore, #tpu.memory_space<semaphore_mem>>, %arg17: memref<!tpu.dma_semaphore, #tpu.memory_space<semaphore_mem>>, %arg18: memref<!tpu.dma_semaphore, #tpu.memory_space<semaphore_mem>>, %arg19: memref<!tpu.dma_semaphore, #tpu.memory_space<semaphore_mem>>, %arg20: memref<!tpu.dma_semaphore, #tpu.memory_space<semaphore_mem>>) attributes {dimension_semantics = [#tpu.dimension_semantics<core_parallel>, #tpu.dimension_semantics<subcore_parallel>], iteration_bounds = array<i64: 2, 16>, scalar_prefetch = 0 : i64, scratch_operands = 15 : i64, tpu.core_type = #tpu.core_type<sc_vector_subcore>, window_params = [{transform_indices = #map}, {transform_indices = #map1}, {transform_indices = #map}, {transform_indices = #map2}]} {
    %mul3A = arith.constant 2 : i32
    %mul3A_0 = arith.muli %arg1, %mul3A : i32
    %add3A = arith.addi %mul3A_0, %arg0 : i32
    %mul3A_1 = arith.constant 632 : i32
    %mul3A_2 = arith.muli %arg1, %mul3A_1 : i32
    "tpu.region"() ({
      %run_scoped3A = tpu.sem_alloc : memref<!tpu.dma_semaphore, #tpu.memory_space<semaphore_mem>>
      %dma_start3A_843 = arith.constant 0 : i32
      %dma_start3A_844 = tpu.memref_slice %arg8[%mul3A_2, %dma_start3A_843] : memref<10112x128xf32, #tpu.memory_space<vmem_shared>> -> memref<632x128xf32, #tpu.memory_space<vmem_shared>>
      tpu.enqueue_dma source(%arg4 : memref<632x128xf32, #tpu.memory_space<hbm>>) target(%dma_start3A_844 : memref<632x128xf32, #tpu.memory_space<vmem_shared>>) target_semaphore(%run_scoped3A : memref<!tpu.dma_semaphore, #tpu.memory_space<semaphore_mem>>)
      %dma_wait3A_845 = arith.constant 0 : i32
      %dma_wait3A_846 = tpu.memref_slice %arg8[%mul3A_2, %dma_wait3A_845] : memref<10112x128xf32, #tpu.memory_space<vmem_shared>> -> memref<632x128xf32, #tpu.memory_space<vmem_shared>>
      tpu.wait_dma2 semaphore(%run_scoped3A : memref<!tpu.dma_semaphore, #tpu.memory_space<semaphore_mem>>) src(%arg4 : memref<632x128xf32, #tpu.memory_space<hbm>>) dst(%dma_wait3A_846 : memref<632x128xf32, #tpu.memory_space<vmem_shared>>)
      tpu.yield
    }) : () -> ()
    %barrier3A = arith.constant 0 : index
    tpu.barrier barrier_id(%barrier3A)
    %dma_start3A = arith.constant 0 : i32
    %dma_start3A_3 = arith.constant 0 : i32
    %dma_start3A_4 = arith.constant 0 : i32
    %dma_start3A_5 = arith.constant 0 : i32
    %dma_start3A_6 = tpu.memref_slice %arg6[%dma_start3A_3, %dma_start3A_4, %dma_start3A_5] : memref<8x2x128xi32, #tpu.memory_space<vmem>> -> memref<1x2x128xi32, #tpu.memory_space<vmem>>
    %dma_start3A_7 = tpu.memref_squeeze %dma_start3A_6 : memref<1x2x128xi32, #tpu.memory_space<vmem>> -> memref<2x128xi32, #tpu.memory_space<vmem>>
    %dma_start3A_8 = arith.constant 0 : i32
    %dma_start3A_9 = arith.constant 0 : i32
    %dma_start3A_10 = tpu.memref_slice %arg3[%add3A, %dma_start3A, %dma_start3A_8, %dma_start3A_9] : memref<32x80x2x128xi32, #tpu.memory_space<hbm>> -> memref<1x1x2x128xi32, #tpu.memory_space<hbm>>
    %dma_start3A_11 = tpu.memref_squeeze %dma_start3A_10 : memref<1x1x2x128xi32, #tpu.memory_space<hbm>> -> memref<2x128xi32, #tpu.memory_space<hbm>>
    %dma_start3A_12 = arith.constant 0 : i32
    %dma_start3A_13 = arith.constant 0 : i32
    %dma_start3A_14 = tpu.memref_slice %arg6[%dma_start3A_3, %dma_start3A_12, %dma_start3A_13] : memref<8x2x128xi32, #tpu.memory_space<vmem>> -> memref<1x2x128xi32, #tpu.memory_space<vmem>>
    %dma_start3A_15 = tpu.memref_squeeze %dma_start3A_14 : memref<1x2x128xi32, #tpu.memory_space<vmem>> -> memref<2x128xi32, #tpu.memory_space<vmem>>
    %dma_start3A_16 = arith.constant 0 : i32
    %dma_start3A_17 = arith.constant 0 : i32
    %dma_start3A_18 = tpu.memref_slice %arg3[%add3A, %dma_start3A, %dma_start3A_16, %dma_start3A_17] : memref<32x80x2x128xi32, #tpu.memory_space<hbm>> -> memref<1x1x2x128xi32, #tpu.memory_space<hbm>>
    %dma_start3A_19 = tpu.memref_squeeze %dma_start3A_18 : memref<1x1x2x128xi32, #tpu.memory_space<hbm>> -> memref<2x128xi32, #tpu.memory_space<hbm>>
    tpu.enqueue_dma source(%dma_start3A_19 : memref<2x128xi32, #tpu.memory_space<hbm>>) target(%dma_start3A_15 : memref<2x128xi32, #tpu.memory_space<vmem>>) target_semaphore(%arg13 : memref<!tpu.dma_semaphore, #tpu.memory_space<semaphore_mem>>)
    %dma_start3A_20 = arith.constant 1 : i32
    %dma_start3A_21 = arith.constant 1 : i32
    %dma_start3A_22 = arith.constant 0 : i32
    %dma_start3A_23 = arith.constant 0 : i32
    %dma_start3A_24 = tpu.memref_slice %arg6[%dma_start3A_21, %dma_start3A_22, %dma_start3A_23] : memref<8x2x128xi32, #tpu.memory_space<vmem>> -> memref<1x2x128xi32, #tpu.memory_space<vmem>>
    %dma_start3A_25 = tpu.memref_squeeze %dma_start3A_24 : memref<1x2x128xi32, #tpu.memory_space<vmem>> -> memref<2x128xi32, #tpu.memory_space<vmem>>
    %dma_start3A_26 = arith.constant 0 : i32
    %dma_start3A_27 = arith.constant 0 : i32
    %dma_start3A_28 = tpu.memref_slice %arg3[%add3A, %dma_start3A_20, %dma_start3A_26, %dma_start3A_27] : memref<32x80x2x128xi32, #tpu.memory_space<hbm>> -> memref<1x1x2x128xi32, #tpu.memory_space<hbm>>
    %dma_start3A_29 = tpu.memref_squeeze %dma_start3A_28 : memref<1x1x2x128xi32, #tpu.memory_space<hbm>> -> memref<2x128xi32, #tpu.memory_space<hbm>>
    %dma_start3A_30 = arith.constant 0 : i32
    %dma_start3A_31 = arith.constant 0 : i32
    %dma_start3A_32 = tpu.memref_slice %arg6[%dma_start3A_21, %dma_start3A_30, %dma_start3A_31] : memref<8x2x128xi32, #tpu.memory_space<vmem>> -> memref<1x2x128xi32, #tpu.memory_space<vmem>>
    %dma_start3A_33 = tpu.memref_squeeze %dma_start3A_32 : memref<1x2x128xi32, #tpu.memory_space<vmem>> -> memref<2x128xi32, #tpu.memory_space<vmem>>
    %dma_start3A_34 = arith.constant 0 : i32
    %dma_start3A_35 = arith.constant 0 : i32
    %dma_start3A_36 = tpu.memref_slice %arg3[%add3A, %dma_start3A_20, %dma_start3A_34, %dma_start3A_35] : memref<32x80x2x128xi32, #tpu.memory_space<hbm>> -> memref<1x1x2x128xi32, #tpu.memory_space<hbm>>
    %dma_start3A_37 = tpu.memref_squeeze %dma_start3A_36 : memref<1x1x2x128xi32, #tpu.memory_space<hbm>> -> memref<2x128xi32, #tpu.memory_space<hbm>>
    tpu.enqueue_dma source(%dma_start3A_37 : memref<2x128xi32, #tpu.memory_space<hbm>>) target(%dma_start3A_33 : memref<2x128xi32, #tpu.memory_space<vmem>>) target_semaphore(%arg14 : memref<!tpu.dma_semaphore, #tpu.memory_space<semaphore_mem>>)
    %dma_start3A_38 = arith.constant 2 : i32
    %dma_start3A_39 = arith.constant 2 : i32
    %dma_start3A_40 = arith.constant 0 : i32
    %dma_start3A_41 = arith.constant 0 : i32
    %dma_start3A_42 = tpu.memref_slice %arg6[%dma_start3A_39, %dma_start3A_40, %dma_start3A_41] : memref<8x2x128xi32, #tpu.memory_space<vmem>> -> memref<1x2x128xi32, #tpu.memory_space<vmem>>
    %dma_start3A_43 = tpu.memref_squeeze %dma_start3A_42 : memref<1x2x128xi32, #tpu.memory_space<vmem>> -> memref<2x128xi32, #tpu.memory_space<vmem>>
    %dma_start3A_44 = arith.constant 0 : i32
    %dma_start3A_45 = arith.constant 0 : i32
    %dma_start3A_46 = tpu.memref_slice %arg3[%add3A, %dma_start3A_38, %dma_start3A_44, %dma_start3A_45] : memref<32x80x2x128xi32, #tpu.memory_space<hbm>> -> memref<1x1x2x128xi32, #tpu.memory_space<hbm>>
    %dma_start3A_47 = tpu.memref_squeeze %dma_start3A_46 : memref<1x1x2x128xi32, #tpu.memory_space<hbm>> -> memref<2x128xi32, #tpu.memory_space<hbm>>
    %dma_start3A_48 = arith.constant 0 : i32
    %dma_start3A_49 = arith.constant 0 : i32
    %dma_start3A_50 = tpu.memref_slice %arg6[%dma_start3A_39, %dma_start3A_48, %dma_start3A_49] : memref<8x2x128xi32, #tpu.memory_space<vmem>> -> memref<1x2x128xi32, #tpu.memory_space<vmem>>
    %dma_start3A_51 = tpu.memref_squeeze %dma_start3A_50 : memref<1x2x128xi32, #tpu.memory_space<vmem>> -> memref<2x128xi32, #tpu.memory_space<vmem>>
    %dma_start3A_52 = arith.constant 0 : i32
    %dma_start3A_53 = arith.constant 0 : i32
    %dma_start3A_54 = tpu.memref_slice %arg3[%add3A, %dma_start3A_38, %dma_start3A_52, %dma_start3A_53] : memref<32x80x2x128xi32, #tpu.memory_space<hbm>> -> memref<1x1x2x128xi32, #tpu.memory_space<hbm>>
    %dma_start3A_55 = tpu.memref_squeeze %dma_start3A_54 : memref<1x1x2x128xi32, #tpu.memory_space<hbm>> -> memref<2x128xi32, #tpu.memory_space<hbm>>
    tpu.enqueue_dma source(%dma_start3A_55 : memref<2x128xi32, #tpu.memory_space<hbm>>) target(%dma_start3A_51 : memref<2x128xi32, #tpu.memory_space<vmem>>) target_semaphore(%arg15 : memref<!tpu.dma_semaphore, #tpu.memory_space<semaphore_mem>>)
    %dma_start3A_56 = arith.constant 3 : i32
    %dma_start3A_57 = arith.constant 3 : i32
    %dma_start3A_58 = arith.constant 0 : i32
    %dma_start3A_59 = arith.constant 0 : i32
    %dma_start3A_60 = tpu.memref_slice %arg6[%dma_start3A_57, %dma_start3A_58, %dma_start3A_59] : memref<8x2x128xi32, #tpu.memory_space<vmem>> -> memref<1x2x128xi32, #tpu.memory_space<vmem>>
    %dma_start3A_61 = tpu.memref_squeeze %dma_start3A_60 : memref<1x2x128xi32, #tpu.memory_space<vmem>> -> memref<2x128xi32, #tpu.memory_space<vmem>>
    %dma_start3A_62 = arith.constant 0 : i32
    %dma_start3A_63 = arith.constant 0 : i32
    %dma_start3A_64 = tpu.memref_slice %arg3[%add3A, %dma_start3A_56, %dma_start3A_62, %dma_start3A_63] : memref<32x80x2x128xi32, #tpu.memory_space<hbm>> -> memref<1x1x2x128xi32, #tpu.memory_space<hbm>>
    %dma_start3A_65 = tpu.memref_squeeze %dma_start3A_64 : memref<1x1x2x128xi32, #tpu.memory_space<hbm>> -> memref<2x128xi32, #tpu.memory_space<hbm>>
    %dma_start3A_66 = arith.constant 0 : i32
    %dma_start3A_67 = arith.constant 0 : i32
    %dma_start3A_68 = tpu.memref_slice %arg6[%dma_start3A_57, %dma_start3A_66, %dma_start3A_67] : memref<8x2x128xi32, #tpu.memory_space<vmem>> -> memref<1x2x128xi32, #tpu.memory_space<vmem>>
    %dma_start3A_69 = tpu.memref_squeeze %dma_start3A_68 : memref<1x2x128xi32, #tpu.memory_space<vmem>> -> memref<2x128xi32, #tpu.memory_space<vmem>>
    %dma_start3A_70 = arith.constant 0 : i32
    %dma_start3A_71 = arith.constant 0 : i32
    %dma_start3A_72 = tpu.memref_slice %arg3[%add3A, %dma_start3A_56, %dma_start3A_70, %dma_start3A_71] : memref<32x80x2x128xi32, #tpu.memory_space<hbm>> -> memref<1x1x2x128xi32, #tpu.memory_space<hbm>>
    %dma_start3A_73 = tpu.memref_squeeze %dma_start3A_72 : memref<1x1x2x128xi32, #tpu.memory_space<hbm>> -> memref<2x128xi32, #tpu.memory_space<hbm>>
    tpu.enqueue_dma source(%dma_start3A_73 : memref<2x128xi32, #tpu.memory_space<hbm>>) target(%dma_start3A_69 : memref<2x128xi32, #tpu.memory_space<vmem>>) target_semaphore(%arg16 : memref<!tpu.dma_semaphore, #tpu.memory_space<semaphore_mem>>)
    %dma_start3A_74 = arith.constant 4 : i32
    %dma_start3A_75 = arith.constant 4 : i32
    %dma_start3A_76 = arith.constant 0 : i32
    %dma_start3A_77 = arith.constant 0 : i32
    %dma_start3A_78 = tpu.memref_slice %arg6[%dma_start3A_75, %dma_start3A_76, %dma_start3A_77] : memref<8x2x128xi32, #tpu.memory_space<vmem>> -> memref<1x2x128xi32, #tpu.memory_space<vmem>>
    %dma_start3A_79 = tpu.memref_squeeze %dma_start3A_78 : memref<1x2x128xi32, #tpu.memory_space<vmem>> -> memref<2x128xi32, #tpu.memory_space<vmem>>
    %dma_start3A_80 = arith.constant 0 : i32
    %dma_start3A_81 = arith.constant 0 : i32
    %dma_start3A_82 = tpu.memref_slice %arg3[%add3A, %dma_start3A_74, %dma_start3A_80, %dma_start3A_81] : memref<32x80x2x128xi32, #tpu.memory_space<hbm>> -> memref<1x1x2x128xi32, #tpu.memory_space<hbm>>
    %dma_start3A_83 = tpu.memref_squeeze %dma_start3A_82 : memref<1x1x2x128xi32, #tpu.memory_space<hbm>> -> memref<2x128xi32, #tpu.memory_space<hbm>>
    %dma_start3A_84 = arith.constant 0 : i32
    %dma_start3A_85 = arith.constant 0 : i32
    %dma_start3A_86 = tpu.memref_slice %arg6[%dma_start3A_75, %dma_start3A_84, %dma_start3A_85] : memref<8x2x128xi32, #tpu.memory_space<vmem>> -> memref<1x2x128xi32, #tpu.memory_space<vmem>>
    %dma_start3A_87 = tpu.memref_squeeze %dma_start3A_86 : memref<1x2x128xi32, #tpu.memory_space<vmem>> -> memref<2x128xi32, #tpu.memory_space<vmem>>
    %dma_start3A_88 = arith.constant 0 : i32
    %dma_start3A_89 = arith.constant 0 : i32
    %dma_start3A_90 = tpu.memref_slice %arg3[%add3A, %dma_start3A_74, %dma_start3A_88, %dma_start3A_89] : memref<32x80x2x128xi32, #tpu.memory_space<hbm>> -> memref<1x1x2x128xi32, #tpu.memory_space<hbm>>
    %dma_start3A_91 = tpu.memref_squeeze %dma_start3A_90 : memref<1x1x2x128xi32, #tpu.memory_space<hbm>> -> memref<2x128xi32, #tpu.memory_space<hbm>>
    tpu.enqueue_dma source(%dma_start3A_91 : memref<2x128xi32, #tpu.memory_space<hbm>>) target(%dma_start3A_87 : memref<2x128xi32, #tpu.memory_space<vmem>>) target_semaphore(%arg17 : memref<!tpu.dma_semaphore, #tpu.memory_space<semaphore_mem>>)
    %dma_start3A_92 = arith.constant 5 : i32
    %dma_start3A_93 = arith.constant 5 : i32
    %dma_start3A_94 = arith.constant 0 : i32
    %dma_start3A_95 = arith.constant 0 : i32
    %dma_start3A_96 = tpu.memref_slice %arg6[%dma_start3A_93, %dma_start3A_94, %dma_start3A_95] : memref<8x2x128xi32, #tpu.memory_space<vmem>> -> memref<1x2x128xi32, #tpu.memory_space<vmem>>
    %dma_start3A_97 = tpu.memref_squeeze %dma_start3A_96 : memref<1x2x128xi32, #tpu.memory_space<vmem>> -> memref<2x128xi32, #tpu.memory_space<vmem>>
    %dma_start3A_98 = arith.constant 0 : i32
    %dma_start3A_99 = arith.constant 0 : i32
    %dma_start3A_100 = tpu.memref_slice %arg3[%add3A, %dma_start3A_92, %dma_start3A_98, %dma_start3A_99] : memref<32x80x2x128xi32, #tpu.memory_space<hbm>> -> memref<1x1x2x128xi32, #tpu.memory_space<hbm>>
    %dma_start3A_101 = tpu.memref_squeeze %dma_start3A_100 : memref<1x1x2x128xi32, #tpu.memory_space<hbm>> -> memref<2x128xi32, #tpu.memory_space<hbm>>
    %dma_start3A_102 = arith.constant 0 : i32
    %dma_start3A_103 = arith.constant 0 : i32
    %dma_start3A_104 = tpu.memref_slice %arg6[%dma_start3A_93, %dma_start3A_102, %dma_start3A_103] : memref<8x2x128xi32, #tpu.memory_space<vmem>> -> memref<1x2x128xi32, #tpu.memory_space<vmem>>
    %dma_start3A_105 = tpu.memref_squeeze %dma_start3A_104 : memref<1x2x128xi32, #tpu.memory_space<vmem>> -> memref<2x128xi32, #tpu.memory_space<vmem>>
    %dma_start3A_106 = arith.constant 0 : i32
    %dma_start3A_107 = arith.constant 0 : i32
    %dma_start3A_108 = tpu.memref_slice %arg3[%add3A, %dma_start3A_92, %dma_start3A_106, %dma_start3A_107] : memref<32x80x2x128xi32, #tpu.memory_space<hbm>> -> memref<1x1x2x128xi32, #tpu.memory_space<hbm>>
    %dma_start3A_109 = tpu.memref_squeeze %dma_start3A_108 : memref<1x1x2x128xi32, #tpu.memory_space<hbm>> -> memref<2x128xi32, #tpu.memory_space<hbm>>
    tpu.enqueue_dma source(%dma_start3A_109 : memref<2x128xi32, #tpu.memory_space<hbm>>) target(%dma_start3A_105 : memref<2x128xi32, #tpu.memory_space<vmem>>) target_semaphore(%arg18 : memref<!tpu.dma_semaphore, #tpu.memory_space<semaphore_mem>>)
    %dma_start3A_110 = arith.constant 6 : i32
    %dma_start3A_111 = arith.constant 6 : i32
    %dma_start3A_112 = arith.constant 0 : i32
    %dma_start3A_113 = arith.constant 0 : i32
    %dma_start3A_114 = tpu.memref_slice %arg6[%dma_start3A_111, %dma_start3A_112, %dma_start3A_113] : memref<8x2x128xi32, #tpu.memory_space<vmem>> -> memref<1x2x128xi32, #tpu.memory_space<vmem>>
    %dma_start3A_115 = tpu.memref_squeeze %dma_start3A_114 : memref<1x2x128xi32, #tpu.memory_space<vmem>> -> memref<2x128xi32, #tpu.memory_space<vmem>>
    %dma_start3A_116 = arith.constant 0 : i32
    %dma_start3A_117 = arith.constant 0 : i32
    %dma_start3A_118 = tpu.memref_slice %arg3[%add3A, %dma_start3A_110, %dma_start3A_116, %dma_start3A_117] : memref<32x80x2x128xi32, #tpu.memory_space<hbm>> -> memref<1x1x2x128xi32, #tpu.memory_space<hbm>>
    %dma_start3A_119 = tpu.memref_squeeze %dma_start3A_118 : memref<1x1x2x128xi32, #tpu.memory_space<hbm>> -> memref<2x128xi32, #tpu.memory_space<hbm>>
    %dma_start3A_120 = arith.constant 0 : i32
    %dma_start3A_121 = arith.constant 0 : i32
    %dma_start3A_122 = tpu.memref_slice %arg6[%dma_start3A_111, %dma_start3A_120, %dma_start3A_121] : memref<8x2x128xi32, #tpu.memory_space<vmem>> -> memref<1x2x128xi32, #tpu.memory_space<vmem>>
    %dma_start3A_123 = tpu.memref_squeeze %dma_start3A_122 : memref<1x2x128xi32, #tpu.memory_space<vmem>> -> memref<2x128xi32, #tpu.memory_space<vmem>>
    %dma_start3A_124 = arith.constant 0 : i32
    %dma_start3A_125 = arith.constant 0 : i32
    %dma_start3A_126 = tpu.memref_slice %arg3[%add3A, %dma_start3A_110, %dma_start3A_124, %dma_start3A_125] : memref<32x80x2x128xi32, #tpu.memory_space<hbm>> -> memref<1x1x2x128xi32, #tpu.memory_space<hbm>>
    %dma_start3A_127 = tpu.memref_squeeze %dma_start3A_126 : memref<1x1x2x128xi32, #tpu.memory_space<hbm>> -> memref<2x128xi32, #tpu.memory_space<hbm>>
    tpu.enqueue_dma source(%dma_start3A_127 : memref<2x128xi32, #tpu.memory_space<hbm>>) target(%dma_start3A_123 : memref<2x128xi32, #tpu.memory_space<vmem>>) target_semaphore(%arg19 : memref<!tpu.dma_semaphore, #tpu.memory_space<semaphore_mem>>)
    %dma_start3A_128 = arith.constant 7 : i32
    %dma_start3A_129 = arith.constant 7 : i32
    %dma_start3A_130 = arith.constant 0 : i32
    %dma_start3A_131 = arith.constant 0 : i32
    %dma_start3A_132 = tpu.memref_slice %arg6[%dma_start3A_129, %dma_start3A_130, %dma_start3A_131] : memref<8x2x128xi32, #tpu.memory_space<vmem>> -> memref<1x2x128xi32, #tpu.memory_space<vmem>>
    %dma_start3A_133 = tpu.memref_squeeze %dma_start3A_132 : memref<1x2x128xi32, #tpu.memory_space<vmem>> -> memref<2x128xi32, #tpu.memory_space<vmem>>
    %dma_start3A_134 = arith.constant 0 : i32
    %dma_start3A_135 = arith.constant 0 : i32
    %dma_start3A_136 = tpu.memref_slice %arg3[%add3A, %dma_start3A_128, %dma_start3A_134, %dma_start3A_135] : memref<32x80x2x128xi32, #tpu.memory_space<hbm>> -> memref<1x1x2x128xi32, #tpu.memory_space<hbm>>
    %dma_start3A_137 = tpu.memref_squeeze %dma_start3A_136 : memref<1x1x2x128xi32, #tpu.memory_space<hbm>> -> memref<2x128xi32, #tpu.memory_space<hbm>>
    %dma_start3A_138 = arith.constant 0 : i32
    %dma_start3A_139 = arith.constant 0 : i32
    %dma_start3A_140 = tpu.memref_slice %arg6[%dma_start3A_129, %dma_start3A_138, %dma_start3A_139] : memref<8x2x128xi32, #tpu.memory_space<vmem>> -> memref<1x2x128xi32, #tpu.memory_space<vmem>>
    %dma_start3A_141 = tpu.memref_squeeze %dma_start3A_140 : memref<1x2x128xi32, #tpu.memory_space<vmem>> -> memref<2x128xi32, #tpu.memory_space<vmem>>
    %dma_start3A_142 = arith.constant 0 : i32
    %dma_start3A_143 = arith.constant 0 : i32
    %dma_start3A_144 = tpu.memref_slice %arg3[%add3A, %dma_start3A_128, %dma_start3A_142, %dma_start3A_143] : memref<32x80x2x128xi32, #tpu.memory_space<hbm>> -> memref<1x1x2x128xi32, #tpu.memory_space<hbm>>
    %dma_start3A_145 = tpu.memref_squeeze %dma_start3A_144 : memref<1x1x2x128xi32, #tpu.memory_space<hbm>> -> memref<2x128xi32, #tpu.memory_space<hbm>>
    tpu.enqueue_dma source(%dma_start3A_145 : memref<2x128xi32, #tpu.memory_space<hbm>>) target(%dma_start3A_141 : memref<2x128xi32, #tpu.memory_space<vmem>>) target_semaphore(%arg20 : memref<!tpu.dma_semaphore, #tpu.memory_space<semaphore_mem>>)
    %dma_wait3A = arith.constant 0 : i32
    %dma_wait3A_146 = arith.constant 0 : i32
    %dma_wait3A_147 = arith.constant 0 : i32
    %dma_wait3A_148 = arith.constant 0 : i32
    %dma_wait3A_149 = tpu.memref_slice %arg6[%dma_wait3A_146, %dma_wait3A_147, %dma_wait3A_148] : memref<8x2x128xi32, #tpu.memory_space<vmem>> -> memref<1x2x128xi32, #tpu.memory_space<vmem>>
    %dma_wait3A_150 = tpu.memref_squeeze %dma_wait3A_149 : memref<1x2x128xi32, #tpu.memory_space<vmem>> -> memref<2x128xi32, #tpu.memory_space<vmem>>
    %dma_wait3A_151 = arith.constant 0 : i32
    %dma_wait3A_152 = arith.constant 0 : i32
    %dma_wait3A_153 = tpu.memref_slice %arg3[%add3A, %dma_wait3A, %dma_wait3A_151, %dma_wait3A_152] : memref<32x80x2x128xi32, #tpu.memory_space<hbm>> -> memref<1x1x2x128xi32, #tpu.memory_space<hbm>>
    %dma_wait3A_154 = tpu.memref_squeeze %dma_wait3A_153 : memref<1x1x2x128xi32, #tpu.memory_space<hbm>> -> memref<2x128xi32, #tpu.memory_space<hbm>>
    %dma_wait3A_155 = arith.constant 0 : i32
    %dma_wait3A_156 = arith.constant 0 : i32
    %dma_wait3A_157 = tpu.memref_slice %arg6[%dma_wait3A_146, %dma_wait3A_155, %dma_wait3A_156] : memref<8x2x128xi32, #tpu.memory_space<vmem>> -> memref<1x2x128xi32, #tpu.memory_space<vmem>>
    %dma_wait3A_158 = tpu.memref_squeeze %dma_wait3A_157 : memref<1x2x128xi32, #tpu.memory_space<vmem>> -> memref<2x128xi32, #tpu.memory_space<vmem>>
    %dma_wait3A_159 = arith.constant 0 : i32
    %dma_wait3A_160 = arith.constant 0 : i32
    %dma_wait3A_161 = tpu.memref_slice %arg3[%add3A, %dma_wait3A, %dma_wait3A_159, %dma_wait3A_160] : memref<32x80x2x128xi32, #tpu.memory_space<hbm>> -> memref<1x1x2x128xi32, #tpu.memory_space<hbm>>
    %dma_wait3A_162 = tpu.memref_squeeze %dma_wait3A_161 : memref<1x1x2x128xi32, #tpu.memory_space<hbm>> -> memref<2x128xi32, #tpu.memory_space<hbm>>
    tpu.wait_dma2 semaphore(%arg13 : memref<!tpu.dma_semaphore, #tpu.memory_space<semaphore_mem>>) src(%dma_wait3A_162 : memref<2x128xi32, #tpu.memory_space<hbm>>) dst(%dma_wait3A_158 : memref<2x128xi32, #tpu.memory_space<vmem>>)
    %dma_start3A_163 = arith.constant 0 : i32
    %dma_start3A_164 = arith.constant 0 : i32
    %dma_start3A_165 = arith.constant 0 : i32
    %dma_start3A_166 = arith.constant 0 : i32
    %dma_start3A_167 = arith.constant 0 : i32
    %dma_start3A_168 = tpu.memref_slice %arg7[%dma_start3A_165, %dma_start3A_166, %dma_start3A_167] : memref<2x128x128xf32, #tpu.memory_space<vmem>> -> memref<1x128x128xf32, #tpu.memory_space<vmem>>
    %dma_start3A_169 = tpu.memref_squeeze %dma_start3A_168 : memref<1x128x128xf32, #tpu.memory_space<vmem>> -> memref<128x128xf32, #tpu.memory_space<vmem>>
    %dma_start3A_170 = arith.constant 0 : i32
    %dma_start3A_171 = arith.constant 0 : i32
    %dma_start3A_172 = tpu.memref_slice %arg6[%dma_start3A_163, %dma_start3A_170, %dma_start3A_171] : memref<8x2x128xi32, #tpu.memory_space<vmem>> -> memref<1x2x128xi32, #tpu.memory_space<vmem>>
    %dma_start3A_173 = tpu.memref_squeeze %dma_start3A_172 : memref<1x2x128xi32, #tpu.memory_space<vmem>> -> memref<2x128xi32, #tpu.memory_space<vmem>>
    %dma_start3A_174 = arith.constant 0 : i32
    %dma_start3A_175 = tpu.memref_slice %dma_start3A_173[%dma_start3A_164, %dma_start3A_174] : memref<2x128xi32, #tpu.memory_space<vmem>> -> memref<1x128xi32, #tpu.memory_space<vmem>>
    %dma_start3A_176 = tpu.memref_squeeze %dma_start3A_175 : memref<1x128xi32, #tpu.memory_space<vmem>> -> memref<128xi32, #tpu.memory_space<vmem>>
    %dma_start3A_177 = arith.constant 0 : i32
    %dma_start3A_178 = arith.constant 0 : i32
    %dma_start3A_179 = tpu.memref_slice %arg2[%dma_start3A_177, %dma_start3A_178] : memref<10000x128xf32, #tpu.memory_space<hbm>> -> memref<10000x128xf32, #tpu.memory_space<hbm>>
    tpu.enqueue_indirect_dma source(%dma_start3A_179 : memref<10000x128xf32, #tpu.memory_space<hbm>>) target(%dma_start3A_169 : memref<128x128xf32, #tpu.memory_space<vmem>>) offsets(%dma_start3A_176 : memref<128xi32, #tpu.memory_space<vmem>>) semaphore(%arg9 : memref<!tpu.dma_semaphore, #tpu.memory_space<semaphore_mem>>)
    %dma_wait3A_180 = arith.constant 0 : i32
    %dma_wait3A_181 = arith.constant 1 : i32
    %dma_wait3A_182 = arith.constant 0 : i32
    %dma_wait3A_183 = arith.constant 0 : i32
    %dma_wait3A_184 = tpu.memref_slice %arg6[%dma_wait3A_181, %dma_wait3A_182, %dma_wait3A_183] : memref<8x2x128xi32, #tpu.memory_space<vmem>> -> memref<1x2x128xi32, #tpu.memory_space<vmem>>
    %dma_wait3A_185 = tpu.memref_squeeze %dma_wait3A_184 : memref<1x2x128xi32, #tpu.memory_space<vmem>> -> memref<2x128xi32, #tpu.memory_space<vmem>>
    %dma_wait3A_186 = arith.constant 0 : i32
    %dma_wait3A_187 = arith.constant 0 : i32
    %dma_wait3A_188 = tpu.memref_slice %arg3[%add3A, %dma_wait3A_180, %dma_wait3A_186, %dma_wait3A_187] : memref<32x80x2x128xi32, #tpu.memory_space<hbm>> -> memref<1x1x2x128xi32, #tpu.memory_space<hbm>>
    %dma_wait3A_189 = tpu.memref_squeeze %dma_wait3A_188 : memref<1x1x2x128xi32, #tpu.memory_space<hbm>> -> memref<2x128xi32, #tpu.memory_space<hbm>>
    %dma_wait3A_190 = arith.constant 0 : i32
    %dma_wait3A_191 = arith.constant 0 : i32
    %dma_wait3A_192 = tpu.memref_slice %arg6[%dma_wait3A_181, %dma_wait3A_190, %dma_wait3A_191] : memref<8x2x128xi32, #tpu.memory_space<vmem>> -> memref<1x2x128xi32, #tpu.memory_space<vmem>>
    %dma_wait3A_193 = tpu.memref_squeeze %dma_wait3A_192 : memref<1x2x128xi32, #tpu.memory_space<vmem>> -> memref<2x128xi32, #tpu.memory_space<vmem>>
    %dma_wait3A_194 = arith.constant 0 : i32
    %dma_wait3A_195 = arith.constant 0 : i32
    %dma_wait3A_196 = tpu.memref_slice %arg3[%add3A, %dma_wait3A_180, %dma_wait3A_194, %dma_wait3A_195] : memref<32x80x2x128xi32, #tpu.memory_space<hbm>> -> memref<1x1x2x128xi32, #tpu.memory_space<hbm>>
    %dma_wait3A_197 = tpu.memref_squeeze %dma_wait3A_196 : memref<1x1x2x128xi32, #tpu.memory_space<hbm>> -> memref<2x128xi32, #tpu.memory_space<hbm>>
    tpu.wait_dma2 semaphore(%arg14 : memref<!tpu.dma_semaphore, #tpu.memory_space<semaphore_mem>>) src(%dma_wait3A_197 : memref<2x128xi32, #tpu.memory_space<hbm>>) dst(%dma_wait3A_193 : memref<2x128xi32, #tpu.memory_space<vmem>>)
    %dma_start3A_198 = arith.constant 1 : i32
    %dma_start3A_199 = arith.constant 0 : i32
    %dma_start3A_200 = arith.constant 1 : i32
    %dma_start3A_201 = arith.constant 0 : i32
    %dma_start3A_202 = arith.constant 0 : i32
    %dma_start3A_203 = tpu.memref_slice %arg7[%dma_start3A_200, %dma_start3A_201, %dma_start3A_202] : memref<2x128x128xf32, #tpu.memory_space<vmem>> -> memref<1x128x128xf32, #tpu.memory_space<vmem>>
    %dma_start3A_204 = tpu.memref_squeeze %dma_start3A_203 : memref<1x128x128xf32, #tpu.memory_space<vmem>> -> memref<128x128xf32, #tpu.memory_space<vmem>>
    %dma_start3A_205 = arith.constant 0 : i32
    %dma_start3A_206 = arith.constant 0 : i32
    %dma_start3A_207 = tpu.memref_slice %arg6[%dma_start3A_198, %dma_start3A_205, %dma_start3A_206] : memref<8x2x128xi32, #tpu.memory_space<vmem>> -> memref<1x2x128xi32, #tpu.memory_space<vmem>>
    %dma_start3A_208 = tpu.memref_squeeze %dma_start3A_207 : memref<1x2x128xi32, #tpu.memory_space<vmem>> -> memref<2x128xi32, #tpu.memory_space<vmem>>
    %dma_start3A_209 = arith.constant 0 : i32
    %dma_start3A_210 = tpu.memref_slice %dma_start3A_208[%dma_start3A_199, %dma_start3A_209] : memref<2x128xi32, #tpu.memory_space<vmem>> -> memref<1x128xi32, #tpu.memory_space<vmem>>
    %dma_start3A_211 = tpu.memref_squeeze %dma_start3A_210 : memref<1x128xi32, #tpu.memory_space<vmem>> -> memref<128xi32, #tpu.memory_space<vmem>>
    %dma_start3A_212 = arith.constant 0 : i32
    %dma_start3A_213 = arith.constant 0 : i32
    %dma_start3A_214 = tpu.memref_slice %arg2[%dma_start3A_212, %dma_start3A_213] : memref<10000x128xf32, #tpu.memory_space<hbm>> -> memref<10000x128xf32, #tpu.memory_space<hbm>>
    tpu.enqueue_indirect_dma source(%dma_start3A_214 : memref<10000x128xf32, #tpu.memory_space<hbm>>) target(%dma_start3A_204 : memref<128x128xf32, #tpu.memory_space<vmem>>) offsets(%dma_start3A_211 : memref<128xi32, #tpu.memory_space<vmem>>) semaphore(%arg10 : memref<!tpu.dma_semaphore, #tpu.memory_space<semaphore_mem>>)
    %scan3A = arith.constant 0 : i32
    %scan3A_215 = arith.constant 0 : i32
    %scan3A_216 = arith.constant 9 : i32
    %scan3A_217 = arith.addi %scan3A_215, %scan3A_216 : i32
    %scan3A_218 = arith.constant 1 : i32
    scf.for %scan3A_843 = %scan3A_215 to %scan3A_217 step %scan3A_218  : i32 {
      %mul3A_844 = arith.constant 8 : i32
      %mul3A_845 = arith.muli %scan3A_843, %mul3A_844 : i32
      %add3A_846 = arith.constant 0 : i32
      %add3A_847 = arith.addi %mul3A_845, %add3A_846 : i32
      %dma_wait3A_848 = arith.constant 0 : i32
      %dma_wait3A_849 = arith.constant 0 : i32
      %dma_wait3A_850 = arith.constant 0 : i32
      %dma_wait3A_851 = arith.constant 0 : i32
      %dma_wait3A_852 = arith.constant 0 : i32
      %dma_wait3A_853 = tpu.memref_slice %arg7[%dma_wait3A_850, %dma_wait3A_851, %dma_wait3A_852] : memref<2x128x128xf32, #tpu.memory_space<vmem>> -> memref<1x128x128xf32, #tpu.memory_space<vmem>>
      %dma_wait3A_854 = tpu.memref_squeeze %dma_wait3A_853 : memref<1x128x128xf32, #tpu.memory_space<vmem>> -> memref<128x128xf32, #tpu.memory_space<vmem>>
      %dma_wait3A_855 = arith.constant 0 : i32
      %dma_wait3A_856 = arith.constant 0 : i32
      %dma_wait3A_857 = tpu.memref_slice %arg6[%dma_wait3A_848, %dma_wait3A_855, %dma_wait3A_856] : memref<8x2x128xi32, #tpu.memory_space<vmem>> -> memref<1x2x128xi32, #tpu.memory_space<vmem>>
      %dma_wait3A_858 = tpu.memref_squeeze %dma_wait3A_857 : memref<1x2x128xi32, #tpu.memory_space<vmem>> -> memref<2x128xi32, #tpu.memory_space<vmem>>
      %dma_wait3A_859 = arith.constant 0 : i32
      %dma_wait3A_860 = tpu.memref_slice %dma_wait3A_858[%dma_wait3A_849, %dma_wait3A_859] : memref<2x128xi32, #tpu.memory_space<vmem>> -> memref<1x128xi32, #tpu.memory_space<vmem>>
      %dma_wait3A_861 = tpu.memref_squeeze %dma_wait3A_860 : memref<1x128xi32, #tpu.memory_space<vmem>> -> memref<128xi32, #tpu.memory_space<vmem>>
      %dma_wait3A_862 = arith.constant 0 : i32
      %dma_wait3A_863 = arith.constant 0 : i32
      %dma_wait3A_864 = tpu.memref_slice %arg2[%dma_wait3A_862, %dma_wait3A_863] : memref<10000x128xf32, #tpu.memory_space<hbm>> -> memref<10000x128xf32, #tpu.memory_space<hbm>>
      tpu.wait_indirect_dma semaphore(%arg9 : memref<!tpu.dma_semaphore, #tpu.memory_space<semaphore_mem>>) src(%dma_wait3A_864 : memref<10000x128xf32, #tpu.memory_space<hbm>>) dst(%dma_wait3A_854 : memref<128x128xf32, #tpu.memory_space<vmem>>)
      %dma_start3A_865 = arith.constant 0 : i32
      %dma_start3A_866 = arith.constant 0 : i32
      %dma_start3A_867 = arith.constant 1 : i32
      %dma_start3A_868 = arith.constant 0 : i32
      %dma_start3A_869 = arith.constant 0 : i32
      %dma_start3A_870 = tpu.memref_slice %arg7[%dma_start3A_865, %dma_start3A_868, %dma_start3A_869] : memref<2x128x128xf32, #tpu.memory_space<vmem>> -> memref<1x128x128xf32, #tpu.memory_space<vmem>>
      %dma_start3A_871 = tpu.memref_squeeze %dma_start3A_870 : memref<1x128x128xf32, #tpu.memory_space<vmem>> -> memref<128x128xf32, #tpu.memory_space<vmem>>
      %dma_start3A_872 = arith.constant 0 : i32
      %dma_start3A_873 = arith.constant 0 : i32
      %dma_start3A_874 = tpu.memref_slice %arg6[%dma_start3A_866, %dma_start3A_872, %dma_start3A_873] : memref<8x2x128xi32, #tpu.memory_space<vmem>> -> memref<1x2x128xi32, #tpu.memory_space<vmem>>
      %dma_start3A_875 = tpu.memref_squeeze %dma_start3A_874 : memref<1x2x128xi32, #tpu.memory_space<vmem>> -> memref<2x128xi32, #tpu.memory_space<vmem>>
      %dma_start3A_876 = arith.constant 0 : i32
      %dma_start3A_877 = tpu.memref_slice %dma_start3A_875[%dma_start3A_867, %dma_start3A_876] : memref<2x128xi32, #tpu.memory_space<vmem>> -> memref<1x128xi32, #tpu.memory_space<vmem>>
      %dma_start3A_878 = tpu.memref_squeeze %dma_start3A_877 : memref<1x128xi32, #tpu.memory_space<vmem>> -> memref<128xi32, #tpu.memory_space<vmem>>
      %dma_start3A_879 = arith.constant 0 : i32
      %dma_start3A_880 = arith.constant 0 : i32
      %dma_start3A_881 = tpu.memref_slice %arg8[%dma_start3A_879, %dma_start3A_880] : memref<10112x128xf32, #tpu.memory_space<vmem_shared>> -> memref<10112x128xf32, #tpu.memory_space<vmem_shared>>
      tpu.enqueue_indirect_dma source(%dma_start3A_871 : memref<128x128xf32, #tpu.memory_space<vmem>>) target(%dma_start3A_881 : memref<10112x128xf32, #tpu.memory_space<vmem_shared>>) offsets(%dma_start3A_878 : memref<128xi32, #tpu.memory_space<vmem>>) semaphore(%arg11 : memref<!tpu.dma_semaphore, #tpu.memory_space<semaphore_mem>>) {add = true}
      %dma_wait3A_882 = arith.constant 0 : i32
      %dma_wait3A_883 = arith.constant 2 : i32
      %dma_wait3A_884 = arith.constant 0 : i32
      %dma_wait3A_885 = arith.constant 0 : i32
      %dma_wait3A_886 = tpu.memref_slice %arg6[%dma_wait3A_883, %dma_wait3A_884, %dma_wait3A_885] : memref<8x2x128xi32, #tpu.memory_space<vmem>> -> memref<1x2x128xi32, #tpu.memory_space<vmem>>
      %dma_wait3A_887 = tpu.memref_squeeze %dma_wait3A_886 : memref<1x2x128xi32, #tpu.memory_space<vmem>> -> memref<2x128xi32, #tpu.memory_space<vmem>>
      %dma_wait3A_888 = arith.constant 0 : i32
      %dma_wait3A_889 = arith.constant 0 : i32
      %dma_wait3A_890 = tpu.memref_slice %arg3[%add3A, %dma_wait3A_882, %dma_wait3A_888, %dma_wait3A_889] : memref<32x80x2x128xi32, #tpu.memory_space<hbm>> -> memref<1x1x2x128xi32, #tpu.memory_space<hbm>>
      %dma_wait3A_891 = tpu.memref_squeeze %dma_wait3A_890 : memref<1x1x2x128xi32, #tpu.memory_space<hbm>> -> memref<2x128xi32, #tpu.memory_space<hbm>>
      %dma_wait3A_892 = arith.constant 0 : i32
      %dma_wait3A_893 = arith.constant 0 : i32
      %dma_wait3A_894 = tpu.memref_slice %arg6[%dma_wait3A_883, %dma_wait3A_892, %dma_wait3A_893] : memref<8x2x128xi32, #tpu.memory_space<vmem>> -> memref<1x2x128xi32, #tpu.memory_space<vmem>>
      %dma_wait3A_895 = tpu.memref_squeeze %dma_wait3A_894 : memref<1x2x128xi32, #tpu.memory_space<vmem>> -> memref<2x128xi32, #tpu.memory_space<vmem>>
      %dma_wait3A_896 = arith.constant 0 : i32
      %dma_wait3A_897 = arith.constant 0 : i32
      %dma_wait3A_898 = tpu.memref_slice %arg3[%add3A, %dma_wait3A_882, %dma_wait3A_896, %dma_wait3A_897] : memref<32x80x2x128xi32, #tpu.memory_space<hbm>> -> memref<1x1x2x128xi32, #tpu.memory_space<hbm>>
      %dma_wait3A_899 = tpu.memref_squeeze %dma_wait3A_898 : memref<1x1x2x128xi32, #tpu.memory_space<hbm>> -> memref<2x128xi32, #tpu.memory_space<hbm>>
      tpu.wait_dma2 semaphore(%arg15 : memref<!tpu.dma_semaphore, #tpu.memory_space<semaphore_mem>>) src(%dma_wait3A_899 : memref<2x128xi32, #tpu.memory_space<hbm>>) dst(%dma_wait3A_895 : memref<2x128xi32, #tpu.memory_space<vmem>>)
      %dma_wait3A_900 = arith.constant 0 : i32
      %dma_wait3A_901 = arith.constant 0 : i32
      %dma_wait3A_902 = arith.constant 1 : i32
      %dma_wait3A_903 = arith.constant 0 : i32
      %dma_wait3A_904 = arith.constant 0 : i32
      %dma_wait3A_905 = tpu.memref_slice %arg7[%dma_wait3A_900, %dma_wait3A_903, %dma_wait3A_904] : memref<2x128x128xf32, #tpu.memory_space<vmem>> -> memref<1x128x128xf32, #tpu.memory_space<vmem>>
      %dma_wait3A_906 = tpu.memref_squeeze %dma_wait3A_905 : memref<1x128x128xf32, #tpu.memory_space<vmem>> -> memref<128x128xf32, #tpu.memory_space<vmem>>
      %dma_wait3A_907 = arith.constant 0 : i32
      %dma_wait3A_908 = arith.constant 0 : i32
      %dma_wait3A_909 = tpu.memref_slice %arg6[%dma_wait3A_901, %dma_wait3A_907, %dma_wait3A_908] : memref<8x2x128xi32, #tpu.memory_space<vmem>> -> memref<1x2x128xi32, #tpu.memory_space<vmem>>
      %dma_wait3A_910 = tpu.memref_squeeze %dma_wait3A_909 : memref<1x2x128xi32, #tpu.memory_space<vmem>> -> memref<2x128xi32, #tpu.memory_space<vmem>>
      %dma_wait3A_911 = arith.constant 0 : i32
      %dma_wait3A_912 = tpu.memref_slice %dma_wait3A_910[%dma_wait3A_902, %dma_wait3A_911] : memref<2x128xi32, #tpu.memory_space<vmem>> -> memref<1x128xi32, #tpu.memory_space<vmem>>
      %dma_wait3A_913 = tpu.memref_squeeze %dma_wait3A_912 : memref<1x128xi32, #tpu.memory_space<vmem>> -> memref<128xi32, #tpu.memory_space<vmem>>
      %dma_wait3A_914 = arith.constant 0 : i32
      %dma_wait3A_915 = arith.constant 0 : i32
      %dma_wait3A_916 = tpu.memref_slice %arg8[%dma_wait3A_914, %dma_wait3A_915] : memref<10112x128xf32, #tpu.memory_space<vmem_shared>> -> memref<10112x128xf32, #tpu.memory_space<vmem_shared>>
      tpu.wait_indirect_dma semaphore(%arg11 : memref<!tpu.dma_semaphore, #tpu.memory_space<semaphore_mem>>) src(%dma_wait3A_906 : memref<128x128xf32, #tpu.memory_space<vmem>>) dst(%dma_wait3A_916 : memref<10112x128xf32, #tpu.memory_space<vmem_shared>>)
      %add3A_917 = arith.constant 8 : i32
      %add3A_918 = arith.addi %add3A_847, %add3A_917 : i32
      %dma_start3A_919 = arith.constant 0 : i32
      %dma_start3A_920 = arith.constant 0 : i32
      %dma_start3A_921 = arith.constant 0 : i32
      %dma_start3A_922 = tpu.memref_slice %arg6[%dma_start3A_919, %dma_start3A_920, %dma_start3A_921] : memref<8x2x128xi32, #tpu.memory_space<vmem>> -> memref<1x2x128xi32, #tpu.memory_space<vmem>>
      %dma_start3A_923 = tpu.memref_squeeze %dma_start3A_922 : memref<1x2x128xi32, #tpu.memory_space<vmem>> -> memref<2x128xi32, #tpu.memory_space<vmem>>
      %dma_start3A_924 = arith.constant 0 : i32
      %dma_start3A_925 = arith.constant 0 : i32
      %dma_start3A_926 = tpu.memref_slice %arg3[%add3A, %add3A_918, %dma_start3A_924, %dma_start3A_925] : memref<32x80x2x128xi32, #tpu.memory_space<hbm>> -> memref<1x1x2x128xi32, #tpu.memory_space<hbm>>
      %dma_start3A_927 = tpu.memref_squeeze %dma_start3A_926 : memref<1x1x2x128xi32, #tpu.memory_space<hbm>> -> memref<2x128xi32, #tpu.memory_space<hbm>>
      %dma_start3A_928 = arith.constant 0 : i32
      %dma_start3A_929 = arith.constant 0 : i32
      %dma_start3A_930 = tpu.memref_slice %arg6[%dma_start3A_919, %dma_start3A_928, %dma_start3A_929] : memref<8x2x128xi32, #tpu.memory_space<vmem>> -> memref<1x2x128xi32, #tpu.memory_space<vmem>>
      %dma_start3A_931 = tpu.memref_squeeze %dma_start3A_930 : memref<1x2x128xi32, #tpu.memory_space<vmem>> -> memref<2x128xi32, #tpu.memory_space<vmem>>
      %dma_start3A_932 = arith.constant 0 : i32
      %dma_start3A_933 = arith.constant 0 : i32
      %dma_start3A_934 = tpu.memref_slice %arg3[%add3A, %add3A_918, %dma_start3A_932, %dma_start3A_933] : memref<32x80x2x128xi32, #tpu.memory_space<hbm>> -> memref<1x1x2x128xi32, #tpu.memory_space<hbm>>
      %dma_start3A_935 = tpu.memref_squeeze %dma_start3A_934 : memref<1x1x2x128xi32, #tpu.memory_space<hbm>> -> memref<2x128xi32, #tpu.memory_space<hbm>>
      tpu.enqueue_dma source(%dma_start3A_935 : memref<2x128xi32, #tpu.memory_space<hbm>>) target(%dma_start3A_931 : memref<2x128xi32, #tpu.memory_space<vmem>>) target_semaphore(%arg13 : memref<!tpu.dma_semaphore, #tpu.memory_space<semaphore_mem>>)
      %dma_start3A_936 = arith.constant 2 : i32
      %dma_start3A_937 = arith.constant 0 : i32
      %dma_start3A_938 = arith.constant 0 : i32
      %dma_start3A_939 = arith.constant 0 : i32
      %dma_start3A_940 = arith.constant 0 : i32
      %dma_start3A_941 = tpu.memref_slice %arg7[%dma_start3A_938, %dma_start3A_939, %dma_start3A_940] : memref<2x128x128xf32, #tpu.memory_space<vmem>> -> memref<1x128x128xf32, #tpu.memory_space<vmem>>
      %dma_start3A_942 = tpu.memref_squeeze %dma_start3A_941 : memref<1x128x128xf32, #tpu.memory_space<vmem>> -> memref<128x128xf32, #tpu.memory_space<vmem>>
      %dma_start3A_943 = arith.constant 0 : i32
      %dma_start3A_944 = arith.constant 0 : i32
      %dma_start3A_945 = tpu.memref_slice %arg6[%dma_start3A_936, %dma_start3A_943, %dma_start3A_944] : memref<8x2x128xi32, #tpu.memory_space<vmem>> -> memref<1x2x128xi32, #tpu.memory_space<vmem>>
      %dma_start3A_946 = tpu.memref_squeeze %dma_start3A_945 : memref<1x2x128xi32, #tpu.memory_space<vmem>> -> memref<2x128xi32, #tpu.memory_space<vmem>>
      %dma_start3A_947 = arith.constant 0 : i32
      %dma_start3A_948 = tpu.memref_slice %dma_start3A_946[%dma_start3A_937, %dma_start3A_947] : memref<2x128xi32, #tpu.memory_space<vmem>> -> memref<1x128xi32, #tpu.memory_space<vmem>>
      %dma_start3A_949 = tpu.memref_squeeze %dma_start3A_948 : memref<1x128xi32, #tpu.memory_space<vmem>> -> memref<128xi32, #tpu.memory_space<vmem>>
      %dma_start3A_950 = arith.constant 0 : i32
      %dma_start3A_951 = arith.constant 0 : i32
      %dma_start3A_952 = tpu.memref_slice %arg2[%dma_start3A_950, %dma_start3A_951] : memref<10000x128xf32, #tpu.memory_space<hbm>> -> memref<10000x128xf32, #tpu.memory_space<hbm>>
      tpu.enqueue_indirect_dma source(%dma_start3A_952 : memref<10000x128xf32, #tpu.memory_space<hbm>>) target(%dma_start3A_942 : memref<128x128xf32, #tpu.memory_space<vmem>>) offsets(%dma_start3A_949 : memref<128xi32, #tpu.memory_space<vmem>>) semaphore(%arg9 : memref<!tpu.dma_semaphore, #tpu.memory_space<semaphore_mem>>)
      %mul3A_953 = arith.constant 8 : i32
      %mul3A_954 = arith.muli %scan3A_843, %mul3A_953 : i32
      %add3A_955 = arith.constant 1 : i32
      %add3A_956 = arith.addi %mul3A_954, %add3A_955 : i32
      %dma_wait3A_957 = arith.constant 0 : i32
      %dma_wait3A_958 = arith.constant 0 : i32
      %dma_wait3A_959 = arith.constant 1 : i32
      %dma_wait3A_960 = arith.constant 0 : i32
      %dma_wait3A_961 = arith.constant 0 : i32
      %dma_wait3A_962 = tpu.memref_slice %arg7[%dma_wait3A_959, %dma_wait3A_960, %dma_wait3A_961] : memref<2x128x128xf32, #tpu.memory_space<vmem>> -> memref<1x128x128xf32, #tpu.memory_space<vmem>>
      %dma_wait3A_963 = tpu.memref_squeeze %dma_wait3A_962 : memref<1x128x128xf32, #tpu.memory_space<vmem>> -> memref<128x128xf32, #tpu.memory_space<vmem>>
      %dma_wait3A_964 = arith.constant 0 : i32
      %dma_wait3A_965 = arith.constant 0 : i32
      %dma_wait3A_966 = tpu.memref_slice %arg6[%dma_wait3A_957, %dma_wait3A_964, %dma_wait3A_965] : memref<8x2x128xi32, #tpu.memory_space<vmem>> -> memref<1x2x128xi32, #tpu.memory_space<vmem>>
      %dma_wait3A_967 = tpu.memref_squeeze %dma_wait3A_966 : memref<1x2x128xi32, #tpu.memory_space<vmem>> -> memref<2x128xi32, #tpu.memory_space<vmem>>
      %dma_wait3A_968 = arith.constant 0 : i32
      %dma_wait3A_969 = tpu.memref_slice %dma_wait3A_967[%dma_wait3A_958, %dma_wait3A_968] : memref<2x128xi32, #tpu.memory_space<vmem>> -> memref<1x128xi32, #tpu.memory_space<vmem>>
      %dma_wait3A_970 = tpu.memref_squeeze %dma_wait3A_969 : memref<1x128xi32, #tpu.memory_space<vmem>> -> memref<128xi32, #tpu.memory_space<vmem>>
      %dma_wait3A_971 = arith.constant 0 : i32
      %dma_wait3A_972 = arith.constant 0 : i32
      %dma_wait3A_973 = tpu.memref_slice %arg2[%dma_wait3A_971, %dma_wait3A_972] : memref<10000x128xf32, #tpu.memory_space<hbm>> -> memref<10000x128xf32, #tpu.memory_space<hbm>>
      tpu.wait_indirect_dma semaphore(%arg10 : memref<!tpu.dma_semaphore, #tpu.memory_space<semaphore_mem>>) src(%dma_wait3A_973 : memref<10000x128xf32, #tpu.memory_space<hbm>>) dst(%dma_wait3A_963 : memref<128x128xf32, #tpu.memory_space<vmem>>)
      %dma_start3A_974 = arith.constant 1 : i32
      %dma_start3A_975 = arith.constant 1 : i32
      %dma_start3A_976 = arith.constant 1 : i32
      %dma_start3A_977 = arith.constant 0 : i32
      %dma_start3A_978 = arith.constant 0 : i32
      %dma_start3A_979 = tpu.memref_slice %arg7[%dma_start3A_974, %dma_start3A_977, %dma_start3A_978] : memref<2x128x128xf32, #tpu.memory_space<vmem>> -> memref<1x128x128xf32, #tpu.memory_space<vmem>>
      %dma_start3A_980 = tpu.memref_squeeze %dma_start3A_979 : memref<1x128x128xf32, #tpu.memory_space<vmem>> -> memref<128x128xf32, #tpu.memory_space<vmem>>
      %dma_start3A_981 = arith.constant 0 : i32
      %dma_start3A_982 = arith.constant 0 : i32
      %dma_start3A_983 = tpu.memref_slice %arg6[%dma_start3A_975, %dma_start3A_981, %dma_start3A_982] : memref<8x2x128xi32, #tpu.memory_space<vmem>> -> memref<1x2x128xi32, #tpu.memory_space<vmem>>
      %dma_start3A_984 = tpu.memref_squeeze %dma_start3A_983 : memref<1x2x128xi32, #tpu.memory_space<vmem>> -> memref<2x128xi32, #tpu.memory_space<vmem>>
      %dma_start3A_985 = arith.constant 0 : i32
      %dma_start3A_986 = tpu.memref_slice %dma_start3A_984[%dma_start3A_976, %dma_start3A_985] : memref<2x128xi32, #tpu.memory_space<vmem>> -> memref<1x128xi32, #tpu.memory_space<vmem>>
      %dma_start3A_987 = tpu.memref_squeeze %dma_start3A_986 : memref<1x128xi32, #tpu.memory_space<vmem>> -> memref<128xi32, #tpu.memory_space<vmem>>
      %dma_start3A_988 = arith.constant 0 : i32
      %dma_start3A_989 = arith.constant 0 : i32
      %dma_start3A_990 = tpu.memref_slice %arg8[%dma_start3A_988, %dma_start3A_989] : memref<10112x128xf32, #tpu.memory_space<vmem_shared>> -> memref<10112x128xf32, #tpu.memory_space<vmem_shared>>
      tpu.enqueue_indirect_dma source(%dma_start3A_980 : memref<128x128xf32, #tpu.memory_space<vmem>>) target(%dma_start3A_990 : memref<10112x128xf32, #tpu.memory_space<vmem_shared>>) offsets(%dma_start3A_987 : memref<128xi32, #tpu.memory_space<vmem>>) semaphore(%arg12 : memref<!tpu.dma_semaphore, #tpu.memory_space<semaphore_mem>>) {add = true}
      %dma_wait3A_991 = arith.constant 0 : i32
      %dma_wait3A_992 = arith.constant 3 : i32
      %dma_wait3A_993 = arith.constant 0 : i32
      %dma_wait3A_994 = arith.constant 0 : i32
      %dma_wait3A_995 = tpu.memref_slice %arg6[%dma_wait3A_992, %dma_wait3A_993, %dma_wait3A_994] : memref<8x2x128xi32, #tpu.memory_space<vmem>> -> memref<1x2x128xi32, #tpu.memory_space<vmem>>
      %dma_wait3A_996 = tpu.memref_squeeze %dma_wait3A_995 : memref<1x2x128xi32, #tpu.memory_space<vmem>> -> memref<2x128xi32, #tpu.memory_space<vmem>>
      %dma_wait3A_997 = arith.constant 0 : i32
      %dma_wait3A_998 = arith.constant 0 : i32
      %dma_wait3A_999 = tpu.memref_slice %arg3[%add3A, %dma_wait3A_991, %dma_wait3A_997, %dma_wait3A_998] : memref<32x80x2x128xi32, #tpu.memory_space<hbm>> -> memref<1x1x2x128xi32, #tpu.memory_space<hbm>>
      %dma_wait3A_1000 = tpu.memref_squeeze %dma_wait3A_999 : memref<1x1x2x128xi32, #tpu.memory_space<hbm>> -> memref<2x128xi32, #tpu.memory_space<hbm>>
      %dma_wait3A_1001 = arith.constant 0 : i32
      %dma_wait3A_1002 = arith.constant 0 : i32
      %dma_wait3A_1003 = tpu.memref_slice %arg6[%dma_wait3A_992, %dma_wait3A_1001, %dma_wait3A_1002] : memref<8x2x128xi32, #tpu.memory_space<vmem>> -> memref<1x2x128xi32, #tpu.memory_space<vmem>>
      %dma_wait3A_1004 = tpu.memref_squeeze %dma_wait3A_1003 : memref<1x2x128xi32, #tpu.memory_space<vmem>> -> memref<2x128xi32, #tpu.memory_space<vmem>>
      %dma_wait3A_1005 = arith.constant 0 : i32
      %dma_wait3A_1006 = arith.constant 0 : i32
      %dma_wait3A_1007 = tpu.memref_slice %arg3[%add3A, %dma_wait3A_991, %dma_wait3A_1005, %dma_wait3A_1006] : memref<32x80x2x128xi32, #tpu.memory_space<hbm>> -> memref<1x1x2x128xi32, #tpu.memory_space<hbm>>
      %dma_wait3A_1008 = tpu.memref_squeeze %dma_wait3A_1007 : memref<1x1x2x128xi32, #tpu.memory_space<hbm>> -> memref<2x128xi32, #tpu.memory_space<hbm>>
      tpu.wait_dma2 semaphore(%arg16 : memref<!tpu.dma_semaphore, #tpu.memory_space<semaphore_mem>>) src(%dma_wait3A_1008 : memref<2x128xi32, #tpu.memory_space<hbm>>) dst(%dma_wait3A_1004 : memref<2x128xi32, #tpu.memory_space<vmem>>)
      %dma_wait3A_1009 = arith.constant 1 : i32
      %dma_wait3A_1010 = arith.constant 0 : i32
      %dma_wait3A_1011 = arith.constant 1 : i32
      %dma_wait3A_1012 = arith.constant 0 : i32
      %dma_wait3A_1013 = arith.constant 0 : i32
      %dma_wait3A_1014 = tpu.memref_slice %arg7[%dma_wait3A_1009, %dma_wait3A_1012, %dma_wait3A_1013] : memref<2x128x128xf32, #tpu.memory_space<vmem>> -> memref<1x128x128xf32, #tpu.memory_space<vmem>>
      %dma_wait3A_1015 = tpu.memref_squeeze %dma_wait3A_1014 : memref<1x128x128xf32, #tpu.memory_space<vmem>> -> memref<128x128xf32, #tpu.memory_space<vmem>>
      %dma_wait3A_1016 = arith.constant 0 : i32
      %dma_wait3A_1017 = arith.constant 0 : i32
      %dma_wait3A_1018 = tpu.memref_slice %arg6[%dma_wait3A_1010, %dma_wait3A_1016, %dma_wait3A_1017] : memref<8x2x128xi32, #tpu.memory_space<vmem>> -> memref<1x2x128xi32, #tpu.memory_space<vmem>>
      %dma_wait3A_1019 = tpu.memref_squeeze %dma_wait3A_1018 : memref<1x2x128xi32, #tpu.memory_space<vmem>> -> memref<2x128xi32, #tpu.memory_space<vmem>>
      %dma_wait3A_1020 = arith.constant 0 : i32
      %dma_wait3A_1021 = tpu.memref_slice %dma_wait3A_1019[%dma_wait3A_1011, %dma_wait3A_1020] : memref<2x128xi32, #tpu.memory_space<vmem>> -> memref<1x128xi32, #tpu.memory_space<vmem>>
      %dma_wait3A_1022 = tpu.memref_squeeze %dma_wait3A_1021 : memref<1x128xi32, #tpu.memory_space<vmem>> -> memref<128xi32, #tpu.memory_space<vmem>>
      %dma_wait3A_1023 = arith.constant 0 : i32
      %dma_wait3A_1024 = arith.constant 0 : i32
      %dma_wait3A_1025 = tpu.memref_slice %arg8[%dma_wait3A_1023, %dma_wait3A_1024] : memref<10112x128xf32, #tpu.memory_space<vmem_shared>> -> memref<10112x128xf32, #tpu.memory_space<vmem_shared>>
      tpu.wait_indirect_dma semaphore(%arg12 : memref<!tpu.dma_semaphore, #tpu.memory_space<semaphore_mem>>) src(%dma_wait3A_1015 : memref<128x128xf32, #tpu.memory_space<vmem>>) dst(%dma_wait3A_1025 : memref<10112x128xf32, #tpu.memory_space<vmem_shared>>)
      %add3A_1026 = arith.constant 8 : i32
      %add3A_1027 = arith.addi %add3A_956, %add3A_1026 : i32
      %dma_start3A_1028 = arith.constant 1 : i32
      %dma_start3A_1029 = arith.constant 0 : i32
      %dma_start3A_1030 = arith.constant 0 : i32
      %dma_start3A_1031 = tpu.memref_slice %arg6[%dma_start3A_1028, %dma_start3A_1029, %dma_start3A_1030] : memref<8x2x128xi32, #tpu.memory_space<vmem>> -> memref<1x2x128xi32, #tpu.memory_space<vmem>>
      %dma_start3A_1032 = tpu.memref_squeeze %dma_start3A_1031 : memref<1x2x128xi32, #tpu.memory_space<vmem>> -> memref<2x128xi32, #tpu.memory_space<vmem>>
      %dma_start3A_1033 = arith.constant 0 : i32
      %dma_start3A_1034 = arith.constant 0 : i32
      %dma_start3A_1035 = tpu.memref_slice %arg3[%add3A, %add3A_1027, %dma_start3A_1033, %dma_start3A_1034] : memref<32x80x2x128xi32, #tpu.memory_space<hbm>> -> memref<1x1x2x128xi32, #tpu.memory_space<hbm>>
      %dma_start3A_1036 = tpu.memref_squeeze %dma_start3A_1035 : memref<1x1x2x128xi32, #tpu.memory_space<hbm>> -> memref<2x128xi32, #tpu.memory_space<hbm>>
      %dma_start3A_1037 = arith.constant 0 : i32
      %dma_start3A_1038 = arith.constant 0 : i32
      %dma_start3A_1039 = tpu.memref_slice %arg6[%dma_start3A_1028, %dma_start3A_1037, %dma_start3A_1038] : memref<8x2x128xi32, #tpu.memory_space<vmem>> -> memref<1x2x128xi32, #tpu.memory_space<vmem>>
      %dma_start3A_1040 = tpu.memref_squeeze %dma_start3A_1039 : memref<1x2x128xi32, #tpu.memory_space<vmem>> -> memref<2x128xi32, #tpu.memory_space<vmem>>
      %dma_start3A_1041 = arith.constant 0 : i32
      %dma_start3A_1042 = arith.constant 0 : i32
      %dma_start3A_1043 = tpu.memref_slice %arg3[%add3A, %add3A_1027, %dma_start3A_1041, %dma_start3A_1042] : memref<32x80x2x128xi32, #tpu.memory_space<hbm>> -> memref<1x1x2x128xi32, #tpu.memory_space<hbm>>
      %dma_start3A_1044 = tpu.memref_squeeze %dma_start3A_1043 : memref<1x1x2x128xi32, #tpu.memory_space<hbm>> -> memref<2x128xi32, #tpu.memory_space<hbm>>
      tpu.enqueue_dma source(%dma_start3A_1044 : memref<2x128xi32, #tpu.memory_space<hbm>>) target(%dma_start3A_1040 : memref<2x128xi32, #tpu.memory_space<vmem>>) target_semaphore(%arg14 : memref<!tpu.dma_semaphore, #tpu.memory_space<semaphore_mem>>)
      %dma_start3A_1045 = arith.constant 3 : i32
      %dma_start3A_1046 = arith.constant 0 : i32
      %dma_start3A_1047 = arith.constant 1 : i32
      %dma_start3A_1048 = arith.constant 0 : i32
      %dma_start3A_1049 = arith.constant 0 : i32
      %dma_start3A_1050 = tpu.memref_slice %arg7[%dma_start3A_1047, %dma_start3A_1048, %dma_start3A_1049] : memref<2x128x128xf32, #tpu.memory_space<vmem>> -> memref<1x128x128xf32, #tpu.memory_space<vmem>>
      %dma_start3A_1051 = tpu.memref_squeeze %dma_start3A_1050 : memref<1x128x128xf32, #tpu.memory_space<vmem>> -> memref<128x128xf32, #tpu.memory_space<vmem>>
      %dma_start3A_1052 = arith.constant 0 : i32
      %dma_start3A_1053 = arith.constant 0 : i32
      %dma_start3A_1054 = tpu.memref_slice %arg6[%dma_start3A_1045, %dma_start3A_1052, %dma_start3A_1053] : memref<8x2x128xi32, #tpu.memory_space<vmem>> -> memref<1x2x128xi32, #tpu.memory_space<vmem>>
      %dma_start3A_1055 = tpu.memref_squeeze %dma_start3A_1054 : memref<1x2x128xi32, #tpu.memory_space<vmem>> -> memref<2x128xi32, #tpu.memory_space<vmem>>
      %dma_start3A_1056 = arith.constant 0 : i32
      %dma_start3A_1057 = tpu.memref_slice %dma_start3A_1055[%dma_start3A_1046, %dma_start3A_1056] : memref<2x128xi32, #tpu.memory_space<vmem>> -> memref<1x128xi32, #tpu.memory_space<vmem>>
      %dma_start3A_1058 = tpu.memref_squeeze %dma_start3A_1057 : memref<1x128xi32, #tpu.memory_space<vmem>> -> memref<128xi32, #tpu.memory_space<vmem>>
      %dma_start3A_1059 = arith.constant 0 : i32
      %dma_start3A_1060 = arith.constant 0 : i32
      %dma_start3A_1061 = tpu.memref_slice %arg2[%dma_start3A_1059, %dma_start3A_1060] : memref<10000x128xf32, #tpu.memory_space<hbm>> -> memref<10000x128xf32, #tpu.memory_space<hbm>>
      tpu.enqueue_indirect_dma source(%dma_start3A_1061 : memref<10000x128xf32, #tpu.memory_space<hbm>>) target(%dma_start3A_1051 : memref<128x128xf32, #tpu.memory_space<vmem>>) offsets(%dma_start3A_1058 : memref<128xi32, #tpu.memory_space<vmem>>) semaphore(%arg10 : memref<!tpu.dma_semaphore, #tpu.memory_space<semaphore_mem>>)
      %mul3A_1062 = arith.constant 8 : i32
      %mul3A_1063 = arith.muli %scan3A_843, %mul3A_1062 : i32
      %add3A_1064 = arith.constant 2 : i32
      %add3A_1065 = arith.addi %mul3A_1063, %add3A_1064 : i32
      %dma_wait3A_1066 = arith.constant 0 : i32
      %dma_wait3A_1067 = arith.constant 0 : i32
      %dma_wait3A_1068 = arith.constant 0 : i32
      %dma_wait3A_1069 = arith.constant 0 : i32
      %dma_wait3A_1070 = arith.constant 0 : i32
      %dma_wait3A_1071 = tpu.memref_slice %arg7[%dma_wait3A_1068, %dma_wait3A_1069, %dma_wait3A_1070] : memref<2x128x128xf32, #tpu.memory_space<vmem>> -> memref<1x128x128xf32, #tpu.memory_space<vmem>>
      %dma_wait3A_1072 = tpu.memref_squeeze %dma_wait3A_1071 : memref<1x128x128xf32, #tpu.memory_space<vmem>> -> memref<128x128xf32, #tpu.memory_space<vmem>>
      %dma_wait3A_1073 = arith.constant 0 : i32
      %dma_wait3A_1074 = arith.constant 0 : i32
      %dma_wait3A_1075 = tpu.memref_slice %arg6[%dma_wait3A_1066, %dma_wait3A_1073, %dma_wait3A_1074] : memref<8x2x128xi32, #tpu.memory_space<vmem>> -> memref<1x2x128xi32, #tpu.memory_space<vmem>>
      %dma_wait3A_1076 = tpu.memref_squeeze %dma_wait3A_1075 : memref<1x2x128xi32, #tpu.memory_space<vmem>> -> memref<2x128xi32, #tpu.memory_space<vmem>>
      %dma_wait3A_1077 = arith.constant 0 : i32
      %dma_wait3A_1078 = tpu.memref_slice %dma_wait3A_1076[%dma_wait3A_1067, %dma_wait3A_1077] : memref<2x128xi32, #tpu.memory_space<vmem>> -> memref<1x128xi32, #tpu.memory_space<vmem>>
      %dma_wait3A_1079 = tpu.memref_squeeze %dma_wait3A_1078 : memref<1x128xi32, #tpu.memory_space<vmem>> -> memref<128xi32, #tpu.memory_space<vmem>>
      %dma_wait3A_1080 = arith.constant 0 : i32
      %dma_wait3A_1081 = arith.constant 0 : i32
      %dma_wait3A_1082 = tpu.memref_slice %arg2[%dma_wait3A_1080, %dma_wait3A_1081] : memref<10000x128xf32, #tpu.memory_space<hbm>> -> memref<10000x128xf32, #tpu.memory_space<hbm>>
      tpu.wait_indirect_dma semaphore(%arg9 : memref<!tpu.dma_semaphore, #tpu.memory_space<semaphore_mem>>) src(%dma_wait3A_1082 : memref<10000x128xf32, #tpu.memory_space<hbm>>) dst(%dma_wait3A_1072 : memref<128x128xf32, #tpu.memory_space<vmem>>)
      %dma_start3A_1083 = arith.constant 0 : i32
      %dma_start3A_1084 = arith.constant 2 : i32
      %dma_start3A_1085 = arith.constant 1 : i32
      %dma_start3A_1086 = arith.constant 0 : i32
      %dma_start3A_1087 = arith.constant 0 : i32
      %dma_start3A_1088 = tpu.memref_slice %arg7[%dma_start3A_1083, %dma_start3A_1086, %dma_start3A_1087] : memref<2x128x128xf32, #tpu.memory_space<vmem>> -> memref<1x128x128xf32, #tpu.memory_space<vmem>>
      %dma_start3A_1089 = tpu.memref_squeeze %dma_start3A_1088 : memref<1x128x128xf32, #tpu.memory_space<vmem>> -> memref<128x128xf32, #tpu.memory_space<vmem>>
      %dma_start3A_1090 = arith.constant 0 : i32
      %dma_start3A_1091 = arith.constant 0 : i32
      %dma_start3A_1092 = tpu.memref_slice %arg6[%dma_start3A_1084, %dma_start3A_1090, %dma_start3A_1091] : memref<8x2x128xi32, #tpu.memory_space<vmem>> -> memref<1x2x128xi32, #tpu.memory_space<vmem>>
      %dma_start3A_1093 = tpu.memref_squeeze %dma_start3A_1092 : memref<1x2x128xi32, #tpu.memory_space<vmem>> -> memref<2x128xi32, #tpu.memory_space<vmem>>
      %dma_start3A_1094 = arith.constant 0 : i32
      %dma_start3A_1095 = tpu.memref_slice %dma_start3A_1093[%dma_start3A_1085, %dma_start3A_1094] : memref<2x128xi32, #tpu.memory_space<vmem>> -> memref<1x128xi32, #tpu.memory_space<vmem>>
      %dma_start3A_1096 = tpu.memref_squeeze %dma_start3A_1095 : memref<1x128xi32, #tpu.memory_space<vmem>> -> memref<128xi32, #tpu.memory_space<vmem>>
      %dma_start3A_1097 = arith.constant 0 : i32
      %dma_start3A_1098 = arith.constant 0 : i32
      %dma_start3A_1099 = tpu.memref_slice %arg8[%dma_start3A_1097, %dma_start3A_1098] : memref<10112x128xf32, #tpu.memory_space<vmem_shared>> -> memref<10112x128xf32, #tpu.memory_space<vmem_shared>>
      tpu.enqueue_indirect_dma source(%dma_start3A_1089 : memref<128x128xf32, #tpu.memory_space<vmem>>) target(%dma_start3A_1099 : memref<10112x128xf32, #tpu.memory_space<vmem_shared>>) offsets(%dma_start3A_1096 : memref<128xi32, #tpu.memory_space<vmem>>) semaphore(%arg11 : memref<!tpu.dma_semaphore, #tpu.memory_space<semaphore_mem>>) {add = true}
      %dma_wait3A_1100 = arith.constant 0 : i32
      %dma_wait3A_1101 = arith.constant 4 : i32
      %dma_wait3A_1102 = arith.constant 0 : i32
      %dma_wait3A_1103 = arith.constant 0 : i32
      %dma_wait3A_1104 = tpu.memref_slice %arg6[%dma_wait3A_1101, %dma_wait3A_1102, %dma_wait3A_1103] : memref<8x2x128xi32, #tpu.memory_space<vmem>> -> memref<1x2x128xi32, #tpu.memory_space<vmem>>
      %dma_wait3A_1105 = tpu.memref_squeeze %dma_wait3A_1104 : memref<1x2x128xi32, #tpu.memory_space<vmem>> -> memref<2x128xi32, #tpu.memory_space<vmem>>
      %dma_wait3A_1106 = arith.constant 0 : i32
      %dma_wait3A_1107 = arith.constant 0 : i32
      %dma_wait3A_1108 = tpu.memref_slice %arg3[%add3A, %dma_wait3A_1100, %dma_wait3A_1106, %dma_wait3A_1107] : memref<32x80x2x128xi32, #tpu.memory_space<hbm>> -> memref<1x1x2x128xi32, #tpu.memory_space<hbm>>
      %dma_wait3A_1109 = tpu.memref_squeeze %dma_wait3A_1108 : memref<1x1x2x128xi32, #tpu.memory_space<hbm>> -> memref<2x128xi32, #tpu.memory_space<hbm>>
      %dma_wait3A_1110 = arith.constant 0 : i32
      %dma_wait3A_1111 = arith.constant 0 : i32
      %dma_wait3A_1112 = tpu.memref_slice %arg6[%dma_wait3A_1101, %dma_wait3A_1110, %dma_wait3A_1111] : memref<8x2x128xi32, #tpu.memory_space<vmem>> -> memref<1x2x128xi32, #tpu.memory_space<vmem>>
      %dma_wait3A_1113 = tpu.memref_squeeze %dma_wait3A_1112 : memref<1x2x128xi32, #tpu.memory_space<vmem>> -> memref<2x128xi32, #tpu.memory_space<vmem>>
      %dma_wait3A_1114 = arith.constant 0 : i32
      %dma_wait3A_1115 = arith.constant 0 : i32
      %dma_wait3A_1116 = tpu.memref_slice %arg3[%add3A, %dma_wait3A_1100, %dma_wait3A_1114, %dma_wait3A_1115] : memref<32x80x2x128xi32, #tpu.memory_space<hbm>> -> memref<1x1x2x128xi32, #tpu.memory_space<hbm>>
      %dma_wait3A_1117 = tpu.memref_squeeze %dma_wait3A_1116 : memref<1x1x2x128xi32, #tpu.memory_space<hbm>> -> memref<2x128xi32, #tpu.memory_space<hbm>>
      tpu.wait_dma2 semaphore(%arg17 : memref<!tpu.dma_semaphore, #tpu.memory_space<semaphore_mem>>) src(%dma_wait3A_1117 : memref<2x128xi32, #tpu.memory_space<hbm>>) dst(%dma_wait3A_1113 : memref<2x128xi32, #tpu.memory_space<vmem>>)
      %dma_wait3A_1118 = arith.constant 0 : i32
      %dma_wait3A_1119 = arith.constant 0 : i32
      %dma_wait3A_1120 = arith.constant 1 : i32
      %dma_wait3A_1121 = arith.constant 0 : i32
      %dma_wait3A_1122 = arith.constant 0 : i32
      %dma_wait3A_1123 = tpu.memref_slice %arg7[%dma_wait3A_1118, %dma_wait3A_1121, %dma_wait3A_1122] : memref<2x128x128xf32, #tpu.memory_space<vmem>> -> memref<1x128x128xf32, #tpu.memory_space<vmem>>
      %dma_wait3A_1124 = tpu.memref_squeeze %dma_wait3A_1123 : memref<1x128x128xf32, #tpu.memory_space<vmem>> -> memref<128x128xf32, #tpu.memory_space<vmem>>
      %dma_wait3A_1125 = arith.constant 0 : i32
      %dma_wait3A_1126 = arith.constant 0 : i32
      %dma_wait3A_1127 = tpu.memref_slice %arg6[%dma_wait3A_1119, %dma_wait3A_1125, %dma_wait3A_1126] : memref<8x2x128xi32, #tpu.memory_space<vmem>> -> memref<1x2x128xi32, #tpu.memory_space<vmem>>
      %dma_wait3A_1128 = tpu.memref_squeeze %dma_wait3A_1127 : memref<1x2x128xi32, #tpu.memory_space<vmem>> -> memref<2x128xi32, #tpu.memory_space<vmem>>
      %dma_wait3A_1129 = arith.constant 0 : i32
      %dma_wait3A_1130 = tpu.memref_slice %dma_wait3A_1128[%dma_wait3A_1120, %dma_wait3A_1129] : memref<2x128xi32, #tpu.memory_space<vmem>> -> memref<1x128xi32, #tpu.memory_space<vmem>>
      %dma_wait3A_1131 = tpu.memref_squeeze %dma_wait3A_1130 : memref<1x128xi32, #tpu.memory_space<vmem>> -> memref<128xi32, #tpu.memory_space<vmem>>
      %dma_wait3A_1132 = arith.constant 0 : i32
      %dma_wait3A_1133 = arith.constant 0 : i32
      %dma_wait3A_1134 = tpu.memref_slice %arg8[%dma_wait3A_1132, %dma_wait3A_1133] : memref<10112x128xf32, #tpu.memory_space<vmem_shared>> -> memref<10112x128xf32, #tpu.memory_space<vmem_shared>>
      tpu.wait_indirect_dma semaphore(%arg11 : memref<!tpu.dma_semaphore, #tpu.memory_space<semaphore_mem>>) src(%dma_wait3A_1124 : memref<128x128xf32, #tpu.memory_space<vmem>>) dst(%dma_wait3A_1134 : memref<10112x128xf32, #tpu.memory_space<vmem_shared>>)
      %add3A_1135 = arith.constant 8 : i32
      %add3A_1136 = arith.addi %add3A_1065, %add3A_1135 : i32
      %dma_start3A_1137 = arith.constant 2 : i32
      %dma_start3A_1138 = arith.constant 0 : i32
      %dma_start3A_1139 = arith.constant 0 : i32
      %dma_start3A_1140 = tpu.memref_slice %arg6[%dma_start3A_1137, %dma_start3A_1138, %dma_start3A_1139] : memref<8x2x128xi32, #tpu.memory_space<vmem>> -> memref<1x2x128xi32, #tpu.memory_space<vmem>>
      %dma_start3A_1141 = tpu.memref_squeeze %dma_start3A_1140 : memref<1x2x128xi32, #tpu.memory_space<vmem>> -> memref<2x128xi32, #tpu.memory_space<vmem>>
      %dma_start3A_1142 = arith.constant 0 : i32
      %dma_start3A_1143 = arith.constant 0 : i32
      %dma_start3A_1144 = tpu.memref_slice %arg3[%add3A, %add3A_1136, %dma_start3A_1142, %dma_start3A_1143] : memref<32x80x2x128xi32, #tpu.memory_space<hbm>> -> memref<1x1x2x128xi32, #tpu.memory_space<hbm>>
      %dma_start3A_1145 = tpu.memref_squeeze %dma_start3A_1144 : memref<1x1x2x128xi32, #tpu.memory_space<hbm>> -> memref<2x128xi32, #tpu.memory_space<hbm>>
      %dma_start3A_1146 = arith.constant 0 : i32
      %dma_start3A_1147 = arith.constant 0 : i32
      %dma_start3A_1148 = tpu.memref_slice %arg6[%dma_start3A_1137, %dma_start3A_1146, %dma_start3A_1147] : memref<8x2x128xi32, #tpu.memory_space<vmem>> -> memref<1x2x128xi32, #tpu.memory_space<vmem>>
      %dma_start3A_1149 = tpu.memref_squeeze %dma_start3A_1148 : memref<1x2x128xi32, #tpu.memory_space<vmem>> -> memref<2x128xi32, #tpu.memory_space<vmem>>
      %dma_start3A_1150 = arith.constant 0 : i32
      %dma_start3A_1151 = arith.constant 0 : i32
      %dma_start3A_1152 = tpu.memref_slice %arg3[%add3A, %add3A_1136, %dma_start3A_1150, %dma_start3A_1151] : memref<32x80x2x128xi32, #tpu.memory_space<hbm>> -> memref<1x1x2x128xi32, #tpu.memory_space<hbm>>
      %dma_start3A_1153 = tpu.memref_squeeze %dma_start3A_1152 : memref<1x1x2x128xi32, #tpu.memory_space<hbm>> -> memref<2x128xi32, #tpu.memory_space<hbm>>
      tpu.enqueue_dma source(%dma_start3A_1153 : memref<2x128xi32, #tpu.memory_space<hbm>>) target(%dma_start3A_1149 : memref<2x128xi32, #tpu.memory_space<vmem>>) target_semaphore(%arg15 : memref<!tpu.dma_semaphore, #tpu.memory_space<semaphore_mem>>)
      %dma_start3A_1154 = arith.constant 4 : i32
      %dma_start3A_1155 = arith.constant 0 : i32
      %dma_start3A_1156 = arith.constant 0 : i32
      %dma_start3A_1157 = arith.constant 0 : i32
      %dma_start3A_1158 = arith.constant 0 : i32
      %dma_start3A_1159 = tpu.memref_slice %arg7[%dma_start3A_1156, %dma_start3A_1157, %dma_start3A_1158] : memref<2x128x128xf32, #tpu.memory_space<vmem>> -> memref<1x128x128xf32, #tpu.memory_space<vmem>>
      %dma_start3A_1160 = tpu.memref_squeeze %dma_start3A_1159 : memref<1x128x128xf32, #tpu.memory_space<vmem>> -> memref<128x128xf32, #tpu.memory_space<vmem>>
      %dma_start3A_1161 = arith.constant 0 : i32
      %dma_start3A_1162 = arith.constant 0 : i32
      %dma_start3A_1163 = tpu.memref_slice %arg6[%dma_start3A_1154, %dma_start3A_1161, %dma_start3A_1162] : memref<8x2x128xi32, #tpu.memory_space<vmem>> -> memref<1x2x128xi32, #tpu.memory_space<vmem>>
      %dma_start3A_1164 = tpu.memref_squeeze %dma_start3A_1163 : memref<1x2x128xi32, #tpu.memory_space<vmem>> -> memref<2x128xi32, #tpu.memory_space<vmem>>
      %dma_start3A_1165 = arith.constant 0 : i32
      %dma_start3A_1166 = tpu.memref_slice %dma_start3A_1164[%dma_start3A_1155, %dma_start3A_1165] : memref<2x128xi32, #tpu.memory_space<vmem>> -> memref<1x128xi32, #tpu.memory_space<vmem>>
      %dma_start3A_1167 = tpu.memref_squeeze %dma_start3A_1166 : memref<1x128xi32, #tpu.memory_space<vmem>> -> memref<128xi32, #tpu.memory_space<vmem>>
      %dma_start3A_1168 = arith.constant 0 : i32
      %dma_start3A_1169 = arith.constant 0 : i32
      %dma_start3A_1170 = tpu.memref_slice %arg2[%dma_start3A_1168, %dma_start3A_1169] : memref<10000x128xf32, #tpu.memory_space<hbm>> -> memref<10000x128xf32, #tpu.memory_space<hbm>>
      tpu.enqueue_indirect_dma source(%dma_start3A_1170 : memref<10000x128xf32, #tpu.memory_space<hbm>>) target(%dma_start3A_1160 : memref<128x128xf32, #tpu.memory_space<vmem>>) offsets(%dma_start3A_1167 : memref<128xi32, #tpu.memory_space<vmem>>) semaphore(%arg9 : memref<!tpu.dma_semaphore, #tpu.memory_space<semaphore_mem>>)
      %mul3A_1171 = arith.constant 8 : i32
      %mul3A_1172 = arith.muli %scan3A_843, %mul3A_1171 : i32
      %add3A_1173 = arith.constant 3 : i32
      %add3A_1174 = arith.addi %mul3A_1172, %add3A_1173 : i32
      %dma_wait3A_1175 = arith.constant 0 : i32
      %dma_wait3A_1176 = arith.constant 0 : i32
      %dma_wait3A_1177 = arith.constant 1 : i32
      %dma_wait3A_1178 = arith.constant 0 : i32
      %dma_wait3A_1179 = arith.constant 0 : i32
      %dma_wait3A_1180 = tpu.memref_slice %arg7[%dma_wait3A_1177, %dma_wait3A_1178, %dma_wait3A_1179] : memref<2x128x128xf32, #tpu.memory_space<vmem>> -> memref<1x128x128xf32, #tpu.memory_space<vmem>>
      %dma_wait3A_1181 = tpu.memref_squeeze %dma_wait3A_1180 : memref<1x128x128xf32, #tpu.memory_space<vmem>> -> memref<128x128xf32, #tpu.memory_space<vmem>>
      %dma_wait3A_1182 = arith.constant 0 : i32
      %dma_wait3A_1183 = arith.constant 0 : i32
      %dma_wait3A_1184 = tpu.memref_slice %arg6[%dma_wait3A_1175, %dma_wait3A_1182, %dma_wait3A_1183] : memref<8x2x128xi32, #tpu.memory_space<vmem>> -> memref<1x2x128xi32, #tpu.memory_space<vmem>>
      %dma_wait3A_1185 = tpu.memref_squeeze %dma_wait3A_1184 : memref<1x2x128xi32, #tpu.memory_space<vmem>> -> memref<2x128xi32, #tpu.memory_space<vmem>>
      %dma_wait3A_1186 = arith.constant 0 : i32
      %dma_wait3A_1187 = tpu.memref_slice %dma_wait3A_1185[%dma_wait3A_1176, %dma_wait3A_1186] : memref<2x128xi32, #tpu.memory_space<vmem>> -> memref<1x128xi32, #tpu.memory_space<vmem>>
      %dma_wait3A_1188 = tpu.memref_squeeze %dma_wait3A_1187 : memref<1x128xi32, #tpu.memory_space<vmem>> -> memref<128xi32, #tpu.memory_space<vmem>>
      %dma_wait3A_1189 = arith.constant 0 : i32
      %dma_wait3A_1190 = arith.constant 0 : i32
      %dma_wait3A_1191 = tpu.memref_slice %arg2[%dma_wait3A_1189, %dma_wait3A_1190] : memref<10000x128xf32, #tpu.memory_space<hbm>> -> memref<10000x128xf32, #tpu.memory_space<hbm>>
      tpu.wait_indirect_dma semaphore(%arg10 : memref<!tpu.dma_semaphore, #tpu.memory_space<semaphore_mem>>) src(%dma_wait3A_1191 : memref<10000x128xf32, #tpu.memory_space<hbm>>) dst(%dma_wait3A_1181 : memref<128x128xf32, #tpu.memory_space<vmem>>)
      %dma_start3A_1192 = arith.constant 1 : i32
      %dma_start3A_1193 = arith.constant 3 : i32
      %dma_start3A_1194 = arith.constant 1 : i32
      %dma_start3A_1195 = arith.constant 0 : i32
      %dma_start3A_1196 = arith.constant 0 : i32
      %dma_start3A_1197 = tpu.memref_slice %arg7[%dma_start3A_1192, %dma_start3A_1195, %dma_start3A_1196] : memref<2x128x128xf32, #tpu.memory_space<vmem>> -> memref<1x128x128xf32, #tpu.memory_space<vmem>>
      %dma_start3A_1198 = tpu.memref_squeeze %dma_start3A_1197 : memref<1x128x128xf32, #tpu.memory_space<vmem>> -> memref<128x128xf32, #tpu.memory_space<vmem>>
      %dma_start3A_1199 = arith.constant 0 : i32
      %dma_start3A_1200 = arith.constant 0 : i32
      %dma_start3A_1201 = tpu.memref_slice %arg6[%dma_start3A_1193, %dma_start3A_1199, %dma_start3A_1200] : memref<8x2x128xi32, #tpu.memory_space<vmem>> -> memref<1x2x128xi32, #tpu.memory_space<vmem>>
      %dma_start3A_1202 = tpu.memref_squeeze %dma_start3A_1201 : memref<1x2x128xi32, #tpu.memory_space<vmem>> -> memref<2x128xi32, #tpu.memory_space<vmem>>
      %dma_start3A_1203 = arith.constant 0 : i32
      %dma_start3A_1204 = tpu.memref_slice %dma_start3A_1202[%dma_start3A_1194, %dma_start3A_1203] : memref<2x128xi32, #tpu.memory_space<vmem>> -> memref<1x128xi32, #tpu.memory_space<vmem>>
      %dma_start3A_1205 = tpu.memref_squeeze %dma_start3A_1204 : memref<1x128xi32, #tpu.memory_space<vmem>> -> memref<128xi32, #tpu.memory_space<vmem>>
      %dma_start3A_1206 = arith.constant 0 : i32
      %dma_start3A_1207 = arith.constant 0 : i32
      %dma_start3A_1208 = tpu.memref_slice %arg8[%dma_start3A_1206, %dma_start3A_1207] : memref<10112x128xf32, #tpu.memory_space<vmem_shared>> -> memref<10112x128xf32, #tpu.memory_space<vmem_shared>>
      tpu.enqueue_indirect_dma source(%dma_start3A_1198 : memref<128x128xf32, #tpu.memory_space<vmem>>) target(%dma_start3A_1208 : memref<10112x128xf32, #tpu.memory_space<vmem_shared>>) offsets(%dma_start3A_1205 : memref<128xi32, #tpu.memory_space<vmem>>) semaphore(%arg12 : memref<!tpu.dma_semaphore, #tpu.memory_space<semaphore_mem>>) {add = true}
      %dma_wait3A_1209 = arith.constant 0 : i32
      %dma_wait3A_1210 = arith.constant 5 : i32
      %dma_wait3A_1211 = arith.constant 0 : i32
      %dma_wait3A_1212 = arith.constant 0 : i32
      %dma_wait3A_1213 = tpu.memref_slice %arg6[%dma_wait3A_1210, %dma_wait3A_1211, %dma_wait3A_1212] : memref<8x2x128xi32, #tpu.memory_space<vmem>> -> memref<1x2x128xi32, #tpu.memory_space<vmem>>
      %dma_wait3A_1214 = tpu.memref_squeeze %dma_wait3A_1213 : memref<1x2x128xi32, #tpu.memory_space<vmem>> -> memref<2x128xi32, #tpu.memory_space<vmem>>
      %dma_wait3A_1215 = arith.constant 0 : i32
      %dma_wait3A_1216 = arith.constant 0 : i32
      %dma_wait3A_1217 = tpu.memref_slice %arg3[%add3A, %dma_wait3A_1209, %dma_wait3A_1215, %dma_wait3A_1216] : memref<32x80x2x128xi32, #tpu.memory_space<hbm>> -> memref<1x1x2x128xi32, #tpu.memory_space<hbm>>
      %dma_wait3A_1218 = tpu.memref_squeeze %dma_wait3A_1217 : memref<1x1x2x128xi32, #tpu.memory_space<hbm>> -> memref<2x128xi32, #tpu.memory_space<hbm>>
      %dma_wait3A_1219 = arith.constant 0 : i32
      %dma_wait3A_1220 = arith.constant 0 : i32
      %dma_wait3A_1221 = tpu.memref_slice %arg6[%dma_wait3A_1210, %dma_wait3A_1219, %dma_wait3A_1220] : memref<8x2x128xi32, #tpu.memory_space<vmem>> -> memref<1x2x128xi32, #tpu.memory_space<vmem>>
      %dma_wait3A_1222 = tpu.memref_squeeze %dma_wait3A_1221 : memref<1x2x128xi32, #tpu.memory_space<vmem>> -> memref<2x128xi32, #tpu.memory_space<vmem>>
      %dma_wait3A_1223 = arith.constant 0 : i32
      %dma_wait3A_1224 = arith.constant 0 : i32
      %dma_wait3A_1225 = tpu.memref_slice %arg3[%add3A, %dma_wait3A_1209, %dma_wait3A_1223, %dma_wait3A_1224] : memref<32x80x2x128xi32, #tpu.memory_space<hbm>> -> memref<1x1x2x128xi32, #tpu.memory_space<hbm>>
      %dma_wait3A_1226 = tpu.memref_squeeze %dma_wait3A_1225 : memref<1x1x2x128xi32, #tpu.memory_space<hbm>> -> memref<2x128xi32, #tpu.memory_space<hbm>>
      tpu.wait_dma2 semaphore(%arg18 : memref<!tpu.dma_semaphore, #tpu.memory_space<semaphore_mem>>) src(%dma_wait3A_1226 : memref<2x128xi32, #tpu.memory_space<hbm>>) dst(%dma_wait3A_1222 : memref<2x128xi32, #tpu.memory_space<vmem>>)
      %dma_wait3A_1227 = arith.constant 1 : i32
      %dma_wait3A_1228 = arith.constant 0 : i32
      %dma_wait3A_1229 = arith.constant 1 : i32
      %dma_wait3A_1230 = arith.constant 0 : i32
      %dma_wait3A_1231 = arith.constant 0 : i32
      %dma_wait3A_1232 = tpu.memref_slice %arg7[%dma_wait3A_1227, %dma_wait3A_1230, %dma_wait3A_1231] : memref<2x128x128xf32, #tpu.memory_space<vmem>> -> memref<1x128x128xf32, #tpu.memory_space<vmem>>
      %dma_wait3A_1233 = tpu.memref_squeeze %dma_wait3A_1232 : memref<1x128x128xf32, #tpu.memory_space<vmem>> -> memref<128x128xf32, #tpu.memory_space<vmem>>
      %dma_wait3A_1234 = arith.constant 0 : i32
      %dma_wait3A_1235 = arith.constant 0 : i32
      %dma_wait3A_1236 = tpu.memref_slice %arg6[%dma_wait3A_1228, %dma_wait3A_1234, %dma_wait3A_1235] : memref<8x2x128xi32, #tpu.memory_space<vmem>> -> memref<1x2x128xi32, #tpu.memory_space<vmem>>
      %dma_wait3A_1237 = tpu.memref_squeeze %dma_wait3A_1236 : memref<1x2x128xi32, #tpu.memory_space<vmem>> -> memref<2x128xi32, #tpu.memory_space<vmem>>
      %dma_wait3A_1238 = arith.constant 0 : i32
      %dma_wait3A_1239 = tpu.memref_slice %dma_wait3A_1237[%dma_wait3A_1229, %dma_wait3A_1238] : memref<2x128xi32, #tpu.memory_space<vmem>> -> memref<1x128xi32, #tpu.memory_space<vmem>>
      %dma_wait3A_1240 = tpu.memref_squeeze %dma_wait3A_1239 : memref<1x128xi32, #tpu.memory_space<vmem>> -> memref<128xi32, #tpu.memory_space<vmem>>
      %dma_wait3A_1241 = arith.constant 0 : i32
      %dma_wait3A_1242 = arith.constant 0 : i32
      %dma_wait3A_1243 = tpu.memref_slice %arg8[%dma_wait3A_1241, %dma_wait3A_1242] : memref<10112x128xf32, #tpu.memory_space<vmem_shared>> -> memref<10112x128xf32, #tpu.memory_space<vmem_shared>>
      tpu.wait_indirect_dma semaphore(%arg12 : memref<!tpu.dma_semaphore, #tpu.memory_space<semaphore_mem>>) src(%dma_wait3A_1233 : memref<128x128xf32, #tpu.memory_space<vmem>>) dst(%dma_wait3A_1243 : memref<10112x128xf32, #tpu.memory_space<vmem_shared>>)
      %add3A_1244 = arith.constant 8 : i32
      %add3A_1245 = arith.addi %add3A_1174, %add3A_1244 : i32
      %dma_start3A_1246 = arith.constant 3 : i32
      %dma_start3A_1247 = arith.constant 0 : i32
      %dma_start3A_1248 = arith.constant 0 : i32
      %dma_start3A_1249 = tpu.memref_slice %arg6[%dma_start3A_1246, %dma_start3A_1247, %dma_start3A_1248] : memref<8x2x128xi32, #tpu.memory_space<vmem>> -> memref<1x2x128xi32, #tpu.memory_space<vmem>>
      %dma_start3A_1250 = tpu.memref_squeeze %dma_start3A_1249 : memref<1x2x128xi32, #tpu.memory_space<vmem>> -> memref<2x128xi32, #tpu.memory_space<vmem>>
      %dma_start3A_1251 = arith.constant 0 : i32
      %dma_start3A_1252 = arith.constant 0 : i32
      %dma_start3A_1253 = tpu.memref_slice %arg3[%add3A, %add3A_1245, %dma_start3A_1251, %dma_start3A_1252] : memref<32x80x2x128xi32, #tpu.memory_space<hbm>> -> memref<1x1x2x128xi32, #tpu.memory_space<hbm>>
      %dma_start3A_1254 = tpu.memref_squeeze %dma_start3A_1253 : memref<1x1x2x128xi32, #tpu.memory_space<hbm>> -> memref<2x128xi32, #tpu.memory_space<hbm>>
      %dma_start3A_1255 = arith.constant 0 : i32
      %dma_start3A_1256 = arith.constant 0 : i32
      %dma_start3A_1257 = tpu.memref_slice %arg6[%dma_start3A_1246, %dma_start3A_1255, %dma_start3A_1256] : memref<8x2x128xi32, #tpu.memory_space<vmem>> -> memref<1x2x128xi32, #tpu.memory_space<vmem>>
      %dma_start3A_1258 = tpu.memref_squeeze %dma_start3A_1257 : memref<1x2x128xi32, #tpu.memory_space<vmem>> -> memref<2x128xi32, #tpu.memory_space<vmem>>
      %dma_start3A_1259 = arith.constant 0 : i32
      %dma_start3A_1260 = arith.constant 0 : i32
      %dma_start3A_1261 = tpu.memref_slice %arg3[%add3A, %add3A_1245, %dma_start3A_1259, %dma_start3A_1260] : memref<32x80x2x128xi32, #tpu.memory_space<hbm>> -> memref<1x1x2x128xi32, #tpu.memory_space<hbm>>
      %dma_start3A_1262 = tpu.memref_squeeze %dma_start3A_1261 : memref<1x1x2x128xi32, #tpu.memory_space<hbm>> -> memref<2x128xi32, #tpu.memory_space<hbm>>
      tpu.enqueue_dma source(%dma_start3A_1262 : memref<2x128xi32, #tpu.memory_space<hbm>>) target(%dma_start3A_1258 : memref<2x128xi32, #tpu.memory_space<vmem>>) target_semaphore(%arg16 : memref<!tpu.dma_semaphore, #tpu.memory_space<semaphore_mem>>)
      %dma_start3A_1263 = arith.constant 5 : i32
      %dma_start3A_1264 = arith.constant 0 : i32
      %dma_start3A_1265 = arith.constant 1 : i32
      %dma_start3A_1266 = arith.constant 0 : i32
      %dma_start3A_1267 = arith.constant 0 : i32
      %dma_start3A_1268 = tpu.memref_slice %arg7[%dma_start3A_1265, %dma_start3A_1266, %dma_start3A_1267] : memref<2x128x128xf32, #tpu.memory_space<vmem>> -> memref<1x128x128xf32, #tpu.memory_space<vmem>>
      %dma_start3A_1269 = tpu.memref_squeeze %dma_start3A_1268 : memref<1x128x128xf32, #tpu.memory_space<vmem>> -> memref<128x128xf32, #tpu.memory_space<vmem>>
      %dma_start3A_1270 = arith.constant 0 : i32
      %dma_start3A_1271 = arith.constant 0 : i32
      %dma_start3A_1272 = tpu.memref_slice %arg6[%dma_start3A_1263, %dma_start3A_1270, %dma_start3A_1271] : memref<8x2x128xi32, #tpu.memory_space<vmem>> -> memref<1x2x128xi32, #tpu.memory_space<vmem>>
      %dma_start3A_1273 = tpu.memref_squeeze %dma_start3A_1272 : memref<1x2x128xi32, #tpu.memory_space<vmem>> -> memref<2x128xi32, #tpu.memory_space<vmem>>
      %dma_start3A_1274 = arith.constant 0 : i32
      %dma_start3A_1275 = tpu.memref_slice %dma_start3A_1273[%dma_start3A_1264, %dma_start3A_1274] : memref<2x128xi32, #tpu.memory_space<vmem>> -> memref<1x128xi32, #tpu.memory_space<vmem>>
      %dma_start3A_1276 = tpu.memref_squeeze %dma_start3A_1275 : memref<1x128xi32, #tpu.memory_space<vmem>> -> memref<128xi32, #tpu.memory_space<vmem>>
      %dma_start3A_1277 = arith.constant 0 : i32
      %dma_start3A_1278 = arith.constant 0 : i32
      %dma_start3A_1279 = tpu.memref_slice %arg2[%dma_start3A_1277, %dma_start3A_1278] : memref<10000x128xf32, #tpu.memory_space<hbm>> -> memref<10000x128xf32, #tpu.memory_space<hbm>>
      tpu.enqueue_indirect_dma source(%dma_start3A_1279 : memref<10000x128xf32, #tpu.memory_space<hbm>>) target(%dma_start3A_1269 : memref<128x128xf32, #tpu.memory_space<vmem>>) offsets(%dma_start3A_1276 : memref<128xi32, #tpu.memory_space<vmem>>) semaphore(%arg10 : memref<!tpu.dma_semaphore, #tpu.memory_space<semaphore_mem>>)
      %mul3A_1280 = arith.constant 8 : i32
      %mul3A_1281 = arith.muli %scan3A_843, %mul3A_1280 : i32
      %add3A_1282 = arith.constant 4 : i32
      %add3A_1283 = arith.addi %mul3A_1281, %add3A_1282 : i32
      %dma_wait3A_1284 = arith.constant 0 : i32
      %dma_wait3A_1285 = arith.constant 0 : i32
      %dma_wait3A_1286 = arith.constant 0 : i32
      %dma_wait3A_1287 = arith.constant 0 : i32
      %dma_wait3A_1288 = arith.constant 0 : i32
      %dma_wait3A_1289 = tpu.memref_slice %arg7[%dma_wait3A_1286, %dma_wait3A_1287, %dma_wait3A_1288] : memref<2x128x128xf32, #tpu.memory_space<vmem>> -> memref<1x128x128xf32, #tpu.memory_space<vmem>>
      %dma_wait3A_1290 = tpu.memref_squeeze %dma_wait3A_1289 : memref<1x128x128xf32, #tpu.memory_space<vmem>> -> memref<128x128xf32, #tpu.memory_space<vmem>>
      %dma_wait3A_1291 = arith.constant 0 : i32
      %dma_wait3A_1292 = arith.constant 0 : i32
      %dma_wait3A_1293 = tpu.memref_slice %arg6[%dma_wait3A_1284, %dma_wait3A_1291, %dma_wait3A_1292] : memref<8x2x128xi32, #tpu.memory_space<vmem>> -> memref<1x2x128xi32, #tpu.memory_space<vmem>>
      %dma_wait3A_1294 = tpu.memref_squeeze %dma_wait3A_1293 : memref<1x2x128xi32, #tpu.memory_space<vmem>> -> memref<2x128xi32, #tpu.memory_space<vmem>>
      %dma_wait3A_1295 = arith.constant 0 : i32
      %dma_wait3A_1296 = tpu.memref_slice %dma_wait3A_1294[%dma_wait3A_1285, %dma_wait3A_1295] : memref<2x128xi32, #tpu.memory_space<vmem>> -> memref<1x128xi32, #tpu.memory_space<vmem>>
      %dma_wait3A_1297 = tpu.memref_squeeze %dma_wait3A_1296 : memref<1x128xi32, #tpu.memory_space<vmem>> -> memref<128xi32, #tpu.memory_space<vmem>>
      %dma_wait3A_1298 = arith.constant 0 : i32
      %dma_wait3A_1299 = arith.constant 0 : i32
      %dma_wait3A_1300 = tpu.memref_slice %arg2[%dma_wait3A_1298, %dma_wait3A_1299] : memref<10000x128xf32, #tpu.memory_space<hbm>> -> memref<10000x128xf32, #tpu.memory_space<hbm>>
      tpu.wait_indirect_dma semaphore(%arg9 : memref<!tpu.dma_semaphore, #tpu.memory_space<semaphore_mem>>) src(%dma_wait3A_1300 : memref<10000x128xf32, #tpu.memory_space<hbm>>) dst(%dma_wait3A_1290 : memref<128x128xf32, #tpu.memory_space<vmem>>)
      %dma_start3A_1301 = arith.constant 0 : i32
      %dma_start3A_1302 = arith.constant 4 : i32
      %dma_start3A_1303 = arith.constant 1 : i32
      %dma_start3A_1304 = arith.constant 0 : i32
      %dma_start3A_1305 = arith.constant 0 : i32
      %dma_start3A_1306 = tpu.memref_slice %arg7[%dma_start3A_1301, %dma_start3A_1304, %dma_start3A_1305] : memref<2x128x128xf32, #tpu.memory_space<vmem>> -> memref<1x128x128xf32, #tpu.memory_space<vmem>>
      %dma_start3A_1307 = tpu.memref_squeeze %dma_start3A_1306 : memref<1x128x128xf32, #tpu.memory_space<vmem>> -> memref<128x128xf32, #tpu.memory_space<vmem>>
      %dma_start3A_1308 = arith.constant 0 : i32
      %dma_start3A_1309 = arith.constant 0 : i32
      %dma_start3A_1310 = tpu.memref_slice %arg6[%dma_start3A_1302, %dma_start3A_1308, %dma_start3A_1309] : memref<8x2x128xi32, #tpu.memory_space<vmem>> -> memref<1x2x128xi32, #tpu.memory_space<vmem>>
      %dma_start3A_1311 = tpu.memref_squeeze %dma_start3A_1310 : memref<1x2x128xi32, #tpu.memory_space<vmem>> -> memref<2x128xi32, #tpu.memory_space<vmem>>
      %dma_start3A_1312 = arith.constant 0 : i32
      %dma_start3A_1313 = tpu.memref_slice %dma_start3A_1311[%dma_start3A_1303, %dma_start3A_1312] : memref<2x128xi32, #tpu.memory_space<vmem>> -> memref<1x128xi32, #tpu.memory_space<vmem>>
      %dma_start3A_1314 = tpu.memref_squeeze %dma_start3A_1313 : memref<1x128xi32, #tpu.memory_space<vmem>> -> memref<128xi32, #tpu.memory_space<vmem>>
      %dma_start3A_1315 = arith.constant 0 : i32
      %dma_start3A_1316 = arith.constant 0 : i32
      %dma_start3A_1317 = tpu.memref_slice %arg8[%dma_start3A_1315, %dma_start3A_1316] : memref<10112x128xf32, #tpu.memory_space<vmem_shared>> -> memref<10112x128xf32, #tpu.memory_space<vmem_shared>>
      tpu.enqueue_indirect_dma source(%dma_start3A_1307 : memref<128x128xf32, #tpu.memory_space<vmem>>) target(%dma_start3A_1317 : memref<10112x128xf32, #tpu.memory_space<vmem_shared>>) offsets(%dma_start3A_1314 : memref<128xi32, #tpu.memory_space<vmem>>) semaphore(%arg11 : memref<!tpu.dma_semaphore, #tpu.memory_space<semaphore_mem>>) {add = true}
      %dma_wait3A_1318 = arith.constant 0 : i32
      %dma_wait3A_1319 = arith.constant 6 : i32
      %dma_wait3A_1320 = arith.constant 0 : i32
      %dma_wait3A_1321 = arith.constant 0 : i32
      %dma_wait3A_1322 = tpu.memref_slice %arg6[%dma_wait3A_1319, %dma_wait3A_1320, %dma_wait3A_1321] : memref<8x2x128xi32, #tpu.memory_space<vmem>> -> memref<1x2x128xi32, #tpu.memory_space<vmem>>
      %dma_wait3A_1323 = tpu.memref_squeeze %dma_wait3A_1322 : memref<1x2x128xi32, #tpu.memory_space<vmem>> -> memref<2x128xi32, #tpu.memory_space<vmem>>
      %dma_wait3A_1324 = arith.constant 0 : i32
      %dma_wait3A_1325 = arith.constant 0 : i32
      %dma_wait3A_1326 = tpu.memref_slice %arg3[%add3A, %dma_wait3A_1318, %dma_wait3A_1324, %dma_wait3A_1325] : memref<32x80x2x128xi32, #tpu.memory_space<hbm>> -> memref<1x1x2x128xi32, #tpu.memory_space<hbm>>
      %dma_wait3A_1327 = tpu.memref_squeeze %dma_wait3A_1326 : memref<1x1x2x128xi32, #tpu.memory_space<hbm>> -> memref<2x128xi32, #tpu.memory_space<hbm>>
      %dma_wait3A_1328 = arith.constant 0 : i32
      %dma_wait3A_1329 = arith.constant 0 : i32
      %dma_wait3A_1330 = tpu.memref_slice %arg6[%dma_wait3A_1319, %dma_wait3A_1328, %dma_wait3A_1329] : memref<8x2x128xi32, #tpu.memory_space<vmem>> -> memref<1x2x128xi32, #tpu.memory_space<vmem>>
      %dma_wait3A_1331 = tpu.memref_squeeze %dma_wait3A_1330 : memref<1x2x128xi32, #tpu.memory_space<vmem>> -> memref<2x128xi32, #tpu.memory_space<vmem>>
      %dma_wait3A_1332 = arith.constant 0 : i32
      %dma_wait3A_1333 = arith.constant 0 : i32
      %dma_wait3A_1334 = tpu.memref_slice %arg3[%add3A, %dma_wait3A_1318, %dma_wait3A_1332, %dma_wait3A_1333] : memref<32x80x2x128xi32, #tpu.memory_space<hbm>> -> memref<1x1x2x128xi32, #tpu.memory_space<hbm>>
      %dma_wait3A_1335 = tpu.memref_squeeze %dma_wait3A_1334 : memref<1x1x2x128xi32, #tpu.memory_space<hbm>> -> memref<2x128xi32, #tpu.memory_space<hbm>>
      tpu.wait_dma2 semaphore(%arg19 : memref<!tpu.dma_semaphore, #tpu.memory_space<semaphore_mem>>) src(%dma_wait3A_1335 : memref<2x128xi32, #tpu.memory_space<hbm>>) dst(%dma_wait3A_1331 : memref<2x128xi32, #tpu.memory_space<vmem>>)
      %dma_wait3A_1336 = arith.constant 0 : i32
      %dma_wait3A_1337 = arith.constant 0 : i32
      %dma_wait3A_1338 = arith.constant 1 : i32
      %dma_wait3A_1339 = arith.constant 0 : i32
      %dma_wait3A_1340 = arith.constant 0 : i32
      %dma_wait3A_1341 = tpu.memref_slice %arg7[%dma_wait3A_1336, %dma_wait3A_1339, %dma_wait3A_1340] : memref<2x128x128xf32, #tpu.memory_space<vmem>> -> memref<1x128x128xf32, #tpu.memory_space<vmem>>
      %dma_wait3A_1342 = tpu.memref_squeeze %dma_wait3A_1341 : memref<1x128x128xf32, #tpu.memory_space<vmem>> -> memref<128x128xf32, #tpu.memory_space<vmem>>
      %dma_wait3A_1343 = arith.constant 0 : i32
      %dma_wait3A_1344 = arith.constant 0 : i32
      %dma_wait3A_1345 = tpu.memref_slice %arg6[%dma_wait3A_1337, %dma_wait3A_1343, %dma_wait3A_1344] : memref<8x2x128xi32, #tpu.memory_space<vmem>> -> memref<1x2x128xi32, #tpu.memory_space<vmem>>
      %dma_wait3A_1346 = tpu.memref_squeeze %dma_wait3A_1345 : memref<1x2x128xi32, #tpu.memory_space<vmem>> -> memref<2x128xi32, #tpu.memory_space<vmem>>
      %dma_wait3A_1347 = arith.constant 0 : i32
      %dma_wait3A_1348 = tpu.memref_slice %dma_wait3A_1346[%dma_wait3A_1338, %dma_wait3A_1347] : memref<2x128xi32, #tpu.memory_space<vmem>> -> memref<1x128xi32, #tpu.memory_space<vmem>>
      %dma_wait3A_1349 = tpu.memref_squeeze %dma_wait3A_1348 : memref<1x128xi32, #tpu.memory_space<vmem>> -> memref<128xi32, #tpu.memory_space<vmem>>
      %dma_wait3A_1350 = arith.constant 0 : i32
      %dma_wait3A_1351 = arith.constant 0 : i32
      %dma_wait3A_1352 = tpu.memref_slice %arg8[%dma_wait3A_1350, %dma_wait3A_1351] : memref<10112x128xf32, #tpu.memory_space<vmem_shared>> -> memref<10112x128xf32, #tpu.memory_space<vmem_shared>>
      tpu.wait_indirect_dma semaphore(%arg11 : memref<!tpu.dma_semaphore, #tpu.memory_space<semaphore_mem>>) src(%dma_wait3A_1342 : memref<128x128xf32, #tpu.memory_space<vmem>>) dst(%dma_wait3A_1352 : memref<10112x128xf32, #tpu.memory_space<vmem_shared>>)
      %add3A_1353 = arith.constant 8 : i32
      %add3A_1354 = arith.addi %add3A_1283, %add3A_1353 : i32
      %dma_start3A_1355 = arith.constant 4 : i32
      %dma_start3A_1356 = arith.constant 0 : i32
      %dma_start3A_1357 = arith.constant 0 : i32
      %dma_start3A_1358 = tpu.memref_slice %arg6[%dma_start3A_1355, %dma_start3A_1356, %dma_start3A_1357] : memref<8x2x128xi32, #tpu.memory_space<vmem>> -> memref<1x2x128xi32, #tpu.memory_space<vmem>>
      %dma_start3A_1359 = tpu.memref_squeeze %dma_start3A_1358 : memref<1x2x128xi32, #tpu.memory_space<vmem>> -> memref<2x128xi32, #tpu.memory_space<vmem>>
      %dma_start3A_1360 = arith.constant 0 : i32
      %dma_start3A_1361 = arith.constant 0 : i32
      %dma_start3A_1362 = tpu.memref_slice %arg3[%add3A, %add3A_1354, %dma_start3A_1360, %dma_start3A_1361] : memref<32x80x2x128xi32, #tpu.memory_space<hbm>> -> memref<1x1x2x128xi32, #tpu.memory_space<hbm>>
      %dma_start3A_1363 = tpu.memref_squeeze %dma_start3A_1362 : memref<1x1x2x128xi32, #tpu.memory_space<hbm>> -> memref<2x128xi32, #tpu.memory_space<hbm>>
      %dma_start3A_1364 = arith.constant 0 : i32
      %dma_start3A_1365 = arith.constant 0 : i32
      %dma_start3A_1366 = tpu.memref_slice %arg6[%dma_start3A_1355, %dma_start3A_1364, %dma_start3A_1365] : memref<8x2x128xi32, #tpu.memory_space<vmem>> -> memref<1x2x128xi32, #tpu.memory_space<vmem>>
      %dma_start3A_1367 = tpu.memref_squeeze %dma_start3A_1366 : memref<1x2x128xi32, #tpu.memory_space<vmem>> -> memref<2x128xi32, #tpu.memory_space<vmem>>
      %dma_start3A_1368 = arith.constant 0 : i32
      %dma_start3A_1369 = arith.constant 0 : i32
      %dma_start3A_1370 = tpu.memref_slice %arg3[%add3A, %add3A_1354, %dma_start3A_1368, %dma_start3A_1369] : memref<32x80x2x128xi32, #tpu.memory_space<hbm>> -> memref<1x1x2x128xi32, #tpu.memory_space<hbm>>
      %dma_start3A_1371 = tpu.memref_squeeze %dma_start3A_1370 : memref<1x1x2x128xi32, #tpu.memory_space<hbm>> -> memref<2x128xi32, #tpu.memory_space<hbm>>
      tpu.enqueue_dma source(%dma_start3A_1371 : memref<2x128xi32, #tpu.memory_space<hbm>>) target(%dma_start3A_1367 : memref<2x128xi32, #tpu.memory_space<vmem>>) target_semaphore(%arg17 : memref<!tpu.dma_semaphore, #tpu.memory_space<semaphore_mem>>)
      %dma_start3A_1372 = arith.constant 6 : i32
      %dma_start3A_1373 = arith.constant 0 : i32
      %dma_start3A_1374 = arith.constant 0 : i32
      %dma_start3A_1375 = arith.constant 0 : i32
      %dma_start3A_1376 = arith.constant 0 : i32
      %dma_start3A_1377 = tpu.memref_slice %arg7[%dma_start3A_1374, %dma_start3A_1375, %dma_start3A_1376] : memref<2x128x128xf32, #tpu.memory_space<vmem>> -> memref<1x128x128xf32, #tpu.memory_space<vmem>>
      %dma_start3A_1378 = tpu.memref_squeeze %dma_start3A_1377 : memref<1x128x128xf32, #tpu.memory_space<vmem>> -> memref<128x128xf32, #tpu.memory_space<vmem>>
      %dma_start3A_1379 = arith.constant 0 : i32
      %dma_start3A_1380 = arith.constant 0 : i32
      %dma_start3A_1381 = tpu.memref_slice %arg6[%dma_start3A_1372, %dma_start3A_1379, %dma_start3A_1380] : memref<8x2x128xi32, #tpu.memory_space<vmem>> -> memref<1x2x128xi32, #tpu.memory_space<vmem>>
      %dma_start3A_1382 = tpu.memref_squeeze %dma_start3A_1381 : memref<1x2x128xi32, #tpu.memory_space<vmem>> -> memref<2x128xi32, #tpu.memory_space<vmem>>
      %dma_start3A_1383 = arith.constant 0 : i32
      %dma_start3A_1384 = tpu.memref_slice %dma_start3A_1382[%dma_start3A_1373, %dma_start3A_1383] : memref<2x128xi32, #tpu.memory_space<vmem>> -> memref<1x128xi32, #tpu.memory_space<vmem>>
      %dma_start3A_1385 = tpu.memref_squeeze %dma_start3A_1384 : memref<1x128xi32, #tpu.memory_space<vmem>> -> memref<128xi32, #tpu.memory_space<vmem>>
      %dma_start3A_1386 = arith.constant 0 : i32
      %dma_start3A_1387 = arith.constant 0 : i32
      %dma_start3A_1388 = tpu.memref_slice %arg2[%dma_start3A_1386, %dma_start3A_1387] : memref<10000x128xf32, #tpu.memory_space<hbm>> -> memref<10000x128xf32, #tpu.memory_space<hbm>>
      tpu.enqueue_indirect_dma source(%dma_start3A_1388 : memref<10000x128xf32, #tpu.memory_space<hbm>>) target(%dma_start3A_1378 : memref<128x128xf32, #tpu.memory_space<vmem>>) offsets(%dma_start3A_1385 : memref<128xi32, #tpu.memory_space<vmem>>) semaphore(%arg9 : memref<!tpu.dma_semaphore, #tpu.memory_space<semaphore_mem>>)
      %mul3A_1389 = arith.constant 8 : i32
      %mul3A_1390 = arith.muli %scan3A_843, %mul3A_1389 : i32
      %add3A_1391 = arith.constant 5 : i32
      %add3A_1392 = arith.addi %mul3A_1390, %add3A_1391 : i32
      %dma_wait3A_1393 = arith.constant 0 : i32
      %dma_wait3A_1394 = arith.constant 0 : i32
      %dma_wait3A_1395 = arith.constant 1 : i32
      %dma_wait3A_1396 = arith.constant 0 : i32
      %dma_wait3A_1397 = arith.constant 0 : i32
      %dma_wait3A_1398 = tpu.memref_slice %arg7[%dma_wait3A_1395, %dma_wait3A_1396, %dma_wait3A_1397] : memref<2x128x128xf32, #tpu.memory_space<vmem>> -> memref<1x128x128xf32, #tpu.memory_space<vmem>>
      %dma_wait3A_1399 = tpu.memref_squeeze %dma_wait3A_1398 : memref<1x128x128xf32, #tpu.memory_space<vmem>> -> memref<128x128xf32, #tpu.memory_space<vmem>>
      %dma_wait3A_1400 = arith.constant 0 : i32
      %dma_wait3A_1401 = arith.constant 0 : i32
      %dma_wait3A_1402 = tpu.memref_slice %arg6[%dma_wait3A_1393, %dma_wait3A_1400, %dma_wait3A_1401] : memref<8x2x128xi32, #tpu.memory_space<vmem>> -> memref<1x2x128xi32, #tpu.memory_space<vmem>>
      %dma_wait3A_1403 = tpu.memref_squeeze %dma_wait3A_1402 : memref<1x2x128xi32, #tpu.memory_space<vmem>> -> memref<2x128xi32, #tpu.memory_space<vmem>>
      %dma_wait3A_1404 = arith.constant 0 : i32
      %dma_wait3A_1405 = tpu.memref_slice %dma_wait3A_1403[%dma_wait3A_1394, %dma_wait3A_1404] : memref<2x128xi32, #tpu.memory_space<vmem>> -> memref<1x128xi32, #tpu.memory_space<vmem>>
      %dma_wait3A_1406 = tpu.memref_squeeze %dma_wait3A_1405 : memref<1x128xi32, #tpu.memory_space<vmem>> -> memref<128xi32, #tpu.memory_space<vmem>>
      %dma_wait3A_1407 = arith.constant 0 : i32
      %dma_wait3A_1408 = arith.constant 0 : i32
      %dma_wait3A_1409 = tpu.memref_slice %arg2[%dma_wait3A_1407, %dma_wait3A_1408] : memref<10000x128xf32, #tpu.memory_space<hbm>> -> memref<10000x128xf32, #tpu.memory_space<hbm>>
      tpu.wait_indirect_dma semaphore(%arg10 : memref<!tpu.dma_semaphore, #tpu.memory_space<semaphore_mem>>) src(%dma_wait3A_1409 : memref<10000x128xf32, #tpu.memory_space<hbm>>) dst(%dma_wait3A_1399 : memref<128x128xf32, #tpu.memory_space<vmem>>)
      %dma_start3A_1410 = arith.constant 1 : i32
      %dma_start3A_1411 = arith.constant 5 : i32
      %dma_start3A_1412 = arith.constant 1 : i32
      %dma_start3A_1413 = arith.constant 0 : i32
      %dma_start3A_1414 = arith.constant 0 : i32
      %dma_start3A_1415 = tpu.memref_slice %arg7[%dma_start3A_1410, %dma_start3A_1413, %dma_start3A_1414] : memref<2x128x128xf32, #tpu.memory_space<vmem>> -> memref<1x128x128xf32, #tpu.memory_space<vmem>>
      %dma_start3A_1416 = tpu.memref_squeeze %dma_start3A_1415 : memref<1x128x128xf32, #tpu.memory_space<vmem>> -> memref<128x128xf32, #tpu.memory_space<vmem>>
      %dma_start3A_1417 = arith.constant 0 : i32
      %dma_start3A_1418 = arith.constant 0 : i32
      %dma_start3A_1419 = tpu.memref_slice %arg6[%dma_start3A_1411, %dma_start3A_1417, %dma_start3A_1418] : memref<8x2x128xi32, #tpu.memory_space<vmem>> -> memref<1x2x128xi32, #tpu.memory_space<vmem>>
      %dma_start3A_1420 = tpu.memref_squeeze %dma_start3A_1419 : memref<1x2x128xi32, #tpu.memory_space<vmem>> -> memref<2x128xi32, #tpu.memory_space<vmem>>
      %dma_start3A_1421 = arith.constant 0 : i32
      %dma_start3A_1422 = tpu.memref_slice %dma_start3A_1420[%dma_start3A_1412, %dma_start3A_1421] : memref<2x128xi32, #tpu.memory_space<vmem>> -> memref<1x128xi32, #tpu.memory_space<vmem>>
      %dma_start3A_1423 = tpu.memref_squeeze %dma_start3A_1422 : memref<1x128xi32, #tpu.memory_space<vmem>> -> memref<128xi32, #tpu.memory_space<vmem>>
      %dma_start3A_1424 = arith.constant 0 : i32
      %dma_start3A_1425 = arith.constant 0 : i32
      %dma_start3A_1426 = tpu.memref_slice %arg8[%dma_start3A_1424, %dma_start3A_1425] : memref<10112x128xf32, #tpu.memory_space<vmem_shared>> -> memref<10112x128xf32, #tpu.memory_space<vmem_shared>>
      tpu.enqueue_indirect_dma source(%dma_start3A_1416 : memref<128x128xf32, #tpu.memory_space<vmem>>) target(%dma_start3A_1426 : memref<10112x128xf32, #tpu.memory_space<vmem_shared>>) offsets(%dma_start3A_1423 : memref<128xi32, #tpu.memory_space<vmem>>) semaphore(%arg12 : memref<!tpu.dma_semaphore, #tpu.memory_space<semaphore_mem>>) {add = true}
      %dma_wait3A_1427 = arith.constant 0 : i32
      %dma_wait3A_1428 = arith.constant 7 : i32
      %dma_wait3A_1429 = arith.constant 0 : i32
      %dma_wait3A_1430 = arith.constant 0 : i32
      %dma_wait3A_1431 = tpu.memref_slice %arg6[%dma_wait3A_1428, %dma_wait3A_1429, %dma_wait3A_1430] : memref<8x2x128xi32, #tpu.memory_space<vmem>> -> memref<1x2x128xi32, #tpu.memory_space<vmem>>
      %dma_wait3A_1432 = tpu.memref_squeeze %dma_wait3A_1431 : memref<1x2x128xi32, #tpu.memory_space<vmem>> -> memref<2x128xi32, #tpu.memory_space<vmem>>
      %dma_wait3A_1433 = arith.constant 0 : i32
      %dma_wait3A_1434 = arith.constant 0 : i32
      %dma_wait3A_1435 = tpu.memref_slice %arg3[%add3A, %dma_wait3A_1427, %dma_wait3A_1433, %dma_wait3A_1434] : memref<32x80x2x128xi32, #tpu.memory_space<hbm>> -> memref<1x1x2x128xi32, #tpu.memory_space<hbm>>
      %dma_wait3A_1436 = tpu.memref_squeeze %dma_wait3A_1435 : memref<1x1x2x128xi32, #tpu.memory_space<hbm>> -> memref<2x128xi32, #tpu.memory_space<hbm>>
      %dma_wait3A_1437 = arith.constant 0 : i32
      %dma_wait3A_1438 = arith.constant 0 : i32
      %dma_wait3A_1439 = tpu.memref_slice %arg6[%dma_wait3A_1428, %dma_wait3A_1437, %dma_wait3A_1438] : memref<8x2x128xi32, #tpu.memory_space<vmem>> -> memref<1x2x128xi32, #tpu.memory_space<vmem>>
      %dma_wait3A_1440 = tpu.memref_squeeze %dma_wait3A_1439 : memref<1x2x128xi32, #tpu.memory_space<vmem>> -> memref<2x128xi32, #tpu.memory_space<vmem>>
      %dma_wait3A_1441 = arith.constant 0 : i32
      %dma_wait3A_1442 = arith.constant 0 : i32
      %dma_wait3A_1443 = tpu.memref_slice %arg3[%add3A, %dma_wait3A_1427, %dma_wait3A_1441, %dma_wait3A_1442] : memref<32x80x2x128xi32, #tpu.memory_space<hbm>> -> memref<1x1x2x128xi32, #tpu.memory_space<hbm>>
      %dma_wait3A_1444 = tpu.memref_squeeze %dma_wait3A_1443 : memref<1x1x2x128xi32, #tpu.memory_space<hbm>> -> memref<2x128xi32, #tpu.memory_space<hbm>>
      tpu.wait_dma2 semaphore(%arg20 : memref<!tpu.dma_semaphore, #tpu.memory_space<semaphore_mem>>) src(%dma_wait3A_1444 : memref<2x128xi32, #tpu.memory_space<hbm>>) dst(%dma_wait3A_1440 : memref<2x128xi32, #tpu.memory_space<vmem>>)
      %dma_wait3A_1445 = arith.constant 1 : i32
      %dma_wait3A_1446 = arith.constant 0 : i32
      %dma_wait3A_1447 = arith.constant 1 : i32
      %dma_wait3A_1448 = arith.constant 0 : i32
      %dma_wait3A_1449 = arith.constant 0 : i32
      %dma_wait3A_1450 = tpu.memref_slice %arg7[%dma_wait3A_1445, %dma_wait3A_1448, %dma_wait3A_1449] : memref<2x128x128xf32, #tpu.memory_space<vmem>> -> memref<1x128x128xf32, #tpu.memory_space<vmem>>
      %dma_wait3A_1451 = tpu.memref_squeeze %dma_wait3A_1450 : memref<1x128x128xf32, #tpu.memory_space<vmem>> -> memref<128x128xf32, #tpu.memory_space<vmem>>
      %dma_wait3A_1452 = arith.constant 0 : i32
      %dma_wait3A_1453 = arith.constant 0 : i32
      %dma_wait3A_1454 = tpu.memref_slice %arg6[%dma_wait3A_1446, %dma_wait3A_1452, %dma_wait3A_1453] : memref<8x2x128xi32, #tpu.memory_space<vmem>> -> memref<1x2x128xi32, #tpu.memory_space<vmem>>
      %dma_wait3A_1455 = tpu.memref_squeeze %dma_wait3A_1454 : memref<1x2x128xi32, #tpu.memory_space<vmem>> -> memref<2x128xi32, #tpu.memory_space<vmem>>
      %dma_wait3A_1456 = arith.constant 0 : i32
      %dma_wait3A_1457 = tpu.memref_slice %dma_wait3A_1455[%dma_wait3A_1447, %dma_wait3A_1456] : memref<2x128xi32, #tpu.memory_space<vmem>> -> memref<1x128xi32, #tpu.memory_space<vmem>>
      %dma_wait3A_1458 = tpu.memref_squeeze %dma_wait3A_1457 : memref<1x128xi32, #tpu.memory_space<vmem>> -> memref<128xi32, #tpu.memory_space<vmem>>
      %dma_wait3A_1459 = arith.constant 0 : i32
      %dma_wait3A_1460 = arith.constant 0 : i32
      %dma_wait3A_1461 = tpu.memref_slice %arg8[%dma_wait3A_1459, %dma_wait3A_1460] : memref<10112x128xf32, #tpu.memory_space<vmem_shared>> -> memref<10112x128xf32, #tpu.memory_space<vmem_shared>>
      tpu.wait_indirect_dma semaphore(%arg12 : memref<!tpu.dma_semaphore, #tpu.memory_space<semaphore_mem>>) src(%dma_wait3A_1451 : memref<128x128xf32, #tpu.memory_space<vmem>>) dst(%dma_wait3A_1461 : memref<10112x128xf32, #tpu.memory_space<vmem_shared>>)
      %add3A_1462 = arith.constant 8 : i32
      %add3A_1463 = arith.addi %add3A_1392, %add3A_1462 : i32
      %dma_start3A_1464 = arith.constant 5 : i32
      %dma_start3A_1465 = arith.constant 0 : i32
      %dma_start3A_1466 = arith.constant 0 : i32
      %dma_start3A_1467 = tpu.memref_slice %arg6[%dma_start3A_1464, %dma_start3A_1465, %dma_start3A_1466] : memref<8x2x128xi32, #tpu.memory_space<vmem>> -> memref<1x2x128xi32, #tpu.memory_space<vmem>>
      %dma_start3A_1468 = tpu.memref_squeeze %dma_start3A_1467 : memref<1x2x128xi32, #tpu.memory_space<vmem>> -> memref<2x128xi32, #tpu.memory_space<vmem>>
      %dma_start3A_1469 = arith.constant 0 : i32
      %dma_start3A_1470 = arith.constant 0 : i32
      %dma_start3A_1471 = tpu.memref_slice %arg3[%add3A, %add3A_1463, %dma_start3A_1469, %dma_start3A_1470] : memref<32x80x2x128xi32, #tpu.memory_space<hbm>> -> memref<1x1x2x128xi32, #tpu.memory_space<hbm>>
      %dma_start3A_1472 = tpu.memref_squeeze %dma_start3A_1471 : memref<1x1x2x128xi32, #tpu.memory_space<hbm>> -> memref<2x128xi32, #tpu.memory_space<hbm>>
      %dma_start3A_1473 = arith.constant 0 : i32
      %dma_start3A_1474 = arith.constant 0 : i32
      %dma_start3A_1475 = tpu.memref_slice %arg6[%dma_start3A_1464, %dma_start3A_1473, %dma_start3A_1474] : memref<8x2x128xi32, #tpu.memory_space<vmem>> -> memref<1x2x128xi32, #tpu.memory_space<vmem>>
      %dma_start3A_1476 = tpu.memref_squeeze %dma_start3A_1475 : memref<1x2x128xi32, #tpu.memory_space<vmem>> -> memref<2x128xi32, #tpu.memory_space<vmem>>
      %dma_start3A_1477 = arith.constant 0 : i32
      %dma_start3A_1478 = arith.constant 0 : i32
      %dma_start3A_1479 = tpu.memref_slice %arg3[%add3A, %add3A_1463, %dma_start3A_1477, %dma_start3A_1478] : memref<32x80x2x128xi32, #tpu.memory_space<hbm>> -> memref<1x1x2x128xi32, #tpu.memory_space<hbm>>
      %dma_start3A_1480 = tpu.memref_squeeze %dma_start3A_1479 : memref<1x1x2x128xi32, #tpu.memory_space<hbm>> -> memref<2x128xi32, #tpu.memory_space<hbm>>
      tpu.enqueue_dma source(%dma_start3A_1480 : memref<2x128xi32, #tpu.memory_space<hbm>>) target(%dma_start3A_1476 : memref<2x128xi32, #tpu.memory_space<vmem>>) target_semaphore(%arg18 : memref<!tpu.dma_semaphore, #tpu.memory_space<semaphore_mem>>)
      %dma_start3A_1481 = arith.constant 7 : i32
      %dma_start3A_1482 = arith.constant 0 : i32
      %dma_start3A_1483 = arith.constant 1 : i32
      %dma_start3A_1484 = arith.constant 0 : i32
      %dma_start3A_1485 = arith.constant 0 : i32
      %dma_start3A_1486 = tpu.memref_slice %arg7[%dma_start3A_1483, %dma_start3A_1484, %dma_start3A_1485] : memref<2x128x128xf32, #tpu.memory_space<vmem>> -> memref<1x128x128xf32, #tpu.memory_space<vmem>>
      %dma_start3A_1487 = tpu.memref_squeeze %dma_start3A_1486 : memref<1x128x128xf32, #tpu.memory_space<vmem>> -> memref<128x128xf32, #tpu.memory_space<vmem>>
      %dma_start3A_1488 = arith.constant 0 : i32
      %dma_start3A_1489 = arith.constant 0 : i32
      %dma_start3A_1490 = tpu.memref_slice %arg6[%dma_start3A_1481, %dma_start3A_1488, %dma_start3A_1489] : memref<8x2x128xi32, #tpu.memory_space<vmem>> -> memref<1x2x128xi32, #tpu.memory_space<vmem>>
      %dma_start3A_1491 = tpu.memref_squeeze %dma_start3A_1490 : memref<1x2x128xi32, #tpu.memory_space<vmem>> -> memref<2x128xi32, #tpu.memory_space<vmem>>
      %dma_start3A_1492 = arith.constant 0 : i32
      %dma_start3A_1493 = tpu.memref_slice %dma_start3A_1491[%dma_start3A_1482, %dma_start3A_1492] : memref<2x128xi32, #tpu.memory_space<vmem>> -> memref<1x128xi32, #tpu.memory_space<vmem>>
      %dma_start3A_1494 = tpu.memref_squeeze %dma_start3A_1493 : memref<1x128xi32, #tpu.memory_space<vmem>> -> memref<128xi32, #tpu.memory_space<vmem>>
      %dma_start3A_1495 = arith.constant 0 : i32
      %dma_start3A_1496 = arith.constant 0 : i32
      %dma_start3A_1497 = tpu.memref_slice %arg2[%dma_start3A_1495, %dma_start3A_1496] : memref<10000x128xf32, #tpu.memory_space<hbm>> -> memref<10000x128xf32, #tpu.memory_space<hbm>>
      tpu.enqueue_indirect_dma source(%dma_start3A_1497 : memref<10000x128xf32, #tpu.memory_space<hbm>>) target(%dma_start3A_1487 : memref<128x128xf32, #tpu.memory_space<vmem>>) offsets(%dma_start3A_1494 : memref<128xi32, #tpu.memory_space<vmem>>) semaphore(%arg10 : memref<!tpu.dma_semaphore, #tpu.memory_space<semaphore_mem>>)
      %mul3A_1498 = arith.constant 8 : i32
      %mul3A_1499 = arith.muli %scan3A_843, %mul3A_1498 : i32
      %add3A_1500 = arith.constant 6 : i32
      %add3A_1501 = arith.addi %mul3A_1499, %add3A_1500 : i32
      %dma_wait3A_1502 = arith.constant 0 : i32
      %dma_wait3A_1503 = arith.constant 0 : i32
      %dma_wait3A_1504 = arith.constant 0 : i32
      %dma_wait3A_1505 = arith.constant 0 : i32
      %dma_wait3A_1506 = arith.constant 0 : i32
      %dma_wait3A_1507 = tpu.memref_slice %arg7[%dma_wait3A_1504, %dma_wait3A_1505, %dma_wait3A_1506] : memref<2x128x128xf32, #tpu.memory_space<vmem>> -> memref<1x128x128xf32, #tpu.memory_space<vmem>>
      %dma_wait3A_1508 = tpu.memref_squeeze %dma_wait3A_1507 : memref<1x128x128xf32, #tpu.memory_space<vmem>> -> memref<128x128xf32, #tpu.memory_space<vmem>>
      %dma_wait3A_1509 = arith.constant 0 : i32
      %dma_wait3A_1510 = arith.constant 0 : i32
      %dma_wait3A_1511 = tpu.memref_slice %arg6[%dma_wait3A_1502, %dma_wait3A_1509, %dma_wait3A_1510] : memref<8x2x128xi32, #tpu.memory_space<vmem>> -> memref<1x2x128xi32, #tpu.memory_space<vmem>>
      %dma_wait3A_1512 = tpu.memref_squeeze %dma_wait3A_1511 : memref<1x2x128xi32, #tpu.memory_space<vmem>> -> memref<2x128xi32, #tpu.memory_space<vmem>>
      %dma_wait3A_1513 = arith.constant 0 : i32
      %dma_wait3A_1514 = tpu.memref_slice %dma_wait3A_1512[%dma_wait3A_1503, %dma_wait3A_1513] : memref<2x128xi32, #tpu.memory_space<vmem>> -> memref<1x128xi32, #tpu.memory_space<vmem>>
      %dma_wait3A_1515 = tpu.memref_squeeze %dma_wait3A_1514 : memref<1x128xi32, #tpu.memory_space<vmem>> -> memref<128xi32, #tpu.memory_space<vmem>>
      %dma_wait3A_1516 = arith.constant 0 : i32
      %dma_wait3A_1517 = arith.constant 0 : i32
      %dma_wait3A_1518 = tpu.memref_slice %arg2[%dma_wait3A_1516, %dma_wait3A_1517] : memref<10000x128xf32, #tpu.memory_space<hbm>> -> memref<10000x128xf32, #tpu.memory_space<hbm>>
      tpu.wait_indirect_dma semaphore(%arg9 : memref<!tpu.dma_semaphore, #tpu.memory_space<semaphore_mem>>) src(%dma_wait3A_1518 : memref<10000x128xf32, #tpu.memory_space<hbm>>) dst(%dma_wait3A_1508 : memref<128x128xf32, #tpu.memory_space<vmem>>)
      %dma_start3A_1519 = arith.constant 0 : i32
      %dma_start3A_1520 = arith.constant 6 : i32
      %dma_start3A_1521 = arith.constant 1 : i32
      %dma_start3A_1522 = arith.constant 0 : i32
      %dma_start3A_1523 = arith.constant 0 : i32
      %dma_start3A_1524 = tpu.memref_slice %arg7[%dma_start3A_1519, %dma_start3A_1522, %dma_start3A_1523] : memref<2x128x128xf32, #tpu.memory_space<vmem>> -> memref<1x128x128xf32, #tpu.memory_space<vmem>>
      %dma_start3A_1525 = tpu.memref_squeeze %dma_start3A_1524 : memref<1x128x128xf32, #tpu.memory_space<vmem>> -> memref<128x128xf32, #tpu.memory_space<vmem>>
      %dma_start3A_1526 = arith.constant 0 : i32
      %dma_start3A_1527 = arith.constant 0 : i32
      %dma_start3A_1528 = tpu.memref_slice %arg6[%dma_start3A_1520, %dma_start3A_1526, %dma_start3A_1527] : memref<8x2x128xi32, #tpu.memory_space<vmem>> -> memref<1x2x128xi32, #tpu.memory_space<vmem>>
      %dma_start3A_1529 = tpu.memref_squeeze %dma_start3A_1528 : memref<1x2x128xi32, #tpu.memory_space<vmem>> -> memref<2x128xi32, #tpu.memory_space<vmem>>
      %dma_start3A_1530 = arith.constant 0 : i32
      %dma_start3A_1531 = tpu.memref_slice %dma_start3A_1529[%dma_start3A_1521, %dma_start3A_1530] : memref<2x128xi32, #tpu.memory_space<vmem>> -> memref<1x128xi32, #tpu.memory_space<vmem>>
      %dma_start3A_1532 = tpu.memref_squeeze %dma_start3A_1531 : memref<1x128xi32, #tpu.memory_space<vmem>> -> memref<128xi32, #tpu.memory_space<vmem>>
      %dma_start3A_1533 = arith.constant 0 : i32
      %dma_start3A_1534 = arith.constant 0 : i32
      %dma_start3A_1535 = tpu.memref_slice %arg8[%dma_start3A_1533, %dma_start3A_1534] : memref<10112x128xf32, #tpu.memory_space<vmem_shared>> -> memref<10112x128xf32, #tpu.memory_space<vmem_shared>>
      tpu.enqueue_indirect_dma source(%dma_start3A_1525 : memref<128x128xf32, #tpu.memory_space<vmem>>) target(%dma_start3A_1535 : memref<10112x128xf32, #tpu.memory_space<vmem_shared>>) offsets(%dma_start3A_1532 : memref<128xi32, #tpu.memory_space<vmem>>) semaphore(%arg11 : memref<!tpu.dma_semaphore, #tpu.memory_space<semaphore_mem>>) {add = true}
      %dma_wait3A_1536 = arith.constant 0 : i32
      %dma_wait3A_1537 = arith.constant 0 : i32
      %dma_wait3A_1538 = arith.constant 0 : i32
      %dma_wait3A_1539 = arith.constant 0 : i32
      %dma_wait3A_1540 = tpu.memref_slice %arg6[%dma_wait3A_1537, %dma_wait3A_1538, %dma_wait3A_1539] : memref<8x2x128xi32, #tpu.memory_space<vmem>> -> memref<1x2x128xi32, #tpu.memory_space<vmem>>
      %dma_wait3A_1541 = tpu.memref_squeeze %dma_wait3A_1540 : memref<1x2x128xi32, #tpu.memory_space<vmem>> -> memref<2x128xi32, #tpu.memory_space<vmem>>
      %dma_wait3A_1542 = arith.constant 0 : i32
      %dma_wait3A_1543 = arith.constant 0 : i32
      %dma_wait3A_1544 = tpu.memref_slice %arg3[%add3A, %dma_wait3A_1536, %dma_wait3A_1542, %dma_wait3A_1543] : memref<32x80x2x128xi32, #tpu.memory_space<hbm>> -> memref<1x1x2x128xi32, #tpu.memory_space<hbm>>
      %dma_wait3A_1545 = tpu.memref_squeeze %dma_wait3A_1544 : memref<1x1x2x128xi32, #tpu.memory_space<hbm>> -> memref<2x128xi32, #tpu.memory_space<hbm>>
      %dma_wait3A_1546 = arith.constant 0 : i32
      %dma_wait3A_1547 = arith.constant 0 : i32
      %dma_wait3A_1548 = tpu.memref_slice %arg6[%dma_wait3A_1537, %dma_wait3A_1546, %dma_wait3A_1547] : memref<8x2x128xi32, #tpu.memory_space<vmem>> -> memref<1x2x128xi32, #tpu.memory_space<vmem>>
      %dma_wait3A_1549 = tpu.memref_squeeze %dma_wait3A_1548 : memref<1x2x128xi32, #tpu.memory_space<vmem>> -> memref<2x128xi32, #tpu.memory_space<vmem>>
      %dma_wait3A_1550 = arith.constant 0 : i32
      %dma_wait3A_1551 = arith.constant 0 : i32
      %dma_wait3A_1552 = tpu.memref_slice %arg3[%add3A, %dma_wait3A_1536, %dma_wait3A_1550, %dma_wait3A_1551] : memref<32x80x2x128xi32, #tpu.memory_space<hbm>> -> memref<1x1x2x128xi32, #tpu.memory_space<hbm>>
      %dma_wait3A_1553 = tpu.memref_squeeze %dma_wait3A_1552 : memref<1x1x2x128xi32, #tpu.memory_space<hbm>> -> memref<2x128xi32, #tpu.memory_space<hbm>>
      tpu.wait_dma2 semaphore(%arg13 : memref<!tpu.dma_semaphore, #tpu.memory_space<semaphore_mem>>) src(%dma_wait3A_1553 : memref<2x128xi32, #tpu.memory_space<hbm>>) dst(%dma_wait3A_1549 : memref<2x128xi32, #tpu.memory_space<vmem>>)
      %dma_wait3A_1554 = arith.constant 0 : i32
      %dma_wait3A_1555 = arith.constant 0 : i32
      %dma_wait3A_1556 = arith.constant 1 : i32
      %dma_wait3A_1557 = arith.constant 0 : i32
      %dma_wait3A_1558 = arith.constant 0 : i32
      %dma_wait3A_1559 = tpu.memref_slice %arg7[%dma_wait3A_1554, %dma_wait3A_1557, %dma_wait3A_1558] : memref<2x128x128xf32, #tpu.memory_space<vmem>> -> memref<1x128x128xf32, #tpu.memory_space<vmem>>
      %dma_wait3A_1560 = tpu.memref_squeeze %dma_wait3A_1559 : memref<1x128x128xf32, #tpu.memory_space<vmem>> -> memref<128x128xf32, #tpu.memory_space<vmem>>
      %dma_wait3A_1561 = arith.constant 0 : i32
      %dma_wait3A_1562 = arith.constant 0 : i32
      %dma_wait3A_1563 = tpu.memref_slice %arg6[%dma_wait3A_1555, %dma_wait3A_1561, %dma_wait3A_1562] : memref<8x2x128xi32, #tpu.memory_space<vmem>> -> memref<1x2x128xi32, #tpu.memory_space<vmem>>
      %dma_wait3A_1564 = tpu.memref_squeeze %dma_wait3A_1563 : memref<1x2x128xi32, #tpu.memory_space<vmem>> -> memref<2x128xi32, #tpu.memory_space<vmem>>
      %dma_wait3A_1565 = arith.constant 0 : i32
      %dma_wait3A_1566 = tpu.memref_slice %dma_wait3A_1564[%dma_wait3A_1556, %dma_wait3A_1565] : memref<2x128xi32, #tpu.memory_space<vmem>> -> memref<1x128xi32, #tpu.memory_space<vmem>>
      %dma_wait3A_1567 = tpu.memref_squeeze %dma_wait3A_1566 : memref<1x128xi32, #tpu.memory_space<vmem>> -> memref<128xi32, #tpu.memory_space<vmem>>
      %dma_wait3A_1568 = arith.constant 0 : i32
      %dma_wait3A_1569 = arith.constant 0 : i32
      %dma_wait3A_1570 = tpu.memref_slice %arg8[%dma_wait3A_1568, %dma_wait3A_1569] : memref<10112x128xf32, #tpu.memory_space<vmem_shared>> -> memref<10112x128xf32, #tpu.memory_space<vmem_shared>>
      tpu.wait_indirect_dma semaphore(%arg11 : memref<!tpu.dma_semaphore, #tpu.memory_space<semaphore_mem>>) src(%dma_wait3A_1560 : memref<128x128xf32, #tpu.memory_space<vmem>>) dst(%dma_wait3A_1570 : memref<10112x128xf32, #tpu.memory_space<vmem_shared>>)
      %add3A_1571 = arith.constant 8 : i32
      %add3A_1572 = arith.addi %add3A_1501, %add3A_1571 : i32
      %dma_start3A_1573 = arith.constant 6 : i32
      %dma_start3A_1574 = arith.constant 0 : i32
      %dma_start3A_1575 = arith.constant 0 : i32
      %dma_start3A_1576 = tpu.memref_slice %arg6[%dma_start3A_1573, %dma_start3A_1574, %dma_start3A_1575] : memref<8x2x128xi32, #tpu.memory_space<vmem>> -> memref<1x2x128xi32, #tpu.memory_space<vmem>>
      %dma_start3A_1577 = tpu.memref_squeeze %dma_start3A_1576 : memref<1x2x128xi32, #tpu.memory_space<vmem>> -> memref<2x128xi32, #tpu.memory_space<vmem>>
      %dma_start3A_1578 = arith.constant 0 : i32
      %dma_start3A_1579 = arith.constant 0 : i32
      %dma_start3A_1580 = tpu.memref_slice %arg3[%add3A, %add3A_1572, %dma_start3A_1578, %dma_start3A_1579] : memref<32x80x2x128xi32, #tpu.memory_space<hbm>> -> memref<1x1x2x128xi32, #tpu.memory_space<hbm>>
      %dma_start3A_1581 = tpu.memref_squeeze %dma_start3A_1580 : memref<1x1x2x128xi32, #tpu.memory_space<hbm>> -> memref<2x128xi32, #tpu.memory_space<hbm>>
      %dma_start3A_1582 = arith.constant 0 : i32
      %dma_start3A_1583 = arith.constant 0 : i32
      %dma_start3A_1584 = tpu.memref_slice %arg6[%dma_start3A_1573, %dma_start3A_1582, %dma_start3A_1583] : memref<8x2x128xi32, #tpu.memory_space<vmem>> -> memref<1x2x128xi32, #tpu.memory_space<vmem>>
      %dma_start3A_1585 = tpu.memref_squeeze %dma_start3A_1584 : memref<1x2x128xi32, #tpu.memory_space<vmem>> -> memref<2x128xi32, #tpu.memory_space<vmem>>
      %dma_start3A_1586 = arith.constant 0 : i32
      %dma_start3A_1587 = arith.constant 0 : i32
      %dma_start3A_1588 = tpu.memref_slice %arg3[%add3A, %add3A_1572, %dma_start3A_1586, %dma_start3A_1587] : memref<32x80x2x128xi32, #tpu.memory_space<hbm>> -> memref<1x1x2x128xi32, #tpu.memory_space<hbm>>
      %dma_start3A_1589 = tpu.memref_squeeze %dma_start3A_1588 : memref<1x1x2x128xi32, #tpu.memory_space<hbm>> -> memref<2x128xi32, #tpu.memory_space<hbm>>
      tpu.enqueue_dma source(%dma_start3A_1589 : memref<2x128xi32, #tpu.memory_space<hbm>>) target(%dma_start3A_1585 : memref<2x128xi32, #tpu.memory_space<vmem>>) target_semaphore(%arg19 : memref<!tpu.dma_semaphore, #tpu.memory_space<semaphore_mem>>)
      %dma_start3A_1590 = arith.constant 0 : i32
      %dma_start3A_1591 = arith.constant 0 : i32
      %dma_start3A_1592 = arith.constant 0 : i32
      %dma_start3A_1593 = arith.constant 0 : i32
      %dma_start3A_1594 = arith.constant 0 : i32
      %dma_start3A_1595 = tpu.memref_slice %arg7[%dma_start3A_1592, %dma_start3A_1593, %dma_start3A_1594] : memref<2x128x128xf32, #tpu.memory_space<vmem>> -> memref<1x128x128xf32, #tpu.memory_space<vmem>>
      %dma_start3A_1596 = tpu.memref_squeeze %dma_start3A_1595 : memref<1x128x128xf32, #tpu.memory_space<vmem>> -> memref<128x128xf32, #tpu.memory_space<vmem>>
      %dma_start3A_1597 = arith.constant 0 : i32
      %dma_start3A_1598 = arith.constant 0 : i32
      %dma_start3A_1599 = tpu.memref_slice %arg6[%dma_start3A_1590, %dma_start3A_1597, %dma_start3A_1598] : memref<8x2x128xi32, #tpu.memory_space<vmem>> -> memref<1x2x128xi32, #tpu.memory_space<vmem>>
      %dma_start3A_1600 = tpu.memref_squeeze %dma_start3A_1599 : memref<1x2x128xi32, #tpu.memory_space<vmem>> -> memref<2x128xi32, #tpu.memory_space<vmem>>
      %dma_start3A_1601 = arith.constant 0 : i32
      %dma_start3A_1602 = tpu.memref_slice %dma_start3A_1600[%dma_start3A_1591, %dma_start3A_1601] : memref<2x128xi32, #tpu.memory_space<vmem>> -> memref<1x128xi32, #tpu.memory_space<vmem>>
      %dma_start3A_1603 = tpu.memref_squeeze %dma_start3A_1602 : memref<1x128xi32, #tpu.memory_space<vmem>> -> memref<128xi32, #tpu.memory_space<vmem>>
      %dma_start3A_1604 = arith.constant 0 : i32
      %dma_start3A_1605 = arith.constant 0 : i32
      %dma_start3A_1606 = tpu.memref_slice %arg2[%dma_start3A_1604, %dma_start3A_1605] : memref<10000x128xf32, #tpu.memory_space<hbm>> -> memref<10000x128xf32, #tpu.memory_space<hbm>>
      tpu.enqueue_indirect_dma source(%dma_start3A_1606 : memref<10000x128xf32, #tpu.memory_space<hbm>>) target(%dma_start3A_1596 : memref<128x128xf32, #tpu.memory_space<vmem>>) offsets(%dma_start3A_1603 : memref<128xi32, #tpu.memory_space<vmem>>) semaphore(%arg9 : memref<!tpu.dma_semaphore, #tpu.memory_space<semaphore_mem>>)
      %mul3A_1607 = arith.constant 8 : i32
      %mul3A_1608 = arith.muli %scan3A_843, %mul3A_1607 : i32
      %add3A_1609 = arith.constant 7 : i32
      %add3A_1610 = arith.addi %mul3A_1608, %add3A_1609 : i32
      %dma_wait3A_1611 = arith.constant 0 : i32
      %dma_wait3A_1612 = arith.constant 0 : i32
      %dma_wait3A_1613 = arith.constant 1 : i32
      %dma_wait3A_1614 = arith.constant 0 : i32
      %dma_wait3A_1615 = arith.constant 0 : i32
      %dma_wait3A_1616 = tpu.memref_slice %arg7[%dma_wait3A_1613, %dma_wait3A_1614, %dma_wait3A_1615] : memref<2x128x128xf32, #tpu.memory_space<vmem>> -> memref<1x128x128xf32, #tpu.memory_space<vmem>>
      %dma_wait3A_1617 = tpu.memref_squeeze %dma_wait3A_1616 : memref<1x128x128xf32, #tpu.memory_space<vmem>> -> memref<128x128xf32, #tpu.memory_space<vmem>>
      %dma_wait3A_1618 = arith.constant 0 : i32
      %dma_wait3A_1619 = arith.constant 0 : i32
      %dma_wait3A_1620 = tpu.memref_slice %arg6[%dma_wait3A_1611, %dma_wait3A_1618, %dma_wait3A_1619] : memref<8x2x128xi32, #tpu.memory_space<vmem>> -> memref<1x2x128xi32, #tpu.memory_space<vmem>>
      %dma_wait3A_1621 = tpu.memref_squeeze %dma_wait3A_1620 : memref<1x2x128xi32, #tpu.memory_space<vmem>> -> memref<2x128xi32, #tpu.memory_space<vmem>>
      %dma_wait3A_1622 = arith.constant 0 : i32
      %dma_wait3A_1623 = tpu.memref_slice %dma_wait3A_1621[%dma_wait3A_1612, %dma_wait3A_1622] : memref<2x128xi32, #tpu.memory_space<vmem>> -> memref<1x128xi32, #tpu.memory_space<vmem>>
      %dma_wait3A_1624 = tpu.memref_squeeze %dma_wait3A_1623 : memref<1x128xi32, #tpu.memory_space<vmem>> -> memref<128xi32, #tpu.memory_space<vmem>>
      %dma_wait3A_1625 = arith.constant 0 : i32
      %dma_wait3A_1626 = arith.constant 0 : i32
      %dma_wait3A_1627 = tpu.memref_slice %arg2[%dma_wait3A_1625, %dma_wait3A_1626] : memref<10000x128xf32, #tpu.memory_space<hbm>> -> memref<10000x128xf32, #tpu.memory_space<hbm>>
      tpu.wait_indirect_dma semaphore(%arg10 : memref<!tpu.dma_semaphore, #tpu.memory_space<semaphore_mem>>) src(%dma_wait3A_1627 : memref<10000x128xf32, #tpu.memory_space<hbm>>) dst(%dma_wait3A_1617 : memref<128x128xf32, #tpu.memory_space<vmem>>)
      %dma_start3A_1628 = arith.constant 1 : i32
      %dma_start3A_1629 = arith.constant 7 : i32
      %dma_start3A_1630 = arith.constant 1 : i32
      %dma_start3A_1631 = arith.constant 0 : i32
      %dma_start3A_1632 = arith.constant 0 : i32
      %dma_start3A_1633 = tpu.memref_slice %arg7[%dma_start3A_1628, %dma_start3A_1631, %dma_start3A_1632] : memref<2x128x128xf32, #tpu.memory_space<vmem>> -> memref<1x128x128xf32, #tpu.memory_space<vmem>>
      %dma_start3A_1634 = tpu.memref_squeeze %dma_start3A_1633 : memref<1x128x128xf32, #tpu.memory_space<vmem>> -> memref<128x128xf32, #tpu.memory_space<vmem>>
      %dma_start3A_1635 = arith.constant 0 : i32
      %dma_start3A_1636 = arith.constant 0 : i32
      %dma_start3A_1637 = tpu.memref_slice %arg6[%dma_start3A_1629, %dma_start3A_1635, %dma_start3A_1636] : memref<8x2x128xi32, #tpu.memory_space<vmem>> -> memref<1x2x128xi32, #tpu.memory_space<vmem>>
      %dma_start3A_1638 = tpu.memref_squeeze %dma_start3A_1637 : memref<1x2x128xi32, #tpu.memory_space<vmem>> -> memref<2x128xi32, #tpu.memory_space<vmem>>
      %dma_start3A_1639 = arith.constant 0 : i32
      %dma_start3A_1640 = tpu.memref_slice %dma_start3A_1638[%dma_start3A_1630, %dma_start3A_1639] : memref<2x128xi32, #tpu.memory_space<vmem>> -> memref<1x128xi32, #tpu.memory_space<vmem>>
      %dma_start3A_1641 = tpu.memref_squeeze %dma_start3A_1640 : memref<1x128xi32, #tpu.memory_space<vmem>> -> memref<128xi32, #tpu.memory_space<vmem>>
      %dma_start3A_1642 = arith.constant 0 : i32
      %dma_start3A_1643 = arith.constant 0 : i32
      %dma_start3A_1644 = tpu.memref_slice %arg8[%dma_start3A_1642, %dma_start3A_1643] : memref<10112x128xf32, #tpu.memory_space<vmem_shared>> -> memref<10112x128xf32, #tpu.memory_space<vmem_shared>>
      tpu.enqueue_indirect_dma source(%dma_start3A_1634 : memref<128x128xf32, #tpu.memory_space<vmem>>) target(%dma_start3A_1644 : memref<10112x128xf32, #tpu.memory_space<vmem_shared>>) offsets(%dma_start3A_1641 : memref<128xi32, #tpu.memory_space<vmem>>) semaphore(%arg12 : memref<!tpu.dma_semaphore, #tpu.memory_space<semaphore_mem>>) {add = true}
      %dma_wait3A_1645 = arith.constant 0 : i32
      %dma_wait3A_1646 = arith.constant 1 : i32
      %dma_wait3A_1647 = arith.constant 0 : i32
      %dma_wait3A_1648 = arith.constant 0 : i32
      %dma_wait3A_1649 = tpu.memref_slice %arg6[%dma_wait3A_1646, %dma_wait3A_1647, %dma_wait3A_1648] : memref<8x2x128xi32, #tpu.memory_space<vmem>> -> memref<1x2x128xi32, #tpu.memory_space<vmem>>
      %dma_wait3A_1650 = tpu.memref_squeeze %dma_wait3A_1649 : memref<1x2x128xi32, #tpu.memory_space<vmem>> -> memref<2x128xi32, #tpu.memory_space<vmem>>
      %dma_wait3A_1651 = arith.constant 0 : i32
      %dma_wait3A_1652 = arith.constant 0 : i32
      %dma_wait3A_1653 = tpu.memref_slice %arg3[%add3A, %dma_wait3A_1645, %dma_wait3A_1651, %dma_wait3A_1652] : memref<32x80x2x128xi32, #tpu.memory_space<hbm>> -> memref<1x1x2x128xi32, #tpu.memory_space<hbm>>
      %dma_wait3A_1654 = tpu.memref_squeeze %dma_wait3A_1653 : memref<1x1x2x128xi32, #tpu.memory_space<hbm>> -> memref<2x128xi32, #tpu.memory_space<hbm>>
      %dma_wait3A_1655 = arith.constant 0 : i32
      %dma_wait3A_1656 = arith.constant 0 : i32
      %dma_wait3A_1657 = tpu.memref_slice %arg6[%dma_wait3A_1646, %dma_wait3A_1655, %dma_wait3A_1656] : memref<8x2x128xi32, #tpu.memory_space<vmem>> -> memref<1x2x128xi32, #tpu.memory_space<vmem>>
      %dma_wait3A_1658 = tpu.memref_squeeze %dma_wait3A_1657 : memref<1x2x128xi32, #tpu.memory_space<vmem>> -> memref<2x128xi32, #tpu.memory_space<vmem>>
      %dma_wait3A_1659 = arith.constant 0 : i32
      %dma_wait3A_1660 = arith.constant 0 : i32
      %dma_wait3A_1661 = tpu.memref_slice %arg3[%add3A, %dma_wait3A_1645, %dma_wait3A_1659, %dma_wait3A_1660] : memref<32x80x2x128xi32, #tpu.memory_space<hbm>> -> memref<1x1x2x128xi32, #tpu.memory_space<hbm>>
      %dma_wait3A_1662 = tpu.memref_squeeze %dma_wait3A_1661 : memref<1x1x2x128xi32, #tpu.memory_space<hbm>> -> memref<2x128xi32, #tpu.memory_space<hbm>>
      tpu.wait_dma2 semaphore(%arg14 : memref<!tpu.dma_semaphore, #tpu.memory_space<semaphore_mem>>) src(%dma_wait3A_1662 : memref<2x128xi32, #tpu.memory_space<hbm>>) dst(%dma_wait3A_1658 : memref<2x128xi32, #tpu.memory_space<vmem>>)
      %dma_wait3A_1663 = arith.constant 1 : i32
      %dma_wait3A_1664 = arith.constant 0 : i32
      %dma_wait3A_1665 = arith.constant 1 : i32
      %dma_wait3A_1666 = arith.constant 0 : i32
      %dma_wait3A_1667 = arith.constant 0 : i32
      %dma_wait3A_1668 = tpu.memref_slice %arg7[%dma_wait3A_1663, %dma_wait3A_1666, %dma_wait3A_1667] : memref<2x128x128xf32, #tpu.memory_space<vmem>> -> memref<1x128x128xf32, #tpu.memory_space<vmem>>
      %dma_wait3A_1669 = tpu.memref_squeeze %dma_wait3A_1668 : memref<1x128x128xf32, #tpu.memory_space<vmem>> -> memref<128x128xf32, #tpu.memory_space<vmem>>
      %dma_wait3A_1670 = arith.constant 0 : i32
      %dma_wait3A_1671 = arith.constant 0 : i32
      %dma_wait3A_1672 = tpu.memref_slice %arg6[%dma_wait3A_1664, %dma_wait3A_1670, %dma_wait3A_1671] : memref<8x2x128xi32, #tpu.memory_space<vmem>> -> memref<1x2x128xi32, #tpu.memory_space<vmem>>
      %dma_wait3A_1673 = tpu.memref_squeeze %dma_wait3A_1672 : memref<1x2x128xi32, #tpu.memory_space<vmem>> -> memref<2x128xi32, #tpu.memory_space<vmem>>
      %dma_wait3A_1674 = arith.constant 0 : i32
      %dma_wait3A_1675 = tpu.memref_slice %dma_wait3A_1673[%dma_wait3A_1665, %dma_wait3A_1674] : memref<2x128xi32, #tpu.memory_space<vmem>> -> memref<1x128xi32, #tpu.memory_space<vmem>>
      %dma_wait3A_1676 = tpu.memref_squeeze %dma_wait3A_1675 : memref<1x128xi32, #tpu.memory_space<vmem>> -> memref<128xi32, #tpu.memory_space<vmem>>
      %dma_wait3A_1677 = arith.constant 0 : i32
      %dma_wait3A_1678 = arith.constant 0 : i32
      %dma_wait3A_1679 = tpu.memref_slice %arg8[%dma_wait3A_1677, %dma_wait3A_1678] : memref<10112x128xf32, #tpu.memory_space<vmem_shared>> -> memref<10112x128xf32, #tpu.memory_space<vmem_shared>>
      tpu.wait_indirect_dma semaphore(%arg12 : memref<!tpu.dma_semaphore, #tpu.memory_space<semaphore_mem>>) src(%dma_wait3A_1669 : memref<128x128xf32, #tpu.memory_space<vmem>>) dst(%dma_wait3A_1679 : memref<10112x128xf32, #tpu.memory_space<vmem_shared>>)
      %add3A_1680 = arith.constant 8 : i32
      %add3A_1681 = arith.addi %add3A_1610, %add3A_1680 : i32
      %dma_start3A_1682 = arith.constant 7 : i32
      %dma_start3A_1683 = arith.constant 0 : i32
      %dma_start3A_1684 = arith.constant 0 : i32
      %dma_start3A_1685 = tpu.memref_slice %arg6[%dma_start3A_1682, %dma_start3A_1683, %dma_start3A_1684] : memref<8x2x128xi32, #tpu.memory_space<vmem>> -> memref<1x2x128xi32, #tpu.memory_space<vmem>>
      %dma_start3A_1686 = tpu.memref_squeeze %dma_start3A_1685 : memref<1x2x128xi32, #tpu.memory_space<vmem>> -> memref<2x128xi32, #tpu.memory_space<vmem>>
      %dma_start3A_1687 = arith.constant 0 : i32
      %dma_start3A_1688 = arith.constant 0 : i32
      %dma_start3A_1689 = tpu.memref_slice %arg3[%add3A, %add3A_1681, %dma_start3A_1687, %dma_start3A_1688] : memref<32x80x2x128xi32, #tpu.memory_space<hbm>> -> memref<1x1x2x128xi32, #tpu.memory_space<hbm>>
      %dma_start3A_1690 = tpu.memref_squeeze %dma_start3A_1689 : memref<1x1x2x128xi32, #tpu.memory_space<hbm>> -> memref<2x128xi32, #tpu.memory_space<hbm>>
      %dma_start3A_1691 = arith.constant 0 : i32
      %dma_start3A_1692 = arith.constant 0 : i32
      %dma_start3A_1693 = tpu.memref_slice %arg6[%dma_start3A_1682, %dma_start3A_1691, %dma_start3A_1692] : memref<8x2x128xi32, #tpu.memory_space<vmem>> -> memref<1x2x128xi32, #tpu.memory_space<vmem>>
      %dma_start3A_1694 = tpu.memref_squeeze %dma_start3A_1693 : memref<1x2x128xi32, #tpu.memory_space<vmem>> -> memref<2x128xi32, #tpu.memory_space<vmem>>
      %dma_start3A_1695 = arith.constant 0 : i32
      %dma_start3A_1696 = arith.constant 0 : i32
      %dma_start3A_1697 = tpu.memref_slice %arg3[%add3A, %add3A_1681, %dma_start3A_1695, %dma_start3A_1696] : memref<32x80x2x128xi32, #tpu.memory_space<hbm>> -> memref<1x1x2x128xi32, #tpu.memory_space<hbm>>
      %dma_start3A_1698 = tpu.memref_squeeze %dma_start3A_1697 : memref<1x1x2x128xi32, #tpu.memory_space<hbm>> -> memref<2x128xi32, #tpu.memory_space<hbm>>
      tpu.enqueue_dma source(%dma_start3A_1698 : memref<2x128xi32, #tpu.memory_space<hbm>>) target(%dma_start3A_1694 : memref<2x128xi32, #tpu.memory_space<vmem>>) target_semaphore(%arg20 : memref<!tpu.dma_semaphore, #tpu.memory_space<semaphore_mem>>)
      %dma_start3A_1699 = arith.constant 1 : i32
      %dma_start3A_1700 = arith.constant 0 : i32
      %dma_start3A_1701 = arith.constant 1 : i32
      %dma_start3A_1702 = arith.constant 0 : i32
      %dma_start3A_1703 = arith.constant 0 : i32
      %dma_start3A_1704 = tpu.memref_slice %arg7[%dma_start3A_1701, %dma_start3A_1702, %dma_start3A_1703] : memref<2x128x128xf32, #tpu.memory_space<vmem>> -> memref<1x128x128xf32, #tpu.memory_space<vmem>>
      %dma_start3A_1705 = tpu.memref_squeeze %dma_start3A_1704 : memref<1x128x128xf32, #tpu.memory_space<vmem>> -> memref<128x128xf32, #tpu.memory_space<vmem>>
      %dma_start3A_1706 = arith.constant 0 : i32
      %dma_start3A_1707 = arith.constant 0 : i32
      %dma_start3A_1708 = tpu.memref_slice %arg6[%dma_start3A_1699, %dma_start3A_1706, %dma_start3A_1707] : memref<8x2x128xi32, #tpu.memory_space<vmem>> -> memref<1x2x128xi32, #tpu.memory_space<vmem>>
      %dma_start3A_1709 = tpu.memref_squeeze %dma_start3A_1708 : memref<1x2x128xi32, #tpu.memory_space<vmem>> -> memref<2x128xi32, #tpu.memory_space<vmem>>
      %dma_start3A_1710 = arith.constant 0 : i32
      %dma_start3A_1711 = tpu.memref_slice %dma_start3A_1709[%dma_start3A_1700, %dma_start3A_1710] : memref<2x128xi32, #tpu.memory_space<vmem>> -> memref<1x128xi32, #tpu.memory_space<vmem>>
      %dma_start3A_1712 = tpu.memref_squeeze %dma_start3A_1711 : memref<1x128xi32, #tpu.memory_space<vmem>> -> memref<128xi32, #tpu.memory_space<vmem>>
      %dma_start3A_1713 = arith.constant 0 : i32
      %dma_start3A_1714 = arith.constant 0 : i32
      %dma_start3A_1715 = tpu.memref_slice %arg2[%dma_start3A_1713, %dma_start3A_1714] : memref<10000x128xf32, #tpu.memory_space<hbm>> -> memref<10000x128xf32, #tpu.memory_space<hbm>>
      tpu.enqueue_indirect_dma source(%dma_start3A_1715 : memref<10000x128xf32, #tpu.memory_space<hbm>>) target(%dma_start3A_1705 : memref<128x128xf32, #tpu.memory_space<vmem>>) offsets(%dma_start3A_1712 : memref<128xi32, #tpu.memory_space<vmem>>) semaphore(%arg10 : memref<!tpu.dma_semaphore, #tpu.memory_space<semaphore_mem>>)
    }
    %scan3A_219 = arith.constant 9 : i32
    %dma_wait3A_220 = arith.constant 0 : i32
    %dma_wait3A_221 = arith.constant 0 : i32
    %dma_wait3A_222 = arith.constant 0 : i32
    %dma_wait3A_223 = arith.constant 0 : i32
    %dma_wait3A_224 = arith.constant 0 : i32
    %dma_wait3A_225 = tpu.memref_slice %arg7[%dma_wait3A_222, %dma_wait3A_223, %dma_wait3A_224] : memref<2x128x128xf32, #tpu.memory_space<vmem>> -> memref<1x128x128xf32, #tpu.memory_space<vmem>>
    %dma_wait3A_226 = tpu.memref_squeeze %dma_wait3A_225 : memref<1x128x128xf32, #tpu.memory_space<vmem>> -> memref<128x128xf32, #tpu.memory_space<vmem>>
    %dma_wait3A_227 = arith.constant 0 : i32
    %dma_wait3A_228 = arith.constant 0 : i32
    %dma_wait3A_229 = tpu.memref_slice %arg6[%dma_wait3A_220, %dma_wait3A_227, %dma_wait3A_228] : memref<8x2x128xi32, #tpu.memory_space<vmem>> -> memref<1x2x128xi32, #tpu.memory_space<vmem>>
    %dma_wait3A_230 = tpu.memref_squeeze %dma_wait3A_229 : memref<1x2x128xi32, #tpu.memory_space<vmem>> -> memref<2x128xi32, #tpu.memory_space<vmem>>
    %dma_wait3A_231 = arith.constant 0 : i32
    %dma_wait3A_232 = tpu.memref_slice %dma_wait3A_230[%dma_wait3A_221, %dma_wait3A_231] : memref<2x128xi32, #tpu.memory_space<vmem>> -> memref<1x128xi32, #tpu.memory_space<vmem>>
    %dma_wait3A_233 = tpu.memref_squeeze %dma_wait3A_232 : memref<1x128xi32, #tpu.memory_space<vmem>> -> memref<128xi32, #tpu.memory_space<vmem>>
    %dma_wait3A_234 = arith.constant 0 : i32
    %dma_wait3A_235 = arith.constant 0 : i32
    %dma_wait3A_236 = tpu.memref_slice %arg2[%dma_wait3A_234, %dma_wait3A_235] : memref<10000x128xf32, #tpu.memory_space<hbm>> -> memref<10000x128xf32, #tpu.memory_space<hbm>>
    tpu.wait_indirect_dma semaphore(%arg9 : memref<!tpu.dma_semaphore, #tpu.memory_space<semaphore_mem>>) src(%dma_wait3A_236 : memref<10000x128xf32, #tpu.memory_space<hbm>>) dst(%dma_wait3A_226 : memref<128x128xf32, #tpu.memory_space<vmem>>)
    %dma_start3A_237 = arith.constant 0 : i32
    %dma_start3A_238 = arith.constant 0 : i32
    %dma_start3A_239 = arith.constant 1 : i32
    %dma_start3A_240 = arith.constant 0 : i32
    %dma_start3A_241 = arith.constant 0 : i32
    %dma_start3A_242 = tpu.memref_slice %arg7[%dma_start3A_237, %dma_start3A_240, %dma_start3A_241] : memref<2x128x128xf32, #tpu.memory_space<vmem>> -> memref<1x128x128xf32, #tpu.memory_space<vmem>>
    %dma_start3A_243 = tpu.memref_squeeze %dma_start3A_242 : memref<1x128x128xf32, #tpu.memory_space<vmem>> -> memref<128x128xf32, #tpu.memory_space<vmem>>
    %dma_start3A_244 = arith.constant 0 : i32
    %dma_start3A_245 = arith.constant 0 : i32
    %dma_start3A_246 = tpu.memref_slice %arg6[%dma_start3A_238, %dma_start3A_244, %dma_start3A_245] : memref<8x2x128xi32, #tpu.memory_space<vmem>> -> memref<1x2x128xi32, #tpu.memory_space<vmem>>
    %dma_start3A_247 = tpu.memref_squeeze %dma_start3A_246 : memref<1x2x128xi32, #tpu.memory_space<vmem>> -> memref<2x128xi32, #tpu.memory_space<vmem>>
    %dma_start3A_248 = arith.constant 0 : i32
    %dma_start3A_249 = tpu.memref_slice %dma_start3A_247[%dma_start3A_239, %dma_start3A_248] : memref<2x128xi32, #tpu.memory_space<vmem>> -> memref<1x128xi32, #tpu.memory_space<vmem>>
    %dma_start3A_250 = tpu.memref_squeeze %dma_start3A_249 : memref<1x128xi32, #tpu.memory_space<vmem>> -> memref<128xi32, #tpu.memory_space<vmem>>
    %dma_start3A_251 = arith.constant 0 : i32
    %dma_start3A_252 = arith.constant 0 : i32
    %dma_start3A_253 = tpu.memref_slice %arg8[%dma_start3A_251, %dma_start3A_252] : memref<10112x128xf32, #tpu.memory_space<vmem_shared>> -> memref<10112x128xf32, #tpu.memory_space<vmem_shared>>
    tpu.enqueue_indirect_dma source(%dma_start3A_243 : memref<128x128xf32, #tpu.memory_space<vmem>>) target(%dma_start3A_253 : memref<10112x128xf32, #tpu.memory_space<vmem_shared>>) offsets(%dma_start3A_250 : memref<128xi32, #tpu.memory_space<vmem>>) semaphore(%arg11 : memref<!tpu.dma_semaphore, #tpu.memory_space<semaphore_mem>>) {add = true}
    %dma_wait3A_254 = arith.constant 0 : i32
    %dma_wait3A_255 = arith.constant 0 : i32
    %dma_wait3A_256 = arith.constant 1 : i32
    %dma_wait3A_257 = arith.constant 0 : i32
    %dma_wait3A_258 = arith.constant 0 : i32
    %dma_wait3A_259 = tpu.memref_slice %arg7[%dma_wait3A_254, %dma_wait3A_257, %dma_wait3A_258] : memref<2x128x128xf32, #tpu.memory_space<vmem>> -> memref<1x128x128xf32, #tpu.memory_space<vmem>>
    %dma_wait3A_260 = tpu.memref_squeeze %dma_wait3A_259 : memref<1x128x128xf32, #tpu.memory_space<vmem>> -> memref<128x128xf32, #tpu.memory_space<vmem>>
    %dma_wait3A_261 = arith.constant 0 : i32
    %dma_wait3A_262 = arith.constant 0 : i32
    %dma_wait3A_263 = tpu.memref_slice %arg6[%dma_wait3A_255, %dma_wait3A_261, %dma_wait3A_262] : memref<8x2x128xi32, #tpu.memory_space<vmem>> -> memref<1x2x128xi32, #tpu.memory_space<vmem>>
    %dma_wait3A_264 = tpu.memref_squeeze %dma_wait3A_263 : memref<1x2x128xi32, #tpu.memory_space<vmem>> -> memref<2x128xi32, #tpu.memory_space<vmem>>
    %dma_wait3A_265 = arith.constant 0 : i32
    %dma_wait3A_266 = tpu.memref_slice %dma_wait3A_264[%dma_wait3A_256, %dma_wait3A_265] : memref<2x128xi32, #tpu.memory_space<vmem>> -> memref<1x128xi32, #tpu.memory_space<vmem>>
    %dma_wait3A_267 = tpu.memref_squeeze %dma_wait3A_266 : memref<1x128xi32, #tpu.memory_space<vmem>> -> memref<128xi32, #tpu.memory_space<vmem>>
    %dma_wait3A_268 = arith.constant 0 : i32
    %dma_wait3A_269 = arith.constant 0 : i32
    %dma_wait3A_270 = tpu.memref_slice %arg8[%dma_wait3A_268, %dma_wait3A_269] : memref<10112x128xf32, #tpu.memory_space<vmem_shared>> -> memref<10112x128xf32, #tpu.memory_space<vmem_shared>>
    tpu.wait_indirect_dma semaphore(%arg11 : memref<!tpu.dma_semaphore, #tpu.memory_space<semaphore_mem>>) src(%dma_wait3A_260 : memref<128x128xf32, #tpu.memory_space<vmem>>) dst(%dma_wait3A_270 : memref<10112x128xf32, #tpu.memory_space<vmem_shared>>)
    %dma_wait3A_271 = arith.constant 0 : i32
    %dma_wait3A_272 = arith.constant 2 : i32
    %dma_wait3A_273 = arith.constant 0 : i32
    %dma_wait3A_274 = arith.constant 0 : i32
    %dma_wait3A_275 = tpu.memref_slice %arg6[%dma_wait3A_272, %dma_wait3A_273, %dma_wait3A_274] : memref<8x2x128xi32, #tpu.memory_space<vmem>> -> memref<1x2x128xi32, #tpu.memory_space<vmem>>
    %dma_wait3A_276 = tpu.memref_squeeze %dma_wait3A_275 : memref<1x2x128xi32, #tpu.memory_space<vmem>> -> memref<2x128xi32, #tpu.memory_space<vmem>>
    %dma_wait3A_277 = arith.constant 0 : i32
    %dma_wait3A_278 = arith.constant 0 : i32
    %dma_wait3A_279 = tpu.memref_slice %arg3[%add3A, %dma_wait3A_271, %dma_wait3A_277, %dma_wait3A_278] : memref<32x80x2x128xi32, #tpu.memory_space<hbm>> -> memref<1x1x2x128xi32, #tpu.memory_space<hbm>>
    %dma_wait3A_280 = tpu.memref_squeeze %dma_wait3A_279 : memref<1x1x2x128xi32, #tpu.memory_space<hbm>> -> memref<2x128xi32, #tpu.memory_space<hbm>>
    %dma_wait3A_281 = arith.constant 0 : i32
    %dma_wait3A_282 = arith.constant 0 : i32
    %dma_wait3A_283 = tpu.memref_slice %arg6[%dma_wait3A_272, %dma_wait3A_281, %dma_wait3A_282] : memref<8x2x128xi32, #tpu.memory_space<vmem>> -> memref<1x2x128xi32, #tpu.memory_space<vmem>>
    %dma_wait3A_284 = tpu.memref_squeeze %dma_wait3A_283 : memref<1x2x128xi32, #tpu.memory_space<vmem>> -> memref<2x128xi32, #tpu.memory_space<vmem>>
    %dma_wait3A_285 = arith.constant 0 : i32
    %dma_wait3A_286 = arith.constant 0 : i32
    %dma_wait3A_287 = tpu.memref_slice %arg3[%add3A, %dma_wait3A_271, %dma_wait3A_285, %dma_wait3A_286] : memref<32x80x2x128xi32, #tpu.memory_space<hbm>> -> memref<1x1x2x128xi32, #tpu.memory_space<hbm>>
    %dma_wait3A_288 = tpu.memref_squeeze %dma_wait3A_287 : memref<1x1x2x128xi32, #tpu.memory_space<hbm>> -> memref<2x128xi32, #tpu.memory_space<hbm>>
    tpu.wait_dma2 semaphore(%arg15 : memref<!tpu.dma_semaphore, #tpu.memory_space<semaphore_mem>>) src(%dma_wait3A_288 : memref<2x128xi32, #tpu.memory_space<hbm>>) dst(%dma_wait3A_284 : memref<2x128xi32, #tpu.memory_space<vmem>>)
    %dma_start3A_289 = arith.constant 2 : i32
    %dma_start3A_290 = arith.constant 0 : i32
    %dma_start3A_291 = arith.constant 0 : i32
    %dma_start3A_292 = arith.constant 0 : i32
    %dma_start3A_293 = arith.constant 0 : i32
    %dma_start3A_294 = tpu.memref_slice %arg7[%dma_start3A_291, %dma_start3A_292, %dma_start3A_293] : memref<2x128x128xf32, #tpu.memory_space<vmem>> -> memref<1x128x128xf32, #tpu.memory_space<vmem>>
    %dma_start3A_295 = tpu.memref_squeeze %dma_start3A_294 : memref<1x128x128xf32, #tpu.memory_space<vmem>> -> memref<128x128xf32, #tpu.memory_space<vmem>>
    %dma_start3A_296 = arith.constant 0 : i32
    %dma_start3A_297 = arith.constant 0 : i32
    %dma_start3A_298 = tpu.memref_slice %arg6[%dma_start3A_289, %dma_start3A_296, %dma_start3A_297] : memref<8x2x128xi32, #tpu.memory_space<vmem>> -> memref<1x2x128xi32, #tpu.memory_space<vmem>>
    %dma_start3A_299 = tpu.memref_squeeze %dma_start3A_298 : memref<1x2x128xi32, #tpu.memory_space<vmem>> -> memref<2x128xi32, #tpu.memory_space<vmem>>
    %dma_start3A_300 = arith.constant 0 : i32
    %dma_start3A_301 = tpu.memref_slice %dma_start3A_299[%dma_start3A_290, %dma_start3A_300] : memref<2x128xi32, #tpu.memory_space<vmem>> -> memref<1x128xi32, #tpu.memory_space<vmem>>
    %dma_start3A_302 = tpu.memref_squeeze %dma_start3A_301 : memref<1x128xi32, #tpu.memory_space<vmem>> -> memref<128xi32, #tpu.memory_space<vmem>>
    %dma_start3A_303 = arith.constant 0 : i32
    %dma_start3A_304 = arith.constant 0 : i32
    %dma_start3A_305 = tpu.memref_slice %arg2[%dma_start3A_303, %dma_start3A_304] : memref<10000x128xf32, #tpu.memory_space<hbm>> -> memref<10000x128xf32, #tpu.memory_space<hbm>>
    tpu.enqueue_indirect_dma source(%dma_start3A_305 : memref<10000x128xf32, #tpu.memory_space<hbm>>) target(%dma_start3A_295 : memref<128x128xf32, #tpu.memory_space<vmem>>) offsets(%dma_start3A_302 : memref<128xi32, #tpu.memory_space<vmem>>) semaphore(%arg9 : memref<!tpu.dma_semaphore, #tpu.memory_space<semaphore_mem>>)
    %dma_wait3A_306 = arith.constant 0 : i32
    %dma_wait3A_307 = arith.constant 0 : i32
    %dma_wait3A_308 = arith.constant 1 : i32
    %dma_wait3A_309 = arith.constant 0 : i32
    %dma_wait3A_310 = arith.constant 0 : i32
    %dma_wait3A_311 = tpu.memref_slice %arg7[%dma_wait3A_308, %dma_wait3A_309, %dma_wait3A_310] : memref<2x128x128xf32, #tpu.memory_space<vmem>> -> memref<1x128x128xf32, #tpu.memory_space<vmem>>
    %dma_wait3A_312 = tpu.memref_squeeze %dma_wait3A_311 : memref<1x128x128xf32, #tpu.memory_space<vmem>> -> memref<128x128xf32, #tpu.memory_space<vmem>>
    %dma_wait3A_313 = arith.constant 0 : i32
    %dma_wait3A_314 = arith.constant 0 : i32
    %dma_wait3A_315 = tpu.memref_slice %arg6[%dma_wait3A_306, %dma_wait3A_313, %dma_wait3A_314] : memref<8x2x128xi32, #tpu.memory_space<vmem>> -> memref<1x2x128xi32, #tpu.memory_space<vmem>>
    %dma_wait3A_316 = tpu.memref_squeeze %dma_wait3A_315 : memref<1x2x128xi32, #tpu.memory_space<vmem>> -> memref<2x128xi32, #tpu.memory_space<vmem>>
    %dma_wait3A_317 = arith.constant 0 : i32
    %dma_wait3A_318 = tpu.memref_slice %dma_wait3A_316[%dma_wait3A_307, %dma_wait3A_317] : memref<2x128xi32, #tpu.memory_space<vmem>> -> memref<1x128xi32, #tpu.memory_space<vmem>>
    %dma_wait3A_319 = tpu.memref_squeeze %dma_wait3A_318 : memref<1x128xi32, #tpu.memory_space<vmem>> -> memref<128xi32, #tpu.memory_space<vmem>>
    %dma_wait3A_320 = arith.constant 0 : i32
    %dma_wait3A_321 = arith.constant 0 : i32
    %dma_wait3A_322 = tpu.memref_slice %arg2[%dma_wait3A_320, %dma_wait3A_321] : memref<10000x128xf32, #tpu.memory_space<hbm>> -> memref<10000x128xf32, #tpu.memory_space<hbm>>
    tpu.wait_indirect_dma semaphore(%arg10 : memref<!tpu.dma_semaphore, #tpu.memory_space<semaphore_mem>>) src(%dma_wait3A_322 : memref<10000x128xf32, #tpu.memory_space<hbm>>) dst(%dma_wait3A_312 : memref<128x128xf32, #tpu.memory_space<vmem>>)
    %dma_start3A_323 = arith.constant 1 : i32
    %dma_start3A_324 = arith.constant 1 : i32
    %dma_start3A_325 = arith.constant 1 : i32
    %dma_start3A_326 = arith.constant 0 : i32
    %dma_start3A_327 = arith.constant 0 : i32
    %dma_start3A_328 = tpu.memref_slice %arg7[%dma_start3A_323, %dma_start3A_326, %dma_start3A_327] : memref<2x128x128xf32, #tpu.memory_space<vmem>> -> memref<1x128x128xf32, #tpu.memory_space<vmem>>
    %dma_start3A_329 = tpu.memref_squeeze %dma_start3A_328 : memref<1x128x128xf32, #tpu.memory_space<vmem>> -> memref<128x128xf32, #tpu.memory_space<vmem>>
    %dma_start3A_330 = arith.constant 0 : i32
    %dma_start3A_331 = arith.constant 0 : i32
    %dma_start3A_332 = tpu.memref_slice %arg6[%dma_start3A_324, %dma_start3A_330, %dma_start3A_331] : memref<8x2x128xi32, #tpu.memory_space<vmem>> -> memref<1x2x128xi32, #tpu.memory_space<vmem>>
    %dma_start3A_333 = tpu.memref_squeeze %dma_start3A_332 : memref<1x2x128xi32, #tpu.memory_space<vmem>> -> memref<2x128xi32, #tpu.memory_space<vmem>>
    %dma_start3A_334 = arith.constant 0 : i32
    %dma_start3A_335 = tpu.memref_slice %dma_start3A_333[%dma_start3A_325, %dma_start3A_334] : memref<2x128xi32, #tpu.memory_space<vmem>> -> memref<1x128xi32, #tpu.memory_space<vmem>>
    %dma_start3A_336 = tpu.memref_squeeze %dma_start3A_335 : memref<1x128xi32, #tpu.memory_space<vmem>> -> memref<128xi32, #tpu.memory_space<vmem>>
    %dma_start3A_337 = arith.constant 0 : i32
    %dma_start3A_338 = arith.constant 0 : i32
    %dma_start3A_339 = tpu.memref_slice %arg8[%dma_start3A_337, %dma_start3A_338] : memref<10112x128xf32, #tpu.memory_space<vmem_shared>> -> memref<10112x128xf32, #tpu.memory_space<vmem_shared>>
    tpu.enqueue_indirect_dma source(%dma_start3A_329 : memref<128x128xf32, #tpu.memory_space<vmem>>) target(%dma_start3A_339 : memref<10112x128xf32, #tpu.memory_space<vmem_shared>>) offsets(%dma_start3A_336 : memref<128xi32, #tpu.memory_space<vmem>>) semaphore(%arg12 : memref<!tpu.dma_semaphore, #tpu.memory_space<semaphore_mem>>) {add = true}
    %dma_wait3A_340 = arith.constant 1 : i32
    %dma_wait3A_341 = arith.constant 0 : i32
    %dma_wait3A_342 = arith.constant 1 : i32
    %dma_wait3A_343 = arith.constant 0 : i32
    %dma_wait3A_344 = arith.constant 0 : i32
    %dma_wait3A_345 = tpu.memref_slice %arg7[%dma_wait3A_340, %dma_wait3A_343, %dma_wait3A_344] : memref<2x128x128xf32, #tpu.memory_space<vmem>> -> memref<1x128x128xf32, #tpu.memory_space<vmem>>
    %dma_wait3A_346 = tpu.memref_squeeze %dma_wait3A_345 : memref<1x128x128xf32, #tpu.memory_space<vmem>> -> memref<128x128xf32, #tpu.memory_space<vmem>>
    %dma_wait3A_347 = arith.constant 0 : i32
    %dma_wait3A_348 = arith.constant 0 : i32
    %dma_wait3A_349 = tpu.memref_slice %arg6[%dma_wait3A_341, %dma_wait3A_347, %dma_wait3A_348] : memref<8x2x128xi32, #tpu.memory_space<vmem>> -> memref<1x2x128xi32, #tpu.memory_space<vmem>>
    %dma_wait3A_350 = tpu.memref_squeeze %dma_wait3A_349 : memref<1x2x128xi32, #tpu.memory_space<vmem>> -> memref<2x128xi32, #tpu.memory_space<vmem>>
    %dma_wait3A_351 = arith.constant 0 : i32
    %dma_wait3A_352 = tpu.memref_slice %dma_wait3A_350[%dma_wait3A_342, %dma_wait3A_351] : memref<2x128xi32, #tpu.memory_space<vmem>> -> memref<1x128xi32, #tpu.memory_space<vmem>>
    %dma_wait3A_353 = tpu.memref_squeeze %dma_wait3A_352 : memref<1x128xi32, #tpu.memory_space<vmem>> -> memref<128xi32, #tpu.memory_space<vmem>>
    %dma_wait3A_354 = arith.constant 0 : i32
    %dma_wait3A_355 = arith.constant 0 : i32
    %dma_wait3A_356 = tpu.memref_slice %arg8[%dma_wait3A_354, %dma_wait3A_355] : memref<10112x128xf32, #tpu.memory_space<vmem_shared>> -> memref<10112x128xf32, #tpu.memory_space<vmem_shared>>
    tpu.wait_indirect_dma semaphore(%arg12 : memref<!tpu.dma_semaphore, #tpu.memory_space<semaphore_mem>>) src(%dma_wait3A_346 : memref<128x128xf32, #tpu.memory_space<vmem>>) dst(%dma_wait3A_356 : memref<10112x128xf32, #tpu.memory_space<vmem_shared>>)
    %dma_wait3A_357 = arith.constant 0 : i32
    %dma_wait3A_358 = arith.constant 3 : i32
    %dma_wait3A_359 = arith.constant 0 : i32
    %dma_wait3A_360 = arith.constant 0 : i32
    %dma_wait3A_361 = tpu.memref_slice %arg6[%dma_wait3A_358, %dma_wait3A_359, %dma_wait3A_360] : memref<8x2x128xi32, #tpu.memory_space<vmem>> -> memref<1x2x128xi32, #tpu.memory_space<vmem>>
    %dma_wait3A_362 = tpu.memref_squeeze %dma_wait3A_361 : memref<1x2x128xi32, #tpu.memory_space<vmem>> -> memref<2x128xi32, #tpu.memory_space<vmem>>
    %dma_wait3A_363 = arith.constant 0 : i32
    %dma_wait3A_364 = arith.constant 0 : i32
    %dma_wait3A_365 = tpu.memref_slice %arg3[%add3A, %dma_wait3A_357, %dma_wait3A_363, %dma_wait3A_364] : memref<32x80x2x128xi32, #tpu.memory_space<hbm>> -> memref<1x1x2x128xi32, #tpu.memory_space<hbm>>
    %dma_wait3A_366 = tpu.memref_squeeze %dma_wait3A_365 : memref<1x1x2x128xi32, #tpu.memory_space<hbm>> -> memref<2x128xi32, #tpu.memory_space<hbm>>
    %dma_wait3A_367 = arith.constant 0 : i32
    %dma_wait3A_368 = arith.constant 0 : i32
    %dma_wait3A_369 = tpu.memref_slice %arg6[%dma_wait3A_358, %dma_wait3A_367, %dma_wait3A_368] : memref<8x2x128xi32, #tpu.memory_space<vmem>> -> memref<1x2x128xi32, #tpu.memory_space<vmem>>
    %dma_wait3A_370 = tpu.memref_squeeze %dma_wait3A_369 : memref<1x2x128xi32, #tpu.memory_space<vmem>> -> memref<2x128xi32, #tpu.memory_space<vmem>>
    %dma_wait3A_371 = arith.constant 0 : i32
    %dma_wait3A_372 = arith.constant 0 : i32
    %dma_wait3A_373 = tpu.memref_slice %arg3[%add3A, %dma_wait3A_357, %dma_wait3A_371, %dma_wait3A_372] : memref<32x80x2x128xi32, #tpu.memory_space<hbm>> -> memref<1x1x2x128xi32, #tpu.memory_space<hbm>>
    %dma_wait3A_374 = tpu.memref_squeeze %dma_wait3A_373 : memref<1x1x2x128xi32, #tpu.memory_space<hbm>> -> memref<2x128xi32, #tpu.memory_space<hbm>>
    tpu.wait_dma2 semaphore(%arg16 : memref<!tpu.dma_semaphore, #tpu.memory_space<semaphore_mem>>) src(%dma_wait3A_374 : memref<2x128xi32, #tpu.memory_space<hbm>>) dst(%dma_wait3A_370 : memref<2x128xi32, #tpu.memory_space<vmem>>)
    %dma_start3A_375 = arith.constant 3 : i32
    %dma_start3A_376 = arith.constant 0 : i32
    %dma_start3A_377 = arith.constant 1 : i32
    %dma_start3A_378 = arith.constant 0 : i32
    %dma_start3A_379 = arith.constant 0 : i32
    %dma_start3A_380 = tpu.memref_slice %arg7[%dma_start3A_377, %dma_start3A_378, %dma_start3A_379] : memref<2x128x128xf32, #tpu.memory_space<vmem>> -> memref<1x128x128xf32, #tpu.memory_space<vmem>>
    %dma_start3A_381 = tpu.memref_squeeze %dma_start3A_380 : memref<1x128x128xf32, #tpu.memory_space<vmem>> -> memref<128x128xf32, #tpu.memory_space<vmem>>
    %dma_start3A_382 = arith.constant 0 : i32
    %dma_start3A_383 = arith.constant 0 : i32
    %dma_start3A_384 = tpu.memref_slice %arg6[%dma_start3A_375, %dma_start3A_382, %dma_start3A_383] : memref<8x2x128xi32, #tpu.memory_space<vmem>> -> memref<1x2x128xi32, #tpu.memory_space<vmem>>
    %dma_start3A_385 = tpu.memref_squeeze %dma_start3A_384 : memref<1x2x128xi32, #tpu.memory_space<vmem>> -> memref<2x128xi32, #tpu.memory_space<vmem>>
    %dma_start3A_386 = arith.constant 0 : i32
    %dma_start3A_387 = tpu.memref_slice %dma_start3A_385[%dma_start3A_376, %dma_start3A_386] : memref<2x128xi32, #tpu.memory_space<vmem>> -> memref<1x128xi32, #tpu.memory_space<vmem>>
    %dma_start3A_388 = tpu.memref_squeeze %dma_start3A_387 : memref<1x128xi32, #tpu.memory_space<vmem>> -> memref<128xi32, #tpu.memory_space<vmem>>
    %dma_start3A_389 = arith.constant 0 : i32
    %dma_start3A_390 = arith.constant 0 : i32
    %dma_start3A_391 = tpu.memref_slice %arg2[%dma_start3A_389, %dma_start3A_390] : memref<10000x128xf32, #tpu.memory_space<hbm>> -> memref<10000x128xf32, #tpu.memory_space<hbm>>
    tpu.enqueue_indirect_dma source(%dma_start3A_391 : memref<10000x128xf32, #tpu.memory_space<hbm>>) target(%dma_start3A_381 : memref<128x128xf32, #tpu.memory_space<vmem>>) offsets(%dma_start3A_388 : memref<128xi32, #tpu.memory_space<vmem>>) semaphore(%arg10 : memref<!tpu.dma_semaphore, #tpu.memory_space<semaphore_mem>>)
    %dma_wait3A_392 = arith.constant 0 : i32
    %dma_wait3A_393 = arith.constant 0 : i32
    %dma_wait3A_394 = arith.constant 0 : i32
    %dma_wait3A_395 = arith.constant 0 : i32
    %dma_wait3A_396 = arith.constant 0 : i32
    %dma_wait3A_397 = tpu.memref_slice %arg7[%dma_wait3A_394, %dma_wait3A_395, %dma_wait3A_396] : memref<2x128x128xf32, #tpu.memory_space<vmem>> -> memref<1x128x128xf32, #tpu.memory_space<vmem>>
    %dma_wait3A_398 = tpu.memref_squeeze %dma_wait3A_397 : memref<1x128x128xf32, #tpu.memory_space<vmem>> -> memref<128x128xf32, #tpu.memory_space<vmem>>
    %dma_wait3A_399 = arith.constant 0 : i32
    %dma_wait3A_400 = arith.constant 0 : i32
    %dma_wait3A_401 = tpu.memref_slice %arg6[%dma_wait3A_392, %dma_wait3A_399, %dma_wait3A_400] : memref<8x2x128xi32, #tpu.memory_space<vmem>> -> memref<1x2x128xi32, #tpu.memory_space<vmem>>
    %dma_wait3A_402 = tpu.memref_squeeze %dma_wait3A_401 : memref<1x2x128xi32, #tpu.memory_space<vmem>> -> memref<2x128xi32, #tpu.memory_space<vmem>>
    %dma_wait3A_403 = arith.constant 0 : i32
    %dma_wait3A_404 = tpu.memref_slice %dma_wait3A_402[%dma_wait3A_393, %dma_wait3A_403] : memref<2x128xi32, #tpu.memory_space<vmem>> -> memref<1x128xi32, #tpu.memory_space<vmem>>
    %dma_wait3A_405 = tpu.memref_squeeze %dma_wait3A_404 : memref<1x128xi32, #tpu.memory_space<vmem>> -> memref<128xi32, #tpu.memory_space<vmem>>
    %dma_wait3A_406 = arith.constant 0 : i32
    %dma_wait3A_407 = arith.constant 0 : i32
    %dma_wait3A_408 = tpu.memref_slice %arg2[%dma_wait3A_406, %dma_wait3A_407] : memref<10000x128xf32, #tpu.memory_space<hbm>> -> memref<10000x128xf32, #tpu.memory_space<hbm>>
    tpu.wait_indirect_dma semaphore(%arg9 : memref<!tpu.dma_semaphore, #tpu.memory_space<semaphore_mem>>) src(%dma_wait3A_408 : memref<10000x128xf32, #tpu.memory_space<hbm>>) dst(%dma_wait3A_398 : memref<128x128xf32, #tpu.memory_space<vmem>>)
    %dma_start3A_409 = arith.constant 0 : i32
    %dma_start3A_410 = arith.constant 2 : i32
    %dma_start3A_411 = arith.constant 1 : i32
    %dma_start3A_412 = arith.constant 0 : i32
    %dma_start3A_413 = arith.constant 0 : i32
    %dma_start3A_414 = tpu.memref_slice %arg7[%dma_start3A_409, %dma_start3A_412, %dma_start3A_413] : memref<2x128x128xf32, #tpu.memory_space<vmem>> -> memref<1x128x128xf32, #tpu.memory_space<vmem>>
    %dma_start3A_415 = tpu.memref_squeeze %dma_start3A_414 : memref<1x128x128xf32, #tpu.memory_space<vmem>> -> memref<128x128xf32, #tpu.memory_space<vmem>>
    %dma_start3A_416 = arith.constant 0 : i32
    %dma_start3A_417 = arith.constant 0 : i32
    %dma_start3A_418 = tpu.memref_slice %arg6[%dma_start3A_410, %dma_start3A_416, %dma_start3A_417] : memref<8x2x128xi32, #tpu.memory_space<vmem>> -> memref<1x2x128xi32, #tpu.memory_space<vmem>>
    %dma_start3A_419 = tpu.memref_squeeze %dma_start3A_418 : memref<1x2x128xi32, #tpu.memory_space<vmem>> -> memref<2x128xi32, #tpu.memory_space<vmem>>
    %dma_start3A_420 = arith.constant 0 : i32
    %dma_start3A_421 = tpu.memref_slice %dma_start3A_419[%dma_start3A_411, %dma_start3A_420] : memref<2x128xi32, #tpu.memory_space<vmem>> -> memref<1x128xi32, #tpu.memory_space<vmem>>
    %dma_start3A_422 = tpu.memref_squeeze %dma_start3A_421 : memref<1x128xi32, #tpu.memory_space<vmem>> -> memref<128xi32, #tpu.memory_space<vmem>>
    %dma_start3A_423 = arith.constant 0 : i32
    %dma_start3A_424 = arith.constant 0 : i32
    %dma_start3A_425 = tpu.memref_slice %arg8[%dma_start3A_423, %dma_start3A_424] : memref<10112x128xf32, #tpu.memory_space<vmem_shared>> -> memref<10112x128xf32, #tpu.memory_space<vmem_shared>>
    tpu.enqueue_indirect_dma source(%dma_start3A_415 : memref<128x128xf32, #tpu.memory_space<vmem>>) target(%dma_start3A_425 : memref<10112x128xf32, #tpu.memory_space<vmem_shared>>) offsets(%dma_start3A_422 : memref<128xi32, #tpu.memory_space<vmem>>) semaphore(%arg11 : memref<!tpu.dma_semaphore, #tpu.memory_space<semaphore_mem>>) {add = true}
    %dma_wait3A_426 = arith.constant 0 : i32
    %dma_wait3A_427 = arith.constant 0 : i32
    %dma_wait3A_428 = arith.constant 1 : i32
    %dma_wait3A_429 = arith.constant 0 : i32
    %dma_wait3A_430 = arith.constant 0 : i32
    %dma_wait3A_431 = tpu.memref_slice %arg7[%dma_wait3A_426, %dma_wait3A_429, %dma_wait3A_430] : memref<2x128x128xf32, #tpu.memory_space<vmem>> -> memref<1x128x128xf32, #tpu.memory_space<vmem>>
    %dma_wait3A_432 = tpu.memref_squeeze %dma_wait3A_431 : memref<1x128x128xf32, #tpu.memory_space<vmem>> -> memref<128x128xf32, #tpu.memory_space<vmem>>
    %dma_wait3A_433 = arith.constant 0 : i32
    %dma_wait3A_434 = arith.constant 0 : i32
    %dma_wait3A_435 = tpu.memref_slice %arg6[%dma_wait3A_427, %dma_wait3A_433, %dma_wait3A_434] : memref<8x2x128xi32, #tpu.memory_space<vmem>> -> memref<1x2x128xi32, #tpu.memory_space<vmem>>
    %dma_wait3A_436 = tpu.memref_squeeze %dma_wait3A_435 : memref<1x2x128xi32, #tpu.memory_space<vmem>> -> memref<2x128xi32, #tpu.memory_space<vmem>>
    %dma_wait3A_437 = arith.constant 0 : i32
    %dma_wait3A_438 = tpu.memref_slice %dma_wait3A_436[%dma_wait3A_428, %dma_wait3A_437] : memref<2x128xi32, #tpu.memory_space<vmem>> -> memref<1x128xi32, #tpu.memory_space<vmem>>
    %dma_wait3A_439 = tpu.memref_squeeze %dma_wait3A_438 : memref<1x128xi32, #tpu.memory_space<vmem>> -> memref<128xi32, #tpu.memory_space<vmem>>
    %dma_wait3A_440 = arith.constant 0 : i32
    %dma_wait3A_441 = arith.constant 0 : i32
    %dma_wait3A_442 = tpu.memref_slice %arg8[%dma_wait3A_440, %dma_wait3A_441] : memref<10112x128xf32, #tpu.memory_space<vmem_shared>> -> memref<10112x128xf32, #tpu.memory_space<vmem_shared>>
    tpu.wait_indirect_dma semaphore(%arg11 : memref<!tpu.dma_semaphore, #tpu.memory_space<semaphore_mem>>) src(%dma_wait3A_432 : memref<128x128xf32, #tpu.memory_space<vmem>>) dst(%dma_wait3A_442 : memref<10112x128xf32, #tpu.memory_space<vmem_shared>>)
    %dma_wait3A_443 = arith.constant 0 : i32
    %dma_wait3A_444 = arith.constant 4 : i32
    %dma_wait3A_445 = arith.constant 0 : i32
    %dma_wait3A_446 = arith.constant 0 : i32
    %dma_wait3A_447 = tpu.memref_slice %arg6[%dma_wait3A_444, %dma_wait3A_445, %dma_wait3A_446] : memref<8x2x128xi32, #tpu.memory_space<vmem>> -> memref<1x2x128xi32, #tpu.memory_space<vmem>>
    %dma_wait3A_448 = tpu.memref_squeeze %dma_wait3A_447 : memref<1x2x128xi32, #tpu.memory_space<vmem>> -> memref<2x128xi32, #tpu.memory_space<vmem>>
    %dma_wait3A_449 = arith.constant 0 : i32
    %dma_wait3A_450 = arith.constant 0 : i32
    %dma_wait3A_451 = tpu.memref_slice %arg3[%add3A, %dma_wait3A_443, %dma_wait3A_449, %dma_wait3A_450] : memref<32x80x2x128xi32, #tpu.memory_space<hbm>> -> memref<1x1x2x128xi32, #tpu.memory_space<hbm>>
    %dma_wait3A_452 = tpu.memref_squeeze %dma_wait3A_451 : memref<1x1x2x128xi32, #tpu.memory_space<hbm>> -> memref<2x128xi32, #tpu.memory_space<hbm>>
    %dma_wait3A_453 = arith.constant 0 : i32
    %dma_wait3A_454 = arith.constant 0 : i32
    %dma_wait3A_455 = tpu.memref_slice %arg6[%dma_wait3A_444, %dma_wait3A_453, %dma_wait3A_454] : memref<8x2x128xi32, #tpu.memory_space<vmem>> -> memref<1x2x128xi32, #tpu.memory_space<vmem>>
    %dma_wait3A_456 = tpu.memref_squeeze %dma_wait3A_455 : memref<1x2x128xi32, #tpu.memory_space<vmem>> -> memref<2x128xi32, #tpu.memory_space<vmem>>
    %dma_wait3A_457 = arith.constant 0 : i32
    %dma_wait3A_458 = arith.constant 0 : i32
    %dma_wait3A_459 = tpu.memref_slice %arg3[%add3A, %dma_wait3A_443, %dma_wait3A_457, %dma_wait3A_458] : memref<32x80x2x128xi32, #tpu.memory_space<hbm>> -> memref<1x1x2x128xi32, #tpu.memory_space<hbm>>
    %dma_wait3A_460 = tpu.memref_squeeze %dma_wait3A_459 : memref<1x1x2x128xi32, #tpu.memory_space<hbm>> -> memref<2x128xi32, #tpu.memory_space<hbm>>
    tpu.wait_dma2 semaphore(%arg17 : memref<!tpu.dma_semaphore, #tpu.memory_space<semaphore_mem>>) src(%dma_wait3A_460 : memref<2x128xi32, #tpu.memory_space<hbm>>) dst(%dma_wait3A_456 : memref<2x128xi32, #tpu.memory_space<vmem>>)
    %dma_start3A_461 = arith.constant 4 : i32
    %dma_start3A_462 = arith.constant 0 : i32
    %dma_start3A_463 = arith.constant 0 : i32
    %dma_start3A_464 = arith.constant 0 : i32
    %dma_start3A_465 = arith.constant 0 : i32
    %dma_start3A_466 = tpu.memref_slice %arg7[%dma_start3A_463, %dma_start3A_464, %dma_start3A_465] : memref<2x128x128xf32, #tpu.memory_space<vmem>> -> memref<1x128x128xf32, #tpu.memory_space<vmem>>
    %dma_start3A_467 = tpu.memref_squeeze %dma_start3A_466 : memref<1x128x128xf32, #tpu.memory_space<vmem>> -> memref<128x128xf32, #tpu.memory_space<vmem>>
    %dma_start3A_468 = arith.constant 0 : i32
    %dma_start3A_469 = arith.constant 0 : i32
    %dma_start3A_470 = tpu.memref_slice %arg6[%dma_start3A_461, %dma_start3A_468, %dma_start3A_469] : memref<8x2x128xi32, #tpu.memory_space<vmem>> -> memref<1x2x128xi32, #tpu.memory_space<vmem>>
    %dma_start3A_471 = tpu.memref_squeeze %dma_start3A_470 : memref<1x2x128xi32, #tpu.memory_space<vmem>> -> memref<2x128xi32, #tpu.memory_space<vmem>>
    %dma_start3A_472 = arith.constant 0 : i32
    %dma_start3A_473 = tpu.memref_slice %dma_start3A_471[%dma_start3A_462, %dma_start3A_472] : memref<2x128xi32, #tpu.memory_space<vmem>> -> memref<1x128xi32, #tpu.memory_space<vmem>>
    %dma_start3A_474 = tpu.memref_squeeze %dma_start3A_473 : memref<1x128xi32, #tpu.memory_space<vmem>> -> memref<128xi32, #tpu.memory_space<vmem>>
    %dma_start3A_475 = arith.constant 0 : i32
    %dma_start3A_476 = arith.constant 0 : i32
    %dma_start3A_477 = tpu.memref_slice %arg2[%dma_start3A_475, %dma_start3A_476] : memref<10000x128xf32, #tpu.memory_space<hbm>> -> memref<10000x128xf32, #tpu.memory_space<hbm>>
    tpu.enqueue_indirect_dma source(%dma_start3A_477 : memref<10000x128xf32, #tpu.memory_space<hbm>>) target(%dma_start3A_467 : memref<128x128xf32, #tpu.memory_space<vmem>>) offsets(%dma_start3A_474 : memref<128xi32, #tpu.memory_space<vmem>>) semaphore(%arg9 : memref<!tpu.dma_semaphore, #tpu.memory_space<semaphore_mem>>)
    %dma_wait3A_478 = arith.constant 0 : i32
    %dma_wait3A_479 = arith.constant 0 : i32
    %dma_wait3A_480 = arith.constant 1 : i32
    %dma_wait3A_481 = arith.constant 0 : i32
    %dma_wait3A_482 = arith.constant 0 : i32
    %dma_wait3A_483 = tpu.memref_slice %arg7[%dma_wait3A_480, %dma_wait3A_481, %dma_wait3A_482] : memref<2x128x128xf32, #tpu.memory_space<vmem>> -> memref<1x128x128xf32, #tpu.memory_space<vmem>>
    %dma_wait3A_484 = tpu.memref_squeeze %dma_wait3A_483 : memref<1x128x128xf32, #tpu.memory_space<vmem>> -> memref<128x128xf32, #tpu.memory_space<vmem>>
    %dma_wait3A_485 = arith.constant 0 : i32
    %dma_wait3A_486 = arith.constant 0 : i32
    %dma_wait3A_487 = tpu.memref_slice %arg6[%dma_wait3A_478, %dma_wait3A_485, %dma_wait3A_486] : memref<8x2x128xi32, #tpu.memory_space<vmem>> -> memref<1x2x128xi32, #tpu.memory_space<vmem>>
    %dma_wait3A_488 = tpu.memref_squeeze %dma_wait3A_487 : memref<1x2x128xi32, #tpu.memory_space<vmem>> -> memref<2x128xi32, #tpu.memory_space<vmem>>
    %dma_wait3A_489 = arith.constant 0 : i32
    %dma_wait3A_490 = tpu.memref_slice %dma_wait3A_488[%dma_wait3A_479, %dma_wait3A_489] : memref<2x128xi32, #tpu.memory_space<vmem>> -> memref<1x128xi32, #tpu.memory_space<vmem>>
    %dma_wait3A_491 = tpu.memref_squeeze %dma_wait3A_490 : memref<1x128xi32, #tpu.memory_space<vmem>> -> memref<128xi32, #tpu.memory_space<vmem>>
    %dma_wait3A_492 = arith.constant 0 : i32
    %dma_wait3A_493 = arith.constant 0 : i32
    %dma_wait3A_494 = tpu.memref_slice %arg2[%dma_wait3A_492, %dma_wait3A_493] : memref<10000x128xf32, #tpu.memory_space<hbm>> -> memref<10000x128xf32, #tpu.memory_space<hbm>>
    tpu.wait_indirect_dma semaphore(%arg10 : memref<!tpu.dma_semaphore, #tpu.memory_space<semaphore_mem>>) src(%dma_wait3A_494 : memref<10000x128xf32, #tpu.memory_space<hbm>>) dst(%dma_wait3A_484 : memref<128x128xf32, #tpu.memory_space<vmem>>)
    %dma_start3A_495 = arith.constant 1 : i32
    %dma_start3A_496 = arith.constant 3 : i32
    %dma_start3A_497 = arith.constant 1 : i32
    %dma_start3A_498 = arith.constant 0 : i32
    %dma_start3A_499 = arith.constant 0 : i32
    %dma_start3A_500 = tpu.memref_slice %arg7[%dma_start3A_495, %dma_start3A_498, %dma_start3A_499] : memref<2x128x128xf32, #tpu.memory_space<vmem>> -> memref<1x128x128xf32, #tpu.memory_space<vmem>>
    %dma_start3A_501 = tpu.memref_squeeze %dma_start3A_500 : memref<1x128x128xf32, #tpu.memory_space<vmem>> -> memref<128x128xf32, #tpu.memory_space<vmem>>
    %dma_start3A_502 = arith.constant 0 : i32
    %dma_start3A_503 = arith.constant 0 : i32
    %dma_start3A_504 = tpu.memref_slice %arg6[%dma_start3A_496, %dma_start3A_502, %dma_start3A_503] : memref<8x2x128xi32, #tpu.memory_space<vmem>> -> memref<1x2x128xi32, #tpu.memory_space<vmem>>
    %dma_start3A_505 = tpu.memref_squeeze %dma_start3A_504 : memref<1x2x128xi32, #tpu.memory_space<vmem>> -> memref<2x128xi32, #tpu.memory_space<vmem>>
    %dma_start3A_506 = arith.constant 0 : i32
    %dma_start3A_507 = tpu.memref_slice %dma_start3A_505[%dma_start3A_497, %dma_start3A_506] : memref<2x128xi32, #tpu.memory_space<vmem>> -> memref<1x128xi32, #tpu.memory_space<vmem>>
    %dma_start3A_508 = tpu.memref_squeeze %dma_start3A_507 : memref<1x128xi32, #tpu.memory_space<vmem>> -> memref<128xi32, #tpu.memory_space<vmem>>
    %dma_start3A_509 = arith.constant 0 : i32
    %dma_start3A_510 = arith.constant 0 : i32
    %dma_start3A_511 = tpu.memref_slice %arg8[%dma_start3A_509, %dma_start3A_510] : memref<10112x128xf32, #tpu.memory_space<vmem_shared>> -> memref<10112x128xf32, #tpu.memory_space<vmem_shared>>
    tpu.enqueue_indirect_dma source(%dma_start3A_501 : memref<128x128xf32, #tpu.memory_space<vmem>>) target(%dma_start3A_511 : memref<10112x128xf32, #tpu.memory_space<vmem_shared>>) offsets(%dma_start3A_508 : memref<128xi32, #tpu.memory_space<vmem>>) semaphore(%arg12 : memref<!tpu.dma_semaphore, #tpu.memory_space<semaphore_mem>>) {add = true}
    %dma_wait3A_512 = arith.constant 1 : i32
    %dma_wait3A_513 = arith.constant 0 : i32
    %dma_wait3A_514 = arith.constant 1 : i32
    %dma_wait3A_515 = arith.constant 0 : i32
    %dma_wait3A_516 = arith.constant 0 : i32
    %dma_wait3A_517 = tpu.memref_slice %arg7[%dma_wait3A_512, %dma_wait3A_515, %dma_wait3A_516] : memref<2x128x128xf32, #tpu.memory_space<vmem>> -> memref<1x128x128xf32, #tpu.memory_space<vmem>>
    %dma_wait3A_518 = tpu.memref_squeeze %dma_wait3A_517 : memref<1x128x128xf32, #tpu.memory_space<vmem>> -> memref<128x128xf32, #tpu.memory_space<vmem>>
    %dma_wait3A_519 = arith.constant 0 : i32
    %dma_wait3A_520 = arith.constant 0 : i32
    %dma_wait3A_521 = tpu.memref_slice %arg6[%dma_wait3A_513, %dma_wait3A_519, %dma_wait3A_520] : memref<8x2x128xi32, #tpu.memory_space<vmem>> -> memref<1x2x128xi32, #tpu.memory_space<vmem>>
    %dma_wait3A_522 = tpu.memref_squeeze %dma_wait3A_521 : memref<1x2x128xi32, #tpu.memory_space<vmem>> -> memref<2x128xi32, #tpu.memory_space<vmem>>
    %dma_wait3A_523 = arith.constant 0 : i32
    %dma_wait3A_524 = tpu.memref_slice %dma_wait3A_522[%dma_wait3A_514, %dma_wait3A_523] : memref<2x128xi32, #tpu.memory_space<vmem>> -> memref<1x128xi32, #tpu.memory_space<vmem>>
    %dma_wait3A_525 = tpu.memref_squeeze %dma_wait3A_524 : memref<1x128xi32, #tpu.memory_space<vmem>> -> memref<128xi32, #tpu.memory_space<vmem>>
    %dma_wait3A_526 = arith.constant 0 : i32
    %dma_wait3A_527 = arith.constant 0 : i32
    %dma_wait3A_528 = tpu.memref_slice %arg8[%dma_wait3A_526, %dma_wait3A_527] : memref<10112x128xf32, #tpu.memory_space<vmem_shared>> -> memref<10112x128xf32, #tpu.memory_space<vmem_shared>>
    tpu.wait_indirect_dma semaphore(%arg12 : memref<!tpu.dma_semaphore, #tpu.memory_space<semaphore_mem>>) src(%dma_wait3A_518 : memref<128x128xf32, #tpu.memory_space<vmem>>) dst(%dma_wait3A_528 : memref<10112x128xf32, #tpu.memory_space<vmem_shared>>)
    %dma_wait3A_529 = arith.constant 0 : i32
    %dma_wait3A_530 = arith.constant 5 : i32
    %dma_wait3A_531 = arith.constant 0 : i32
    %dma_wait3A_532 = arith.constant 0 : i32
    %dma_wait3A_533 = tpu.memref_slice %arg6[%dma_wait3A_530, %dma_wait3A_531, %dma_wait3A_532] : memref<8x2x128xi32, #tpu.memory_space<vmem>> -> memref<1x2x128xi32, #tpu.memory_space<vmem>>
    %dma_wait3A_534 = tpu.memref_squeeze %dma_wait3A_533 : memref<1x2x128xi32, #tpu.memory_space<vmem>> -> memref<2x128xi32, #tpu.memory_space<vmem>>
    %dma_wait3A_535 = arith.constant 0 : i32
    %dma_wait3A_536 = arith.constant 0 : i32
    %dma_wait3A_537 = tpu.memref_slice %arg3[%add3A, %dma_wait3A_529, %dma_wait3A_535, %dma_wait3A_536] : memref<32x80x2x128xi32, #tpu.memory_space<hbm>> -> memref<1x1x2x128xi32, #tpu.memory_space<hbm>>
    %dma_wait3A_538 = tpu.memref_squeeze %dma_wait3A_537 : memref<1x1x2x128xi32, #tpu.memory_space<hbm>> -> memref<2x128xi32, #tpu.memory_space<hbm>>
    %dma_wait3A_539 = arith.constant 0 : i32
    %dma_wait3A_540 = arith.constant 0 : i32
    %dma_wait3A_541 = tpu.memref_slice %arg6[%dma_wait3A_530, %dma_wait3A_539, %dma_wait3A_540] : memref<8x2x128xi32, #tpu.memory_space<vmem>> -> memref<1x2x128xi32, #tpu.memory_space<vmem>>
    %dma_wait3A_542 = tpu.memref_squeeze %dma_wait3A_541 : memref<1x2x128xi32, #tpu.memory_space<vmem>> -> memref<2x128xi32, #tpu.memory_space<vmem>>
    %dma_wait3A_543 = arith.constant 0 : i32
    %dma_wait3A_544 = arith.constant 0 : i32
    %dma_wait3A_545 = tpu.memref_slice %arg3[%add3A, %dma_wait3A_529, %dma_wait3A_543, %dma_wait3A_544] : memref<32x80x2x128xi32, #tpu.memory_space<hbm>> -> memref<1x1x2x128xi32, #tpu.memory_space<hbm>>
    %dma_wait3A_546 = tpu.memref_squeeze %dma_wait3A_545 : memref<1x1x2x128xi32, #tpu.memory_space<hbm>> -> memref<2x128xi32, #tpu.memory_space<hbm>>
    tpu.wait_dma2 semaphore(%arg18 : memref<!tpu.dma_semaphore, #tpu.memory_space<semaphore_mem>>) src(%dma_wait3A_546 : memref<2x128xi32, #tpu.memory_space<hbm>>) dst(%dma_wait3A_542 : memref<2x128xi32, #tpu.memory_space<vmem>>)
    %dma_start3A_547 = arith.constant 5 : i32
    %dma_start3A_548 = arith.constant 0 : i32
    %dma_start3A_549 = arith.constant 1 : i32
    %dma_start3A_550 = arith.constant 0 : i32
    %dma_start3A_551 = arith.constant 0 : i32
    %dma_start3A_552 = tpu.memref_slice %arg7[%dma_start3A_549, %dma_start3A_550, %dma_start3A_551] : memref<2x128x128xf32, #tpu.memory_space<vmem>> -> memref<1x128x128xf32, #tpu.memory_space<vmem>>
    %dma_start3A_553 = tpu.memref_squeeze %dma_start3A_552 : memref<1x128x128xf32, #tpu.memory_space<vmem>> -> memref<128x128xf32, #tpu.memory_space<vmem>>
    %dma_start3A_554 = arith.constant 0 : i32
    %dma_start3A_555 = arith.constant 0 : i32
    %dma_start3A_556 = tpu.memref_slice %arg6[%dma_start3A_547, %dma_start3A_554, %dma_start3A_555] : memref<8x2x128xi32, #tpu.memory_space<vmem>> -> memref<1x2x128xi32, #tpu.memory_space<vmem>>
    %dma_start3A_557 = tpu.memref_squeeze %dma_start3A_556 : memref<1x2x128xi32, #tpu.memory_space<vmem>> -> memref<2x128xi32, #tpu.memory_space<vmem>>
    %dma_start3A_558 = arith.constant 0 : i32
    %dma_start3A_559 = tpu.memref_slice %dma_start3A_557[%dma_start3A_548, %dma_start3A_558] : memref<2x128xi32, #tpu.memory_space<vmem>> -> memref<1x128xi32, #tpu.memory_space<vmem>>
    %dma_start3A_560 = tpu.memref_squeeze %dma_start3A_559 : memref<1x128xi32, #tpu.memory_space<vmem>> -> memref<128xi32, #tpu.memory_space<vmem>>
    %dma_start3A_561 = arith.constant 0 : i32
    %dma_start3A_562 = arith.constant 0 : i32
    %dma_start3A_563 = tpu.memref_slice %arg2[%dma_start3A_561, %dma_start3A_562] : memref<10000x128xf32, #tpu.memory_space<hbm>> -> memref<10000x128xf32, #tpu.memory_space<hbm>>
    tpu.enqueue_indirect_dma source(%dma_start3A_563 : memref<10000x128xf32, #tpu.memory_space<hbm>>) target(%dma_start3A_553 : memref<128x128xf32, #tpu.memory_space<vmem>>) offsets(%dma_start3A_560 : memref<128xi32, #tpu.memory_space<vmem>>) semaphore(%arg10 : memref<!tpu.dma_semaphore, #tpu.memory_space<semaphore_mem>>)
    %dma_wait3A_564 = arith.constant 0 : i32
    %dma_wait3A_565 = arith.constant 0 : i32
    %dma_wait3A_566 = arith.constant 0 : i32
    %dma_wait3A_567 = arith.constant 0 : i32
    %dma_wait3A_568 = arith.constant 0 : i32
    %dma_wait3A_569 = tpu.memref_slice %arg7[%dma_wait3A_566, %dma_wait3A_567, %dma_wait3A_568] : memref<2x128x128xf32, #tpu.memory_space<vmem>> -> memref<1x128x128xf32, #tpu.memory_space<vmem>>
    %dma_wait3A_570 = tpu.memref_squeeze %dma_wait3A_569 : memref<1x128x128xf32, #tpu.memory_space<vmem>> -> memref<128x128xf32, #tpu.memory_space<vmem>>
    %dma_wait3A_571 = arith.constant 0 : i32
    %dma_wait3A_572 = arith.constant 0 : i32
    %dma_wait3A_573 = tpu.memref_slice %arg6[%dma_wait3A_564, %dma_wait3A_571, %dma_wait3A_572] : memref<8x2x128xi32, #tpu.memory_space<vmem>> -> memref<1x2x128xi32, #tpu.memory_space<vmem>>
    %dma_wait3A_574 = tpu.memref_squeeze %dma_wait3A_573 : memref<1x2x128xi32, #tpu.memory_space<vmem>> -> memref<2x128xi32, #tpu.memory_space<vmem>>
    %dma_wait3A_575 = arith.constant 0 : i32
    %dma_wait3A_576 = tpu.memref_slice %dma_wait3A_574[%dma_wait3A_565, %dma_wait3A_575] : memref<2x128xi32, #tpu.memory_space<vmem>> -> memref<1x128xi32, #tpu.memory_space<vmem>>
    %dma_wait3A_577 = tpu.memref_squeeze %dma_wait3A_576 : memref<1x128xi32, #tpu.memory_space<vmem>> -> memref<128xi32, #tpu.memory_space<vmem>>
    %dma_wait3A_578 = arith.constant 0 : i32
    %dma_wait3A_579 = arith.constant 0 : i32
    %dma_wait3A_580 = tpu.memref_slice %arg2[%dma_wait3A_578, %dma_wait3A_579] : memref<10000x128xf32, #tpu.memory_space<hbm>> -> memref<10000x128xf32, #tpu.memory_space<hbm>>
    tpu.wait_indirect_dma semaphore(%arg9 : memref<!tpu.dma_semaphore, #tpu.memory_space<semaphore_mem>>) src(%dma_wait3A_580 : memref<10000x128xf32, #tpu.memory_space<hbm>>) dst(%dma_wait3A_570 : memref<128x128xf32, #tpu.memory_space<vmem>>)
    %dma_start3A_581 = arith.constant 0 : i32
    %dma_start3A_582 = arith.constant 4 : i32
    %dma_start3A_583 = arith.constant 1 : i32
    %dma_start3A_584 = arith.constant 0 : i32
    %dma_start3A_585 = arith.constant 0 : i32
    %dma_start3A_586 = tpu.memref_slice %arg7[%dma_start3A_581, %dma_start3A_584, %dma_start3A_585] : memref<2x128x128xf32, #tpu.memory_space<vmem>> -> memref<1x128x128xf32, #tpu.memory_space<vmem>>
    %dma_start3A_587 = tpu.memref_squeeze %dma_start3A_586 : memref<1x128x128xf32, #tpu.memory_space<vmem>> -> memref<128x128xf32, #tpu.memory_space<vmem>>
    %dma_start3A_588 = arith.constant 0 : i32
    %dma_start3A_589 = arith.constant 0 : i32
    %dma_start3A_590 = tpu.memref_slice %arg6[%dma_start3A_582, %dma_start3A_588, %dma_start3A_589] : memref<8x2x128xi32, #tpu.memory_space<vmem>> -> memref<1x2x128xi32, #tpu.memory_space<vmem>>
    %dma_start3A_591 = tpu.memref_squeeze %dma_start3A_590 : memref<1x2x128xi32, #tpu.memory_space<vmem>> -> memref<2x128xi32, #tpu.memory_space<vmem>>
    %dma_start3A_592 = arith.constant 0 : i32
    %dma_start3A_593 = tpu.memref_slice %dma_start3A_591[%dma_start3A_583, %dma_start3A_592] : memref<2x128xi32, #tpu.memory_space<vmem>> -> memref<1x128xi32, #tpu.memory_space<vmem>>
    %dma_start3A_594 = tpu.memref_squeeze %dma_start3A_593 : memref<1x128xi32, #tpu.memory_space<vmem>> -> memref<128xi32, #tpu.memory_space<vmem>>
    %dma_start3A_595 = arith.constant 0 : i32
    %dma_start3A_596 = arith.constant 0 : i32
    %dma_start3A_597 = tpu.memref_slice %arg8[%dma_start3A_595, %dma_start3A_596] : memref<10112x128xf32, #tpu.memory_space<vmem_shared>> -> memref<10112x128xf32, #tpu.memory_space<vmem_shared>>
    tpu.enqueue_indirect_dma source(%dma_start3A_587 : memref<128x128xf32, #tpu.memory_space<vmem>>) target(%dma_start3A_597 : memref<10112x128xf32, #tpu.memory_space<vmem_shared>>) offsets(%dma_start3A_594 : memref<128xi32, #tpu.memory_space<vmem>>) semaphore(%arg11 : memref<!tpu.dma_semaphore, #tpu.memory_space<semaphore_mem>>) {add = true}
    %dma_wait3A_598 = arith.constant 0 : i32
    %dma_wait3A_599 = arith.constant 0 : i32
    %dma_wait3A_600 = arith.constant 1 : i32
    %dma_wait3A_601 = arith.constant 0 : i32
    %dma_wait3A_602 = arith.constant 0 : i32
    %dma_wait3A_603 = tpu.memref_slice %arg7[%dma_wait3A_598, %dma_wait3A_601, %dma_wait3A_602] : memref<2x128x128xf32, #tpu.memory_space<vmem>> -> memref<1x128x128xf32, #tpu.memory_space<vmem>>
    %dma_wait3A_604 = tpu.memref_squeeze %dma_wait3A_603 : memref<1x128x128xf32, #tpu.memory_space<vmem>> -> memref<128x128xf32, #tpu.memory_space<vmem>>
    %dma_wait3A_605 = arith.constant 0 : i32
    %dma_wait3A_606 = arith.constant 0 : i32
    %dma_wait3A_607 = tpu.memref_slice %arg6[%dma_wait3A_599, %dma_wait3A_605, %dma_wait3A_606] : memref<8x2x128xi32, #tpu.memory_space<vmem>> -> memref<1x2x128xi32, #tpu.memory_space<vmem>>
    %dma_wait3A_608 = tpu.memref_squeeze %dma_wait3A_607 : memref<1x2x128xi32, #tpu.memory_space<vmem>> -> memref<2x128xi32, #tpu.memory_space<vmem>>
    %dma_wait3A_609 = arith.constant 0 : i32
    %dma_wait3A_610 = tpu.memref_slice %dma_wait3A_608[%dma_wait3A_600, %dma_wait3A_609] : memref<2x128xi32, #tpu.memory_space<vmem>> -> memref<1x128xi32, #tpu.memory_space<vmem>>
    %dma_wait3A_611 = tpu.memref_squeeze %dma_wait3A_610 : memref<1x128xi32, #tpu.memory_space<vmem>> -> memref<128xi32, #tpu.memory_space<vmem>>
    %dma_wait3A_612 = arith.constant 0 : i32
    %dma_wait3A_613 = arith.constant 0 : i32
    %dma_wait3A_614 = tpu.memref_slice %arg8[%dma_wait3A_612, %dma_wait3A_613] : memref<10112x128xf32, #tpu.memory_space<vmem_shared>> -> memref<10112x128xf32, #tpu.memory_space<vmem_shared>>
    tpu.wait_indirect_dma semaphore(%arg11 : memref<!tpu.dma_semaphore, #tpu.memory_space<semaphore_mem>>) src(%dma_wait3A_604 : memref<128x128xf32, #tpu.memory_space<vmem>>) dst(%dma_wait3A_614 : memref<10112x128xf32, #tpu.memory_space<vmem_shared>>)
    %dma_wait3A_615 = arith.constant 0 : i32
    %dma_wait3A_616 = arith.constant 6 : i32
    %dma_wait3A_617 = arith.constant 0 : i32
    %dma_wait3A_618 = arith.constant 0 : i32
    %dma_wait3A_619 = tpu.memref_slice %arg6[%dma_wait3A_616, %dma_wait3A_617, %dma_wait3A_618] : memref<8x2x128xi32, #tpu.memory_space<vmem>> -> memref<1x2x128xi32, #tpu.memory_space<vmem>>
    %dma_wait3A_620 = tpu.memref_squeeze %dma_wait3A_619 : memref<1x2x128xi32, #tpu.memory_space<vmem>> -> memref<2x128xi32, #tpu.memory_space<vmem>>
    %dma_wait3A_621 = arith.constant 0 : i32
    %dma_wait3A_622 = arith.constant 0 : i32
    %dma_wait3A_623 = tpu.memref_slice %arg3[%add3A, %dma_wait3A_615, %dma_wait3A_621, %dma_wait3A_622] : memref<32x80x2x128xi32, #tpu.memory_space<hbm>> -> memref<1x1x2x128xi32, #tpu.memory_space<hbm>>
    %dma_wait3A_624 = tpu.memref_squeeze %dma_wait3A_623 : memref<1x1x2x128xi32, #tpu.memory_space<hbm>> -> memref<2x128xi32, #tpu.memory_space<hbm>>
    %dma_wait3A_625 = arith.constant 0 : i32
    %dma_wait3A_626 = arith.constant 0 : i32
    %dma_wait3A_627 = tpu.memref_slice %arg6[%dma_wait3A_616, %dma_wait3A_625, %dma_wait3A_626] : memref<8x2x128xi32, #tpu.memory_space<vmem>> -> memref<1x2x128xi32, #tpu.memory_space<vmem>>
    %dma_wait3A_628 = tpu.memref_squeeze %dma_wait3A_627 : memref<1x2x128xi32, #tpu.memory_space<vmem>> -> memref<2x128xi32, #tpu.memory_space<vmem>>
    %dma_wait3A_629 = arith.constant 0 : i32
    %dma_wait3A_630 = arith.constant 0 : i32
    %dma_wait3A_631 = tpu.memref_slice %arg3[%add3A, %dma_wait3A_615, %dma_wait3A_629, %dma_wait3A_630] : memref<32x80x2x128xi32, #tpu.memory_space<hbm>> -> memref<1x1x2x128xi32, #tpu.memory_space<hbm>>
    %dma_wait3A_632 = tpu.memref_squeeze %dma_wait3A_631 : memref<1x1x2x128xi32, #tpu.memory_space<hbm>> -> memref<2x128xi32, #tpu.memory_space<hbm>>
    tpu.wait_dma2 semaphore(%arg19 : memref<!tpu.dma_semaphore, #tpu.memory_space<semaphore_mem>>) src(%dma_wait3A_632 : memref<2x128xi32, #tpu.memory_space<hbm>>) dst(%dma_wait3A_628 : memref<2x128xi32, #tpu.memory_space<vmem>>)
    %dma_start3A_633 = arith.constant 6 : i32
    %dma_start3A_634 = arith.constant 0 : i32
    %dma_start3A_635 = arith.constant 0 : i32
    %dma_start3A_636 = arith.constant 0 : i32
    %dma_start3A_637 = arith.constant 0 : i32
    %dma_start3A_638 = tpu.memref_slice %arg7[%dma_start3A_635, %dma_start3A_636, %dma_start3A_637] : memref<2x128x128xf32, #tpu.memory_space<vmem>> -> memref<1x128x128xf32, #tpu.memory_space<vmem>>
    %dma_start3A_639 = tpu.memref_squeeze %dma_start3A_638 : memref<1x128x128xf32, #tpu.memory_space<vmem>> -> memref<128x128xf32, #tpu.memory_space<vmem>>
    %dma_start3A_640 = arith.constant 0 : i32
    %dma_start3A_641 = arith.constant 0 : i32
    %dma_start3A_642 = tpu.memref_slice %arg6[%dma_start3A_633, %dma_start3A_640, %dma_start3A_641] : memref<8x2x128xi32, #tpu.memory_space<vmem>> -> memref<1x2x128xi32, #tpu.memory_space<vmem>>
    %dma_start3A_643 = tpu.memref_squeeze %dma_start3A_642 : memref<1x2x128xi32, #tpu.memory_space<vmem>> -> memref<2x128xi32, #tpu.memory_space<vmem>>
    %dma_start3A_644 = arith.constant 0 : i32
    %dma_start3A_645 = tpu.memref_slice %dma_start3A_643[%dma_start3A_634, %dma_start3A_644] : memref<2x128xi32, #tpu.memory_space<vmem>> -> memref<1x128xi32, #tpu.memory_space<vmem>>
    %dma_start3A_646 = tpu.memref_squeeze %dma_start3A_645 : memref<1x128xi32, #tpu.memory_space<vmem>> -> memref<128xi32, #tpu.memory_space<vmem>>
    %dma_start3A_647 = arith.constant 0 : i32
    %dma_start3A_648 = arith.constant 0 : i32
    %dma_start3A_649 = tpu.memref_slice %arg2[%dma_start3A_647, %dma_start3A_648] : memref<10000x128xf32, #tpu.memory_space<hbm>> -> memref<10000x128xf32, #tpu.memory_space<hbm>>
    tpu.enqueue_indirect_dma source(%dma_start3A_649 : memref<10000x128xf32, #tpu.memory_space<hbm>>) target(%dma_start3A_639 : memref<128x128xf32, #tpu.memory_space<vmem>>) offsets(%dma_start3A_646 : memref<128xi32, #tpu.memory_space<vmem>>) semaphore(%arg9 : memref<!tpu.dma_semaphore, #tpu.memory_space<semaphore_mem>>)
    %dma_wait3A_650 = arith.constant 0 : i32
    %dma_wait3A_651 = arith.constant 0 : i32
    %dma_wait3A_652 = arith.constant 1 : i32
    %dma_wait3A_653 = arith.constant 0 : i32
    %dma_wait3A_654 = arith.constant 0 : i32
    %dma_wait3A_655 = tpu.memref_slice %arg7[%dma_wait3A_652, %dma_wait3A_653, %dma_wait3A_654] : memref<2x128x128xf32, #tpu.memory_space<vmem>> -> memref<1x128x128xf32, #tpu.memory_space<vmem>>
    %dma_wait3A_656 = tpu.memref_squeeze %dma_wait3A_655 : memref<1x128x128xf32, #tpu.memory_space<vmem>> -> memref<128x128xf32, #tpu.memory_space<vmem>>
    %dma_wait3A_657 = arith.constant 0 : i32
    %dma_wait3A_658 = arith.constant 0 : i32
    %dma_wait3A_659 = tpu.memref_slice %arg6[%dma_wait3A_650, %dma_wait3A_657, %dma_wait3A_658] : memref<8x2x128xi32, #tpu.memory_space<vmem>> -> memref<1x2x128xi32, #tpu.memory_space<vmem>>
    %dma_wait3A_660 = tpu.memref_squeeze %dma_wait3A_659 : memref<1x2x128xi32, #tpu.memory_space<vmem>> -> memref<2x128xi32, #tpu.memory_space<vmem>>
    %dma_wait3A_661 = arith.constant 0 : i32
    %dma_wait3A_662 = tpu.memref_slice %dma_wait3A_660[%dma_wait3A_651, %dma_wait3A_661] : memref<2x128xi32, #tpu.memory_space<vmem>> -> memref<1x128xi32, #tpu.memory_space<vmem>>
    %dma_wait3A_663 = tpu.memref_squeeze %dma_wait3A_662 : memref<1x128xi32, #tpu.memory_space<vmem>> -> memref<128xi32, #tpu.memory_space<vmem>>
    %dma_wait3A_664 = arith.constant 0 : i32
    %dma_wait3A_665 = arith.constant 0 : i32
    %dma_wait3A_666 = tpu.memref_slice %arg2[%dma_wait3A_664, %dma_wait3A_665] : memref<10000x128xf32, #tpu.memory_space<hbm>> -> memref<10000x128xf32, #tpu.memory_space<hbm>>
    tpu.wait_indirect_dma semaphore(%arg10 : memref<!tpu.dma_semaphore, #tpu.memory_space<semaphore_mem>>) src(%dma_wait3A_666 : memref<10000x128xf32, #tpu.memory_space<hbm>>) dst(%dma_wait3A_656 : memref<128x128xf32, #tpu.memory_space<vmem>>)
    %dma_start3A_667 = arith.constant 1 : i32
    %dma_start3A_668 = arith.constant 5 : i32
    %dma_start3A_669 = arith.constant 1 : i32
    %dma_start3A_670 = arith.constant 0 : i32
    %dma_start3A_671 = arith.constant 0 : i32
    %dma_start3A_672 = tpu.memref_slice %arg7[%dma_start3A_667, %dma_start3A_670, %dma_start3A_671] : memref<2x128x128xf32, #tpu.memory_space<vmem>> -> memref<1x128x128xf32, #tpu.memory_space<vmem>>
    %dma_start3A_673 = tpu.memref_squeeze %dma_start3A_672 : memref<1x128x128xf32, #tpu.memory_space<vmem>> -> memref<128x128xf32, #tpu.memory_space<vmem>>
    %dma_start3A_674 = arith.constant 0 : i32
    %dma_start3A_675 = arith.constant 0 : i32
    %dma_start3A_676 = tpu.memref_slice %arg6[%dma_start3A_668, %dma_start3A_674, %dma_start3A_675] : memref<8x2x128xi32, #tpu.memory_space<vmem>> -> memref<1x2x128xi32, #tpu.memory_space<vmem>>
    %dma_start3A_677 = tpu.memref_squeeze %dma_start3A_676 : memref<1x2x128xi32, #tpu.memory_space<vmem>> -> memref<2x128xi32, #tpu.memory_space<vmem>>
    %dma_start3A_678 = arith.constant 0 : i32
    %dma_start3A_679 = tpu.memref_slice %dma_start3A_677[%dma_start3A_669, %dma_start3A_678] : memref<2x128xi32, #tpu.memory_space<vmem>> -> memref<1x128xi32, #tpu.memory_space<vmem>>
    %dma_start3A_680 = tpu.memref_squeeze %dma_start3A_679 : memref<1x128xi32, #tpu.memory_space<vmem>> -> memref<128xi32, #tpu.memory_space<vmem>>
    %dma_start3A_681 = arith.constant 0 : i32
    %dma_start3A_682 = arith.constant 0 : i32
    %dma_start3A_683 = tpu.memref_slice %arg8[%dma_start3A_681, %dma_start3A_682] : memref<10112x128xf32, #tpu.memory_space<vmem_shared>> -> memref<10112x128xf32, #tpu.memory_space<vmem_shared>>
    tpu.enqueue_indirect_dma source(%dma_start3A_673 : memref<128x128xf32, #tpu.memory_space<vmem>>) target(%dma_start3A_683 : memref<10112x128xf32, #tpu.memory_space<vmem_shared>>) offsets(%dma_start3A_680 : memref<128xi32, #tpu.memory_space<vmem>>) semaphore(%arg12 : memref<!tpu.dma_semaphore, #tpu.memory_space<semaphore_mem>>) {add = true}
    %dma_wait3A_684 = arith.constant 1 : i32
    %dma_wait3A_685 = arith.constant 0 : i32
    %dma_wait3A_686 = arith.constant 1 : i32
    %dma_wait3A_687 = arith.constant 0 : i32
    %dma_wait3A_688 = arith.constant 0 : i32
    %dma_wait3A_689 = tpu.memref_slice %arg7[%dma_wait3A_684, %dma_wait3A_687, %dma_wait3A_688] : memref<2x128x128xf32, #tpu.memory_space<vmem>> -> memref<1x128x128xf32, #tpu.memory_space<vmem>>
    %dma_wait3A_690 = tpu.memref_squeeze %dma_wait3A_689 : memref<1x128x128xf32, #tpu.memory_space<vmem>> -> memref<128x128xf32, #tpu.memory_space<vmem>>
    %dma_wait3A_691 = arith.constant 0 : i32
    %dma_wait3A_692 = arith.constant 0 : i32
    %dma_wait3A_693 = tpu.memref_slice %arg6[%dma_wait3A_685, %dma_wait3A_691, %dma_wait3A_692] : memref<8x2x128xi32, #tpu.memory_space<vmem>> -> memref<1x2x128xi32, #tpu.memory_space<vmem>>
    %dma_wait3A_694 = tpu.memref_squeeze %dma_wait3A_693 : memref<1x2x128xi32, #tpu.memory_space<vmem>> -> memref<2x128xi32, #tpu.memory_space<vmem>>
    %dma_wait3A_695 = arith.constant 0 : i32
    %dma_wait3A_696 = tpu.memref_slice %dma_wait3A_694[%dma_wait3A_686, %dma_wait3A_695] : memref<2x128xi32, #tpu.memory_space<vmem>> -> memref<1x128xi32, #tpu.memory_space<vmem>>
    %dma_wait3A_697 = tpu.memref_squeeze %dma_wait3A_696 : memref<1x128xi32, #tpu.memory_space<vmem>> -> memref<128xi32, #tpu.memory_space<vmem>>
    %dma_wait3A_698 = arith.constant 0 : i32
    %dma_wait3A_699 = arith.constant 0 : i32
    %dma_wait3A_700 = tpu.memref_slice %arg8[%dma_wait3A_698, %dma_wait3A_699] : memref<10112x128xf32, #tpu.memory_space<vmem_shared>> -> memref<10112x128xf32, #tpu.memory_space<vmem_shared>>
    tpu.wait_indirect_dma semaphore(%arg12 : memref<!tpu.dma_semaphore, #tpu.memory_space<semaphore_mem>>) src(%dma_wait3A_690 : memref<128x128xf32, #tpu.memory_space<vmem>>) dst(%dma_wait3A_700 : memref<10112x128xf32, #tpu.memory_space<vmem_shared>>)
    %dma_wait3A_701 = arith.constant 0 : i32
    %dma_wait3A_702 = arith.constant 7 : i32
    %dma_wait3A_703 = arith.constant 0 : i32
    %dma_wait3A_704 = arith.constant 0 : i32
    %dma_wait3A_705 = tpu.memref_slice %arg6[%dma_wait3A_702, %dma_wait3A_703, %dma_wait3A_704] : memref<8x2x128xi32, #tpu.memory_space<vmem>> -> memref<1x2x128xi32, #tpu.memory_space<vmem>>
    %dma_wait3A_706 = tpu.memref_squeeze %dma_wait3A_705 : memref<1x2x128xi32, #tpu.memory_space<vmem>> -> memref<2x128xi32, #tpu.memory_space<vmem>>
    %dma_wait3A_707 = arith.constant 0 : i32
    %dma_wait3A_708 = arith.constant 0 : i32
    %dma_wait3A_709 = tpu.memref_slice %arg3[%add3A, %dma_wait3A_701, %dma_wait3A_707, %dma_wait3A_708] : memref<32x80x2x128xi32, #tpu.memory_space<hbm>> -> memref<1x1x2x128xi32, #tpu.memory_space<hbm>>
    %dma_wait3A_710 = tpu.memref_squeeze %dma_wait3A_709 : memref<1x1x2x128xi32, #tpu.memory_space<hbm>> -> memref<2x128xi32, #tpu.memory_space<hbm>>
    %dma_wait3A_711 = arith.constant 0 : i32
    %dma_wait3A_712 = arith.constant 0 : i32
    %dma_wait3A_713 = tpu.memref_slice %arg6[%dma_wait3A_702, %dma_wait3A_711, %dma_wait3A_712] : memref<8x2x128xi32, #tpu.memory_space<vmem>> -> memref<1x2x128xi32, #tpu.memory_space<vmem>>
    %dma_wait3A_714 = tpu.memref_squeeze %dma_wait3A_713 : memref<1x2x128xi32, #tpu.memory_space<vmem>> -> memref<2x128xi32, #tpu.memory_space<vmem>>
    %dma_wait3A_715 = arith.constant 0 : i32
    %dma_wait3A_716 = arith.constant 0 : i32
    %dma_wait3A_717 = tpu.memref_slice %arg3[%add3A, %dma_wait3A_701, %dma_wait3A_715, %dma_wait3A_716] : memref<32x80x2x128xi32, #tpu.memory_space<hbm>> -> memref<1x1x2x128xi32, #tpu.memory_space<hbm>>
    %dma_wait3A_718 = tpu.memref_squeeze %dma_wait3A_717 : memref<1x1x2x128xi32, #tpu.memory_space<hbm>> -> memref<2x128xi32, #tpu.memory_space<hbm>>
    tpu.wait_dma2 semaphore(%arg20 : memref<!tpu.dma_semaphore, #tpu.memory_space<semaphore_mem>>) src(%dma_wait3A_718 : memref<2x128xi32, #tpu.memory_space<hbm>>) dst(%dma_wait3A_714 : memref<2x128xi32, #tpu.memory_space<vmem>>)
    %dma_start3A_719 = arith.constant 7 : i32
    %dma_start3A_720 = arith.constant 0 : i32
    %dma_start3A_721 = arith.constant 1 : i32
    %dma_start3A_722 = arith.constant 0 : i32
    %dma_start3A_723 = arith.constant 0 : i32
    %dma_start3A_724 = tpu.memref_slice %arg7[%dma_start3A_721, %dma_start3A_722, %dma_start3A_723] : memref<2x128x128xf32, #tpu.memory_space<vmem>> -> memref<1x128x128xf32, #tpu.memory_space<vmem>>
    %dma_start3A_725 = tpu.memref_squeeze %dma_start3A_724 : memref<1x128x128xf32, #tpu.memory_space<vmem>> -> memref<128x128xf32, #tpu.memory_space<vmem>>
    %dma_start3A_726 = arith.constant 0 : i32
    %dma_start3A_727 = arith.constant 0 : i32
    %dma_start3A_728 = tpu.memref_slice %arg6[%dma_start3A_719, %dma_start3A_726, %dma_start3A_727] : memref<8x2x128xi32, #tpu.memory_space<vmem>> -> memref<1x2x128xi32, #tpu.memory_space<vmem>>
    %dma_start3A_729 = tpu.memref_squeeze %dma_start3A_728 : memref<1x2x128xi32, #tpu.memory_space<vmem>> -> memref<2x128xi32, #tpu.memory_space<vmem>>
    %dma_start3A_730 = arith.constant 0 : i32
    %dma_start3A_731 = tpu.memref_slice %dma_start3A_729[%dma_start3A_720, %dma_start3A_730] : memref<2x128xi32, #tpu.memory_space<vmem>> -> memref<1x128xi32, #tpu.memory_space<vmem>>
    %dma_start3A_732 = tpu.memref_squeeze %dma_start3A_731 : memref<1x128xi32, #tpu.memory_space<vmem>> -> memref<128xi32, #tpu.memory_space<vmem>>
    %dma_start3A_733 = arith.constant 0 : i32
    %dma_start3A_734 = arith.constant 0 : i32
    %dma_start3A_735 = tpu.memref_slice %arg2[%dma_start3A_733, %dma_start3A_734] : memref<10000x128xf32, #tpu.memory_space<hbm>> -> memref<10000x128xf32, #tpu.memory_space<hbm>>
    tpu.enqueue_indirect_dma source(%dma_start3A_735 : memref<10000x128xf32, #tpu.memory_space<hbm>>) target(%dma_start3A_725 : memref<128x128xf32, #tpu.memory_space<vmem>>) offsets(%dma_start3A_732 : memref<128xi32, #tpu.memory_space<vmem>>) semaphore(%arg10 : memref<!tpu.dma_semaphore, #tpu.memory_space<semaphore_mem>>)
    %dma_wait3A_736 = arith.constant 0 : i32
    %dma_wait3A_737 = arith.constant 0 : i32
    %dma_wait3A_738 = arith.constant 0 : i32
    %dma_wait3A_739 = arith.constant 0 : i32
    %dma_wait3A_740 = arith.constant 0 : i32
    %dma_wait3A_741 = tpu.memref_slice %arg7[%dma_wait3A_738, %dma_wait3A_739, %dma_wait3A_740] : memref<2x128x128xf32, #tpu.memory_space<vmem>> -> memref<1x128x128xf32, #tpu.memory_space<vmem>>
    %dma_wait3A_742 = tpu.memref_squeeze %dma_wait3A_741 : memref<1x128x128xf32, #tpu.memory_space<vmem>> -> memref<128x128xf32, #tpu.memory_space<vmem>>
    %dma_wait3A_743 = arith.constant 0 : i32
    %dma_wait3A_744 = arith.constant 0 : i32
    %dma_wait3A_745 = tpu.memref_slice %arg6[%dma_wait3A_736, %dma_wait3A_743, %dma_wait3A_744] : memref<8x2x128xi32, #tpu.memory_space<vmem>> -> memref<1x2x128xi32, #tpu.memory_space<vmem>>
    %dma_wait3A_746 = tpu.memref_squeeze %dma_wait3A_745 : memref<1x2x128xi32, #tpu.memory_space<vmem>> -> memref<2x128xi32, #tpu.memory_space<vmem>>
    %dma_wait3A_747 = arith.constant 0 : i32
    %dma_wait3A_748 = tpu.memref_slice %dma_wait3A_746[%dma_wait3A_737, %dma_wait3A_747] : memref<2x128xi32, #tpu.memory_space<vmem>> -> memref<1x128xi32, #tpu.memory_space<vmem>>
    %dma_wait3A_749 = tpu.memref_squeeze %dma_wait3A_748 : memref<1x128xi32, #tpu.memory_space<vmem>> -> memref<128xi32, #tpu.memory_space<vmem>>
    %dma_wait3A_750 = arith.constant 0 : i32
    %dma_wait3A_751 = arith.constant 0 : i32
    %dma_wait3A_752 = tpu.memref_slice %arg2[%dma_wait3A_750, %dma_wait3A_751] : memref<10000x128xf32, #tpu.memory_space<hbm>> -> memref<10000x128xf32, #tpu.memory_space<hbm>>
    tpu.wait_indirect_dma semaphore(%arg9 : memref<!tpu.dma_semaphore, #tpu.memory_space<semaphore_mem>>) src(%dma_wait3A_752 : memref<10000x128xf32, #tpu.memory_space<hbm>>) dst(%dma_wait3A_742 : memref<128x128xf32, #tpu.memory_space<vmem>>)
    %dma_start3A_753 = arith.constant 0 : i32
    %dma_start3A_754 = arith.constant 6 : i32
    %dma_start3A_755 = arith.constant 1 : i32
    %dma_start3A_756 = arith.constant 0 : i32
    %dma_start3A_757 = arith.constant 0 : i32
    %dma_start3A_758 = tpu.memref_slice %arg7[%dma_start3A_753, %dma_start3A_756, %dma_start3A_757] : memref<2x128x128xf32, #tpu.memory_space<vmem>> -> memref<1x128x128xf32, #tpu.memory_space<vmem>>
    %dma_start3A_759 = tpu.memref_squeeze %dma_start3A_758 : memref<1x128x128xf32, #tpu.memory_space<vmem>> -> memref<128x128xf32, #tpu.memory_space<vmem>>
    %dma_start3A_760 = arith.constant 0 : i32
    %dma_start3A_761 = arith.constant 0 : i32
    %dma_start3A_762 = tpu.memref_slice %arg6[%dma_start3A_754, %dma_start3A_760, %dma_start3A_761] : memref<8x2x128xi32, #tpu.memory_space<vmem>> -> memref<1x2x128xi32, #tpu.memory_space<vmem>>
    %dma_start3A_763 = tpu.memref_squeeze %dma_start3A_762 : memref<1x2x128xi32, #tpu.memory_space<vmem>> -> memref<2x128xi32, #tpu.memory_space<vmem>>
    %dma_start3A_764 = arith.constant 0 : i32
    %dma_start3A_765 = tpu.memref_slice %dma_start3A_763[%dma_start3A_755, %dma_start3A_764] : memref<2x128xi32, #tpu.memory_space<vmem>> -> memref<1x128xi32, #tpu.memory_space<vmem>>
    %dma_start3A_766 = tpu.memref_squeeze %dma_start3A_765 : memref<1x128xi32, #tpu.memory_space<vmem>> -> memref<128xi32, #tpu.memory_space<vmem>>
    %dma_start3A_767 = arith.constant 0 : i32
    %dma_start3A_768 = arith.constant 0 : i32
    %dma_start3A_769 = tpu.memref_slice %arg8[%dma_start3A_767, %dma_start3A_768] : memref<10112x128xf32, #tpu.memory_space<vmem_shared>> -> memref<10112x128xf32, #tpu.memory_space<vmem_shared>>
    tpu.enqueue_indirect_dma source(%dma_start3A_759 : memref<128x128xf32, #tpu.memory_space<vmem>>) target(%dma_start3A_769 : memref<10112x128xf32, #tpu.memory_space<vmem_shared>>) offsets(%dma_start3A_766 : memref<128xi32, #tpu.memory_space<vmem>>) semaphore(%arg11 : memref<!tpu.dma_semaphore, #tpu.memory_space<semaphore_mem>>) {add = true}
    %dma_wait3A_770 = arith.constant 0 : i32
    %dma_wait3A_771 = arith.constant 0 : i32
    %dma_wait3A_772 = arith.constant 1 : i32
    %dma_wait3A_773 = arith.constant 0 : i32
    %dma_wait3A_774 = arith.constant 0 : i32
    %dma_wait3A_775 = tpu.memref_slice %arg7[%dma_wait3A_770, %dma_wait3A_773, %dma_wait3A_774] : memref<2x128x128xf32, #tpu.memory_space<vmem>> -> memref<1x128x128xf32, #tpu.memory_space<vmem>>
    %dma_wait3A_776 = tpu.memref_squeeze %dma_wait3A_775 : memref<1x128x128xf32, #tpu.memory_space<vmem>> -> memref<128x128xf32, #tpu.memory_space<vmem>>
    %dma_wait3A_777 = arith.constant 0 : i32
    %dma_wait3A_778 = arith.constant 0 : i32
    %dma_wait3A_779 = tpu.memref_slice %arg6[%dma_wait3A_771, %dma_wait3A_777, %dma_wait3A_778] : memref<8x2x128xi32, #tpu.memory_space<vmem>> -> memref<1x2x128xi32, #tpu.memory_space<vmem>>
    %dma_wait3A_780 = tpu.memref_squeeze %dma_wait3A_779 : memref<1x2x128xi32, #tpu.memory_space<vmem>> -> memref<2x128xi32, #tpu.memory_space<vmem>>
    %dma_wait3A_781 = arith.constant 0 : i32
    %dma_wait3A_782 = tpu.memref_slice %dma_wait3A_780[%dma_wait3A_772, %dma_wait3A_781] : memref<2x128xi32, #tpu.memory_space<vmem>> -> memref<1x128xi32, #tpu.memory_space<vmem>>
    %dma_wait3A_783 = tpu.memref_squeeze %dma_wait3A_782 : memref<1x128xi32, #tpu.memory_space<vmem>> -> memref<128xi32, #tpu.memory_space<vmem>>
    %dma_wait3A_784 = arith.constant 0 : i32
    %dma_wait3A_785 = arith.constant 0 : i32
    %dma_wait3A_786 = tpu.memref_slice %arg8[%dma_wait3A_784, %dma_wait3A_785] : memref<10112x128xf32, #tpu.memory_space<vmem_shared>> -> memref<10112x128xf32, #tpu.memory_space<vmem_shared>>
    tpu.wait_indirect_dma semaphore(%arg11 : memref<!tpu.dma_semaphore, #tpu.memory_space<semaphore_mem>>) src(%dma_wait3A_776 : memref<128x128xf32, #tpu.memory_space<vmem>>) dst(%dma_wait3A_786 : memref<10112x128xf32, #tpu.memory_space<vmem_shared>>)
    %dma_wait3A_787 = arith.constant 0 : i32
    %dma_wait3A_788 = arith.constant 0 : i32
    %dma_wait3A_789 = arith.constant 1 : i32
    %dma_wait3A_790 = arith.constant 0 : i32
    %dma_wait3A_791 = arith.constant 0 : i32
    %dma_wait3A_792 = tpu.memref_slice %arg7[%dma_wait3A_789, %dma_wait3A_790, %dma_wait3A_791] : memref<2x128x128xf32, #tpu.memory_space<vmem>> -> memref<1x128x128xf32, #tpu.memory_space<vmem>>
    %dma_wait3A_793 = tpu.memref_squeeze %dma_wait3A_792 : memref<1x128x128xf32, #tpu.memory_space<vmem>> -> memref<128x128xf32, #tpu.memory_space<vmem>>
    %dma_wait3A_794 = arith.constant 0 : i32
    %dma_wait3A_795 = arith.constant 0 : i32
    %dma_wait3A_796 = tpu.memref_slice %arg6[%dma_wait3A_787, %dma_wait3A_794, %dma_wait3A_795] : memref<8x2x128xi32, #tpu.memory_space<vmem>> -> memref<1x2x128xi32, #tpu.memory_space<vmem>>
    %dma_wait3A_797 = tpu.memref_squeeze %dma_wait3A_796 : memref<1x2x128xi32, #tpu.memory_space<vmem>> -> memref<2x128xi32, #tpu.memory_space<vmem>>
    %dma_wait3A_798 = arith.constant 0 : i32
    %dma_wait3A_799 = tpu.memref_slice %dma_wait3A_797[%dma_wait3A_788, %dma_wait3A_798] : memref<2x128xi32, #tpu.memory_space<vmem>> -> memref<1x128xi32, #tpu.memory_space<vmem>>
    %dma_wait3A_800 = tpu.memref_squeeze %dma_wait3A_799 : memref<1x128xi32, #tpu.memory_space<vmem>> -> memref<128xi32, #tpu.memory_space<vmem>>
    %dma_wait3A_801 = arith.constant 0 : i32
    %dma_wait3A_802 = arith.constant 0 : i32
    %dma_wait3A_803 = tpu.memref_slice %arg2[%dma_wait3A_801, %dma_wait3A_802] : memref<10000x128xf32, #tpu.memory_space<hbm>> -> memref<10000x128xf32, #tpu.memory_space<hbm>>
    tpu.wait_indirect_dma semaphore(%arg10 : memref<!tpu.dma_semaphore, #tpu.memory_space<semaphore_mem>>) src(%dma_wait3A_803 : memref<10000x128xf32, #tpu.memory_space<hbm>>) dst(%dma_wait3A_793 : memref<128x128xf32, #tpu.memory_space<vmem>>)
    %dma_start3A_804 = arith.constant 1 : i32
    %dma_start3A_805 = arith.constant 7 : i32
    %dma_start3A_806 = arith.constant 1 : i32
    %dma_start3A_807 = arith.constant 0 : i32
    %dma_start3A_808 = arith.constant 0 : i32
    %dma_start3A_809 = tpu.memref_slice %arg7[%dma_start3A_804, %dma_start3A_807, %dma_start3A_808] : memref<2x128x128xf32, #tpu.memory_space<vmem>> -> memref<1x128x128xf32, #tpu.memory_space<vmem>>
    %dma_start3A_810 = tpu.memref_squeeze %dma_start3A_809 : memref<1x128x128xf32, #tpu.memory_space<vmem>> -> memref<128x128xf32, #tpu.memory_space<vmem>>
    %dma_start3A_811 = arith.constant 0 : i32
    %dma_start3A_812 = arith.constant 0 : i32
    %dma_start3A_813 = tpu.memref_slice %arg6[%dma_start3A_805, %dma_start3A_811, %dma_start3A_812] : memref<8x2x128xi32, #tpu.memory_space<vmem>> -> memref<1x2x128xi32, #tpu.memory_space<vmem>>
    %dma_start3A_814 = tpu.memref_squeeze %dma_start3A_813 : memref<1x2x128xi32, #tpu.memory_space<vmem>> -> memref<2x128xi32, #tpu.memory_space<vmem>>
    %dma_start3A_815 = arith.constant 0 : i32
    %dma_start3A_816 = tpu.memref_slice %dma_start3A_814[%dma_start3A_806, %dma_start3A_815] : memref<2x128xi32, #tpu.memory_space<vmem>> -> memref<1x128xi32, #tpu.memory_space<vmem>>
    %dma_start3A_817 = tpu.memref_squeeze %dma_start3A_816 : memref<1x128xi32, #tpu.memory_space<vmem>> -> memref<128xi32, #tpu.memory_space<vmem>>
    %dma_start3A_818 = arith.constant 0 : i32
    %dma_start3A_819 = arith.constant 0 : i32
    %dma_start3A_820 = tpu.memref_slice %arg8[%dma_start3A_818, %dma_start3A_819] : memref<10112x128xf32, #tpu.memory_space<vmem_shared>> -> memref<10112x128xf32, #tpu.memory_space<vmem_shared>>
    tpu.enqueue_indirect_dma source(%dma_start3A_810 : memref<128x128xf32, #tpu.memory_space<vmem>>) target(%dma_start3A_820 : memref<10112x128xf32, #tpu.memory_space<vmem_shared>>) offsets(%dma_start3A_817 : memref<128xi32, #tpu.memory_space<vmem>>) semaphore(%arg12 : memref<!tpu.dma_semaphore, #tpu.memory_space<semaphore_mem>>) {add = true}
    %dma_wait3A_821 = arith.constant 1 : i32
    %dma_wait3A_822 = arith.constant 0 : i32
    %dma_wait3A_823 = arith.constant 1 : i32
    %dma_wait3A_824 = arith.constant 0 : i32
    %dma_wait3A_825 = arith.constant 0 : i32
    %dma_wait3A_826 = tpu.memref_slice %arg7[%dma_wait3A_821, %dma_wait3A_824, %dma_wait3A_825] : memref<2x128x128xf32, #tpu.memory_space<vmem>> -> memref<1x128x128xf32, #tpu.memory_space<vmem>>
    %dma_wait3A_827 = tpu.memref_squeeze %dma_wait3A_826 : memref<1x128x128xf32, #tpu.memory_space<vmem>> -> memref<128x128xf32, #tpu.memory_space<vmem>>
    %dma_wait3A_828 = arith.constant 0 : i32
    %dma_wait3A_829 = arith.constant 0 : i32
    %dma_wait3A_830 = tpu.memref_slice %arg6[%dma_wait3A_822, %dma_wait3A_828, %dma_wait3A_829] : memref<8x2x128xi32, #tpu.memory_space<vmem>> -> memref<1x2x128xi32, #tpu.memory_space<vmem>>
    %dma_wait3A_831 = tpu.memref_squeeze %dma_wait3A_830 : memref<1x2x128xi32, #tpu.memory_space<vmem>> -> memref<2x128xi32, #tpu.memory_space<vmem>>
    %dma_wait3A_832 = arith.constant 0 : i32
    %dma_wait3A_833 = tpu.memref_slice %dma_wait3A_831[%dma_wait3A_823, %dma_wait3A_832] : memref<2x128xi32, #tpu.memory_space<vmem>> -> memref<1x128xi32, #tpu.memory_space<vmem>>
    %dma_wait3A_834 = tpu.memref_squeeze %dma_wait3A_833 : memref<1x128xi32, #tpu.memory_space<vmem>> -> memref<128xi32, #tpu.memory_space<vmem>>
    %dma_wait3A_835 = arith.constant 0 : i32
    %dma_wait3A_836 = arith.constant 0 : i32
    %dma_wait3A_837 = tpu.memref_slice %arg8[%dma_wait3A_835, %dma_wait3A_836] : memref<10112x128xf32, #tpu.memory_space<vmem_shared>> -> memref<10112x128xf32, #tpu.memory_space<vmem_shared>>
    tpu.wait_indirect_dma semaphore(%arg12 : memref<!tpu.dma_semaphore, #tpu.memory_space<semaphore_mem>>) src(%dma_wait3A_827 : memref<128x128xf32, #tpu.memory_space<vmem>>) dst(%dma_wait3A_837 : memref<10112x128xf32, #tpu.memory_space<vmem_shared>>)
    %barrier3A_838 = arith.constant 0 : index
    tpu.barrier barrier_id(%barrier3A_838)
    %mul3A_839 = arith.constant 632 : i32
    %mul3A_840 = arith.muli %arg1, %mul3A_839 : i32
    %mul3A_841 = arith.constant 632 : i32
    %mul3A_842 = arith.muli %arg1, %mul3A_841 : i32
    "tpu.region"() ({
      %run_scoped3A = tpu.sem_alloc : memref<!tpu.dma_semaphore, #tpu.memory_space<semaphore_mem>>
      %dma_start3A_843 = arith.constant 0 : i32
      %dma_start3A_844 = tpu.memref_slice %arg5[%arg0, %mul3A_842, %dma_start3A_843] : memref<2x10112x128xf32, #tpu.memory_space<hbm>> -> memref<1x632x128xf32, #tpu.memory_space<hbm>>
      %dma_start3A_845 = tpu.memref_squeeze %dma_start3A_844 : memref<1x632x128xf32, #tpu.memory_space<hbm>> -> memref<632x128xf32, #tpu.memory_space<hbm>>
      %dma_start3A_846 = arith.constant 0 : i32
      %dma_start3A_847 = tpu.memref_slice %arg8[%mul3A_840, %dma_start3A_846] : memref<10112x128xf32, #tpu.memory_space<vmem_shared>> -> memref<632x128xf32, #tpu.memory_space<vmem_shared>>
      tpu.enqueue_dma source(%dma_start3A_847 : memref<632x128xf32, #tpu.memory_space<vmem_shared>>) target(%dma_start3A_845 : memref<632x128xf32, #tpu.memory_space<hbm>>) target_semaphore(%run_scoped3A : memref<!tpu.dma_semaphore, #tpu.memory_space<semaphore_mem>>)
      %dma_wait3A_848 = arith.constant 0 : i32
      %dma_wait3A_849 = tpu.memref_slice %arg5[%arg0, %mul3A_842, %dma_wait3A_848] : memref<2x10112x128xf32, #tpu.memory_space<hbm>> -> memref<1x632x128xf32, #tpu.memory_space<hbm>>
      %dma_wait3A_850 = tpu.memref_squeeze %dma_wait3A_849 : memref<1x632x128xf32, #tpu.memory_space<hbm>> -> memref<632x128xf32, #tpu.memory_space<hbm>>
      %dma_wait3A_851 = arith.constant 0 : i32
      %dma_wait3A_852 = tpu.memref_slice %arg8[%mul3A_840, %dma_wait3A_851] : memref<10112x128xf32, #tpu.memory_space<vmem_shared>> -> memref<632x128xf32, #tpu.memory_space<vmem_shared>>
      tpu.wait_dma2 semaphore(%run_scoped3A : memref<!tpu.dma_semaphore, #tpu.memory_space<semaphore_mem>>) src(%dma_wait3A_852 : memref<632x128xf32, #tpu.memory_space<vmem_shared>>) dst(%dma_wait3A_850 : memref<632x128xf32, #tpu.memory_space<hbm>>)
      tpu.yield
    }) : () -> ()
    return
  }
}

#map = affine_map<(d0, d1) -> (0, 0)>
#map1 = affine_map<(d0, d1) -> (0, 0, 0, 0)>
#map2 = affine_map<(d0, d1) -> (0, 0, 0)>
module attributes {stable_mosaic.version = 14 : i64} {
  func.func @agg(%arg0: i32, %arg1: i32, %arg2: memref<10000x128xf32, #tpu.memory_space<hbm>>, %arg3: memref<32x80x2x128xi32, #tpu.memory_space<hbm>>, %arg4: memref<632x128xf32, #tpu.memory_space<hbm>>, %arg5: memref<2x10112x128xf32, #tpu.memory_space<hbm>>, %arg6: memref<8x2x128xi32, #tpu.memory_space<vmem>>, %arg7: memref<2x128x128xf32, #tpu.memory_space<vmem>>, %arg8: memref<10112x128xf32, #tpu.memory_space<vmem_shared>>, %arg9: memref<!tpu.dma_semaphore, #tpu.memory_space<semaphore_mem>>, %arg10: memref<!tpu.dma_semaphore, #tpu.memory_space<semaphore_mem>>, %arg11: memref<!tpu.dma_semaphore, #tpu.memory_space<semaphore_mem>>, %arg12: memref<!tpu.dma_semaphore, #tpu.memory_space<semaphore_mem>>, %arg13: memref<!tpu.dma_semaphore, #tpu.memory_space<semaphore_mem>>, %arg14: memref<!tpu.dma_semaphore, #tpu.memory_space<semaphore_mem>>, %arg15: memref<!tpu.dma_semaphore, #tpu.memory_space<semaphore_mem>>, %arg16: memref<!tpu.dma_semaphore, #tpu.memory_space<semaphore_mem>>, %arg17: memref<!tpu.dma_semaphore, #tpu.memory_space<semaphore_mem>>, %arg18: memref<!tpu.dma_semaphore, #tpu.memory_space<semaphore_mem>>, %arg19: memref<!tpu.dma_semaphore, #tpu.memory_space<semaphore_mem>>, %arg20: memref<!tpu.dma_semaphore, #tpu.memory_space<semaphore_mem>>) attributes {dimension_semantics = [#tpu.dimension_semantics<core_parallel>, #tpu.dimension_semantics<subcore_parallel>], iteration_bounds = array<i64: 2, 16>, scalar_prefetch = 0 : i64, scratch_operands = 15 : i64, tpu.core_type = #tpu.core_type<sc_vector_subcore>, window_params = [{transform_indices = #map}, {transform_indices = #map1}, {transform_indices = #map}, {transform_indices = #map2}]} {
    %mul3A = arith.constant 2 : i32
    %mul3A_0 = arith.muli %arg1, %mul3A : i32
    %add3A = arith.addi %mul3A_0, %arg0 : i32
    %mul3A_1 = arith.constant 632 : i32
    %mul3A_2 = arith.muli %arg1, %mul3A_1 : i32
    "tpu.region"() ({
      %run_scoped3A = tpu.sem_alloc : memref<!tpu.dma_semaphore, #tpu.memory_space<semaphore_mem>>
      %dma_start3A_843 = arith.constant 0 : i32
      %dma_start3A_844 = tpu.memref_slice %arg8[%mul3A_2, %dma_start3A_843] : memref<10112x128xf32, #tpu.memory_space<vmem_shared>> -> memref<632x128xf32, #tpu.memory_space<vmem_shared>>
      tpu.enqueue_dma source(%arg4 : memref<632x128xf32, #tpu.memory_space<hbm>>) target(%dma_start3A_844 : memref<632x128xf32, #tpu.memory_space<vmem_shared>>) target_semaphore(%run_scoped3A : memref<!tpu.dma_semaphore, #tpu.memory_space<semaphore_mem>>)
      %dma_wait3A_845 = arith.constant 0 : i32
      %dma_wait3A_846 = tpu.memref_slice %arg8[%mul3A_2, %dma_wait3A_845] : memref<10112x128xf32, #tpu.memory_space<vmem_shared>> -> memref<632x128xf32, #tpu.memory_space<vmem_shared>>
      tpu.wait_dma2 semaphore(%run_scoped3A : memref<!tpu.dma_semaphore, #tpu.memory_space<semaphore_mem>>) src(%arg4 : memref<632x128xf32, #tpu.memory_space<hbm>>) dst(%dma_wait3A_846 : memref<632x128xf32, #tpu.memory_space<vmem_shared>>)
      tpu.yield
    }) : () -> ()
    %barrier3A = arith.constant 0 : index
    tpu.barrier barrier_id(%barrier3A)
    %dma_start3A = arith.constant 0 : i32
    %dma_start3A_3 = arith.constant 0 : i32
    %dma_start3A_4 = arith.constant 0 : i32
    %dma_start3A_5 = arith.constant 0 : i32
    %dma_start3A_6 = tpu.memref_slice %arg6[%dma_start3A_3, %dma_start3A_4, %dma_start3A_5] : memref<8x2x128xi32, #tpu.memory_space<vmem>> -> memref<1x2x128xi32, #tpu.memory_space<vmem>>
    %dma_start3A_7 = tpu.memref_squeeze %dma_start3A_6 : memref<1x2x128xi32, #tpu.memory_space<vmem>> -> memref<2x128xi32, #tpu.memory_space<vmem>>
    %dma_start3A_8 = arith.constant 0 : i32
    %dma_start3A_9 = arith.constant 0 : i32
    %dma_start3A_10 = tpu.memref_slice %arg3[%add3A, %dma_start3A, %dma_start3A_8, %dma_start3A_9] : memref<32x80x2x128xi32, #tpu.memory_space<hbm>> -> memref<1x1x2x128xi32, #tpu.memory_space<hbm>>
    %dma_start3A_11 = tpu.memref_squeeze %dma_start3A_10 : memref<1x1x2x128xi32, #tpu.memory_space<hbm>> -> memref<2x128xi32, #tpu.memory_space<hbm>>
    %dma_start3A_12 = arith.constant 0 : i32
    %dma_start3A_13 = arith.constant 0 : i32
    %dma_start3A_14 = tpu.memref_slice %arg6[%dma_start3A_3, %dma_start3A_12, %dma_start3A_13] : memref<8x2x128xi32, #tpu.memory_space<vmem>> -> memref<1x2x128xi32, #tpu.memory_space<vmem>>
    %dma_start3A_15 = tpu.memref_squeeze %dma_start3A_14 : memref<1x2x128xi32, #tpu.memory_space<vmem>> -> memref<2x128xi32, #tpu.memory_space<vmem>>
    %dma_start3A_16 = arith.constant 0 : i32
    %dma_start3A_17 = arith.constant 0 : i32
    %dma_start3A_18 = tpu.memref_slice %arg3[%add3A, %dma_start3A, %dma_start3A_16, %dma_start3A_17] : memref<32x80x2x128xi32, #tpu.memory_space<hbm>> -> memref<1x1x2x128xi32, #tpu.memory_space<hbm>>
    %dma_start3A_19 = tpu.memref_squeeze %dma_start3A_18 : memref<1x1x2x128xi32, #tpu.memory_space<hbm>> -> memref<2x128xi32, #tpu.memory_space<hbm>>
    tpu.enqueue_dma source(%dma_start3A_19 : memref<2x128xi32, #tpu.memory_space<hbm>>) target(%dma_start3A_15 : memref<2x128xi32, #tpu.memory_space<vmem>>) target_semaphore(%arg13 : memref<!tpu.dma_semaphore, #tpu.memory_space<semaphore_mem>>)
    %dma_start3A_20 = arith.constant 1 : i32
    %dma_start3A_21 = arith.constant 1 : i32
    %dma_start3A_22 = arith.constant 0 : i32
    %dma_start3A_23 = arith.constant 0 : i32
    %dma_start3A_24 = tpu.memref_slice %arg6[%dma_start3A_21, %dma_start3A_22, %dma_start3A_23] : memref<8x2x128xi32, #tpu.memory_space<vmem>> -> memref<1x2x128xi32, #tpu.memory_space<vmem>>
    %dma_start3A_25 = tpu.memref_squeeze %dma_start3A_24 : memref<1x2x128xi32, #tpu.memory_space<vmem>> -> memref<2x128xi32, #tpu.memory_space<vmem>>
    %dma_start3A_26 = arith.constant 0 : i32
    %dma_start3A_27 = arith.constant 0 : i32
    %dma_start3A_28 = tpu.memref_slice %arg3[%add3A, %dma_start3A_20, %dma_start3A_26, %dma_start3A_27] : memref<32x80x2x128xi32, #tpu.memory_space<hbm>> -> memref<1x1x2x128xi32, #tpu.memory_space<hbm>>
    %dma_start3A_29 = tpu.memref_squeeze %dma_start3A_28 : memref<1x1x2x128xi32, #tpu.memory_space<hbm>> -> memref<2x128xi32, #tpu.memory_space<hbm>>
    %dma_start3A_30 = arith.constant 0 : i32
    %dma_start3A_31 = arith.constant 0 : i32
    %dma_start3A_32 = tpu.memref_slice %arg6[%dma_start3A_21, %dma_start3A_30, %dma_start3A_31] : memref<8x2x128xi32, #tpu.memory_space<vmem>> -> memref<1x2x128xi32, #tpu.memory_space<vmem>>
    %dma_start3A_33 = tpu.memref_squeeze %dma_start3A_32 : memref<1x2x128xi32, #tpu.memory_space<vmem>> -> memref<2x128xi32, #tpu.memory_space<vmem>>
    %dma_start3A_34 = arith.constant 0 : i32
    %dma_start3A_35 = arith.constant 0 : i32
    %dma_start3A_36 = tpu.memref_slice %arg3[%add3A, %dma_start3A_20, %dma_start3A_34, %dma_start3A_35] : memref<32x80x2x128xi32, #tpu.memory_space<hbm>> -> memref<1x1x2x128xi32, #tpu.memory_space<hbm>>
    %dma_start3A_37 = tpu.memref_squeeze %dma_start3A_36 : memref<1x1x2x128xi32, #tpu.memory_space<hbm>> -> memref<2x128xi32, #tpu.memory_space<hbm>>
    tpu.enqueue_dma source(%dma_start3A_37 : memref<2x128xi32, #tpu.memory_space<hbm>>) target(%dma_start3A_33 : memref<2x128xi32, #tpu.memory_space<vmem>>) target_semaphore(%arg14 : memref<!tpu.dma_semaphore, #tpu.memory_space<semaphore_mem>>)
    %dma_start3A_38 = arith.constant 2 : i32
    %dma_start3A_39 = arith.constant 2 : i32
    %dma_start3A_40 = arith.constant 0 : i32
    %dma_start3A_41 = arith.constant 0 : i32
    %dma_start3A_42 = tpu.memref_slice %arg6[%dma_start3A_39, %dma_start3A_40, %dma_start3A_41] : memref<8x2x128xi32, #tpu.memory_space<vmem>> -> memref<1x2x128xi32, #tpu.memory_space<vmem>>
    %dma_start3A_43 = tpu.memref_squeeze %dma_start3A_42 : memref<1x2x128xi32, #tpu.memory_space<vmem>> -> memref<2x128xi32, #tpu.memory_space<vmem>>
    %dma_start3A_44 = arith.constant 0 : i32
    %dma_start3A_45 = arith.constant 0 : i32
    %dma_start3A_46 = tpu.memref_slice %arg3[%add3A, %dma_start3A_38, %dma_start3A_44, %dma_start3A_45] : memref<32x80x2x128xi32, #tpu.memory_space<hbm>> -> memref<1x1x2x128xi32, #tpu.memory_space<hbm>>
    %dma_start3A_47 = tpu.memref_squeeze %dma_start3A_46 : memref<1x1x2x128xi32, #tpu.memory_space<hbm>> -> memref<2x128xi32, #tpu.memory_space<hbm>>
    %dma_start3A_48 = arith.constant 0 : i32
    %dma_start3A_49 = arith.constant 0 : i32
    %dma_start3A_50 = tpu.memref_slice %arg6[%dma_start3A_39, %dma_start3A_48, %dma_start3A_49] : memref<8x2x128xi32, #tpu.memory_space<vmem>> -> memref<1x2x128xi32, #tpu.memory_space<vmem>>
    %dma_start3A_51 = tpu.memref_squeeze %dma_start3A_50 : memref<1x2x128xi32, #tpu.memory_space<vmem>> -> memref<2x128xi32, #tpu.memory_space<vmem>>
    %dma_start3A_52 = arith.constant 0 : i32
    %dma_start3A_53 = arith.constant 0 : i32
    %dma_start3A_54 = tpu.memref_slice %arg3[%add3A, %dma_start3A_38, %dma_start3A_52, %dma_start3A_53] : memref<32x80x2x128xi32, #tpu.memory_space<hbm>> -> memref<1x1x2x128xi32, #tpu.memory_space<hbm>>
    %dma_start3A_55 = tpu.memref_squeeze %dma_start3A_54 : memref<1x1x2x128xi32, #tpu.memory_space<hbm>> -> memref<2x128xi32, #tpu.memory_space<hbm>>
    tpu.enqueue_dma source(%dma_start3A_55 : memref<2x128xi32, #tpu.memory_space<hbm>>) target(%dma_start3A_51 : memref<2x128xi32, #tpu.memory_space<vmem>>) target_semaphore(%arg15 : memref<!tpu.dma_semaphore, #tpu.memory_space<semaphore_mem>>)
    %dma_start3A_56 = arith.constant 3 : i32
    %dma_start3A_57 = arith.constant 3 : i32
    %dma_start3A_58 = arith.constant 0 : i32
    %dma_start3A_59 = arith.constant 0 : i32
    %dma_start3A_60 = tpu.memref_slice %arg6[%dma_start3A_57, %dma_start3A_58, %dma_start3A_59] : memref<8x2x128xi32, #tpu.memory_space<vmem>> -> memref<1x2x128xi32, #tpu.memory_space<vmem>>
    %dma_start3A_61 = tpu.memref_squeeze %dma_start3A_60 : memref<1x2x128xi32, #tpu.memory_space<vmem>> -> memref<2x128xi32, #tpu.memory_space<vmem>>
    %dma_start3A_62 = arith.constant 0 : i32
    %dma_start3A_63 = arith.constant 0 : i32
    %dma_start3A_64 = tpu.memref_slice %arg3[%add3A, %dma_start3A_56, %dma_start3A_62, %dma_start3A_63] : memref<32x80x2x128xi32, #tpu.memory_space<hbm>> -> memref<1x1x2x128xi32, #tpu.memory_space<hbm>>
    %dma_start3A_65 = tpu.memref_squeeze %dma_start3A_64 : memref<1x1x2x128xi32, #tpu.memory_space<hbm>> -> memref<2x128xi32, #tpu.memory_space<hbm>>
    %dma_start3A_66 = arith.constant 0 : i32
    %dma_start3A_67 = arith.constant 0 : i32
    %dma_start3A_68 = tpu.memref_slice %arg6[%dma_start3A_57, %dma_start3A_66, %dma_start3A_67] : memref<8x2x128xi32, #tpu.memory_space<vmem>> -> memref<1x2x128xi32, #tpu.memory_space<vmem>>
    %dma_start3A_69 = tpu.memref_squeeze %dma_start3A_68 : memref<1x2x128xi32, #tpu.memory_space<vmem>> -> memref<2x128xi32, #tpu.memory_space<vmem>>
    %dma_start3A_70 = arith.constant 0 : i32
    %dma_start3A_71 = arith.constant 0 : i32
    %dma_start3A_72 = tpu.memref_slice %arg3[%add3A, %dma_start3A_56, %dma_start3A_70, %dma_start3A_71] : memref<32x80x2x128xi32, #tpu.memory_space<hbm>> -> memref<1x1x2x128xi32, #tpu.memory_space<hbm>>
    %dma_start3A_73 = tpu.memref_squeeze %dma_start3A_72 : memref<1x1x2x128xi32, #tpu.memory_space<hbm>> -> memref<2x128xi32, #tpu.memory_space<hbm>>
    tpu.enqueue_dma source(%dma_start3A_73 : memref<2x128xi32, #tpu.memory_space<hbm>>) target(%dma_start3A_69 : memref<2x128xi32, #tpu.memory_space<vmem>>) target_semaphore(%arg16 : memref<!tpu.dma_semaphore, #tpu.memory_space<semaphore_mem>>)
    %dma_start3A_74 = arith.constant 4 : i32
    %dma_start3A_75 = arith.constant 4 : i32
    %dma_start3A_76 = arith.constant 0 : i32
    %dma_start3A_77 = arith.constant 0 : i32
    %dma_start3A_78 = tpu.memref_slice %arg6[%dma_start3A_75, %dma_start3A_76, %dma_start3A_77] : memref<8x2x128xi32, #tpu.memory_space<vmem>> -> memref<1x2x128xi32, #tpu.memory_space<vmem>>
    %dma_start3A_79 = tpu.memref_squeeze %dma_start3A_78 : memref<1x2x128xi32, #tpu.memory_space<vmem>> -> memref<2x128xi32, #tpu.memory_space<vmem>>
    %dma_start3A_80 = arith.constant 0 : i32
    %dma_start3A_81 = arith.constant 0 : i32
    %dma_start3A_82 = tpu.memref_slice %arg3[%add3A, %dma_start3A_74, %dma_start3A_80, %dma_start3A_81] : memref<32x80x2x128xi32, #tpu.memory_space<hbm>> -> memref<1x1x2x128xi32, #tpu.memory_space<hbm>>
    %dma_start3A_83 = tpu.memref_squeeze %dma_start3A_82 : memref<1x1x2x128xi32, #tpu.memory_space<hbm>> -> memref<2x128xi32, #tpu.memory_space<hbm>>
    %dma_start3A_84 = arith.constant 0 : i32
    %dma_start3A_85 = arith.constant 0 : i32
    %dma_start3A_86 = tpu.memref_slice %arg6[%dma_start3A_75, %dma_start3A_84, %dma_start3A_85] : memref<8x2x128xi32, #tpu.memory_space<vmem>> -> memref<1x2x128xi32, #tpu.memory_space<vmem>>
    %dma_start3A_87 = tpu.memref_squeeze %dma_start3A_86 : memref<1x2x128xi32, #tpu.memory_space<vmem>> -> memref<2x128xi32, #tpu.memory_space<vmem>>
    %dma_start3A_88 = arith.constant 0 : i32
    %dma_start3A_89 = arith.constant 0 : i32
    %dma_start3A_90 = tpu.memref_slice %arg3[%add3A, %dma_start3A_74, %dma_start3A_88, %dma_start3A_89] : memref<32x80x2x128xi32, #tpu.memory_space<hbm>> -> memref<1x1x2x128xi32, #tpu.memory_space<hbm>>
    %dma_start3A_91 = tpu.memref_squeeze %dma_start3A_90 : memref<1x1x2x128xi32, #tpu.memory_space<hbm>> -> memref<2x128xi32, #tpu.memory_space<hbm>>
    tpu.enqueue_dma source(%dma_start3A_91 : memref<2x128xi32, #tpu.memory_space<hbm>>) target(%dma_start3A_87 : memref<2x128xi32, #tpu.memory_space<vmem>>) target_semaphore(%arg17 : memref<!tpu.dma_semaphore, #tpu.memory_space<semaphore_mem>>)
    %dma_start3A_92 = arith.constant 5 : i32
    %dma_start3A_93 = arith.constant 5 : i32
    %dma_start3A_94 = arith.constant 0 : i32
    %dma_start3A_95 = arith.constant 0 : i32
    %dma_start3A_96 = tpu.memref_slice %arg6[%dma_start3A_93, %dma_start3A_94, %dma_start3A_95] : memref<8x2x128xi32, #tpu.memory_space<vmem>> -> memref<1x2x128xi32, #tpu.memory_space<vmem>>
    %dma_start3A_97 = tpu.memref_squeeze %dma_start3A_96 : memref<1x2x128xi32, #tpu.memory_space<vmem>> -> memref<2x128xi32, #tpu.memory_space<vmem>>
    %dma_start3A_98 = arith.constant 0 : i32
    %dma_start3A_99 = arith.constant 0 : i32
    %dma_start3A_100 = tpu.memref_slice %arg3[%add3A, %dma_start3A_92, %dma_start3A_98, %dma_start3A_99] : memref<32x80x2x128xi32, #tpu.memory_space<hbm>> -> memref<1x1x2x128xi32, #tpu.memory_space<hbm>>
    %dma_start3A_101 = tpu.memref_squeeze %dma_start3A_100 : memref<1x1x2x128xi32, #tpu.memory_space<hbm>> -> memref<2x128xi32, #tpu.memory_space<hbm>>
    %dma_start3A_102 = arith.constant 0 : i32
    %dma_start3A_103 = arith.constant 0 : i32
    %dma_start3A_104 = tpu.memref_slice %arg6[%dma_start3A_93, %dma_start3A_102, %dma_start3A_103] : memref<8x2x128xi32, #tpu.memory_space<vmem>> -> memref<1x2x128xi32, #tpu.memory_space<vmem>>
    %dma_start3A_105 = tpu.memref_squeeze %dma_start3A_104 : memref<1x2x128xi32, #tpu.memory_space<vmem>> -> memref<2x128xi32, #tpu.memory_space<vmem>>
    %dma_start3A_106 = arith.constant 0 : i32
    %dma_start3A_107 = arith.constant 0 : i32
    %dma_start3A_108 = tpu.memref_slice %arg3[%add3A, %dma_start3A_92, %dma_start3A_106, %dma_start3A_107] : memref<32x80x2x128xi32, #tpu.memory_space<hbm>> -> memref<1x1x2x128xi32, #tpu.memory_space<hbm>>
    %dma_start3A_109 = tpu.memref_squeeze %dma_start3A_108 : memref<1x1x2x128xi32, #tpu.memory_space<hbm>> -> memref<2x128xi32, #tpu.memory_space<hbm>>
    tpu.enqueue_dma source(%dma_start3A_109 : memref<2x128xi32, #tpu.memory_space<hbm>>) target(%dma_start3A_105 : memref<2x128xi32, #tpu.memory_space<vmem>>) target_semaphore(%arg18 : memref<!tpu.dma_semaphore, #tpu.memory_space<semaphore_mem>>)
    %dma_start3A_110 = arith.constant 6 : i32
    %dma_start3A_111 = arith.constant 6 : i32
    %dma_start3A_112 = arith.constant 0 : i32
    %dma_start3A_113 = arith.constant 0 : i32
    %dma_start3A_114 = tpu.memref_slice %arg6[%dma_start3A_111, %dma_start3A_112, %dma_start3A_113] : memref<8x2x128xi32, #tpu.memory_space<vmem>> -> memref<1x2x128xi32, #tpu.memory_space<vmem>>
    %dma_start3A_115 = tpu.memref_squeeze %dma_start3A_114 : memref<1x2x128xi32, #tpu.memory_space<vmem>> -> memref<2x128xi32, #tpu.memory_space<vmem>>
    %dma_start3A_116 = arith.constant 0 : i32
    %dma_start3A_117 = arith.constant 0 : i32
    %dma_start3A_118 = tpu.memref_slice %arg3[%add3A, %dma_start3A_110, %dma_start3A_116, %dma_start3A_117] : memref<32x80x2x128xi32, #tpu.memory_space<hbm>> -> memref<1x1x2x128xi32, #tpu.memory_space<hbm>>
    %dma_start3A_119 = tpu.memref_squeeze %dma_start3A_118 : memref<1x1x2x128xi32, #tpu.memory_space<hbm>> -> memref<2x128xi32, #tpu.memory_space<hbm>>
    %dma_start3A_120 = arith.constant 0 : i32
    %dma_start3A_121 = arith.constant 0 : i32
    %dma_start3A_122 = tpu.memref_slice %arg6[%dma_start3A_111, %dma_start3A_120, %dma_start3A_121] : memref<8x2x128xi32, #tpu.memory_space<vmem>> -> memref<1x2x128xi32, #tpu.memory_space<vmem>>
    %dma_start3A_123 = tpu.memref_squeeze %dma_start3A_122 : memref<1x2x128xi32, #tpu.memory_space<vmem>> -> memref<2x128xi32, #tpu.memory_space<vmem>>
    %dma_start3A_124 = arith.constant 0 : i32
    %dma_start3A_125 = arith.constant 0 : i32
    %dma_start3A_126 = tpu.memref_slice %arg3[%add3A, %dma_start3A_110, %dma_start3A_124, %dma_start3A_125] : memref<32x80x2x128xi32, #tpu.memory_space<hbm>> -> memref<1x1x2x128xi32, #tpu.memory_space<hbm>>
    %dma_start3A_127 = tpu.memref_squeeze %dma_start3A_126 : memref<1x1x2x128xi32, #tpu.memory_space<hbm>> -> memref<2x128xi32, #tpu.memory_space<hbm>>
    tpu.enqueue_dma source(%dma_start3A_127 : memref<2x128xi32, #tpu.memory_space<hbm>>) target(%dma_start3A_123 : memref<2x128xi32, #tpu.memory_space<vmem>>) target_semaphore(%arg19 : memref<!tpu.dma_semaphore, #tpu.memory_space<semaphore_mem>>)
    %dma_start3A_128 = arith.constant 7 : i32
    %dma_start3A_129 = arith.constant 7 : i32
    %dma_start3A_130 = arith.constant 0 : i32
    %dma_start3A_131 = arith.constant 0 : i32
    %dma_start3A_132 = tpu.memref_slice %arg6[%dma_start3A_129, %dma_start3A_130, %dma_start3A_131] : memref<8x2x128xi32, #tpu.memory_space<vmem>> -> memref<1x2x128xi32, #tpu.memory_space<vmem>>
    %dma_start3A_133 = tpu.memref_squeeze %dma_start3A_132 : memref<1x2x128xi32, #tpu.memory_space<vmem>> -> memref<2x128xi32, #tpu.memory_space<vmem>>
    %dma_start3A_134 = arith.constant 0 : i32
    %dma_start3A_135 = arith.constant 0 : i32
    %dma_start3A_136 = tpu.memref_slice %arg3[%add3A, %dma_start3A_128, %dma_start3A_134, %dma_start3A_135] : memref<32x80x2x128xi32, #tpu.memory_space<hbm>> -> memref<1x1x2x128xi32, #tpu.memory_space<hbm>>
    %dma_start3A_137 = tpu.memref_squeeze %dma_start3A_136 : memref<1x1x2x128xi32, #tpu.memory_space<hbm>> -> memref<2x128xi32, #tpu.memory_space<hbm>>
    %dma_start3A_138 = arith.constant 0 : i32
    %dma_start3A_139 = arith.constant 0 : i32
    %dma_start3A_140 = tpu.memref_slice %arg6[%dma_start3A_129, %dma_start3A_138, %dma_start3A_139] : memref<8x2x128xi32, #tpu.memory_space<vmem>> -> memref<1x2x128xi32, #tpu.memory_space<vmem>>
    %dma_start3A_141 = tpu.memref_squeeze %dma_start3A_140 : memref<1x2x128xi32, #tpu.memory_space<vmem>> -> memref<2x128xi32, #tpu.memory_space<vmem>>
    %dma_start3A_142 = arith.constant 0 : i32
    %dma_start3A_143 = arith.constant 0 : i32
    %dma_start3A_144 = tpu.memref_slice %arg3[%add3A, %dma_start3A_128, %dma_start3A_142, %dma_start3A_143] : memref<32x80x2x128xi32, #tpu.memory_space<hbm>> -> memref<1x1x2x128xi32, #tpu.memory_space<hbm>>
    %dma_start3A_145 = tpu.memref_squeeze %dma_start3A_144 : memref<1x1x2x128xi32, #tpu.memory_space<hbm>> -> memref<2x128xi32, #tpu.memory_space<hbm>>
    tpu.enqueue_dma source(%dma_start3A_145 : memref<2x128xi32, #tpu.memory_space<hbm>>) target(%dma_start3A_141 : memref<2x128xi32, #tpu.memory_space<vmem>>) target_semaphore(%arg20 : memref<!tpu.dma_semaphore, #tpu.memory_space<semaphore_mem>>)
    %dma_wait3A = arith.constant 0 : i32
    %dma_wait3A_146 = arith.constant 0 : i32
    %dma_wait3A_147 = arith.constant 0 : i32
    %dma_wait3A_148 = arith.constant 0 : i32
    %dma_wait3A_149 = tpu.memref_slice %arg6[%dma_wait3A_146, %dma_wait3A_147, %dma_wait3A_148] : memref<8x2x128xi32, #tpu.memory_space<vmem>> -> memref<1x2x128xi32, #tpu.memory_space<vmem>>
    %dma_wait3A_150 = tpu.memref_squeeze %dma_wait3A_149 : memref<1x2x128xi32, #tpu.memory_space<vmem>> -> memref<2x128xi32, #tpu.memory_space<vmem>>
    %dma_wait3A_151 = arith.constant 0 : i32
    %dma_wait3A_152 = arith.constant 0 : i32
    %dma_wait3A_153 = tpu.memref_slice %arg3[%add3A, %dma_wait3A, %dma_wait3A_151, %dma_wait3A_152] : memref<32x80x2x128xi32, #tpu.memory_space<hbm>> -> memref<1x1x2x128xi32, #tpu.memory_space<hbm>>
    %dma_wait3A_154 = tpu.memref_squeeze %dma_wait3A_153 : memref<1x1x2x128xi32, #tpu.memory_space<hbm>> -> memref<2x128xi32, #tpu.memory_space<hbm>>
    %dma_wait3A_155 = arith.constant 0 : i32
    %dma_wait3A_156 = arith.constant 0 : i32
    %dma_wait3A_157 = tpu.memref_slice %arg6[%dma_wait3A_146, %dma_wait3A_155, %dma_wait3A_156] : memref<8x2x128xi32, #tpu.memory_space<vmem>> -> memref<1x2x128xi32, #tpu.memory_space<vmem>>
    %dma_wait3A_158 = tpu.memref_squeeze %dma_wait3A_157 : memref<1x2x128xi32, #tpu.memory_space<vmem>> -> memref<2x128xi32, #tpu.memory_space<vmem>>
    %dma_wait3A_159 = arith.constant 0 : i32
    %dma_wait3A_160 = arith.constant 0 : i32
    %dma_wait3A_161 = tpu.memref_slice %arg3[%add3A, %dma_wait3A, %dma_wait3A_159, %dma_wait3A_160] : memref<32x80x2x128xi32, #tpu.memory_space<hbm>> -> memref<1x1x2x128xi32, #tpu.memory_space<hbm>>
    %dma_wait3A_162 = tpu.memref_squeeze %dma_wait3A_161 : memref<1x1x2x128xi32, #tpu.memory_space<hbm>> -> memref<2x128xi32, #tpu.memory_space<hbm>>
    tpu.wait_dma2 semaphore(%arg13 : memref<!tpu.dma_semaphore, #tpu.memory_space<semaphore_mem>>) src(%dma_wait3A_162 : memref<2x128xi32, #tpu.memory_space<hbm>>) dst(%dma_wait3A_158 : memref<2x128xi32, #tpu.memory_space<vmem>>)
    %dma_start3A_163 = arith.constant 0 : i32
    %dma_start3A_164 = arith.constant 0 : i32
    %dma_start3A_165 = arith.constant 0 : i32
    %dma_start3A_166 = arith.constant 0 : i32
    %dma_start3A_167 = arith.constant 0 : i32
    %dma_start3A_168 = tpu.memref_slice %arg7[%dma_start3A_165, %dma_start3A_166, %dma_start3A_167] : memref<2x128x128xf32, #tpu.memory_space<vmem>> -> memref<1x128x128xf32, #tpu.memory_space<vmem>>
    %dma_start3A_169 = tpu.memref_squeeze %dma_start3A_168 : memref<1x128x128xf32, #tpu.memory_space<vmem>> -> memref<128x128xf32, #tpu.memory_space<vmem>>
    %dma_start3A_170 = arith.constant 0 : i32
    %dma_start3A_171 = arith.constant 0 : i32
    %dma_start3A_172 = tpu.memref_slice %arg6[%dma_start3A_163, %dma_start3A_170, %dma_start3A_171] : memref<8x2x128xi32, #tpu.memory_space<vmem>> -> memref<1x2x128xi32, #tpu.memory_space<vmem>>
    %dma_start3A_173 = tpu.memref_squeeze %dma_start3A_172 : memref<1x2x128xi32, #tpu.memory_space<vmem>> -> memref<2x128xi32, #tpu.memory_space<vmem>>
    %dma_start3A_174 = arith.constant 0 : i32
    %dma_start3A_175 = tpu.memref_slice %dma_start3A_173[%dma_start3A_164, %dma_start3A_174] : memref<2x128xi32, #tpu.memory_space<vmem>> -> memref<1x128xi32, #tpu.memory_space<vmem>>
    %dma_start3A_176 = tpu.memref_squeeze %dma_start3A_175 : memref<1x128xi32, #tpu.memory_space<vmem>> -> memref<128xi32, #tpu.memory_space<vmem>>
    %dma_start3A_177 = arith.constant 0 : i32
    %dma_start3A_178 = arith.constant 0 : i32
    %dma_start3A_179 = tpu.memref_slice %arg2[%dma_start3A_177, %dma_start3A_178] : memref<10000x128xf32, #tpu.memory_space<hbm>> -> memref<10000x128xf32, #tpu.memory_space<hbm>>
    tpu.enqueue_indirect_dma source(%dma_start3A_179 : memref<10000x128xf32, #tpu.memory_space<hbm>>) target(%dma_start3A_169 : memref<128x128xf32, #tpu.memory_space<vmem>>) offsets(%dma_start3A_176 : memref<128xi32, #tpu.memory_space<vmem>>) semaphore(%arg9 : memref<!tpu.dma_semaphore, #tpu.memory_space<semaphore_mem>>)
    %dma_wait3A_180 = arith.constant 0 : i32
    %dma_wait3A_181 = arith.constant 1 : i32
    %dma_wait3A_182 = arith.constant 0 : i32
    %dma_wait3A_183 = arith.constant 0 : i32
    %dma_wait3A_184 = tpu.memref_slice %arg6[%dma_wait3A_181, %dma_wait3A_182, %dma_wait3A_183] : memref<8x2x128xi32, #tpu.memory_space<vmem>> -> memref<1x2x128xi32, #tpu.memory_space<vmem>>
    %dma_wait3A_185 = tpu.memref_squeeze %dma_wait3A_184 : memref<1x2x128xi32, #tpu.memory_space<vmem>> -> memref<2x128xi32, #tpu.memory_space<vmem>>
    %dma_wait3A_186 = arith.constant 0 : i32
    %dma_wait3A_187 = arith.constant 0 : i32
    %dma_wait3A_188 = tpu.memref_slice %arg3[%add3A, %dma_wait3A_180, %dma_wait3A_186, %dma_wait3A_187] : memref<32x80x2x128xi32, #tpu.memory_space<hbm>> -> memref<1x1x2x128xi32, #tpu.memory_space<hbm>>
    %dma_wait3A_189 = tpu.memref_squeeze %dma_wait3A_188 : memref<1x1x2x128xi32, #tpu.memory_space<hbm>> -> memref<2x128xi32, #tpu.memory_space<hbm>>
    %dma_wait3A_190 = arith.constant 0 : i32
    %dma_wait3A_191 = arith.constant 0 : i32
    %dma_wait3A_192 = tpu.memref_slice %arg6[%dma_wait3A_181, %dma_wait3A_190, %dma_wait3A_191] : memref<8x2x128xi32, #tpu.memory_space<vmem>> -> memref<1x2x128xi32, #tpu.memory_space<vmem>>
    %dma_wait3A_193 = tpu.memref_squeeze %dma_wait3A_192 : memref<1x2x128xi32, #tpu.memory_space<vmem>> -> memref<2x128xi32, #tpu.memory_space<vmem>>
    %dma_wait3A_194 = arith.constant 0 : i32
    %dma_wait3A_195 = arith.constant 0 : i32
    %dma_wait3A_196 = tpu.memref_slice %arg3[%add3A, %dma_wait3A_180, %dma_wait3A_194, %dma_wait3A_195] : memref<32x80x2x128xi32, #tpu.memory_space<hbm>> -> memref<1x1x2x128xi32, #tpu.memory_space<hbm>>
    %dma_wait3A_197 = tpu.memref_squeeze %dma_wait3A_196 : memref<1x1x2x128xi32, #tpu.memory_space<hbm>> -> memref<2x128xi32, #tpu.memory_space<hbm>>
    tpu.wait_dma2 semaphore(%arg14 : memref<!tpu.dma_semaphore, #tpu.memory_space<semaphore_mem>>) src(%dma_wait3A_197 : memref<2x128xi32, #tpu.memory_space<hbm>>) dst(%dma_wait3A_193 : memref<2x128xi32, #tpu.memory_space<vmem>>)
    %dma_start3A_198 = arith.constant 1 : i32
    %dma_start3A_199 = arith.constant 0 : i32
    %dma_start3A_200 = arith.constant 1 : i32
    %dma_start3A_201 = arith.constant 0 : i32
    %dma_start3A_202 = arith.constant 0 : i32
    %dma_start3A_203 = tpu.memref_slice %arg7[%dma_start3A_200, %dma_start3A_201, %dma_start3A_202] : memref<2x128x128xf32, #tpu.memory_space<vmem>> -> memref<1x128x128xf32, #tpu.memory_space<vmem>>
    %dma_start3A_204 = tpu.memref_squeeze %dma_start3A_203 : memref<1x128x128xf32, #tpu.memory_space<vmem>> -> memref<128x128xf32, #tpu.memory_space<vmem>>
    %dma_start3A_205 = arith.constant 0 : i32
    %dma_start3A_206 = arith.constant 0 : i32
    %dma_start3A_207 = tpu.memref_slice %arg6[%dma_start3A_198, %dma_start3A_205, %dma_start3A_206] : memref<8x2x128xi32, #tpu.memory_space<vmem>> -> memref<1x2x128xi32, #tpu.memory_space<vmem>>
    %dma_start3A_208 = tpu.memref_squeeze %dma_start3A_207 : memref<1x2x128xi32, #tpu.memory_space<vmem>> -> memref<2x128xi32, #tpu.memory_space<vmem>>
    %dma_start3A_209 = arith.constant 0 : i32
    %dma_start3A_210 = tpu.memref_slice %dma_start3A_208[%dma_start3A_199, %dma_start3A_209] : memref<2x128xi32, #tpu.memory_space<vmem>> -> memref<1x128xi32, #tpu.memory_space<vmem>>
    %dma_start3A_211 = tpu.memref_squeeze %dma_start3A_210 : memref<1x128xi32, #tpu.memory_space<vmem>> -> memref<128xi32, #tpu.memory_space<vmem>>
    %dma_start3A_212 = arith.constant 0 : i32
    %dma_start3A_213 = arith.constant 0 : i32
    %dma_start3A_214 = tpu.memref_slice %arg2[%dma_start3A_212, %dma_start3A_213] : memref<10000x128xf32, #tpu.memory_space<hbm>> -> memref<10000x128xf32, #tpu.memory_space<hbm>>
    tpu.enqueue_indirect_dma source(%dma_start3A_214 : memref<10000x128xf32, #tpu.memory_space<hbm>>) target(%dma_start3A_204 : memref<128x128xf32, #tpu.memory_space<vmem>>) offsets(%dma_start3A_211 : memref<128xi32, #tpu.memory_space<vmem>>) semaphore(%arg10 : memref<!tpu.dma_semaphore, #tpu.memory_space<semaphore_mem>>)
    %scan3A = arith.constant 0 : i32
    %scan3A_215 = arith.constant 0 : i32
    %scan3A_216 = arith.constant 9 : i32
    %scan3A_217 = arith.addi %scan3A_215, %scan3A_216 : i32
    %scan3A_218 = arith.constant 1 : i32
    scf.for %scan3A_843 = %scan3A_215 to %scan3A_217 step %scan3A_218  : i32 {
      %mul3A_844 = arith.constant 8 : i32
      %mul3A_845 = arith.muli %scan3A_843, %mul3A_844 : i32
      %add3A_846 = arith.constant 0 : i32
      %add3A_847 = arith.addi %mul3A_845, %add3A_846 : i32
      %dma_wait3A_848 = arith.constant 0 : i32
      %dma_wait3A_849 = arith.constant 0 : i32
      %dma_wait3A_850 = arith.constant 0 : i32
      %dma_wait3A_851 = arith.constant 0 : i32
      %dma_wait3A_852 = arith.constant 0 : i32
      %dma_wait3A_853 = tpu.memref_slice %arg7[%dma_wait3A_850, %dma_wait3A_851, %dma_wait3A_852] : memref<2x128x128xf32, #tpu.memory_space<vmem>> -> memref<1x128x128xf32, #tpu.memory_space<vmem>>
      %dma_wait3A_854 = tpu.memref_squeeze %dma_wait3A_853 : memref<1x128x128xf32, #tpu.memory_space<vmem>> -> memref<128x128xf32, #tpu.memory_space<vmem>>
      %dma_wait3A_855 = arith.constant 0 : i32
      %dma_wait3A_856 = arith.constant 0 : i32
      %dma_wait3A_857 = tpu.memref_slice %arg6[%dma_wait3A_848, %dma_wait3A_855, %dma_wait3A_856] : memref<8x2x128xi32, #tpu.memory_space<vmem>> -> memref<1x2x128xi32, #tpu.memory_space<vmem>>
      %dma_wait3A_858 = tpu.memref_squeeze %dma_wait3A_857 : memref<1x2x128xi32, #tpu.memory_space<vmem>> -> memref<2x128xi32, #tpu.memory_space<vmem>>
      %dma_wait3A_859 = arith.constant 0 : i32
      %dma_wait3A_860 = tpu.memref_slice %dma_wait3A_858[%dma_wait3A_849, %dma_wait3A_859] : memref<2x128xi32, #tpu.memory_space<vmem>> -> memref<1x128xi32, #tpu.memory_space<vmem>>
      %dma_wait3A_861 = tpu.memref_squeeze %dma_wait3A_860 : memref<1x128xi32, #tpu.memory_space<vmem>> -> memref<128xi32, #tpu.memory_space<vmem>>
      %dma_wait3A_862 = arith.constant 0 : i32
      %dma_wait3A_863 = arith.constant 0 : i32
      %dma_wait3A_864 = tpu.memref_slice %arg2[%dma_wait3A_862, %dma_wait3A_863] : memref<10000x128xf32, #tpu.memory_space<hbm>> -> memref<10000x128xf32, #tpu.memory_space<hbm>>
      tpu.wait_indirect_dma semaphore(%arg9 : memref<!tpu.dma_semaphore, #tpu.memory_space<semaphore_mem>>) src(%dma_wait3A_864 : memref<10000x128xf32, #tpu.memory_space<hbm>>) dst(%dma_wait3A_854 : memref<128x128xf32, #tpu.memory_space<vmem>>)
      %dma_start3A_865 = arith.constant 0 : i32
      %dma_start3A_866 = arith.constant 0 : i32
      %dma_start3A_867 = arith.constant 1 : i32
      %dma_start3A_868 = arith.constant 0 : i32
      %dma_start3A_869 = arith.constant 0 : i32
      %dma_start3A_870 = tpu.memref_slice %arg7[%dma_start3A_865, %dma_start3A_868, %dma_start3A_869] : memref<2x128x128xf32, #tpu.memory_space<vmem>> -> memref<1x128x128xf32, #tpu.memory_space<vmem>>
      %dma_start3A_871 = tpu.memref_squeeze %dma_start3A_870 : memref<1x128x128xf32, #tpu.memory_space<vmem>> -> memref<128x128xf32, #tpu.memory_space<vmem>>
      %dma_start3A_872 = arith.constant 0 : i32
      %dma_start3A_873 = arith.constant 0 : i32
      %dma_start3A_874 = tpu.memref_slice %arg6[%dma_start3A_866, %dma_start3A_872, %dma_start3A_873] : memref<8x2x128xi32, #tpu.memory_space<vmem>> -> memref<1x2x128xi32, #tpu.memory_space<vmem>>
      %dma_start3A_875 = tpu.memref_squeeze %dma_start3A_874 : memref<1x2x128xi32, #tpu.memory_space<vmem>> -> memref<2x128xi32, #tpu.memory_space<vmem>>
      %dma_start3A_876 = arith.constant 0 : i32
      %dma_start3A_877 = tpu.memref_slice %dma_start3A_875[%dma_start3A_867, %dma_start3A_876] : memref<2x128xi32, #tpu.memory_space<vmem>> -> memref<1x128xi32, #tpu.memory_space<vmem>>
      %dma_start3A_878 = tpu.memref_squeeze %dma_start3A_877 : memref<1x128xi32, #tpu.memory_space<vmem>> -> memref<128xi32, #tpu.memory_space<vmem>>
      %dma_start3A_879 = arith.constant 0 : i32
      %dma_start3A_880 = arith.constant 0 : i32
      %dma_start3A_881 = tpu.memref_slice %arg8[%dma_start3A_879, %dma_start3A_880] : memref<10112x128xf32, #tpu.memory_space<vmem_shared>> -> memref<10112x128xf32, #tpu.memory_space<vmem_shared>>
      tpu.enqueue_indirect_dma source(%dma_start3A_871 : memref<128x128xf32, #tpu.memory_space<vmem>>) target(%dma_start3A_881 : memref<10112x128xf32, #tpu.memory_space<vmem_shared>>) offsets(%dma_start3A_878 : memref<128xi32, #tpu.memory_space<vmem>>) semaphore(%arg11 : memref<!tpu.dma_semaphore, #tpu.memory_space<semaphore_mem>>) {add = true}
      %dma_wait3A_882 = arith.constant 0 : i32
      %dma_wait3A_883 = arith.constant 2 : i32
      %dma_wait3A_884 = arith.constant 0 : i32
      %dma_wait3A_885 = arith.constant 0 : i32
      %dma_wait3A_886 = tpu.memref_slice %arg6[%dma_wait3A_883, %dma_wait3A_884, %dma_wait3A_885] : memref<8x2x128xi32, #tpu.memory_space<vmem>> -> memref<1x2x128xi32, #tpu.memory_space<vmem>>
      %dma_wait3A_887 = tpu.memref_squeeze %dma_wait3A_886 : memref<1x2x128xi32, #tpu.memory_space<vmem>> -> memref<2x128xi32, #tpu.memory_space<vmem>>
      %dma_wait3A_888 = arith.constant 0 : i32
      %dma_wait3A_889 = arith.constant 0 : i32
      %dma_wait3A_890 = tpu.memref_slice %arg3[%add3A, %dma_wait3A_882, %dma_wait3A_888, %dma_wait3A_889] : memref<32x80x2x128xi32, #tpu.memory_space<hbm>> -> memref<1x1x2x128xi32, #tpu.memory_space<hbm>>
      %dma_wait3A_891 = tpu.memref_squeeze %dma_wait3A_890 : memref<1x1x2x128xi32, #tpu.memory_space<hbm>> -> memref<2x128xi32, #tpu.memory_space<hbm>>
      %dma_wait3A_892 = arith.constant 0 : i32
      %dma_wait3A_893 = arith.constant 0 : i32
      %dma_wait3A_894 = tpu.memref_slice %arg6[%dma_wait3A_883, %dma_wait3A_892, %dma_wait3A_893] : memref<8x2x128xi32, #tpu.memory_space<vmem>> -> memref<1x2x128xi32, #tpu.memory_space<vmem>>
      %dma_wait3A_895 = tpu.memref_squeeze %dma_wait3A_894 : memref<1x2x128xi32, #tpu.memory_space<vmem>> -> memref<2x128xi32, #tpu.memory_space<vmem>>
      %dma_wait3A_896 = arith.constant 0 : i32
      %dma_wait3A_897 = arith.constant 0 : i32
      %dma_wait3A_898 = tpu.memref_slice %arg3[%add3A, %dma_wait3A_882, %dma_wait3A_896, %dma_wait3A_897] : memref<32x80x2x128xi32, #tpu.memory_space<hbm>> -> memref<1x1x2x128xi32, #tpu.memory_space<hbm>>
      %dma_wait3A_899 = tpu.memref_squeeze %dma_wait3A_898 : memref<1x1x2x128xi32, #tpu.memory_space<hbm>> -> memref<2x128xi32, #tpu.memory_space<hbm>>
      tpu.wait_dma2 semaphore(%arg15 : memref<!tpu.dma_semaphore, #tpu.memory_space<semaphore_mem>>) src(%dma_wait3A_899 : memref<2x128xi32, #tpu.memory_space<hbm>>) dst(%dma_wait3A_895 : memref<2x128xi32, #tpu.memory_space<vmem>>)
      %dma_wait3A_900 = arith.constant 0 : i32
      %dma_wait3A_901 = arith.constant 0 : i32
      %dma_wait3A_902 = arith.constant 1 : i32
      %dma_wait3A_903 = arith.constant 0 : i32
      %dma_wait3A_904 = arith.constant 0 : i32
      %dma_wait3A_905 = tpu.memref_slice %arg7[%dma_wait3A_900, %dma_wait3A_903, %dma_wait3A_904] : memref<2x128x128xf32, #tpu.memory_space<vmem>> -> memref<1x128x128xf32, #tpu.memory_space<vmem>>
      %dma_wait3A_906 = tpu.memref_squeeze %dma_wait3A_905 : memref<1x128x128xf32, #tpu.memory_space<vmem>> -> memref<128x128xf32, #tpu.memory_space<vmem>>
      %dma_wait3A_907 = arith.constant 0 : i32
      %dma_wait3A_908 = arith.constant 0 : i32
      %dma_wait3A_909 = tpu.memref_slice %arg6[%dma_wait3A_901, %dma_wait3A_907, %dma_wait3A_908] : memref<8x2x128xi32, #tpu.memory_space<vmem>> -> memref<1x2x128xi32, #tpu.memory_space<vmem>>
      %dma_wait3A_910 = tpu.memref_squeeze %dma_wait3A_909 : memref<1x2x128xi32, #tpu.memory_space<vmem>> -> memref<2x128xi32, #tpu.memory_space<vmem>>
      %dma_wait3A_911 = arith.constant 0 : i32
      %dma_wait3A_912 = tpu.memref_slice %dma_wait3A_910[%dma_wait3A_902, %dma_wait3A_911] : memref<2x128xi32, #tpu.memory_space<vmem>> -> memref<1x128xi32, #tpu.memory_space<vmem>>
      %dma_wait3A_913 = tpu.memref_squeeze %dma_wait3A_912 : memref<1x128xi32, #tpu.memory_space<vmem>> -> memref<128xi32, #tpu.memory_space<vmem>>
      %dma_wait3A_914 = arith.constant 0 : i32
      %dma_wait3A_915 = arith.constant 0 : i32
      %dma_wait3A_916 = tpu.memref_slice %arg8[%dma_wait3A_914, %dma_wait3A_915] : memref<10112x128xf32, #tpu.memory_space<vmem_shared>> -> memref<10112x128xf32, #tpu.memory_space<vmem_shared>>
      tpu.wait_indirect_dma semaphore(%arg11 : memref<!tpu.dma_semaphore, #tpu.memory_space<semaphore_mem>>) src(%dma_wait3A_906 : memref<128x128xf32, #tpu.memory_space<vmem>>) dst(%dma_wait3A_916 : memref<10112x128xf32, #tpu.memory_space<vmem_shared>>)
      %add3A_917 = arith.constant 8 : i32
      %add3A_918 = arith.addi %add3A_847, %add3A_917 : i32
      %dma_start3A_919 = arith.constant 0 : i32
      %dma_start3A_920 = arith.constant 0 : i32
      %dma_start3A_921 = arith.constant 0 : i32
      %dma_start3A_922 = tpu.memref_slice %arg6[%dma_start3A_919, %dma_start3A_920, %dma_start3A_921] : memref<8x2x128xi32, #tpu.memory_space<vmem>> -> memref<1x2x128xi32, #tpu.memory_space<vmem>>
      %dma_start3A_923 = tpu.memref_squeeze %dma_start3A_922 : memref<1x2x128xi32, #tpu.memory_space<vmem>> -> memref<2x128xi32, #tpu.memory_space<vmem>>
      %dma_start3A_924 = arith.constant 0 : i32
      %dma_start3A_925 = arith.constant 0 : i32
      %dma_start3A_926 = tpu.memref_slice %arg3[%add3A, %add3A_918, %dma_start3A_924, %dma_start3A_925] : memref<32x80x2x128xi32, #tpu.memory_space<hbm>> -> memref<1x1x2x128xi32, #tpu.memory_space<hbm>>
      %dma_start3A_927 = tpu.memref_squeeze %dma_start3A_926 : memref<1x1x2x128xi32, #tpu.memory_space<hbm>> -> memref<2x128xi32, #tpu.memory_space<hbm>>
      %dma_start3A_928 = arith.constant 0 : i32
      %dma_start3A_929 = arith.constant 0 : i32
      %dma_start3A_930 = tpu.memref_slice %arg6[%dma_start3A_919, %dma_start3A_928, %dma_start3A_929] : memref<8x2x128xi32, #tpu.memory_space<vmem>> -> memref<1x2x128xi32, #tpu.memory_space<vmem>>
      %dma_start3A_931 = tpu.memref_squeeze %dma_start3A_930 : memref<1x2x128xi32, #tpu.memory_space<vmem>> -> memref<2x128xi32, #tpu.memory_space<vmem>>
      %dma_start3A_932 = arith.constant 0 : i32
      %dma_start3A_933 = arith.constant 0 : i32
      %dma_start3A_934 = tpu.memref_slice %arg3[%add3A, %add3A_918, %dma_start3A_932, %dma_start3A_933] : memref<32x80x2x128xi32, #tpu.memory_space<hbm>> -> memref<1x1x2x128xi32, #tpu.memory_space<hbm>>
      %dma_start3A_935 = tpu.memref_squeeze %dma_start3A_934 : memref<1x1x2x128xi32, #tpu.memory_space<hbm>> -> memref<2x128xi32, #tpu.memory_space<hbm>>
      tpu.enqueue_dma source(%dma_start3A_935 : memref<2x128xi32, #tpu.memory_space<hbm>>) target(%dma_start3A_931 : memref<2x128xi32, #tpu.memory_space<vmem>>) target_semaphore(%arg13 : memref<!tpu.dma_semaphore, #tpu.memory_space<semaphore_mem>>)
      %dma_start3A_936 = arith.constant 2 : i32
      %dma_start3A_937 = arith.constant 0 : i32
      %dma_start3A_938 = arith.constant 0 : i32
      %dma_start3A_939 = arith.constant 0 : i32
      %dma_start3A_940 = arith.constant 0 : i32
      %dma_start3A_941 = tpu.memref_slice %arg7[%dma_start3A_938, %dma_start3A_939, %dma_start3A_940] : memref<2x128x128xf32, #tpu.memory_space<vmem>> -> memref<1x128x128xf32, #tpu.memory_space<vmem>>
      %dma_start3A_942 = tpu.memref_squeeze %dma_start3A_941 : memref<1x128x128xf32, #tpu.memory_space<vmem>> -> memref<128x128xf32, #tpu.memory_space<vmem>>
      %dma_start3A_943 = arith.constant 0 : i32
      %dma_start3A_944 = arith.constant 0 : i32
      %dma_start3A_945 = tpu.memref_slice %arg6[%dma_start3A_936, %dma_start3A_943, %dma_start3A_944] : memref<8x2x128xi32, #tpu.memory_space<vmem>> -> memref<1x2x128xi32, #tpu.memory_space<vmem>>
      %dma_start3A_946 = tpu.memref_squeeze %dma_start3A_945 : memref<1x2x128xi32, #tpu.memory_space<vmem>> -> memref<2x128xi32, #tpu.memory_space<vmem>>
      %dma_start3A_947 = arith.constant 0 : i32
      %dma_start3A_948 = tpu.memref_slice %dma_start3A_946[%dma_start3A_937, %dma_start3A_947] : memref<2x128xi32, #tpu.memory_space<vmem>> -> memref<1x128xi32, #tpu.memory_space<vmem>>
      %dma_start3A_949 = tpu.memref_squeeze %dma_start3A_948 : memref<1x128xi32, #tpu.memory_space<vmem>> -> memref<128xi32, #tpu.memory_space<vmem>>
      %dma_start3A_950 = arith.constant 0 : i32
      %dma_start3A_951 = arith.constant 0 : i32
      %dma_start3A_952 = tpu.memref_slice %arg2[%dma_start3A_950, %dma_start3A_951] : memref<10000x128xf32, #tpu.memory_space<hbm>> -> memref<10000x128xf32, #tpu.memory_space<hbm>>
      tpu.enqueue_indirect_dma source(%dma_start3A_952 : memref<10000x128xf32, #tpu.memory_space<hbm>>) target(%dma_start3A_942 : memref<128x128xf32, #tpu.memory_space<vmem>>) offsets(%dma_start3A_949 : memref<128xi32, #tpu.memory_space<vmem>>) semaphore(%arg9 : memref<!tpu.dma_semaphore, #tpu.memory_space<semaphore_mem>>)
      %mul3A_953 = arith.constant 8 : i32
      %mul3A_954 = arith.muli %scan3A_843, %mul3A_953 : i32
      %add3A_955 = arith.constant 1 : i32
      %add3A_956 = arith.addi %mul3A_954, %add3A_955 : i32
      %dma_wait3A_957 = arith.constant 0 : i32
      %dma_wait3A_958 = arith.constant 0 : i32
      %dma_wait3A_959 = arith.constant 1 : i32
      %dma_wait3A_960 = arith.constant 0 : i32
      %dma_wait3A_961 = arith.constant 0 : i32
      %dma_wait3A_962 = tpu.memref_slice %arg7[%dma_wait3A_959, %dma_wait3A_960, %dma_wait3A_961] : memref<2x128x128xf32, #tpu.memory_space<vmem>> -> memref<1x128x128xf32, #tpu.memory_space<vmem>>
      %dma_wait3A_963 = tpu.memref_squeeze %dma_wait3A_962 : memref<1x128x128xf32, #tpu.memory_space<vmem>> -> memref<128x128xf32, #tpu.memory_space<vmem>>
      %dma_wait3A_964 = arith.constant 0 : i32
      %dma_wait3A_965 = arith.constant 0 : i32
      %dma_wait3A_966 = tpu.memref_slice %arg6[%dma_wait3A_957, %dma_wait3A_964, %dma_wait3A_965] : memref<8x2x128xi32, #tpu.memory_space<vmem>> -> memref<1x2x128xi32, #tpu.memory_space<vmem>>
      %dma_wait3A_967 = tpu.memref_squeeze %dma_wait3A_966 : memref<1x2x128xi32, #tpu.memory_space<vmem>> -> memref<2x128xi32, #tpu.memory_space<vmem>>
      %dma_wait3A_968 = arith.constant 0 : i32
      %dma_wait3A_969 = tpu.memref_slice %dma_wait3A_967[%dma_wait3A_958, %dma_wait3A_968] : memref<2x128xi32, #tpu.memory_space<vmem>> -> memref<1x128xi32, #tpu.memory_space<vmem>>
      %dma_wait3A_970 = tpu.memref_squeeze %dma_wait3A_969 : memref<1x128xi32, #tpu.memory_space<vmem>> -> memref<128xi32, #tpu.memory_space<vmem>>
      %dma_wait3A_971 = arith.constant 0 : i32
      %dma_wait3A_972 = arith.constant 0 : i32
      %dma_wait3A_973 = tpu.memref_slice %arg2[%dma_wait3A_971, %dma_wait3A_972] : memref<10000x128xf32, #tpu.memory_space<hbm>> -> memref<10000x128xf32, #tpu.memory_space<hbm>>
      tpu.wait_indirect_dma semaphore(%arg10 : memref<!tpu.dma_semaphore, #tpu.memory_space<semaphore_mem>>) src(%dma_wait3A_973 : memref<10000x128xf32, #tpu.memory_space<hbm>>) dst(%dma_wait3A_963 : memref<128x128xf32, #tpu.memory_space<vmem>>)
      %dma_start3A_974 = arith.constant 1 : i32
      %dma_start3A_975 = arith.constant 1 : i32
      %dma_start3A_976 = arith.constant 1 : i32
      %dma_start3A_977 = arith.constant 0 : i32
      %dma_start3A_978 = arith.constant 0 : i32
      %dma_start3A_979 = tpu.memref_slice %arg7[%dma_start3A_974, %dma_start3A_977, %dma_start3A_978] : memref<2x128x128xf32, #tpu.memory_space<vmem>> -> memref<1x128x128xf32, #tpu.memory_space<vmem>>
      %dma_start3A_980 = tpu.memref_squeeze %dma_start3A_979 : memref<1x128x128xf32, #tpu.memory_space<vmem>> -> memref<128x128xf32, #tpu.memory_space<vmem>>
      %dma_start3A_981 = arith.constant 0 : i32
      %dma_start3A_982 = arith.constant 0 : i32
      %dma_start3A_983 = tpu.memref_slice %arg6[%dma_start3A_975, %dma_start3A_981, %dma_start3A_982] : memref<8x2x128xi32, #tpu.memory_space<vmem>> -> memref<1x2x128xi32, #tpu.memory_space<vmem>>
      %dma_start3A_984 = tpu.memref_squeeze %dma_start3A_983 : memref<1x2x128xi32, #tpu.memory_space<vmem>> -> memref<2x128xi32, #tpu.memory_space<vmem>>
      %dma_start3A_985 = arith.constant 0 : i32
      %dma_start3A_986 = tpu.memref_slice %dma_start3A_984[%dma_start3A_976, %dma_start3A_985] : memref<2x128xi32, #tpu.memory_space<vmem>> -> memref<1x128xi32, #tpu.memory_space<vmem>>
      %dma_start3A_987 = tpu.memref_squeeze %dma_start3A_986 : memref<1x128xi32, #tpu.memory_space<vmem>> -> memref<128xi32, #tpu.memory_space<vmem>>
      %dma_start3A_988 = arith.constant 0 : i32
      %dma_start3A_989 = arith.constant 0 : i32
      %dma_start3A_990 = tpu.memref_slice %arg8[%dma_start3A_988, %dma_start3A_989] : memref<10112x128xf32, #tpu.memory_space<vmem_shared>> -> memref<10112x128xf32, #tpu.memory_space<vmem_shared>>
      tpu.enqueue_indirect_dma source(%dma_start3A_980 : memref<128x128xf32, #tpu.memory_space<vmem>>) target(%dma_start3A_990 : memref<10112x128xf32, #tpu.memory_space<vmem_shared>>) offsets(%dma_start3A_987 : memref<128xi32, #tpu.memory_space<vmem>>) semaphore(%arg12 : memref<!tpu.dma_semaphore, #tpu.memory_space<semaphore_mem>>) {add = true}
      %dma_wait3A_991 = arith.constant 0 : i32
      %dma_wait3A_992 = arith.constant 3 : i32
      %dma_wait3A_993 = arith.constant 0 : i32
      %dma_wait3A_994 = arith.constant 0 : i32
      %dma_wait3A_995 = tpu.memref_slice %arg6[%dma_wait3A_992, %dma_wait3A_993, %dma_wait3A_994] : memref<8x2x128xi32, #tpu.memory_space<vmem>> -> memref<1x2x128xi32, #tpu.memory_space<vmem>>
      %dma_wait3A_996 = tpu.memref_squeeze %dma_wait3A_995 : memref<1x2x128xi32, #tpu.memory_space<vmem>> -> memref<2x128xi32, #tpu.memory_space<vmem>>
      %dma_wait3A_997 = arith.constant 0 : i32
      %dma_wait3A_998 = arith.constant 0 : i32
      %dma_wait3A_999 = tpu.memref_slice %arg3[%add3A, %dma_wait3A_991, %dma_wait3A_997, %dma_wait3A_998] : memref<32x80x2x128xi32, #tpu.memory_space<hbm>> -> memref<1x1x2x128xi32, #tpu.memory_space<hbm>>
      %dma_wait3A_1000 = tpu.memref_squeeze %dma_wait3A_999 : memref<1x1x2x128xi32, #tpu.memory_space<hbm>> -> memref<2x128xi32, #tpu.memory_space<hbm>>
      %dma_wait3A_1001 = arith.constant 0 : i32
      %dma_wait3A_1002 = arith.constant 0 : i32
      %dma_wait3A_1003 = tpu.memref_slice %arg6[%dma_wait3A_992, %dma_wait3A_1001, %dma_wait3A_1002] : memref<8x2x128xi32, #tpu.memory_space<vmem>> -> memref<1x2x128xi32, #tpu.memory_space<vmem>>
      %dma_wait3A_1004 = tpu.memref_squeeze %dma_wait3A_1003 : memref<1x2x128xi32, #tpu.memory_space<vmem>> -> memref<2x128xi32, #tpu.memory_space<vmem>>
      %dma_wait3A_1005 = arith.constant 0 : i32
      %dma_wait3A_1006 = arith.constant 0 : i32
      %dma_wait3A_1007 = tpu.memref_slice %arg3[%add3A, %dma_wait3A_991, %dma_wait3A_1005, %dma_wait3A_1006] : memref<32x80x2x128xi32, #tpu.memory_space<hbm>> -> memref<1x1x2x128xi32, #tpu.memory_space<hbm>>
      %dma_wait3A_1008 = tpu.memref_squeeze %dma_wait3A_1007 : memref<1x1x2x128xi32, #tpu.memory_space<hbm>> -> memref<2x128xi32, #tpu.memory_space<hbm>>
      tpu.wait_dma2 semaphore(%arg16 : memref<!tpu.dma_semaphore, #tpu.memory_space<semaphore_mem>>) src(%dma_wait3A_1008 : memref<2x128xi32, #tpu.memory_space<hbm>>) dst(%dma_wait3A_1004 : memref<2x128xi32, #tpu.memory_space<vmem>>)
      %dma_wait3A_1009 = arith.constant 1 : i32
      %dma_wait3A_1010 = arith.constant 0 : i32
      %dma_wait3A_1011 = arith.constant 1 : i32
      %dma_wait3A_1012 = arith.constant 0 : i32
      %dma_wait3A_1013 = arith.constant 0 : i32
      %dma_wait3A_1014 = tpu.memref_slice %arg7[%dma_wait3A_1009, %dma_wait3A_1012, %dma_wait3A_1013] : memref<2x128x128xf32, #tpu.memory_space<vmem>> -> memref<1x128x128xf32, #tpu.memory_space<vmem>>
      %dma_wait3A_1015 = tpu.memref_squeeze %dma_wait3A_1014 : memref<1x128x128xf32, #tpu.memory_space<vmem>> -> memref<128x128xf32, #tpu.memory_space<vmem>>
      %dma_wait3A_1016 = arith.constant 0 : i32
      %dma_wait3A_1017 = arith.constant 0 : i32
      %dma_wait3A_1018 = tpu.memref_slice %arg6[%dma_wait3A_1010, %dma_wait3A_1016, %dma_wait3A_1017] : memref<8x2x128xi32, #tpu.memory_space<vmem>> -> memref<1x2x128xi32, #tpu.memory_space<vmem>>
      %dma_wait3A_1019 = tpu.memref_squeeze %dma_wait3A_1018 : memref<1x2x128xi32, #tpu.memory_space<vmem>> -> memref<2x128xi32, #tpu.memory_space<vmem>>
      %dma_wait3A_1020 = arith.constant 0 : i32
      %dma_wait3A_1021 = tpu.memref_slice %dma_wait3A_1019[%dma_wait3A_1011, %dma_wait3A_1020] : memref<2x128xi32, #tpu.memory_space<vmem>> -> memref<1x128xi32, #tpu.memory_space<vmem>>
      %dma_wait3A_1022 = tpu.memref_squeeze %dma_wait3A_1021 : memref<1x128xi32, #tpu.memory_space<vmem>> -> memref<128xi32, #tpu.memory_space<vmem>>
      %dma_wait3A_1023 = arith.constant 0 : i32
      %dma_wait3A_1024 = arith.constant 0 : i32
      %dma_wait3A_1025 = tpu.memref_slice %arg8[%dma_wait3A_1023, %dma_wait3A_1024] : memref<10112x128xf32, #tpu.memory_space<vmem_shared>> -> memref<10112x128xf32, #tpu.memory_space<vmem_shared>>
      tpu.wait_indirect_dma semaphore(%arg12 : memref<!tpu.dma_semaphore, #tpu.memory_space<semaphore_mem>>) src(%dma_wait3A_1015 : memref<128x128xf32, #tpu.memory_space<vmem>>) dst(%dma_wait3A_1025 : memref<10112x128xf32, #tpu.memory_space<vmem_shared>>)
      %add3A_1026 = arith.constant 8 : i32
      %add3A_1027 = arith.addi %add3A_956, %add3A_1026 : i32
      %dma_start3A_1028 = arith.constant 1 : i32
      %dma_start3A_1029 = arith.constant 0 : i32
      %dma_start3A_1030 = arith.constant 0 : i32
      %dma_start3A_1031 = tpu.memref_slice %arg6[%dma_start3A_1028, %dma_start3A_1029, %dma_start3A_1030] : memref<8x2x128xi32, #tpu.memory_space<vmem>> -> memref<1x2x128xi32, #tpu.memory_space<vmem>>
      %dma_start3A_1032 = tpu.memref_squeeze %dma_start3A_1031 : memref<1x2x128xi32, #tpu.memory_space<vmem>> -> memref<2x128xi32, #tpu.memory_space<vmem>>
      %dma_start3A_1033 = arith.constant 0 : i32
      %dma_start3A_1034 = arith.constant 0 : i32
      %dma_start3A_1035 = tpu.memref_slice %arg3[%add3A, %add3A_1027, %dma_start3A_1033, %dma_start3A_1034] : memref<32x80x2x128xi32, #tpu.memory_space<hbm>> -> memref<1x1x2x128xi32, #tpu.memory_space<hbm>>
      %dma_start3A_1036 = tpu.memref_squeeze %dma_start3A_1035 : memref<1x1x2x128xi32, #tpu.memory_space<hbm>> -> memref<2x128xi32, #tpu.memory_space<hbm>>
      %dma_start3A_1037 = arith.constant 0 : i32
      %dma_start3A_1038 = arith.constant 0 : i32
      %dma_start3A_1039 = tpu.memref_slice %arg6[%dma_start3A_1028, %dma_start3A_1037, %dma_start3A_1038] : memref<8x2x128xi32, #tpu.memory_space<vmem>> -> memref<1x2x128xi32, #tpu.memory_space<vmem>>
      %dma_start3A_1040 = tpu.memref_squeeze %dma_start3A_1039 : memref<1x2x128xi32, #tpu.memory_space<vmem>> -> memref<2x128xi32, #tpu.memory_space<vmem>>
      %dma_start3A_1041 = arith.constant 0 : i32
      %dma_start3A_1042 = arith.constant 0 : i32
      %dma_start3A_1043 = tpu.memref_slice %arg3[%add3A, %add3A_1027, %dma_start3A_1041, %dma_start3A_1042] : memref<32x80x2x128xi32, #tpu.memory_space<hbm>> -> memref<1x1x2x128xi32, #tpu.memory_space<hbm>>
      %dma_start3A_1044 = tpu.memref_squeeze %dma_start3A_1043 : memref<1x1x2x128xi32, #tpu.memory_space<hbm>> -> memref<2x128xi32, #tpu.memory_space<hbm>>
      tpu.enqueue_dma source(%dma_start3A_1044 : memref<2x128xi32, #tpu.memory_space<hbm>>) target(%dma_start3A_1040 : memref<2x128xi32, #tpu.memory_space<vmem>>) target_semaphore(%arg14 : memref<!tpu.dma_semaphore, #tpu.memory_space<semaphore_mem>>)
      %dma_start3A_1045 = arith.constant 3 : i32
      %dma_start3A_1046 = arith.constant 0 : i32
      %dma_start3A_1047 = arith.constant 1 : i32
      %dma_start3A_1048 = arith.constant 0 : i32
      %dma_start3A_1049 = arith.constant 0 : i32
      %dma_start3A_1050 = tpu.memref_slice %arg7[%dma_start3A_1047, %dma_start3A_1048, %dma_start3A_1049] : memref<2x128x128xf32, #tpu.memory_space<vmem>> -> memref<1x128x128xf32, #tpu.memory_space<vmem>>
      %dma_start3A_1051 = tpu.memref_squeeze %dma_start3A_1050 : memref<1x128x128xf32, #tpu.memory_space<vmem>> -> memref<128x128xf32, #tpu.memory_space<vmem>>
      %dma_start3A_1052 = arith.constant 0 : i32
      %dma_start3A_1053 = arith.constant 0 : i32
      %dma_start3A_1054 = tpu.memref_slice %arg6[%dma_start3A_1045, %dma_start3A_1052, %dma_start3A_1053] : memref<8x2x128xi32, #tpu.memory_space<vmem>> -> memref<1x2x128xi32, #tpu.memory_space<vmem>>
      %dma_start3A_1055 = tpu.memref_squeeze %dma_start3A_1054 : memref<1x2x128xi32, #tpu.memory_space<vmem>> -> memref<2x128xi32, #tpu.memory_space<vmem>>
      %dma_start3A_1056 = arith.constant 0 : i32
      %dma_start3A_1057 = tpu.memref_slice %dma_start3A_1055[%dma_start3A_1046, %dma_start3A_1056] : memref<2x128xi32, #tpu.memory_space<vmem>> -> memref<1x128xi32, #tpu.memory_space<vmem>>
      %dma_start3A_1058 = tpu.memref_squeeze %dma_start3A_1057 : memref<1x128xi32, #tpu.memory_space<vmem>> -> memref<128xi32, #tpu.memory_space<vmem>>
      %dma_start3A_1059 = arith.constant 0 : i32
      %dma_start3A_1060 = arith.constant 0 : i32
      %dma_start3A_1061 = tpu.memref_slice %arg2[%dma_start3A_1059, %dma_start3A_1060] : memref<10000x128xf32, #tpu.memory_space<hbm>> -> memref<10000x128xf32, #tpu.memory_space<hbm>>
      tpu.enqueue_indirect_dma source(%dma_start3A_1061 : memref<10000x128xf32, #tpu.memory_space<hbm>>) target(%dma_start3A_1051 : memref<128x128xf32, #tpu.memory_space<vmem>>) offsets(%dma_start3A_1058 : memref<128xi32, #tpu.memory_space<vmem>>) semaphore(%arg10 : memref<!tpu.dma_semaphore, #tpu.memory_space<semaphore_mem>>)
      %mul3A_1062 = arith.constant 8 : i32
      %mul3A_1063 = arith.muli %scan3A_843, %mul3A_1062 : i32
      %add3A_1064 = arith.constant 2 : i32
      %add3A_1065 = arith.addi %mul3A_1063, %add3A_1064 : i32
      %dma_wait3A_1066 = arith.constant 0 : i32
      %dma_wait3A_1067 = arith.constant 0 : i32
      %dma_wait3A_1068 = arith.constant 0 : i32
      %dma_wait3A_1069 = arith.constant 0 : i32
      %dma_wait3A_1070 = arith.constant 0 : i32
      %dma_wait3A_1071 = tpu.memref_slice %arg7[%dma_wait3A_1068, %dma_wait3A_1069, %dma_wait3A_1070] : memref<2x128x128xf32, #tpu.memory_space<vmem>> -> memref<1x128x128xf32, #tpu.memory_space<vmem>>
      %dma_wait3A_1072 = tpu.memref_squeeze %dma_wait3A_1071 : memref<1x128x128xf32, #tpu.memory_space<vmem>> -> memref<128x128xf32, #tpu.memory_space<vmem>>
      %dma_wait3A_1073 = arith.constant 0 : i32
      %dma_wait3A_1074 = arith.constant 0 : i32
      %dma_wait3A_1075 = tpu.memref_slice %arg6[%dma_wait3A_1066, %dma_wait3A_1073, %dma_wait3A_1074] : memref<8x2x128xi32, #tpu.memory_space<vmem>> -> memref<1x2x128xi32, #tpu.memory_space<vmem>>
      %dma_wait3A_1076 = tpu.memref_squeeze %dma_wait3A_1075 : memref<1x2x128xi32, #tpu.memory_space<vmem>> -> memref<2x128xi32, #tpu.memory_space<vmem>>
      %dma_wait3A_1077 = arith.constant 0 : i32
      %dma_wait3A_1078 = tpu.memref_slice %dma_wait3A_1076[%dma_wait3A_1067, %dma_wait3A_1077] : memref<2x128xi32, #tpu.memory_space<vmem>> -> memref<1x128xi32, #tpu.memory_space<vmem>>
      %dma_wait3A_1079 = tpu.memref_squeeze %dma_wait3A_1078 : memref<1x128xi32, #tpu.memory_space<vmem>> -> memref<128xi32, #tpu.memory_space<vmem>>
      %dma_wait3A_1080 = arith.constant 0 : i32
      %dma_wait3A_1081 = arith.constant 0 : i32
      %dma_wait3A_1082 = tpu.memref_slice %arg2[%dma_wait3A_1080, %dma_wait3A_1081] : memref<10000x128xf32, #tpu.memory_space<hbm>> -> memref<10000x128xf32, #tpu.memory_space<hbm>>
      tpu.wait_indirect_dma semaphore(%arg9 : memref<!tpu.dma_semaphore, #tpu.memory_space<semaphore_mem>>) src(%dma_wait3A_1082 : memref<10000x128xf32, #tpu.memory_space<hbm>>) dst(%dma_wait3A_1072 : memref<128x128xf32, #tpu.memory_space<vmem>>)
      %dma_start3A_1083 = arith.constant 0 : i32
      %dma_start3A_1084 = arith.constant 2 : i32
      %dma_start3A_1085 = arith.constant 1 : i32
      %dma_start3A_1086 = arith.constant 0 : i32
      %dma_start3A_1087 = arith.constant 0 : i32
      %dma_start3A_1088 = tpu.memref_slice %arg7[%dma_start3A_1083, %dma_start3A_1086, %dma_start3A_1087] : memref<2x128x128xf32, #tpu.memory_space<vmem>> -> memref<1x128x128xf32, #tpu.memory_space<vmem>>
      %dma_start3A_1089 = tpu.memref_squeeze %dma_start3A_1088 : memref<1x128x128xf32, #tpu.memory_space<vmem>> -> memref<128x128xf32, #tpu.memory_space<vmem>>
      %dma_start3A_1090 = arith.constant 0 : i32
      %dma_start3A_1091 = arith.constant 0 : i32
      %dma_start3A_1092 = tpu.memref_slice %arg6[%dma_start3A_1084, %dma_start3A_1090, %dma_start3A_1091] : memref<8x2x128xi32, #tpu.memory_space<vmem>> -> memref<1x2x128xi32, #tpu.memory_space<vmem>>
      %dma_start3A_1093 = tpu.memref_squeeze %dma_start3A_1092 : memref<1x2x128xi32, #tpu.memory_space<vmem>> -> memref<2x128xi32, #tpu.memory_space<vmem>>
      %dma_start3A_1094 = arith.constant 0 : i32
      %dma_start3A_1095 = tpu.memref_slice %dma_start3A_1093[%dma_start3A_1085, %dma_start3A_1094] : memref<2x128xi32, #tpu.memory_space<vmem>> -> memref<1x128xi32, #tpu.memory_space<vmem>>
      %dma_start3A_1096 = tpu.memref_squeeze %dma_start3A_1095 : memref<1x128xi32, #tpu.memory_space<vmem>> -> memref<128xi32, #tpu.memory_space<vmem>>
      %dma_start3A_1097 = arith.constant 0 : i32
      %dma_start3A_1098 = arith.constant 0 : i32
      %dma_start3A_1099 = tpu.memref_slice %arg8[%dma_start3A_1097, %dma_start3A_1098] : memref<10112x128xf32, #tpu.memory_space<vmem_shared>> -> memref<10112x128xf32, #tpu.memory_space<vmem_shared>>
      tpu.enqueue_indirect_dma source(%dma_start3A_1089 : memref<128x128xf32, #tpu.memory_space<vmem>>) target(%dma_start3A_1099 : memref<10112x128xf32, #tpu.memory_space<vmem_shared>>) offsets(%dma_start3A_1096 : memref<128xi32, #tpu.memory_space<vmem>>) semaphore(%arg11 : memref<!tpu.dma_semaphore, #tpu.memory_space<semaphore_mem>>) {add = true}
      %dma_wait3A_1100 = arith.constant 0 : i32
      %dma_wait3A_1101 = arith.constant 4 : i32
      %dma_wait3A_1102 = arith.constant 0 : i32
      %dma_wait3A_1103 = arith.constant 0 : i32
      %dma_wait3A_1104 = tpu.memref_slice %arg6[%dma_wait3A_1101, %dma_wait3A_1102, %dma_wait3A_1103] : memref<8x2x128xi32, #tpu.memory_space<vmem>> -> memref<1x2x128xi32, #tpu.memory_space<vmem>>
      %dma_wait3A_1105 = tpu.memref_squeeze %dma_wait3A_1104 : memref<1x2x128xi32, #tpu.memory_space<vmem>> -> memref<2x128xi32, #tpu.memory_space<vmem>>
      %dma_wait3A_1106 = arith.constant 0 : i32
      %dma_wait3A_1107 = arith.constant 0 : i32
      %dma_wait3A_1108 = tpu.memref_slice %arg3[%add3A, %dma_wait3A_1100, %dma_wait3A_1106, %dma_wait3A_1107] : memref<32x80x2x128xi32, #tpu.memory_space<hbm>> -> memref<1x1x2x128xi32, #tpu.memory_space<hbm>>
      %dma_wait3A_1109 = tpu.memref_squeeze %dma_wait3A_1108 : memref<1x1x2x128xi32, #tpu.memory_space<hbm>> -> memref<2x128xi32, #tpu.memory_space<hbm>>
      %dma_wait3A_1110 = arith.constant 0 : i32
      %dma_wait3A_1111 = arith.constant 0 : i32
      %dma_wait3A_1112 = tpu.memref_slice %arg6[%dma_wait3A_1101, %dma_wait3A_1110, %dma_wait3A_1111] : memref<8x2x128xi32, #tpu.memory_space<vmem>> -> memref<1x2x128xi32, #tpu.memory_space<vmem>>
      %dma_wait3A_1113 = tpu.memref_squeeze %dma_wait3A_1112 : memref<1x2x128xi32, #tpu.memory_space<vmem>> -> memref<2x128xi32, #tpu.memory_space<vmem>>
      %dma_wait3A_1114 = arith.constant 0 : i32
      %dma_wait3A_1115 = arith.constant 0 : i32
      %dma_wait3A_1116 = tpu.memref_slice %arg3[%add3A, %dma_wait3A_1100, %dma_wait3A_1114, %dma_wait3A_1115] : memref<32x80x2x128xi32, #tpu.memory_space<hbm>> -> memref<1x1x2x128xi32, #tpu.memory_space<hbm>>
      %dma_wait3A_1117 = tpu.memref_squeeze %dma_wait3A_1116 : memref<1x1x2x128xi32, #tpu.memory_space<hbm>> -> memref<2x128xi32, #tpu.memory_space<hbm>>
      tpu.wait_dma2 semaphore(%arg17 : memref<!tpu.dma_semaphore, #tpu.memory_space<semaphore_mem>>) src(%dma_wait3A_1117 : memref<2x128xi32, #tpu.memory_space<hbm>>) dst(%dma_wait3A_1113 : memref<2x128xi32, #tpu.memory_space<vmem>>)
      %dma_wait3A_1118 = arith.constant 0 : i32
      %dma_wait3A_1119 = arith.constant 0 : i32
      %dma_wait3A_1120 = arith.constant 1 : i32
      %dma_wait3A_1121 = arith.constant 0 : i32
      %dma_wait3A_1122 = arith.constant 0 : i32
      %dma_wait3A_1123 = tpu.memref_slice %arg7[%dma_wait3A_1118, %dma_wait3A_1121, %dma_wait3A_1122] : memref<2x128x128xf32, #tpu.memory_space<vmem>> -> memref<1x128x128xf32, #tpu.memory_space<vmem>>
      %dma_wait3A_1124 = tpu.memref_squeeze %dma_wait3A_1123 : memref<1x128x128xf32, #tpu.memory_space<vmem>> -> memref<128x128xf32, #tpu.memory_space<vmem>>
      %dma_wait3A_1125 = arith.constant 0 : i32
      %dma_wait3A_1126 = arith.constant 0 : i32
      %dma_wait3A_1127 = tpu.memref_slice %arg6[%dma_wait3A_1119, %dma_wait3A_1125, %dma_wait3A_1126] : memref<8x2x128xi32, #tpu.memory_space<vmem>> -> memref<1x2x128xi32, #tpu.memory_space<vmem>>
      %dma_wait3A_1128 = tpu.memref_squeeze %dma_wait3A_1127 : memref<1x2x128xi32, #tpu.memory_space<vmem>> -> memref<2x128xi32, #tpu.memory_space<vmem>>
      %dma_wait3A_1129 = arith.constant 0 : i32
      %dma_wait3A_1130 = tpu.memref_slice %dma_wait3A_1128[%dma_wait3A_1120, %dma_wait3A_1129] : memref<2x128xi32, #tpu.memory_space<vmem>> -> memref<1x128xi32, #tpu.memory_space<vmem>>
      %dma_wait3A_1131 = tpu.memref_squeeze %dma_wait3A_1130 : memref<1x128xi32, #tpu.memory_space<vmem>> -> memref<128xi32, #tpu.memory_space<vmem>>
      %dma_wait3A_1132 = arith.constant 0 : i32
      %dma_wait3A_1133 = arith.constant 0 : i32
      %dma_wait3A_1134 = tpu.memref_slice %arg8[%dma_wait3A_1132, %dma_wait3A_1133] : memref<10112x128xf32, #tpu.memory_space<vmem_shared>> -> memref<10112x128xf32, #tpu.memory_space<vmem_shared>>
      tpu.wait_indirect_dma semaphore(%arg11 : memref<!tpu.dma_semaphore, #tpu.memory_space<semaphore_mem>>) src(%dma_wait3A_1124 : memref<128x128xf32, #tpu.memory_space<vmem>>) dst(%dma_wait3A_1134 : memref<10112x128xf32, #tpu.memory_space<vmem_shared>>)
      %add3A_1135 = arith.constant 8 : i32
      %add3A_1136 = arith.addi %add3A_1065, %add3A_1135 : i32
      %dma_start3A_1137 = arith.constant 2 : i32
      %dma_start3A_1138 = arith.constant 0 : i32
      %dma_start3A_1139 = arith.constant 0 : i32
      %dma_start3A_1140 = tpu.memref_slice %arg6[%dma_start3A_1137, %dma_start3A_1138, %dma_start3A_1139] : memref<8x2x128xi32, #tpu.memory_space<vmem>> -> memref<1x2x128xi32, #tpu.memory_space<vmem>>
      %dma_start3A_1141 = tpu.memref_squeeze %dma_start3A_1140 : memref<1x2x128xi32, #tpu.memory_space<vmem>> -> memref<2x128xi32, #tpu.memory_space<vmem>>
      %dma_start3A_1142 = arith.constant 0 : i32
      %dma_start3A_1143 = arith.constant 0 : i32
      %dma_start3A_1144 = tpu.memref_slice %arg3[%add3A, %add3A_1136, %dma_start3A_1142, %dma_start3A_1143] : memref<32x80x2x128xi32, #tpu.memory_space<hbm>> -> memref<1x1x2x128xi32, #tpu.memory_space<hbm>>
      %dma_start3A_1145 = tpu.memref_squeeze %dma_start3A_1144 : memref<1x1x2x128xi32, #tpu.memory_space<hbm>> -> memref<2x128xi32, #tpu.memory_space<hbm>>
      %dma_start3A_1146 = arith.constant 0 : i32
      %dma_start3A_1147 = arith.constant 0 : i32
      %dma_start3A_1148 = tpu.memref_slice %arg6[%dma_start3A_1137, %dma_start3A_1146, %dma_start3A_1147] : memref<8x2x128xi32, #tpu.memory_space<vmem>> -> memref<1x2x128xi32, #tpu.memory_space<vmem>>
      %dma_start3A_1149 = tpu.memref_squeeze %dma_start3A_1148 : memref<1x2x128xi32, #tpu.memory_space<vmem>> -> memref<2x128xi32, #tpu.memory_space<vmem>>
      %dma_start3A_1150 = arith.constant 0 : i32
      %dma_start3A_1151 = arith.constant 0 : i32
      %dma_start3A_1152 = tpu.memref_slice %arg3[%add3A, %add3A_1136, %dma_start3A_1150, %dma_start3A_1151] : memref<32x80x2x128xi32, #tpu.memory_space<hbm>> -> memref<1x1x2x128xi32, #tpu.memory_space<hbm>>
      %dma_start3A_1153 = tpu.memref_squeeze %dma_start3A_1152 : memref<1x1x2x128xi32, #tpu.memory_space<hbm>> -> memref<2x128xi32, #tpu.memory_space<hbm>>
      tpu.enqueue_dma source(%dma_start3A_1153 : memref<2x128xi32, #tpu.memory_space<hbm>>) target(%dma_start3A_1149 : memref<2x128xi32, #tpu.memory_space<vmem>>) target_semaphore(%arg15 : memref<!tpu.dma_semaphore, #tpu.memory_space<semaphore_mem>>)
      %dma_start3A_1154 = arith.constant 4 : i32
      %dma_start3A_1155 = arith.constant 0 : i32
      %dma_start3A_1156 = arith.constant 0 : i32
      %dma_start3A_1157 = arith.constant 0 : i32
      %dma_start3A_1158 = arith.constant 0 : i32
      %dma_start3A_1159 = tpu.memref_slice %arg7[%dma_start3A_1156, %dma_start3A_1157, %dma_start3A_1158] : memref<2x128x128xf32, #tpu.memory_space<vmem>> -> memref<1x128x128xf32, #tpu.memory_space<vmem>>
      %dma_start3A_1160 = tpu.memref_squeeze %dma_start3A_1159 : memref<1x128x128xf32, #tpu.memory_space<vmem>> -> memref<128x128xf32, #tpu.memory_space<vmem>>
      %dma_start3A_1161 = arith.constant 0 : i32
      %dma_start3A_1162 = arith.constant 0 : i32
      %dma_start3A_1163 = tpu.memref_slice %arg6[%dma_start3A_1154, %dma_start3A_1161, %dma_start3A_1162] : memref<8x2x128xi32, #tpu.memory_space<vmem>> -> memref<1x2x128xi32, #tpu.memory_space<vmem>>
      %dma_start3A_1164 = tpu.memref_squeeze %dma_start3A_1163 : memref<1x2x128xi32, #tpu.memory_space<vmem>> -> memref<2x128xi32, #tpu.memory_space<vmem>>
      %dma_start3A_1165 = arith.constant 0 : i32
      %dma_start3A_1166 = tpu.memref_slice %dma_start3A_1164[%dma_start3A_1155, %dma_start3A_1165] : memref<2x128xi32, #tpu.memory_space<vmem>> -> memref<1x128xi32, #tpu.memory_space<vmem>>
      %dma_start3A_1167 = tpu.memref_squeeze %dma_start3A_1166 : memref<1x128xi32, #tpu.memory_space<vmem>> -> memref<128xi32, #tpu.memory_space<vmem>>
      %dma_start3A_1168 = arith.constant 0 : i32
      %dma_start3A_1169 = arith.constant 0 : i32
      %dma_start3A_1170 = tpu.memref_slice %arg2[%dma_start3A_1168, %dma_start3A_1169] : memref<10000x128xf32, #tpu.memory_space<hbm>> -> memref<10000x128xf32, #tpu.memory_space<hbm>>
      tpu.enqueue_indirect_dma source(%dma_start3A_1170 : memref<10000x128xf32, #tpu.memory_space<hbm>>) target(%dma_start3A_1160 : memref<128x128xf32, #tpu.memory_space<vmem>>) offsets(%dma_start3A_1167 : memref<128xi32, #tpu.memory_space<vmem>>) semaphore(%arg9 : memref<!tpu.dma_semaphore, #tpu.memory_space<semaphore_mem>>)
      %mul3A_1171 = arith.constant 8 : i32
      %mul3A_1172 = arith.muli %scan3A_843, %mul3A_1171 : i32
      %add3A_1173 = arith.constant 3 : i32
      %add3A_1174 = arith.addi %mul3A_1172, %add3A_1173 : i32
      %dma_wait3A_1175 = arith.constant 0 : i32
      %dma_wait3A_1176 = arith.constant 0 : i32
      %dma_wait3A_1177 = arith.constant 1 : i32
      %dma_wait3A_1178 = arith.constant 0 : i32
      %dma_wait3A_1179 = arith.constant 0 : i32
      %dma_wait3A_1180 = tpu.memref_slice %arg7[%dma_wait3A_1177, %dma_wait3A_1178, %dma_wait3A_1179] : memref<2x128x128xf32, #tpu.memory_space<vmem>> -> memref<1x128x128xf32, #tpu.memory_space<vmem>>
      %dma_wait3A_1181 = tpu.memref_squeeze %dma_wait3A_1180 : memref<1x128x128xf32, #tpu.memory_space<vmem>> -> memref<128x128xf32, #tpu.memory_space<vmem>>
      %dma_wait3A_1182 = arith.constant 0 : i32
      %dma_wait3A_1183 = arith.constant 0 : i32
      %dma_wait3A_1184 = tpu.memref_slice %arg6[%dma_wait3A_1175, %dma_wait3A_1182, %dma_wait3A_1183] : memref<8x2x128xi32, #tpu.memory_space<vmem>> -> memref<1x2x128xi32, #tpu.memory_space<vmem>>
      %dma_wait3A_1185 = tpu.memref_squeeze %dma_wait3A_1184 : memref<1x2x128xi32, #tpu.memory_space<vmem>> -> memref<2x128xi32, #tpu.memory_space<vmem>>
      %dma_wait3A_1186 = arith.constant 0 : i32
      %dma_wait3A_1187 = tpu.memref_slice %dma_wait3A_1185[%dma_wait3A_1176, %dma_wait3A_1186] : memref<2x128xi32, #tpu.memory_space<vmem>> -> memref<1x128xi32, #tpu.memory_space<vmem>>
      %dma_wait3A_1188 = tpu.memref_squeeze %dma_wait3A_1187 : memref<1x128xi32, #tpu.memory_space<vmem>> -> memref<128xi32, #tpu.memory_space<vmem>>
      %dma_wait3A_1189 = arith.constant 0 : i32
      %dma_wait3A_1190 = arith.constant 0 : i32
      %dma_wait3A_1191 = tpu.memref_slice %arg2[%dma_wait3A_1189, %dma_wait3A_1190] : memref<10000x128xf32, #tpu.memory_space<hbm>> -> memref<10000x128xf32, #tpu.memory_space<hbm>>
      tpu.wait_indirect_dma semaphore(%arg10 : memref<!tpu.dma_semaphore, #tpu.memory_space<semaphore_mem>>) src(%dma_wait3A_1191 : memref<10000x128xf32, #tpu.memory_space<hbm>>) dst(%dma_wait3A_1181 : memref<128x128xf32, #tpu.memory_space<vmem>>)
      %dma_start3A_1192 = arith.constant 1 : i32
      %dma_start3A_1193 = arith.constant 3 : i32
      %dma_start3A_1194 = arith.constant 1 : i32
      %dma_start3A_1195 = arith.constant 0 : i32
      %dma_start3A_1196 = arith.constant 0 : i32
      %dma_start3A_1197 = tpu.memref_slice %arg7[%dma_start3A_1192, %dma_start3A_1195, %dma_start3A_1196] : memref<2x128x128xf32, #tpu.memory_space<vmem>> -> memref<1x128x128xf32, #tpu.memory_space<vmem>>
      %dma_start3A_1198 = tpu.memref_squeeze %dma_start3A_1197 : memref<1x128x128xf32, #tpu.memory_space<vmem>> -> memref<128x128xf32, #tpu.memory_space<vmem>>
      %dma_start3A_1199 = arith.constant 0 : i32
      %dma_start3A_1200 = arith.constant 0 : i32
      %dma_start3A_1201 = tpu.memref_slice %arg6[%dma_start3A_1193, %dma_start3A_1199, %dma_start3A_1200] : memref<8x2x128xi32, #tpu.memory_space<vmem>> -> memref<1x2x128xi32, #tpu.memory_space<vmem>>
      %dma_start3A_1202 = tpu.memref_squeeze %dma_start3A_1201 : memref<1x2x128xi32, #tpu.memory_space<vmem>> -> memref<2x128xi32, #tpu.memory_space<vmem>>
      %dma_start3A_1203 = arith.constant 0 : i32
      %dma_start3A_1204 = tpu.memref_slice %dma_start3A_1202[%dma_start3A_1194, %dma_start3A_1203] : memref<2x128xi32, #tpu.memory_space<vmem>> -> memref<1x128xi32, #tpu.memory_space<vmem>>
      %dma_start3A_1205 = tpu.memref_squeeze %dma_start3A_1204 : memref<1x128xi32, #tpu.memory_space<vmem>> -> memref<128xi32, #tpu.memory_space<vmem>>
      %dma_start3A_1206 = arith.constant 0 : i32
      %dma_start3A_1207 = arith.constant 0 : i32
      %dma_start3A_1208 = tpu.memref_slice %arg8[%dma_start3A_1206, %dma_start3A_1207] : memref<10112x128xf32, #tpu.memory_space<vmem_shared>> -> memref<10112x128xf32, #tpu.memory_space<vmem_shared>>
      tpu.enqueue_indirect_dma source(%dma_start3A_1198 : memref<128x128xf32, #tpu.memory_space<vmem>>) target(%dma_start3A_1208 : memref<10112x128xf32, #tpu.memory_space<vmem_shared>>) offsets(%dma_start3A_1205 : memref<128xi32, #tpu.memory_space<vmem>>) semaphore(%arg12 : memref<!tpu.dma_semaphore, #tpu.memory_space<semaphore_mem>>) {add = true}
      %dma_wait3A_1209 = arith.constant 0 : i32
      %dma_wait3A_1210 = arith.constant 5 : i32
      %dma_wait3A_1211 = arith.constant 0 : i32
      %dma_wait3A_1212 = arith.constant 0 : i32
      %dma_wait3A_1213 = tpu.memref_slice %arg6[%dma_wait3A_1210, %dma_wait3A_1211, %dma_wait3A_1212] : memref<8x2x128xi32, #tpu.memory_space<vmem>> -> memref<1x2x128xi32, #tpu.memory_space<vmem>>
      %dma_wait3A_1214 = tpu.memref_squeeze %dma_wait3A_1213 : memref<1x2x128xi32, #tpu.memory_space<vmem>> -> memref<2x128xi32, #tpu.memory_space<vmem>>
      %dma_wait3A_1215 = arith.constant 0 : i32
      %dma_wait3A_1216 = arith.constant 0 : i32
      %dma_wait3A_1217 = tpu.memref_slice %arg3[%add3A, %dma_wait3A_1209, %dma_wait3A_1215, %dma_wait3A_1216] : memref<32x80x2x128xi32, #tpu.memory_space<hbm>> -> memref<1x1x2x128xi32, #tpu.memory_space<hbm>>
      %dma_wait3A_1218 = tpu.memref_squeeze %dma_wait3A_1217 : memref<1x1x2x128xi32, #tpu.memory_space<hbm>> -> memref<2x128xi32, #tpu.memory_space<hbm>>
      %dma_wait3A_1219 = arith.constant 0 : i32
      %dma_wait3A_1220 = arith.constant 0 : i32
      %dma_wait3A_1221 = tpu.memref_slice %arg6[%dma_wait3A_1210, %dma_wait3A_1219, %dma_wait3A_1220] : memref<8x2x128xi32, #tpu.memory_space<vmem>> -> memref<1x2x128xi32, #tpu.memory_space<vmem>>
      %dma_wait3A_1222 = tpu.memref_squeeze %dma_wait3A_1221 : memref<1x2x128xi32, #tpu.memory_space<vmem>> -> memref<2x128xi32, #tpu.memory_space<vmem>>
      %dma_wait3A_1223 = arith.constant 0 : i32
      %dma_wait3A_1224 = arith.constant 0 : i32
      %dma_wait3A_1225 = tpu.memref_slice %arg3[%add3A, %dma_wait3A_1209, %dma_wait3A_1223, %dma_wait3A_1224] : memref<32x80x2x128xi32, #tpu.memory_space<hbm>> -> memref<1x1x2x128xi32, #tpu.memory_space<hbm>>
      %dma_wait3A_1226 = tpu.memref_squeeze %dma_wait3A_1225 : memref<1x1x2x128xi32, #tpu.memory_space<hbm>> -> memref<2x128xi32, #tpu.memory_space<hbm>>
      tpu.wait_dma2 semaphore(%arg18 : memref<!tpu.dma_semaphore, #tpu.memory_space<semaphore_mem>>) src(%dma_wait3A_1226 : memref<2x128xi32, #tpu.memory_space<hbm>>) dst(%dma_wait3A_1222 : memref<2x128xi32, #tpu.memory_space<vmem>>)
      %dma_wait3A_1227 = arith.constant 1 : i32
      %dma_wait3A_1228 = arith.constant 0 : i32
      %dma_wait3A_1229 = arith.constant 1 : i32
      %dma_wait3A_1230 = arith.constant 0 : i32
      %dma_wait3A_1231 = arith.constant 0 : i32
      %dma_wait3A_1232 = tpu.memref_slice %arg7[%dma_wait3A_1227, %dma_wait3A_1230, %dma_wait3A_1231] : memref<2x128x128xf32, #tpu.memory_space<vmem>> -> memref<1x128x128xf32, #tpu.memory_space<vmem>>
      %dma_wait3A_1233 = tpu.memref_squeeze %dma_wait3A_1232 : memref<1x128x128xf32, #tpu.memory_space<vmem>> -> memref<128x128xf32, #tpu.memory_space<vmem>>
      %dma_wait3A_1234 = arith.constant 0 : i32
      %dma_wait3A_1235 = arith.constant 0 : i32
      %dma_wait3A_1236 = tpu.memref_slice %arg6[%dma_wait3A_1228, %dma_wait3A_1234, %dma_wait3A_1235] : memref<8x2x128xi32, #tpu.memory_space<vmem>> -> memref<1x2x128xi32, #tpu.memory_space<vmem>>
      %dma_wait3A_1237 = tpu.memref_squeeze %dma_wait3A_1236 : memref<1x2x128xi32, #tpu.memory_space<vmem>> -> memref<2x128xi32, #tpu.memory_space<vmem>>
      %dma_wait3A_1238 = arith.constant 0 : i32
      %dma_wait3A_1239 = tpu.memref_slice %dma_wait3A_1237[%dma_wait3A_1229, %dma_wait3A_1238] : memref<2x128xi32, #tpu.memory_space<vmem>> -> memref<1x128xi32, #tpu.memory_space<vmem>>
      %dma_wait3A_1240 = tpu.memref_squeeze %dma_wait3A_1239 : memref<1x128xi32, #tpu.memory_space<vmem>> -> memref<128xi32, #tpu.memory_space<vmem>>
      %dma_wait3A_1241 = arith.constant 0 : i32
      %dma_wait3A_1242 = arith.constant 0 : i32
      %dma_wait3A_1243 = tpu.memref_slice %arg8[%dma_wait3A_1241, %dma_wait3A_1242] : memref<10112x128xf32, #tpu.memory_space<vmem_shared>> -> memref<10112x128xf32, #tpu.memory_space<vmem_shared>>
      tpu.wait_indirect_dma semaphore(%arg12 : memref<!tpu.dma_semaphore, #tpu.memory_space<semaphore_mem>>) src(%dma_wait3A_1233 : memref<128x128xf32, #tpu.memory_space<vmem>>) dst(%dma_wait3A_1243 : memref<10112x128xf32, #tpu.memory_space<vmem_shared>>)
      %add3A_1244 = arith.constant 8 : i32
      %add3A_1245 = arith.addi %add3A_1174, %add3A_1244 : i32
      %dma_start3A_1246 = arith.constant 3 : i32
      %dma_start3A_1247 = arith.constant 0 : i32
      %dma_start3A_1248 = arith.constant 0 : i32
      %dma_start3A_1249 = tpu.memref_slice %arg6[%dma_start3A_1246, %dma_start3A_1247, %dma_start3A_1248] : memref<8x2x128xi32, #tpu.memory_space<vmem>> -> memref<1x2x128xi32, #tpu.memory_space<vmem>>
      %dma_start3A_1250 = tpu.memref_squeeze %dma_start3A_1249 : memref<1x2x128xi32, #tpu.memory_space<vmem>> -> memref<2x128xi32, #tpu.memory_space<vmem>>
      %dma_start3A_1251 = arith.constant 0 : i32
      %dma_start3A_1252 = arith.constant 0 : i32
      %dma_start3A_1253 = tpu.memref_slice %arg3[%add3A, %add3A_1245, %dma_start3A_1251, %dma_start3A_1252] : memref<32x80x2x128xi32, #tpu.memory_space<hbm>> -> memref<1x1x2x128xi32, #tpu.memory_space<hbm>>
      %dma_start3A_1254 = tpu.memref_squeeze %dma_start3A_1253 : memref<1x1x2x128xi32, #tpu.memory_space<hbm>> -> memref<2x128xi32, #tpu.memory_space<hbm>>
      %dma_start3A_1255 = arith.constant 0 : i32
      %dma_start3A_1256 = arith.constant 0 : i32
      %dma_start3A_1257 = tpu.memref_slice %arg6[%dma_start3A_1246, %dma_start3A_1255, %dma_start3A_1256] : memref<8x2x128xi32, #tpu.memory_space<vmem>> -> memref<1x2x128xi32, #tpu.memory_space<vmem>>
      %dma_start3A_1258 = tpu.memref_squeeze %dma_start3A_1257 : memref<1x2x128xi32, #tpu.memory_space<vmem>> -> memref<2x128xi32, #tpu.memory_space<vmem>>
      %dma_start3A_1259 = arith.constant 0 : i32
      %dma_start3A_1260 = arith.constant 0 : i32
      %dma_start3A_1261 = tpu.memref_slice %arg3[%add3A, %add3A_1245, %dma_start3A_1259, %dma_start3A_1260] : memref<32x80x2x128xi32, #tpu.memory_space<hbm>> -> memref<1x1x2x128xi32, #tpu.memory_space<hbm>>
      %dma_start3A_1262 = tpu.memref_squeeze %dma_start3A_1261 : memref<1x1x2x128xi32, #tpu.memory_space<hbm>> -> memref<2x128xi32, #tpu.memory_space<hbm>>
      tpu.enqueue_dma source(%dma_start3A_1262 : memref<2x128xi32, #tpu.memory_space<hbm>>) target(%dma_start3A_1258 : memref<2x128xi32, #tpu.memory_space<vmem>>) target_semaphore(%arg16 : memref<!tpu.dma_semaphore, #tpu.memory_space<semaphore_mem>>)
      %dma_start3A_1263 = arith.constant 5 : i32
      %dma_start3A_1264 = arith.constant 0 : i32
      %dma_start3A_1265 = arith.constant 1 : i32
      %dma_start3A_1266 = arith.constant 0 : i32
      %dma_start3A_1267 = arith.constant 0 : i32
      %dma_start3A_1268 = tpu.memref_slice %arg7[%dma_start3A_1265, %dma_start3A_1266, %dma_start3A_1267] : memref<2x128x128xf32, #tpu.memory_space<vmem>> -> memref<1x128x128xf32, #tpu.memory_space<vmem>>
      %dma_start3A_1269 = tpu.memref_squeeze %dma_start3A_1268 : memref<1x128x128xf32, #tpu.memory_space<vmem>> -> memref<128x128xf32, #tpu.memory_space<vmem>>
      %dma_start3A_1270 = arith.constant 0 : i32
      %dma_start3A_1271 = arith.constant 0 : i32
      %dma_start3A_1272 = tpu.memref_slice %arg6[%dma_start3A_1263, %dma_start3A_1270, %dma_start3A_1271] : memref<8x2x128xi32, #tpu.memory_space<vmem>> -> memref<1x2x128xi32, #tpu.memory_space<vmem>>
      %dma_start3A_1273 = tpu.memref_squeeze %dma_start3A_1272 : memref<1x2x128xi32, #tpu.memory_space<vmem>> -> memref<2x128xi32, #tpu.memory_space<vmem>>
      %dma_start3A_1274 = arith.constant 0 : i32
      %dma_start3A_1275 = tpu.memref_slice %dma_start3A_1273[%dma_start3A_1264, %dma_start3A_1274] : memref<2x128xi32, #tpu.memory_space<vmem>> -> memref<1x128xi32, #tpu.memory_space<vmem>>
      %dma_start3A_1276 = tpu.memref_squeeze %dma_start3A_1275 : memref<1x128xi32, #tpu.memory_space<vmem>> -> memref<128xi32, #tpu.memory_space<vmem>>
      %dma_start3A_1277 = arith.constant 0 : i32
      %dma_start3A_1278 = arith.constant 0 : i32
      %dma_start3A_1279 = tpu.memref_slice %arg2[%dma_start3A_1277, %dma_start3A_1278] : memref<10000x128xf32, #tpu.memory_space<hbm>> -> memref<10000x128xf32, #tpu.memory_space<hbm>>
      tpu.enqueue_indirect_dma source(%dma_start3A_1279 : memref<10000x128xf32, #tpu.memory_space<hbm>>) target(%dma_start3A_1269 : memref<128x128xf32, #tpu.memory_space<vmem>>) offsets(%dma_start3A_1276 : memref<128xi32, #tpu.memory_space<vmem>>) semaphore(%arg10 : memref<!tpu.dma_semaphore, #tpu.memory_space<semaphore_mem>>)
      %mul3A_1280 = arith.constant 8 : i32
      %mul3A_1281 = arith.muli %scan3A_843, %mul3A_1280 : i32
      %add3A_1282 = arith.constant 4 : i32
      %add3A_1283 = arith.addi %mul3A_1281, %add3A_1282 : i32
      %dma_wait3A_1284 = arith.constant 0 : i32
      %dma_wait3A_1285 = arith.constant 0 : i32
      %dma_wait3A_1286 = arith.constant 0 : i32
      %dma_wait3A_1287 = arith.constant 0 : i32
      %dma_wait3A_1288 = arith.constant 0 : i32
      %dma_wait3A_1289 = tpu.memref_slice %arg7[%dma_wait3A_1286, %dma_wait3A_1287, %dma_wait3A_1288] : memref<2x128x128xf32, #tpu.memory_space<vmem>> -> memref<1x128x128xf32, #tpu.memory_space<vmem>>
      %dma_wait3A_1290 = tpu.memref_squeeze %dma_wait3A_1289 : memref<1x128x128xf32, #tpu.memory_space<vmem>> -> memref<128x128xf32, #tpu.memory_space<vmem>>
      %dma_wait3A_1291 = arith.constant 0 : i32
      %dma_wait3A_1292 = arith.constant 0 : i32
      %dma_wait3A_1293 = tpu.memref_slice %arg6[%dma_wait3A_1284, %dma_wait3A_1291, %dma_wait3A_1292] : memref<8x2x128xi32, #tpu.memory_space<vmem>> -> memref<1x2x128xi32, #tpu.memory_space<vmem>>
      %dma_wait3A_1294 = tpu.memref_squeeze %dma_wait3A_1293 : memref<1x2x128xi32, #tpu.memory_space<vmem>> -> memref<2x128xi32, #tpu.memory_space<vmem>>
      %dma_wait3A_1295 = arith.constant 0 : i32
      %dma_wait3A_1296 = tpu.memref_slice %dma_wait3A_1294[%dma_wait3A_1285, %dma_wait3A_1295] : memref<2x128xi32, #tpu.memory_space<vmem>> -> memref<1x128xi32, #tpu.memory_space<vmem>>
      %dma_wait3A_1297 = tpu.memref_squeeze %dma_wait3A_1296 : memref<1x128xi32, #tpu.memory_space<vmem>> -> memref<128xi32, #tpu.memory_space<vmem>>
      %dma_wait3A_1298 = arith.constant 0 : i32
      %dma_wait3A_1299 = arith.constant 0 : i32
      %dma_wait3A_1300 = tpu.memref_slice %arg2[%dma_wait3A_1298, %dma_wait3A_1299] : memref<10000x128xf32, #tpu.memory_space<hbm>> -> memref<10000x128xf32, #tpu.memory_space<hbm>>
      tpu.wait_indirect_dma semaphore(%arg9 : memref<!tpu.dma_semaphore, #tpu.memory_space<semaphore_mem>>) src(%dma_wait3A_1300 : memref<10000x128xf32, #tpu.memory_space<hbm>>) dst(%dma_wait3A_1290 : memref<128x128xf32, #tpu.memory_space<vmem>>)
      %dma_start3A_1301 = arith.constant 0 : i32
      %dma_start3A_1302 = arith.constant 4 : i32
      %dma_start3A_1303 = arith.constant 1 : i32
      %dma_start3A_1304 = arith.constant 0 : i32
      %dma_start3A_1305 = arith.constant 0 : i32
      %dma_start3A_1306 = tpu.memref_slice %arg7[%dma_start3A_1301, %dma_start3A_1304, %dma_start3A_1305] : memref<2x128x128xf32, #tpu.memory_space<vmem>> -> memref<1x128x128xf32, #tpu.memory_space<vmem>>
      %dma_start3A_1307 = tpu.memref_squeeze %dma_start3A_1306 : memref<1x128x128xf32, #tpu.memory_space<vmem>> -> memref<128x128xf32, #tpu.memory_space<vmem>>
      %dma_start3A_1308 = arith.constant 0 : i32
      %dma_start3A_1309 = arith.constant 0 : i32
      %dma_start3A_1310 = tpu.memref_slice %arg6[%dma_start3A_1302, %dma_start3A_1308, %dma_start3A_1309] : memref<8x2x128xi32, #tpu.memory_space<vmem>> -> memref<1x2x128xi32, #tpu.memory_space<vmem>>
      %dma_start3A_1311 = tpu.memref_squeeze %dma_start3A_1310 : memref<1x2x128xi32, #tpu.memory_space<vmem>> -> memref<2x128xi32, #tpu.memory_space<vmem>>
      %dma_start3A_1312 = arith.constant 0 : i32
      %dma_start3A_1313 = tpu.memref_slice %dma_start3A_1311[%dma_start3A_1303, %dma_start3A_1312] : memref<2x128xi32, #tpu.memory_space<vmem>> -> memref<1x128xi32, #tpu.memory_space<vmem>>
      %dma_start3A_1314 = tpu.memref_squeeze %dma_start3A_1313 : memref<1x128xi32, #tpu.memory_space<vmem>> -> memref<128xi32, #tpu.memory_space<vmem>>
      %dma_start3A_1315 = arith.constant 0 : i32
      %dma_start3A_1316 = arith.constant 0 : i32
      %dma_start3A_1317 = tpu.memref_slice %arg8[%dma_start3A_1315, %dma_start3A_1316] : memref<10112x128xf32, #tpu.memory_space<vmem_shared>> -> memref<10112x128xf32, #tpu.memory_space<vmem_shared>>
      tpu.enqueue_indirect_dma source(%dma_start3A_1307 : memref<128x128xf32, #tpu.memory_space<vmem>>) target(%dma_start3A_1317 : memref<10112x128xf32, #tpu.memory_space<vmem_shared>>) offsets(%dma_start3A_1314 : memref<128xi32, #tpu.memory_space<vmem>>) semaphore(%arg11 : memref<!tpu.dma_semaphore, #tpu.memory_space<semaphore_mem>>) {add = true}
      %dma_wait3A_1318 = arith.constant 0 : i32
      %dma_wait3A_1319 = arith.constant 6 : i32
      %dma_wait3A_1320 = arith.constant 0 : i32
      %dma_wait3A_1321 = arith.constant 0 : i32
      %dma_wait3A_1322 = tpu.memref_slice %arg6[%dma_wait3A_1319, %dma_wait3A_1320, %dma_wait3A_1321] : memref<8x2x128xi32, #tpu.memory_space<vmem>> -> memref<1x2x128xi32, #tpu.memory_space<vmem>>
      %dma_wait3A_1323 = tpu.memref_squeeze %dma_wait3A_1322 : memref<1x2x128xi32, #tpu.memory_space<vmem>> -> memref<2x128xi32, #tpu.memory_space<vmem>>
      %dma_wait3A_1324 = arith.constant 0 : i32
      %dma_wait3A_1325 = arith.constant 0 : i32
      %dma_wait3A_1326 = tpu.memref_slice %arg3[%add3A, %dma_wait3A_1318, %dma_wait3A_1324, %dma_wait3A_1325] : memref<32x80x2x128xi32, #tpu.memory_space<hbm>> -> memref<1x1x2x128xi32, #tpu.memory_space<hbm>>
      %dma_wait3A_1327 = tpu.memref_squeeze %dma_wait3A_1326 : memref<1x1x2x128xi32, #tpu.memory_space<hbm>> -> memref<2x128xi32, #tpu.memory_space<hbm>>
      %dma_wait3A_1328 = arith.constant 0 : i32
      %dma_wait3A_1329 = arith.constant 0 : i32
      %dma_wait3A_1330 = tpu.memref_slice %arg6[%dma_wait3A_1319, %dma_wait3A_1328, %dma_wait3A_1329] : memref<8x2x128xi32, #tpu.memory_space<vmem>> -> memref<1x2x128xi32, #tpu.memory_space<vmem>>
      %dma_wait3A_1331 = tpu.memref_squeeze %dma_wait3A_1330 : memref<1x2x128xi32, #tpu.memory_space<vmem>> -> memref<2x128xi32, #tpu.memory_space<vmem>>
      %dma_wait3A_1332 = arith.constant 0 : i32
      %dma_wait3A_1333 = arith.constant 0 : i32
      %dma_wait3A_1334 = tpu.memref_slice %arg3[%add3A, %dma_wait3A_1318, %dma_wait3A_1332, %dma_wait3A_1333] : memref<32x80x2x128xi32, #tpu.memory_space<hbm>> -> memref<1x1x2x128xi32, #tpu.memory_space<hbm>>
      %dma_wait3A_1335 = tpu.memref_squeeze %dma_wait3A_1334 : memref<1x1x2x128xi32, #tpu.memory_space<hbm>> -> memref<2x128xi32, #tpu.memory_space<hbm>>
      tpu.wait_dma2 semaphore(%arg19 : memref<!tpu.dma_semaphore, #tpu.memory_space<semaphore_mem>>) src(%dma_wait3A_1335 : memref<2x128xi32, #tpu.memory_space<hbm>>) dst(%dma_wait3A_1331 : memref<2x128xi32, #tpu.memory_space<vmem>>)
      %dma_wait3A_1336 = arith.constant 0 : i32
      %dma_wait3A_1337 = arith.constant 0 : i32
      %dma_wait3A_1338 = arith.constant 1 : i32
      %dma_wait3A_1339 = arith.constant 0 : i32
      %dma_wait3A_1340 = arith.constant 0 : i32
      %dma_wait3A_1341 = tpu.memref_slice %arg7[%dma_wait3A_1336, %dma_wait3A_1339, %dma_wait3A_1340] : memref<2x128x128xf32, #tpu.memory_space<vmem>> -> memref<1x128x128xf32, #tpu.memory_space<vmem>>
      %dma_wait3A_1342 = tpu.memref_squeeze %dma_wait3A_1341 : memref<1x128x128xf32, #tpu.memory_space<vmem>> -> memref<128x128xf32, #tpu.memory_space<vmem>>
      %dma_wait3A_1343 = arith.constant 0 : i32
      %dma_wait3A_1344 = arith.constant 0 : i32
      %dma_wait3A_1345 = tpu.memref_slice %arg6[%dma_wait3A_1337, %dma_wait3A_1343, %dma_wait3A_1344] : memref<8x2x128xi32, #tpu.memory_space<vmem>> -> memref<1x2x128xi32, #tpu.memory_space<vmem>>
      %dma_wait3A_1346 = tpu.memref_squeeze %dma_wait3A_1345 : memref<1x2x128xi32, #tpu.memory_space<vmem>> -> memref<2x128xi32, #tpu.memory_space<vmem>>
      %dma_wait3A_1347 = arith.constant 0 : i32
      %dma_wait3A_1348 = tpu.memref_slice %dma_wait3A_1346[%dma_wait3A_1338, %dma_wait3A_1347] : memref<2x128xi32, #tpu.memory_space<vmem>> -> memref<1x128xi32, #tpu.memory_space<vmem>>
      %dma_wait3A_1349 = tpu.memref_squeeze %dma_wait3A_1348 : memref<1x128xi32, #tpu.memory_space<vmem>> -> memref<128xi32, #tpu.memory_space<vmem>>
      %dma_wait3A_1350 = arith.constant 0 : i32
      %dma_wait3A_1351 = arith.constant 0 : i32
      %dma_wait3A_1352 = tpu.memref_slice %arg8[%dma_wait3A_1350, %dma_wait3A_1351] : memref<10112x128xf32, #tpu.memory_space<vmem_shared>> -> memref<10112x128xf32, #tpu.memory_space<vmem_shared>>
      tpu.wait_indirect_dma semaphore(%arg11 : memref<!tpu.dma_semaphore, #tpu.memory_space<semaphore_mem>>) src(%dma_wait3A_1342 : memref<128x128xf32, #tpu.memory_space<vmem>>) dst(%dma_wait3A_1352 : memref<10112x128xf32, #tpu.memory_space<vmem_shared>>)
      %add3A_1353 = arith.constant 8 : i32
      %add3A_1354 = arith.addi %add3A_1283, %add3A_1353 : i32
      %dma_start3A_1355 = arith.constant 4 : i32
      %dma_start3A_1356 = arith.constant 0 : i32
      %dma_start3A_1357 = arith.constant 0 : i32
      %dma_start3A_1358 = tpu.memref_slice %arg6[%dma_start3A_1355, %dma_start3A_1356, %dma_start3A_1357] : memref<8x2x128xi32, #tpu.memory_space<vmem>> -> memref<1x2x128xi32, #tpu.memory_space<vmem>>
      %dma_start3A_1359 = tpu.memref_squeeze %dma_start3A_1358 : memref<1x2x128xi32, #tpu.memory_space<vmem>> -> memref<2x128xi32, #tpu.memory_space<vmem>>
      %dma_start3A_1360 = arith.constant 0 : i32
      %dma_start3A_1361 = arith.constant 0 : i32
      %dma_start3A_1362 = tpu.memref_slice %arg3[%add3A, %add3A_1354, %dma_start3A_1360, %dma_start3A_1361] : memref<32x80x2x128xi32, #tpu.memory_space<hbm>> -> memref<1x1x2x128xi32, #tpu.memory_space<hbm>>
      %dma_start3A_1363 = tpu.memref_squeeze %dma_start3A_1362 : memref<1x1x2x128xi32, #tpu.memory_space<hbm>> -> memref<2x128xi32, #tpu.memory_space<hbm>>
      %dma_start3A_1364 = arith.constant 0 : i32
      %dma_start3A_1365 = arith.constant 0 : i32
      %dma_start3A_1366 = tpu.memref_slice %arg6[%dma_start3A_1355, %dma_start3A_1364, %dma_start3A_1365] : memref<8x2x128xi32, #tpu.memory_space<vmem>> -> memref<1x2x128xi32, #tpu.memory_space<vmem>>
      %dma_start3A_1367 = tpu.memref_squeeze %dma_start3A_1366 : memref<1x2x128xi32, #tpu.memory_space<vmem>> -> memref<2x128xi32, #tpu.memory_space<vmem>>
      %dma_start3A_1368 = arith.constant 0 : i32
      %dma_start3A_1369 = arith.constant 0 : i32
      %dma_start3A_1370 = tpu.memref_slice %arg3[%add3A, %add3A_1354, %dma_start3A_1368, %dma_start3A_1369] : memref<32x80x2x128xi32, #tpu.memory_space<hbm>> -> memref<1x1x2x128xi32, #tpu.memory_space<hbm>>
      %dma_start3A_1371 = tpu.memref_squeeze %dma_start3A_1370 : memref<1x1x2x128xi32, #tpu.memory_space<hbm>> -> memref<2x128xi32, #tpu.memory_space<hbm>>
      tpu.enqueue_dma source(%dma_start3A_1371 : memref<2x128xi32, #tpu.memory_space<hbm>>) target(%dma_start3A_1367 : memref<2x128xi32, #tpu.memory_space<vmem>>) target_semaphore(%arg17 : memref<!tpu.dma_semaphore, #tpu.memory_space<semaphore_mem>>)
      %dma_start3A_1372 = arith.constant 6 : i32
      %dma_start3A_1373 = arith.constant 0 : i32
      %dma_start3A_1374 = arith.constant 0 : i32
      %dma_start3A_1375 = arith.constant 0 : i32
      %dma_start3A_1376 = arith.constant 0 : i32
      %dma_start3A_1377 = tpu.memref_slice %arg7[%dma_start3A_1374, %dma_start3A_1375, %dma_start3A_1376] : memref<2x128x128xf32, #tpu.memory_space<vmem>> -> memref<1x128x128xf32, #tpu.memory_space<vmem>>
      %dma_start3A_1378 = tpu.memref_squeeze %dma_start3A_1377 : memref<1x128x128xf32, #tpu.memory_space<vmem>> -> memref<128x128xf32, #tpu.memory_space<vmem>>
      %dma_start3A_1379 = arith.constant 0 : i32
      %dma_start3A_1380 = arith.constant 0 : i32
      %dma_start3A_1381 = tpu.memref_slice %arg6[%dma_start3A_1372, %dma_start3A_1379, %dma_start3A_1380] : memref<8x2x128xi32, #tpu.memory_space<vmem>> -> memref<1x2x128xi32, #tpu.memory_space<vmem>>
      %dma_start3A_1382 = tpu.memref_squeeze %dma_start3A_1381 : memref<1x2x128xi32, #tpu.memory_space<vmem>> -> memref<2x128xi32, #tpu.memory_space<vmem>>
      %dma_start3A_1383 = arith.constant 0 : i32
      %dma_start3A_1384 = tpu.memref_slice %dma_start3A_1382[%dma_start3A_1373, %dma_start3A_1383] : memref<2x128xi32, #tpu.memory_space<vmem>> -> memref<1x128xi32, #tpu.memory_space<vmem>>
      %dma_start3A_1385 = tpu.memref_squeeze %dma_start3A_1384 : memref<1x128xi32, #tpu.memory_space<vmem>> -> memref<128xi32, #tpu.memory_space<vmem>>
      %dma_start3A_1386 = arith.constant 0 : i32
      %dma_start3A_1387 = arith.constant 0 : i32
      %dma_start3A_1388 = tpu.memref_slice %arg2[%dma_start3A_1386, %dma_start3A_1387] : memref<10000x128xf32, #tpu.memory_space<hbm>> -> memref<10000x128xf32, #tpu.memory_space<hbm>>
      tpu.enqueue_indirect_dma source(%dma_start3A_1388 : memref<10000x128xf32, #tpu.memory_space<hbm>>) target(%dma_start3A_1378 : memref<128x128xf32, #tpu.memory_space<vmem>>) offsets(%dma_start3A_1385 : memref<128xi32, #tpu.memory_space<vmem>>) semaphore(%arg9 : memref<!tpu.dma_semaphore, #tpu.memory_space<semaphore_mem>>)
      %mul3A_1389 = arith.constant 8 : i32
      %mul3A_1390 = arith.muli %scan3A_843, %mul3A_1389 : i32
      %add3A_1391 = arith.constant 5 : i32
      %add3A_1392 = arith.addi %mul3A_1390, %add3A_1391 : i32
      %dma_wait3A_1393 = arith.constant 0 : i32
      %dma_wait3A_1394 = arith.constant 0 : i32
      %dma_wait3A_1395 = arith.constant 1 : i32
      %dma_wait3A_1396 = arith.constant 0 : i32
      %dma_wait3A_1397 = arith.constant 0 : i32
      %dma_wait3A_1398 = tpu.memref_slice %arg7[%dma_wait3A_1395, %dma_wait3A_1396, %dma_wait3A_1397] : memref<2x128x128xf32, #tpu.memory_space<vmem>> -> memref<1x128x128xf32, #tpu.memory_space<vmem>>
      %dma_wait3A_1399 = tpu.memref_squeeze %dma_wait3A_1398 : memref<1x128x128xf32, #tpu.memory_space<vmem>> -> memref<128x128xf32, #tpu.memory_space<vmem>>
      %dma_wait3A_1400 = arith.constant 0 : i32
      %dma_wait3A_1401 = arith.constant 0 : i32
      %dma_wait3A_1402 = tpu.memref_slice %arg6[%dma_wait3A_1393, %dma_wait3A_1400, %dma_wait3A_1401] : memref<8x2x128xi32, #tpu.memory_space<vmem>> -> memref<1x2x128xi32, #tpu.memory_space<vmem>>
      %dma_wait3A_1403 = tpu.memref_squeeze %dma_wait3A_1402 : memref<1x2x128xi32, #tpu.memory_space<vmem>> -> memref<2x128xi32, #tpu.memory_space<vmem>>
      %dma_wait3A_1404 = arith.constant 0 : i32
      %dma_wait3A_1405 = tpu.memref_slice %dma_wait3A_1403[%dma_wait3A_1394, %dma_wait3A_1404] : memref<2x128xi32, #tpu.memory_space<vmem>> -> memref<1x128xi32, #tpu.memory_space<vmem>>
      %dma_wait3A_1406 = tpu.memref_squeeze %dma_wait3A_1405 : memref<1x128xi32, #tpu.memory_space<vmem>> -> memref<128xi32, #tpu.memory_space<vmem>>
      %dma_wait3A_1407 = arith.constant 0 : i32
      %dma_wait3A_1408 = arith.constant 0 : i32
      %dma_wait3A_1409 = tpu.memref_slice %arg2[%dma_wait3A_1407, %dma_wait3A_1408] : memref<10000x128xf32, #tpu.memory_space<hbm>> -> memref<10000x128xf32, #tpu.memory_space<hbm>>
      tpu.wait_indirect_dma semaphore(%arg10 : memref<!tpu.dma_semaphore, #tpu.memory_space<semaphore_mem>>) src(%dma_wait3A_1409 : memref<10000x128xf32, #tpu.memory_space<hbm>>) dst(%dma_wait3A_1399 : memref<128x128xf32, #tpu.memory_space<vmem>>)
      %dma_start3A_1410 = arith.constant 1 : i32
      %dma_start3A_1411 = arith.constant 5 : i32
      %dma_start3A_1412 = arith.constant 1 : i32
      %dma_start3A_1413 = arith.constant 0 : i32
      %dma_start3A_1414 = arith.constant 0 : i32
      %dma_start3A_1415 = tpu.memref_slice %arg7[%dma_start3A_1410, %dma_start3A_1413, %dma_start3A_1414] : memref<2x128x128xf32, #tpu.memory_space<vmem>> -> memref<1x128x128xf32, #tpu.memory_space<vmem>>
      %dma_start3A_1416 = tpu.memref_squeeze %dma_start3A_1415 : memref<1x128x128xf32, #tpu.memory_space<vmem>> -> memref<128x128xf32, #tpu.memory_space<vmem>>
      %dma_start3A_1417 = arith.constant 0 : i32
      %dma_start3A_1418 = arith.constant 0 : i32
      %dma_start3A_1419 = tpu.memref_slice %arg6[%dma_start3A_1411, %dma_start3A_1417, %dma_start3A_1418] : memref<8x2x128xi32, #tpu.memory_space<vmem>> -> memref<1x2x128xi32, #tpu.memory_space<vmem>>
      %dma_start3A_1420 = tpu.memref_squeeze %dma_start3A_1419 : memref<1x2x128xi32, #tpu.memory_space<vmem>> -> memref<2x128xi32, #tpu.memory_space<vmem>>
      %dma_start3A_1421 = arith.constant 0 : i32
      %dma_start3A_1422 = tpu.memref_slice %dma_start3A_1420[%dma_start3A_1412, %dma_start3A_1421] : memref<2x128xi32, #tpu.memory_space<vmem>> -> memref<1x128xi32, #tpu.memory_space<vmem>>
      %dma_start3A_1423 = tpu.memref_squeeze %dma_start3A_1422 : memref<1x128xi32, #tpu.memory_space<vmem>> -> memref<128xi32, #tpu.memory_space<vmem>>
      %dma_start3A_1424 = arith.constant 0 : i32
      %dma_start3A_1425 = arith.constant 0 : i32
      %dma_start3A_1426 = tpu.memref_slice %arg8[%dma_start3A_1424, %dma_start3A_1425] : memref<10112x128xf32, #tpu.memory_space<vmem_shared>> -> memref<10112x128xf32, #tpu.memory_space<vmem_shared>>
      tpu.enqueue_indirect_dma source(%dma_start3A_1416 : memref<128x128xf32, #tpu.memory_space<vmem>>) target(%dma_start3A_1426 : memref<10112x128xf32, #tpu.memory_space<vmem_shared>>) offsets(%dma_start3A_1423 : memref<128xi32, #tpu.memory_space<vmem>>) semaphore(%arg12 : memref<!tpu.dma_semaphore, #tpu.memory_space<semaphore_mem>>) {add = true}
      %dma_wait3A_1427 = arith.constant 0 : i32
      %dma_wait3A_1428 = arith.constant 7 : i32
      %dma_wait3A_1429 = arith.constant 0 : i32
      %dma_wait3A_1430 = arith.constant 0 : i32
      %dma_wait3A_1431 = tpu.memref_slice %arg6[%dma_wait3A_1428, %dma_wait3A_1429, %dma_wait3A_1430] : memref<8x2x128xi32, #tpu.memory_space<vmem>> -> memref<1x2x128xi32, #tpu.memory_space<vmem>>
      %dma_wait3A_1432 = tpu.memref_squeeze %dma_wait3A_1431 : memref<1x2x128xi32, #tpu.memory_space<vmem>> -> memref<2x128xi32, #tpu.memory_space<vmem>>
      %dma_wait3A_1433 = arith.constant 0 : i32
      %dma_wait3A_1434 = arith.constant 0 : i32
      %dma_wait3A_1435 = tpu.memref_slice %arg3[%add3A, %dma_wait3A_1427, %dma_wait3A_1433, %dma_wait3A_1434] : memref<32x80x2x128xi32, #tpu.memory_space<hbm>> -> memref<1x1x2x128xi32, #tpu.memory_space<hbm>>
      %dma_wait3A_1436 = tpu.memref_squeeze %dma_wait3A_1435 : memref<1x1x2x128xi32, #tpu.memory_space<hbm>> -> memref<2x128xi32, #tpu.memory_space<hbm>>
      %dma_wait3A_1437 = arith.constant 0 : i32
      %dma_wait3A_1438 = arith.constant 0 : i32
      %dma_wait3A_1439 = tpu.memref_slice %arg6[%dma_wait3A_1428, %dma_wait3A_1437, %dma_wait3A_1438] : memref<8x2x128xi32, #tpu.memory_space<vmem>> -> memref<1x2x128xi32, #tpu.memory_space<vmem>>
      %dma_wait3A_1440 = tpu.memref_squeeze %dma_wait3A_1439 : memref<1x2x128xi32, #tpu.memory_space<vmem>> -> memref<2x128xi32, #tpu.memory_space<vmem>>
      %dma_wait3A_1441 = arith.constant 0 : i32
      %dma_wait3A_1442 = arith.constant 0 : i32
      %dma_wait3A_1443 = tpu.memref_slice %arg3[%add3A, %dma_wait3A_1427, %dma_wait3A_1441, %dma_wait3A_1442] : memref<32x80x2x128xi32, #tpu.memory_space<hbm>> -> memref<1x1x2x128xi32, #tpu.memory_space<hbm>>
      %dma_wait3A_1444 = tpu.memref_squeeze %dma_wait3A_1443 : memref<1x1x2x128xi32, #tpu.memory_space<hbm>> -> memref<2x128xi32, #tpu.memory_space<hbm>>
      tpu.wait_dma2 semaphore(%arg20 : memref<!tpu.dma_semaphore, #tpu.memory_space<semaphore_mem>>) src(%dma_wait3A_1444 : memref<2x128xi32, #tpu.memory_space<hbm>>) dst(%dma_wait3A_1440 : memref<2x128xi32, #tpu.memory_space<vmem>>)
      %dma_wait3A_1445 = arith.constant 1 : i32
      %dma_wait3A_1446 = arith.constant 0 : i32
      %dma_wait3A_1447 = arith.constant 1 : i32
      %dma_wait3A_1448 = arith.constant 0 : i32
      %dma_wait3A_1449 = arith.constant 0 : i32
      %dma_wait3A_1450 = tpu.memref_slice %arg7[%dma_wait3A_1445, %dma_wait3A_1448, %dma_wait3A_1449] : memref<2x128x128xf32, #tpu.memory_space<vmem>> -> memref<1x128x128xf32, #tpu.memory_space<vmem>>
      %dma_wait3A_1451 = tpu.memref_squeeze %dma_wait3A_1450 : memref<1x128x128xf32, #tpu.memory_space<vmem>> -> memref<128x128xf32, #tpu.memory_space<vmem>>
      %dma_wait3A_1452 = arith.constant 0 : i32
      %dma_wait3A_1453 = arith.constant 0 : i32
      %dma_wait3A_1454 = tpu.memref_slice %arg6[%dma_wait3A_1446, %dma_wait3A_1452, %dma_wait3A_1453] : memref<8x2x128xi32, #tpu.memory_space<vmem>> -> memref<1x2x128xi32, #tpu.memory_space<vmem>>
      %dma_wait3A_1455 = tpu.memref_squeeze %dma_wait3A_1454 : memref<1x2x128xi32, #tpu.memory_space<vmem>> -> memref<2x128xi32, #tpu.memory_space<vmem>>
      %dma_wait3A_1456 = arith.constant 0 : i32
      %dma_wait3A_1457 = tpu.memref_slice %dma_wait3A_1455[%dma_wait3A_1447, %dma_wait3A_1456] : memref<2x128xi32, #tpu.memory_space<vmem>> -> memref<1x128xi32, #tpu.memory_space<vmem>>
      %dma_wait3A_1458 = tpu.memref_squeeze %dma_wait3A_1457 : memref<1x128xi32, #tpu.memory_space<vmem>> -> memref<128xi32, #tpu.memory_space<vmem>>
      %dma_wait3A_1459 = arith.constant 0 : i32
      %dma_wait3A_1460 = arith.constant 0 : i32
      %dma_wait3A_1461 = tpu.memref_slice %arg8[%dma_wait3A_1459, %dma_wait3A_1460] : memref<10112x128xf32, #tpu.memory_space<vmem_shared>> -> memref<10112x128xf32, #tpu.memory_space<vmem_shared>>
      tpu.wait_indirect_dma semaphore(%arg12 : memref<!tpu.dma_semaphore, #tpu.memory_space<semaphore_mem>>) src(%dma_wait3A_1451 : memref<128x128xf32, #tpu.memory_space<vmem>>) dst(%dma_wait3A_1461 : memref<10112x128xf32, #tpu.memory_space<vmem_shared>>)
      %add3A_1462 = arith.constant 8 : i32
      %add3A_1463 = arith.addi %add3A_1392, %add3A_1462 : i32
      %dma_start3A_1464 = arith.constant 5 : i32
      %dma_start3A_1465 = arith.constant 0 : i32
      %dma_start3A_1466 = arith.constant 0 : i32
      %dma_start3A_1467 = tpu.memref_slice %arg6[%dma_start3A_1464, %dma_start3A_1465, %dma_start3A_1466] : memref<8x2x128xi32, #tpu.memory_space<vmem>> -> memref<1x2x128xi32, #tpu.memory_space<vmem>>
      %dma_start3A_1468 = tpu.memref_squeeze %dma_start3A_1467 : memref<1x2x128xi32, #tpu.memory_space<vmem>> -> memref<2x128xi32, #tpu.memory_space<vmem>>
      %dma_start3A_1469 = arith.constant 0 : i32
      %dma_start3A_1470 = arith.constant 0 : i32
      %dma_start3A_1471 = tpu.memref_slice %arg3[%add3A, %add3A_1463, %dma_start3A_1469, %dma_start3A_1470] : memref<32x80x2x128xi32, #tpu.memory_space<hbm>> -> memref<1x1x2x128xi32, #tpu.memory_space<hbm>>
      %dma_start3A_1472 = tpu.memref_squeeze %dma_start3A_1471 : memref<1x1x2x128xi32, #tpu.memory_space<hbm>> -> memref<2x128xi32, #tpu.memory_space<hbm>>
      %dma_start3A_1473 = arith.constant 0 : i32
      %dma_start3A_1474 = arith.constant 0 : i32
      %dma_start3A_1475 = tpu.memref_slice %arg6[%dma_start3A_1464, %dma_start3A_1473, %dma_start3A_1474] : memref<8x2x128xi32, #tpu.memory_space<vmem>> -> memref<1x2x128xi32, #tpu.memory_space<vmem>>
      %dma_start3A_1476 = tpu.memref_squeeze %dma_start3A_1475 : memref<1x2x128xi32, #tpu.memory_space<vmem>> -> memref<2x128xi32, #tpu.memory_space<vmem>>
      %dma_start3A_1477 = arith.constant 0 : i32
      %dma_start3A_1478 = arith.constant 0 : i32
      %dma_start3A_1479 = tpu.memref_slice %arg3[%add3A, %add3A_1463, %dma_start3A_1477, %dma_start3A_1478] : memref<32x80x2x128xi32, #tpu.memory_space<hbm>> -> memref<1x1x2x128xi32, #tpu.memory_space<hbm>>
      %dma_start3A_1480 = tpu.memref_squeeze %dma_start3A_1479 : memref<1x1x2x128xi32, #tpu.memory_space<hbm>> -> memref<2x128xi32, #tpu.memory_space<hbm>>
      tpu.enqueue_dma source(%dma_start3A_1480 : memref<2x128xi32, #tpu.memory_space<hbm>>) target(%dma_start3A_1476 : memref<2x128xi32, #tpu.memory_space<vmem>>) target_semaphore(%arg18 : memref<!tpu.dma_semaphore, #tpu.memory_space<semaphore_mem>>)
      %dma_start3A_1481 = arith.constant 7 : i32
      %dma_start3A_1482 = arith.constant 0 : i32
      %dma_start3A_1483 = arith.constant 1 : i32
      %dma_start3A_1484 = arith.constant 0 : i32
      %dma_start3A_1485 = arith.constant 0 : i32
      %dma_start3A_1486 = tpu.memref_slice %arg7[%dma_start3A_1483, %dma_start3A_1484, %dma_start3A_1485] : memref<2x128x128xf32, #tpu.memory_space<vmem>> -> memref<1x128x128xf32, #tpu.memory_space<vmem>>
      %dma_start3A_1487 = tpu.memref_squeeze %dma_start3A_1486 : memref<1x128x128xf32, #tpu.memory_space<vmem>> -> memref<128x128xf32, #tpu.memory_space<vmem>>
      %dma_start3A_1488 = arith.constant 0 : i32
      %dma_start3A_1489 = arith.constant 0 : i32
      %dma_start3A_1490 = tpu.memref_slice %arg6[%dma_start3A_1481, %dma_start3A_1488, %dma_start3A_1489] : memref<8x2x128xi32, #tpu.memory_space<vmem>> -> memref<1x2x128xi32, #tpu.memory_space<vmem>>
      %dma_start3A_1491 = tpu.memref_squeeze %dma_start3A_1490 : memref<1x2x128xi32, #tpu.memory_space<vmem>> -> memref<2x128xi32, #tpu.memory_space<vmem>>
      %dma_start3A_1492 = arith.constant 0 : i32
      %dma_start3A_1493 = tpu.memref_slice %dma_start3A_1491[%dma_start3A_1482, %dma_start3A_1492] : memref<2x128xi32, #tpu.memory_space<vmem>> -> memref<1x128xi32, #tpu.memory_space<vmem>>
      %dma_start3A_1494 = tpu.memref_squeeze %dma_start3A_1493 : memref<1x128xi32, #tpu.memory_space<vmem>> -> memref<128xi32, #tpu.memory_space<vmem>>
      %dma_start3A_1495 = arith.constant 0 : i32
      %dma_start3A_1496 = arith.constant 0 : i32
      %dma_start3A_1497 = tpu.memref_slice %arg2[%dma_start3A_1495, %dma_start3A_1496] : memref<10000x128xf32, #tpu.memory_space<hbm>> -> memref<10000x128xf32, #tpu.memory_space<hbm>>
      tpu.enqueue_indirect_dma source(%dma_start3A_1497 : memref<10000x128xf32, #tpu.memory_space<hbm>>) target(%dma_start3A_1487 : memref<128x128xf32, #tpu.memory_space<vmem>>) offsets(%dma_start3A_1494 : memref<128xi32, #tpu.memory_space<vmem>>) semaphore(%arg10 : memref<!tpu.dma_semaphore, #tpu.memory_space<semaphore_mem>>)
      %mul3A_1498 = arith.constant 8 : i32
      %mul3A_1499 = arith.muli %scan3A_843, %mul3A_1498 : i32
      %add3A_1500 = arith.constant 6 : i32
      %add3A_1501 = arith.addi %mul3A_1499, %add3A_1500 : i32
      %dma_wait3A_1502 = arith.constant 0 : i32
      %dma_wait3A_1503 = arith.constant 0 : i32
      %dma_wait3A_1504 = arith.constant 0 : i32
      %dma_wait3A_1505 = arith.constant 0 : i32
      %dma_wait3A_1506 = arith.constant 0 : i32
      %dma_wait3A_1507 = tpu.memref_slice %arg7[%dma_wait3A_1504, %dma_wait3A_1505, %dma_wait3A_1506] : memref<2x128x128xf32, #tpu.memory_space<vmem>> -> memref<1x128x128xf32, #tpu.memory_space<vmem>>
      %dma_wait3A_1508 = tpu.memref_squeeze %dma_wait3A_1507 : memref<1x128x128xf32, #tpu.memory_space<vmem>> -> memref<128x128xf32, #tpu.memory_space<vmem>>
      %dma_wait3A_1509 = arith.constant 0 : i32
      %dma_wait3A_1510 = arith.constant 0 : i32
      %dma_wait3A_1511 = tpu.memref_slice %arg6[%dma_wait3A_1502, %dma_wait3A_1509, %dma_wait3A_1510] : memref<8x2x128xi32, #tpu.memory_space<vmem>> -> memref<1x2x128xi32, #tpu.memory_space<vmem>>
      %dma_wait3A_1512 = tpu.memref_squeeze %dma_wait3A_1511 : memref<1x2x128xi32, #tpu.memory_space<vmem>> -> memref<2x128xi32, #tpu.memory_space<vmem>>
      %dma_wait3A_1513 = arith.constant 0 : i32
      %dma_wait3A_1514 = tpu.memref_slice %dma_wait3A_1512[%dma_wait3A_1503, %dma_wait3A_1513] : memref<2x128xi32, #tpu.memory_space<vmem>> -> memref<1x128xi32, #tpu.memory_space<vmem>>
      %dma_wait3A_1515 = tpu.memref_squeeze %dma_wait3A_1514 : memref<1x128xi32, #tpu.memory_space<vmem>> -> memref<128xi32, #tpu.memory_space<vmem>>
      %dma_wait3A_1516 = arith.constant 0 : i32
      %dma_wait3A_1517 = arith.constant 0 : i32
      %dma_wait3A_1518 = tpu.memref_slice %arg2[%dma_wait3A_1516, %dma_wait3A_1517] : memref<10000x128xf32, #tpu.memory_space<hbm>> -> memref<10000x128xf32, #tpu.memory_space<hbm>>
      tpu.wait_indirect_dma semaphore(%arg9 : memref<!tpu.dma_semaphore, #tpu.memory_space<semaphore_mem>>) src(%dma_wait3A_1518 : memref<10000x128xf32, #tpu.memory_space<hbm>>) dst(%dma_wait3A_1508 : memref<128x128xf32, #tpu.memory_space<vmem>>)
      %dma_start3A_1519 = arith.constant 0 : i32
      %dma_start3A_1520 = arith.constant 6 : i32
      %dma_start3A_1521 = arith.constant 1 : i32
      %dma_start3A_1522 = arith.constant 0 : i32
      %dma_start3A_1523 = arith.constant 0 : i32
      %dma_start3A_1524 = tpu.memref_slice %arg7[%dma_start3A_1519, %dma_start3A_1522, %dma_start3A_1523] : memref<2x128x128xf32, #tpu.memory_space<vmem>> -> memref<1x128x128xf32, #tpu.memory_space<vmem>>
      %dma_start3A_1525 = tpu.memref_squeeze %dma_start3A_1524 : memref<1x128x128xf32, #tpu.memory_space<vmem>> -> memref<128x128xf32, #tpu.memory_space<vmem>>
      %dma_start3A_1526 = arith.constant 0 : i32
      %dma_start3A_1527 = arith.constant 0 : i32
      %dma_start3A_1528 = tpu.memref_slice %arg6[%dma_start3A_1520, %dma_start3A_1526, %dma_start3A_1527] : memref<8x2x128xi32, #tpu.memory_space<vmem>> -> memref<1x2x128xi32, #tpu.memory_space<vmem>>
      %dma_start3A_1529 = tpu.memref_squeeze %dma_start3A_1528 : memref<1x2x128xi32, #tpu.memory_space<vmem>> -> memref<2x128xi32, #tpu.memory_space<vmem>>
      %dma_start3A_1530 = arith.constant 0 : i32
      %dma_start3A_1531 = tpu.memref_slice %dma_start3A_1529[%dma_start3A_1521, %dma_start3A_1530] : memref<2x128xi32, #tpu.memory_space<vmem>> -> memref<1x128xi32, #tpu.memory_space<vmem>>
      %dma_start3A_1532 = tpu.memref_squeeze %dma_start3A_1531 : memref<1x128xi32, #tpu.memory_space<vmem>> -> memref<128xi32, #tpu.memory_space<vmem>>
      %dma_start3A_1533 = arith.constant 0 : i32
      %dma_start3A_1534 = arith.constant 0 : i32
      %dma_start3A_1535 = tpu.memref_slice %arg8[%dma_start3A_1533, %dma_start3A_1534] : memref<10112x128xf32, #tpu.memory_space<vmem_shared>> -> memref<10112x128xf32, #tpu.memory_space<vmem_shared>>
      tpu.enqueue_indirect_dma source(%dma_start3A_1525 : memref<128x128xf32, #tpu.memory_space<vmem>>) target(%dma_start3A_1535 : memref<10112x128xf32, #tpu.memory_space<vmem_shared>>) offsets(%dma_start3A_1532 : memref<128xi32, #tpu.memory_space<vmem>>) semaphore(%arg11 : memref<!tpu.dma_semaphore, #tpu.memory_space<semaphore_mem>>) {add = true}
      %dma_wait3A_1536 = arith.constant 0 : i32
      %dma_wait3A_1537 = arith.constant 0 : i32
      %dma_wait3A_1538 = arith.constant 0 : i32
      %dma_wait3A_1539 = arith.constant 0 : i32
      %dma_wait3A_1540 = tpu.memref_slice %arg6[%dma_wait3A_1537, %dma_wait3A_1538, %dma_wait3A_1539] : memref<8x2x128xi32, #tpu.memory_space<vmem>> -> memref<1x2x128xi32, #tpu.memory_space<vmem>>
      %dma_wait3A_1541 = tpu.memref_squeeze %dma_wait3A_1540 : memref<1x2x128xi32, #tpu.memory_space<vmem>> -> memref<2x128xi32, #tpu.memory_space<vmem>>
      %dma_wait3A_1542 = arith.constant 0 : i32
      %dma_wait3A_1543 = arith.constant 0 : i32
      %dma_wait3A_1544 = tpu.memref_slice %arg3[%add3A, %dma_wait3A_1536, %dma_wait3A_1542, %dma_wait3A_1543] : memref<32x80x2x128xi32, #tpu.memory_space<hbm>> -> memref<1x1x2x128xi32, #tpu.memory_space<hbm>>
      %dma_wait3A_1545 = tpu.memref_squeeze %dma_wait3A_1544 : memref<1x1x2x128xi32, #tpu.memory_space<hbm>> -> memref<2x128xi32, #tpu.memory_space<hbm>>
      %dma_wait3A_1546 = arith.constant 0 : i32
      %dma_wait3A_1547 = arith.constant 0 : i32
      %dma_wait3A_1548 = tpu.memref_slice %arg6[%dma_wait3A_1537, %dma_wait3A_1546, %dma_wait3A_1547] : memref<8x2x128xi32, #tpu.memory_space<vmem>> -> memref<1x2x128xi32, #tpu.memory_space<vmem>>
      %dma_wait3A_1549 = tpu.memref_squeeze %dma_wait3A_1548 : memref<1x2x128xi32, #tpu.memory_space<vmem>> -> memref<2x128xi32, #tpu.memory_space<vmem>>
      %dma_wait3A_1550 = arith.constant 0 : i32
      %dma_wait3A_1551 = arith.constant 0 : i32
      %dma_wait3A_1552 = tpu.memref_slice %arg3[%add3A, %dma_wait3A_1536, %dma_wait3A_1550, %dma_wait3A_1551] : memref<32x80x2x128xi32, #tpu.memory_space<hbm>> -> memref<1x1x2x128xi32, #tpu.memory_space<hbm>>
      %dma_wait3A_1553 = tpu.memref_squeeze %dma_wait3A_1552 : memref<1x1x2x128xi32, #tpu.memory_space<hbm>> -> memref<2x128xi32, #tpu.memory_space<hbm>>
      tpu.wait_dma2 semaphore(%arg13 : memref<!tpu.dma_semaphore, #tpu.memory_space<semaphore_mem>>) src(%dma_wait3A_1553 : memref<2x128xi32, #tpu.memory_space<hbm>>) dst(%dma_wait3A_1549 : memref<2x128xi32, #tpu.memory_space<vmem>>)
      %dma_wait3A_1554 = arith.constant 0 : i32
      %dma_wait3A_1555 = arith.constant 0 : i32
      %dma_wait3A_1556 = arith.constant 1 : i32
      %dma_wait3A_1557 = arith.constant 0 : i32
      %dma_wait3A_1558 = arith.constant 0 : i32
      %dma_wait3A_1559 = tpu.memref_slice %arg7[%dma_wait3A_1554, %dma_wait3A_1557, %dma_wait3A_1558] : memref<2x128x128xf32, #tpu.memory_space<vmem>> -> memref<1x128x128xf32, #tpu.memory_space<vmem>>
      %dma_wait3A_1560 = tpu.memref_squeeze %dma_wait3A_1559 : memref<1x128x128xf32, #tpu.memory_space<vmem>> -> memref<128x128xf32, #tpu.memory_space<vmem>>
      %dma_wait3A_1561 = arith.constant 0 : i32
      %dma_wait3A_1562 = arith.constant 0 : i32
      %dma_wait3A_1563 = tpu.memref_slice %arg6[%dma_wait3A_1555, %dma_wait3A_1561, %dma_wait3A_1562] : memref<8x2x128xi32, #tpu.memory_space<vmem>> -> memref<1x2x128xi32, #tpu.memory_space<vmem>>
      %dma_wait3A_1564 = tpu.memref_squeeze %dma_wait3A_1563 : memref<1x2x128xi32, #tpu.memory_space<vmem>> -> memref<2x128xi32, #tpu.memory_space<vmem>>
      %dma_wait3A_1565 = arith.constant 0 : i32
      %dma_wait3A_1566 = tpu.memref_slice %dma_wait3A_1564[%dma_wait3A_1556, %dma_wait3A_1565] : memref<2x128xi32, #tpu.memory_space<vmem>> -> memref<1x128xi32, #tpu.memory_space<vmem>>
      %dma_wait3A_1567 = tpu.memref_squeeze %dma_wait3A_1566 : memref<1x128xi32, #tpu.memory_space<vmem>> -> memref<128xi32, #tpu.memory_space<vmem>>
      %dma_wait3A_1568 = arith.constant 0 : i32
      %dma_wait3A_1569 = arith.constant 0 : i32
      %dma_wait3A_1570 = tpu.memref_slice %arg8[%dma_wait3A_1568, %dma_wait3A_1569] : memref<10112x128xf32, #tpu.memory_space<vmem_shared>> -> memref<10112x128xf32, #tpu.memory_space<vmem_shared>>
      tpu.wait_indirect_dma semaphore(%arg11 : memref<!tpu.dma_semaphore, #tpu.memory_space<semaphore_mem>>) src(%dma_wait3A_1560 : memref<128x128xf32, #tpu.memory_space<vmem>>) dst(%dma_wait3A_1570 : memref<10112x128xf32, #tpu.memory_space<vmem_shared>>)
      %add3A_1571 = arith.constant 8 : i32
      %add3A_1572 = arith.addi %add3A_1501, %add3A_1571 : i32
      %dma_start3A_1573 = arith.constant 6 : i32
      %dma_start3A_1574 = arith.constant 0 : i32
      %dma_start3A_1575 = arith.constant 0 : i32
      %dma_start3A_1576 = tpu.memref_slice %arg6[%dma_start3A_1573, %dma_start3A_1574, %dma_start3A_1575] : memref<8x2x128xi32, #tpu.memory_space<vmem>> -> memref<1x2x128xi32, #tpu.memory_space<vmem>>
      %dma_start3A_1577 = tpu.memref_squeeze %dma_start3A_1576 : memref<1x2x128xi32, #tpu.memory_space<vmem>> -> memref<2x128xi32, #tpu.memory_space<vmem>>
      %dma_start3A_1578 = arith.constant 0 : i32
      %dma_start3A_1579 = arith.constant 0 : i32
      %dma_start3A_1580 = tpu.memref_slice %arg3[%add3A, %add3A_1572, %dma_start3A_1578, %dma_start3A_1579] : memref<32x80x2x128xi32, #tpu.memory_space<hbm>> -> memref<1x1x2x128xi32, #tpu.memory_space<hbm>>
      %dma_start3A_1581 = tpu.memref_squeeze %dma_start3A_1580 : memref<1x1x2x128xi32, #tpu.memory_space<hbm>> -> memref<2x128xi32, #tpu.memory_space<hbm>>
      %dma_start3A_1582 = arith.constant 0 : i32
      %dma_start3A_1583 = arith.constant 0 : i32
      %dma_start3A_1584 = tpu.memref_slice %arg6[%dma_start3A_1573, %dma_start3A_1582, %dma_start3A_1583] : memref<8x2x128xi32, #tpu.memory_space<vmem>> -> memref<1x2x128xi32, #tpu.memory_space<vmem>>
      %dma_start3A_1585 = tpu.memref_squeeze %dma_start3A_1584 : memref<1x2x128xi32, #tpu.memory_space<vmem>> -> memref<2x128xi32, #tpu.memory_space<vmem>>
      %dma_start3A_1586 = arith.constant 0 : i32
      %dma_start3A_1587 = arith.constant 0 : i32
      %dma_start3A_1588 = tpu.memref_slice %arg3[%add3A, %add3A_1572, %dma_start3A_1586, %dma_start3A_1587] : memref<32x80x2x128xi32, #tpu.memory_space<hbm>> -> memref<1x1x2x128xi32, #tpu.memory_space<hbm>>
      %dma_start3A_1589 = tpu.memref_squeeze %dma_start3A_1588 : memref<1x1x2x128xi32, #tpu.memory_space<hbm>> -> memref<2x128xi32, #tpu.memory_space<hbm>>
      tpu.enqueue_dma source(%dma_start3A_1589 : memref<2x128xi32, #tpu.memory_space<hbm>>) target(%dma_start3A_1585 : memref<2x128xi32, #tpu.memory_space<vmem>>) target_semaphore(%arg19 : memref<!tpu.dma_semaphore, #tpu.memory_space<semaphore_mem>>)
      %dma_start3A_1590 = arith.constant 0 : i32
      %dma_start3A_1591 = arith.constant 0 : i32
      %dma_start3A_1592 = arith.constant 0 : i32
      %dma_start3A_1593 = arith.constant 0 : i32
      %dma_start3A_1594 = arith.constant 0 : i32
      %dma_start3A_1595 = tpu.memref_slice %arg7[%dma_start3A_1592, %dma_start3A_1593, %dma_start3A_1594] : memref<2x128x128xf32, #tpu.memory_space<vmem>> -> memref<1x128x128xf32, #tpu.memory_space<vmem>>
      %dma_start3A_1596 = tpu.memref_squeeze %dma_start3A_1595 : memref<1x128x128xf32, #tpu.memory_space<vmem>> -> memref<128x128xf32, #tpu.memory_space<vmem>>
      %dma_start3A_1597 = arith.constant 0 : i32
      %dma_start3A_1598 = arith.constant 0 : i32
      %dma_start3A_1599 = tpu.memref_slice %arg6[%dma_start3A_1590, %dma_start3A_1597, %dma_start3A_1598] : memref<8x2x128xi32, #tpu.memory_space<vmem>> -> memref<1x2x128xi32, #tpu.memory_space<vmem>>
      %dma_start3A_1600 = tpu.memref_squeeze %dma_start3A_1599 : memref<1x2x128xi32, #tpu.memory_space<vmem>> -> memref<2x128xi32, #tpu.memory_space<vmem>>
      %dma_start3A_1601 = arith.constant 0 : i32
      %dma_start3A_1602 = tpu.memref_slice %dma_start3A_1600[%dma_start3A_1591, %dma_start3A_1601] : memref<2x128xi32, #tpu.memory_space<vmem>> -> memref<1x128xi32, #tpu.memory_space<vmem>>
      %dma_start3A_1603 = tpu.memref_squeeze %dma_start3A_1602 : memref<1x128xi32, #tpu.memory_space<vmem>> -> memref<128xi32, #tpu.memory_space<vmem>>
      %dma_start3A_1604 = arith.constant 0 : i32
      %dma_start3A_1605 = arith.constant 0 : i32
      %dma_start3A_1606 = tpu.memref_slice %arg2[%dma_start3A_1604, %dma_start3A_1605] : memref<10000x128xf32, #tpu.memory_space<hbm>> -> memref<10000x128xf32, #tpu.memory_space<hbm>>
      tpu.enqueue_indirect_dma source(%dma_start3A_1606 : memref<10000x128xf32, #tpu.memory_space<hbm>>) target(%dma_start3A_1596 : memref<128x128xf32, #tpu.memory_space<vmem>>) offsets(%dma_start3A_1603 : memref<128xi32, #tpu.memory_space<vmem>>) semaphore(%arg9 : memref<!tpu.dma_semaphore, #tpu.memory_space<semaphore_mem>>)
      %mul3A_1607 = arith.constant 8 : i32
      %mul3A_1608 = arith.muli %scan3A_843, %mul3A_1607 : i32
      %add3A_1609 = arith.constant 7 : i32
      %add3A_1610 = arith.addi %mul3A_1608, %add3A_1609 : i32
      %dma_wait3A_1611 = arith.constant 0 : i32
      %dma_wait3A_1612 = arith.constant 0 : i32
      %dma_wait3A_1613 = arith.constant 1 : i32
      %dma_wait3A_1614 = arith.constant 0 : i32
      %dma_wait3A_1615 = arith.constant 0 : i32
      %dma_wait3A_1616 = tpu.memref_slice %arg7[%dma_wait3A_1613, %dma_wait3A_1614, %dma_wait3A_1615] : memref<2x128x128xf32, #tpu.memory_space<vmem>> -> memref<1x128x128xf32, #tpu.memory_space<vmem>>
      %dma_wait3A_1617 = tpu.memref_squeeze %dma_wait3A_1616 : memref<1x128x128xf32, #tpu.memory_space<vmem>> -> memref<128x128xf32, #tpu.memory_space<vmem>>
      %dma_wait3A_1618 = arith.constant 0 : i32
      %dma_wait3A_1619 = arith.constant 0 : i32
      %dma_wait3A_1620 = tpu.memref_slice %arg6[%dma_wait3A_1611, %dma_wait3A_1618, %dma_wait3A_1619] : memref<8x2x128xi32, #tpu.memory_space<vmem>> -> memref<1x2x128xi32, #tpu.memory_space<vmem>>
      %dma_wait3A_1621 = tpu.memref_squeeze %dma_wait3A_1620 : memref<1x2x128xi32, #tpu.memory_space<vmem>> -> memref<2x128xi32, #tpu.memory_space<vmem>>
      %dma_wait3A_1622 = arith.constant 0 : i32
      %dma_wait3A_1623 = tpu.memref_slice %dma_wait3A_1621[%dma_wait3A_1612, %dma_wait3A_1622] : memref<2x128xi32, #tpu.memory_space<vmem>> -> memref<1x128xi32, #tpu.memory_space<vmem>>
      %dma_wait3A_1624 = tpu.memref_squeeze %dma_wait3A_1623 : memref<1x128xi32, #tpu.memory_space<vmem>> -> memref<128xi32, #tpu.memory_space<vmem>>
      %dma_wait3A_1625 = arith.constant 0 : i32
      %dma_wait3A_1626 = arith.constant 0 : i32
      %dma_wait3A_1627 = tpu.memref_slice %arg2[%dma_wait3A_1625, %dma_wait3A_1626] : memref<10000x128xf32, #tpu.memory_space<hbm>> -> memref<10000x128xf32, #tpu.memory_space<hbm>>
      tpu.wait_indirect_dma semaphore(%arg10 : memref<!tpu.dma_semaphore, #tpu.memory_space<semaphore_mem>>) src(%dma_wait3A_1627 : memref<10000x128xf32, #tpu.memory_space<hbm>>) dst(%dma_wait3A_1617 : memref<128x128xf32, #tpu.memory_space<vmem>>)
      %dma_start3A_1628 = arith.constant 1 : i32
      %dma_start3A_1629 = arith.constant 7 : i32
      %dma_start3A_1630 = arith.constant 1 : i32
      %dma_start3A_1631 = arith.constant 0 : i32
      %dma_start3A_1632 = arith.constant 0 : i32
      %dma_start3A_1633 = tpu.memref_slice %arg7[%dma_start3A_1628, %dma_start3A_1631, %dma_start3A_1632] : memref<2x128x128xf32, #tpu.memory_space<vmem>> -> memref<1x128x128xf32, #tpu.memory_space<vmem>>
      %dma_start3A_1634 = tpu.memref_squeeze %dma_start3A_1633 : memref<1x128x128xf32, #tpu.memory_space<vmem>> -> memref<128x128xf32, #tpu.memory_space<vmem>>
      %dma_start3A_1635 = arith.constant 0 : i32
      %dma_start3A_1636 = arith.constant 0 : i32
      %dma_start3A_1637 = tpu.memref_slice %arg6[%dma_start3A_1629, %dma_start3A_1635, %dma_start3A_1636] : memref<8x2x128xi32, #tpu.memory_space<vmem>> -> memref<1x2x128xi32, #tpu.memory_space<vmem>>
      %dma_start3A_1638 = tpu.memref_squeeze %dma_start3A_1637 : memref<1x2x128xi32, #tpu.memory_space<vmem>> -> memref<2x128xi32, #tpu.memory_space<vmem>>
      %dma_start3A_1639 = arith.constant 0 : i32
      %dma_start3A_1640 = tpu.memref_slice %dma_start3A_1638[%dma_start3A_1630, %dma_start3A_1639] : memref<2x128xi32, #tpu.memory_space<vmem>> -> memref<1x128xi32, #tpu.memory_space<vmem>>
      %dma_start3A_1641 = tpu.memref_squeeze %dma_start3A_1640 : memref<1x128xi32, #tpu.memory_space<vmem>> -> memref<128xi32, #tpu.memory_space<vmem>>
      %dma_start3A_1642 = arith.constant 0 : i32
      %dma_start3A_1643 = arith.constant 0 : i32
      %dma_start3A_1644 = tpu.memref_slice %arg8[%dma_start3A_1642, %dma_start3A_1643] : memref<10112x128xf32, #tpu.memory_space<vmem_shared>> -> memref<10112x128xf32, #tpu.memory_space<vmem_shared>>
      tpu.enqueue_indirect_dma source(%dma_start3A_1634 : memref<128x128xf32, #tpu.memory_space<vmem>>) target(%dma_start3A_1644 : memref<10112x128xf32, #tpu.memory_space<vmem_shared>>) offsets(%dma_start3A_1641 : memref<128xi32, #tpu.memory_space<vmem>>) semaphore(%arg12 : memref<!tpu.dma_semaphore, #tpu.memory_space<semaphore_mem>>) {add = true}
      %dma_wait3A_1645 = arith.constant 0 : i32
      %dma_wait3A_1646 = arith.constant 1 : i32
      %dma_wait3A_1647 = arith.constant 0 : i32
      %dma_wait3A_1648 = arith.constant 0 : i32
      %dma_wait3A_1649 = tpu.memref_slice %arg6[%dma_wait3A_1646, %dma_wait3A_1647, %dma_wait3A_1648] : memref<8x2x128xi32, #tpu.memory_space<vmem>> -> memref<1x2x128xi32, #tpu.memory_space<vmem>>
      %dma_wait3A_1650 = tpu.memref_squeeze %dma_wait3A_1649 : memref<1x2x128xi32, #tpu.memory_space<vmem>> -> memref<2x128xi32, #tpu.memory_space<vmem>>
      %dma_wait3A_1651 = arith.constant 0 : i32
      %dma_wait3A_1652 = arith.constant 0 : i32
      %dma_wait3A_1653 = tpu.memref_slice %arg3[%add3A, %dma_wait3A_1645, %dma_wait3A_1651, %dma_wait3A_1652] : memref<32x80x2x128xi32, #tpu.memory_space<hbm>> -> memref<1x1x2x128xi32, #tpu.memory_space<hbm>>
      %dma_wait3A_1654 = tpu.memref_squeeze %dma_wait3A_1653 : memref<1x1x2x128xi32, #tpu.memory_space<hbm>> -> memref<2x128xi32, #tpu.memory_space<hbm>>
      %dma_wait3A_1655 = arith.constant 0 : i32
      %dma_wait3A_1656 = arith.constant 0 : i32
      %dma_wait3A_1657 = tpu.memref_slice %arg6[%dma_wait3A_1646, %dma_wait3A_1655, %dma_wait3A_1656] : memref<8x2x128xi32, #tpu.memory_space<vmem>> -> memref<1x2x128xi32, #tpu.memory_space<vmem>>
      %dma_wait3A_1658 = tpu.memref_squeeze %dma_wait3A_1657 : memref<1x2x128xi32, #tpu.memory_space<vmem>> -> memref<2x128xi32, #tpu.memory_space<vmem>>
      %dma_wait3A_1659 = arith.constant 0 : i32
      %dma_wait3A_1660 = arith.constant 0 : i32
      %dma_wait3A_1661 = tpu.memref_slice %arg3[%add3A, %dma_wait3A_1645, %dma_wait3A_1659, %dma_wait3A_1660] : memref<32x80x2x128xi32, #tpu.memory_space<hbm>> -> memref<1x1x2x128xi32, #tpu.memory_space<hbm>>
      %dma_wait3A_1662 = tpu.memref_squeeze %dma_wait3A_1661 : memref<1x1x2x128xi32, #tpu.memory_space<hbm>> -> memref<2x128xi32, #tpu.memory_space<hbm>>
      tpu.wait_dma2 semaphore(%arg14 : memref<!tpu.dma_semaphore, #tpu.memory_space<semaphore_mem>>) src(%dma_wait3A_1662 : memref<2x128xi32, #tpu.memory_space<hbm>>) dst(%dma_wait3A_1658 : memref<2x128xi32, #tpu.memory_space<vmem>>)
      %dma_wait3A_1663 = arith.constant 1 : i32
      %dma_wait3A_1664 = arith.constant 0 : i32
      %dma_wait3A_1665 = arith.constant 1 : i32
      %dma_wait3A_1666 = arith.constant 0 : i32
      %dma_wait3A_1667 = arith.constant 0 : i32
      %dma_wait3A_1668 = tpu.memref_slice %arg7[%dma_wait3A_1663, %dma_wait3A_1666, %dma_wait3A_1667] : memref<2x128x128xf32, #tpu.memory_space<vmem>> -> memref<1x128x128xf32, #tpu.memory_space<vmem>>
      %dma_wait3A_1669 = tpu.memref_squeeze %dma_wait3A_1668 : memref<1x128x128xf32, #tpu.memory_space<vmem>> -> memref<128x128xf32, #tpu.memory_space<vmem>>
      %dma_wait3A_1670 = arith.constant 0 : i32
      %dma_wait3A_1671 = arith.constant 0 : i32
      %dma_wait3A_1672 = tpu.memref_slice %arg6[%dma_wait3A_1664, %dma_wait3A_1670, %dma_wait3A_1671] : memref<8x2x128xi32, #tpu.memory_space<vmem>> -> memref<1x2x128xi32, #tpu.memory_space<vmem>>
      %dma_wait3A_1673 = tpu.memref_squeeze %dma_wait3A_1672 : memref<1x2x128xi32, #tpu.memory_space<vmem>> -> memref<2x128xi32, #tpu.memory_space<vmem>>
      %dma_wait3A_1674 = arith.constant 0 : i32
      %dma_wait3A_1675 = tpu.memref_slice %dma_wait3A_1673[%dma_wait3A_1665, %dma_wait3A_1674] : memref<2x128xi32, #tpu.memory_space<vmem>> -> memref<1x128xi32, #tpu.memory_space<vmem>>
      %dma_wait3A_1676 = tpu.memref_squeeze %dma_wait3A_1675 : memref<1x128xi32, #tpu.memory_space<vmem>> -> memref<128xi32, #tpu.memory_space<vmem>>
      %dma_wait3A_1677 = arith.constant 0 : i32
      %dma_wait3A_1678 = arith.constant 0 : i32
      %dma_wait3A_1679 = tpu.memref_slice %arg8[%dma_wait3A_1677, %dma_wait3A_1678] : memref<10112x128xf32, #tpu.memory_space<vmem_shared>> -> memref<10112x128xf32, #tpu.memory_space<vmem_shared>>
      tpu.wait_indirect_dma semaphore(%arg12 : memref<!tpu.dma_semaphore, #tpu.memory_space<semaphore_mem>>) src(%dma_wait3A_1669 : memref<128x128xf32, #tpu.memory_space<vmem>>) dst(%dma_wait3A_1679 : memref<10112x128xf32, #tpu.memory_space<vmem_shared>>)
      %add3A_1680 = arith.constant 8 : i32
      %add3A_1681 = arith.addi %add3A_1610, %add3A_1680 : i32
      %dma_start3A_1682 = arith.constant 7 : i32
      %dma_start3A_1683 = arith.constant 0 : i32
      %dma_start3A_1684 = arith.constant 0 : i32
      %dma_start3A_1685 = tpu.memref_slice %arg6[%dma_start3A_1682, %dma_start3A_1683, %dma_start3A_1684] : memref<8x2x128xi32, #tpu.memory_space<vmem>> -> memref<1x2x128xi32, #tpu.memory_space<vmem>>
      %dma_start3A_1686 = tpu.memref_squeeze %dma_start3A_1685 : memref<1x2x128xi32, #tpu.memory_space<vmem>> -> memref<2x128xi32, #tpu.memory_space<vmem>>
      %dma_start3A_1687 = arith.constant 0 : i32
      %dma_start3A_1688 = arith.constant 0 : i32
      %dma_start3A_1689 = tpu.memref_slice %arg3[%add3A, %add3A_1681, %dma_start3A_1687, %dma_start3A_1688] : memref<32x80x2x128xi32, #tpu.memory_space<hbm>> -> memref<1x1x2x128xi32, #tpu.memory_space<hbm>>
      %dma_start3A_1690 = tpu.memref_squeeze %dma_start3A_1689 : memref<1x1x2x128xi32, #tpu.memory_space<hbm>> -> memref<2x128xi32, #tpu.memory_space<hbm>>
      %dma_start3A_1691 = arith.constant 0 : i32
      %dma_start3A_1692 = arith.constant 0 : i32
      %dma_start3A_1693 = tpu.memref_slice %arg6[%dma_start3A_1682, %dma_start3A_1691, %dma_start3A_1692] : memref<8x2x128xi32, #tpu.memory_space<vmem>> -> memref<1x2x128xi32, #tpu.memory_space<vmem>>
      %dma_start3A_1694 = tpu.memref_squeeze %dma_start3A_1693 : memref<1x2x128xi32, #tpu.memory_space<vmem>> -> memref<2x128xi32, #tpu.memory_space<vmem>>
      %dma_start3A_1695 = arith.constant 0 : i32
      %dma_start3A_1696 = arith.constant 0 : i32
      %dma_start3A_1697 = tpu.memref_slice %arg3[%add3A, %add3A_1681, %dma_start3A_1695, %dma_start3A_1696] : memref<32x80x2x128xi32, #tpu.memory_space<hbm>> -> memref<1x1x2x128xi32, #tpu.memory_space<hbm>>
      %dma_start3A_1698 = tpu.memref_squeeze %dma_start3A_1697 : memref<1x1x2x128xi32, #tpu.memory_space<hbm>> -> memref<2x128xi32, #tpu.memory_space<hbm>>
      tpu.enqueue_dma source(%dma_start3A_1698 : memref<2x128xi32, #tpu.memory_space<hbm>>) target(%dma_start3A_1694 : memref<2x128xi32, #tpu.memory_space<vmem>>) target_semaphore(%arg20 : memref<!tpu.dma_semaphore, #tpu.memory_space<semaphore_mem>>)
      %dma_start3A_1699 = arith.constant 1 : i32
      %dma_start3A_1700 = arith.constant 0 : i32
      %dma_start3A_1701 = arith.constant 1 : i32
      %dma_start3A_1702 = arith.constant 0 : i32
      %dma_start3A_1703 = arith.constant 0 : i32
      %dma_start3A_1704 = tpu.memref_slice %arg7[%dma_start3A_1701, %dma_start3A_1702, %dma_start3A_1703] : memref<2x128x128xf32, #tpu.memory_space<vmem>> -> memref<1x128x128xf32, #tpu.memory_space<vmem>>
      %dma_start3A_1705 = tpu.memref_squeeze %dma_start3A_1704 : memref<1x128x128xf32, #tpu.memory_space<vmem>> -> memref<128x128xf32, #tpu.memory_space<vmem>>
      %dma_start3A_1706 = arith.constant 0 : i32
      %dma_start3A_1707 = arith.constant 0 : i32
      %dma_start3A_1708 = tpu.memref_slice %arg6[%dma_start3A_1699, %dma_start3A_1706, %dma_start3A_1707] : memref<8x2x128xi32, #tpu.memory_space<vmem>> -> memref<1x2x128xi32, #tpu.memory_space<vmem>>
      %dma_start3A_1709 = tpu.memref_squeeze %dma_start3A_1708 : memref<1x2x128xi32, #tpu.memory_space<vmem>> -> memref<2x128xi32, #tpu.memory_space<vmem>>
      %dma_start3A_1710 = arith.constant 0 : i32
      %dma_start3A_1711 = tpu.memref_slice %dma_start3A_1709[%dma_start3A_1700, %dma_start3A_1710] : memref<2x128xi32, #tpu.memory_space<vmem>> -> memref<1x128xi32, #tpu.memory_space<vmem>>
      %dma_start3A_1712 = tpu.memref_squeeze %dma_start3A_1711 : memref<1x128xi32, #tpu.memory_space<vmem>> -> memref<128xi32, #tpu.memory_space<vmem>>
      %dma_start3A_1713 = arith.constant 0 : i32
      %dma_start3A_1714 = arith.constant 0 : i32
      %dma_start3A_1715 = tpu.memref_slice %arg2[%dma_start3A_1713, %dma_start3A_1714] : memref<10000x128xf32, #tpu.memory_space<hbm>> -> memref<10000x128xf32, #tpu.memory_space<hbm>>
      tpu.enqueue_indirect_dma source(%dma_start3A_1715 : memref<10000x128xf32, #tpu.memory_space<hbm>>) target(%dma_start3A_1705 : memref<128x128xf32, #tpu.memory_space<vmem>>) offsets(%dma_start3A_1712 : memref<128xi32, #tpu.memory_space<vmem>>) semaphore(%arg10 : memref<!tpu.dma_semaphore, #tpu.memory_space<semaphore_mem>>)
    }
    %scan3A_219 = arith.constant 9 : i32
    %dma_wait3A_220 = arith.constant 0 : i32
    %dma_wait3A_221 = arith.constant 0 : i32
    %dma_wait3A_222 = arith.constant 0 : i32
    %dma_wait3A_223 = arith.constant 0 : i32
    %dma_wait3A_224 = arith.constant 0 : i32
    %dma_wait3A_225 = tpu.memref_slice %arg7[%dma_wait3A_222, %dma_wait3A_223, %dma_wait3A_224] : memref<2x128x128xf32, #tpu.memory_space<vmem>> -> memref<1x128x128xf32, #tpu.memory_space<vmem>>
    %dma_wait3A_226 = tpu.memref_squeeze %dma_wait3A_225 : memref<1x128x128xf32, #tpu.memory_space<vmem>> -> memref<128x128xf32, #tpu.memory_space<vmem>>
    %dma_wait3A_227 = arith.constant 0 : i32
    %dma_wait3A_228 = arith.constant 0 : i32
    %dma_wait3A_229 = tpu.memref_slice %arg6[%dma_wait3A_220, %dma_wait3A_227, %dma_wait3A_228] : memref<8x2x128xi32, #tpu.memory_space<vmem>> -> memref<1x2x128xi32, #tpu.memory_space<vmem>>
    %dma_wait3A_230 = tpu.memref_squeeze %dma_wait3A_229 : memref<1x2x128xi32, #tpu.memory_space<vmem>> -> memref<2x128xi32, #tpu.memory_space<vmem>>
    %dma_wait3A_231 = arith.constant 0 : i32
    %dma_wait3A_232 = tpu.memref_slice %dma_wait3A_230[%dma_wait3A_221, %dma_wait3A_231] : memref<2x128xi32, #tpu.memory_space<vmem>> -> memref<1x128xi32, #tpu.memory_space<vmem>>
    %dma_wait3A_233 = tpu.memref_squeeze %dma_wait3A_232 : memref<1x128xi32, #tpu.memory_space<vmem>> -> memref<128xi32, #tpu.memory_space<vmem>>
    %dma_wait3A_234 = arith.constant 0 : i32
    %dma_wait3A_235 = arith.constant 0 : i32
    %dma_wait3A_236 = tpu.memref_slice %arg2[%dma_wait3A_234, %dma_wait3A_235] : memref<10000x128xf32, #tpu.memory_space<hbm>> -> memref<10000x128xf32, #tpu.memory_space<hbm>>
    tpu.wait_indirect_dma semaphore(%arg9 : memref<!tpu.dma_semaphore, #tpu.memory_space<semaphore_mem>>) src(%dma_wait3A_236 : memref<10000x128xf32, #tpu.memory_space<hbm>>) dst(%dma_wait3A_226 : memref<128x128xf32, #tpu.memory_space<vmem>>)
    %dma_start3A_237 = arith.constant 0 : i32
    %dma_start3A_238 = arith.constant 0 : i32
    %dma_start3A_239 = arith.constant 1 : i32
    %dma_start3A_240 = arith.constant 0 : i32
    %dma_start3A_241 = arith.constant 0 : i32
    %dma_start3A_242 = tpu.memref_slice %arg7[%dma_start3A_237, %dma_start3A_240, %dma_start3A_241] : memref<2x128x128xf32, #tpu.memory_space<vmem>> -> memref<1x128x128xf32, #tpu.memory_space<vmem>>
    %dma_start3A_243 = tpu.memref_squeeze %dma_start3A_242 : memref<1x128x128xf32, #tpu.memory_space<vmem>> -> memref<128x128xf32, #tpu.memory_space<vmem>>
    %dma_start3A_244 = arith.constant 0 : i32
    %dma_start3A_245 = arith.constant 0 : i32
    %dma_start3A_246 = tpu.memref_slice %arg6[%dma_start3A_238, %dma_start3A_244, %dma_start3A_245] : memref<8x2x128xi32, #tpu.memory_space<vmem>> -> memref<1x2x128xi32, #tpu.memory_space<vmem>>
    %dma_start3A_247 = tpu.memref_squeeze %dma_start3A_246 : memref<1x2x128xi32, #tpu.memory_space<vmem>> -> memref<2x128xi32, #tpu.memory_space<vmem>>
    %dma_start3A_248 = arith.constant 0 : i32
    %dma_start3A_249 = tpu.memref_slice %dma_start3A_247[%dma_start3A_239, %dma_start3A_248] : memref<2x128xi32, #tpu.memory_space<vmem>> -> memref<1x128xi32, #tpu.memory_space<vmem>>
    %dma_start3A_250 = tpu.memref_squeeze %dma_start3A_249 : memref<1x128xi32, #tpu.memory_space<vmem>> -> memref<128xi32, #tpu.memory_space<vmem>>
    %dma_start3A_251 = arith.constant 0 : i32
    %dma_start3A_252 = arith.constant 0 : i32
    %dma_start3A_253 = tpu.memref_slice %arg8[%dma_start3A_251, %dma_start3A_252] : memref<10112x128xf32, #tpu.memory_space<vmem_shared>> -> memref<10112x128xf32, #tpu.memory_space<vmem_shared>>
    tpu.enqueue_indirect_dma source(%dma_start3A_243 : memref<128x128xf32, #tpu.memory_space<vmem>>) target(%dma_start3A_253 : memref<10112x128xf32, #tpu.memory_space<vmem_shared>>) offsets(%dma_start3A_250 : memref<128xi32, #tpu.memory_space<vmem>>) semaphore(%arg11 : memref<!tpu.dma_semaphore, #tpu.memory_space<semaphore_mem>>) {add = true}
    %dma_wait3A_254 = arith.constant 0 : i32
    %dma_wait3A_255 = arith.constant 0 : i32
    %dma_wait3A_256 = arith.constant 1 : i32
    %dma_wait3A_257 = arith.constant 0 : i32
    %dma_wait3A_258 = arith.constant 0 : i32
    %dma_wait3A_259 = tpu.memref_slice %arg7[%dma_wait3A_254, %dma_wait3A_257, %dma_wait3A_258] : memref<2x128x128xf32, #tpu.memory_space<vmem>> -> memref<1x128x128xf32, #tpu.memory_space<vmem>>
    %dma_wait3A_260 = tpu.memref_squeeze %dma_wait3A_259 : memref<1x128x128xf32, #tpu.memory_space<vmem>> -> memref<128x128xf32, #tpu.memory_space<vmem>>
    %dma_wait3A_261 = arith.constant 0 : i32
    %dma_wait3A_262 = arith.constant 0 : i32
    %dma_wait3A_263 = tpu.memref_slice %arg6[%dma_wait3A_255, %dma_wait3A_261, %dma_wait3A_262] : memref<8x2x128xi32, #tpu.memory_space<vmem>> -> memref<1x2x128xi32, #tpu.memory_space<vmem>>
    %dma_wait3A_264 = tpu.memref_squeeze %dma_wait3A_263 : memref<1x2x128xi32, #tpu.memory_space<vmem>> -> memref<2x128xi32, #tpu.memory_space<vmem>>
    %dma_wait3A_265 = arith.constant 0 : i32
    %dma_wait3A_266 = tpu.memref_slice %dma_wait3A_264[%dma_wait3A_256, %dma_wait3A_265] : memref<2x128xi32, #tpu.memory_space<vmem>> -> memref<1x128xi32, #tpu.memory_space<vmem>>
    %dma_wait3A_267 = tpu.memref_squeeze %dma_wait3A_266 : memref<1x128xi32, #tpu.memory_space<vmem>> -> memref<128xi32, #tpu.memory_space<vmem>>
    %dma_wait3A_268 = arith.constant 0 : i32
    %dma_wait3A_269 = arith.constant 0 : i32
    %dma_wait3A_270 = tpu.memref_slice %arg8[%dma_wait3A_268, %dma_wait3A_269] : memref<10112x128xf32, #tpu.memory_space<vmem_shared>> -> memref<10112x128xf32, #tpu.memory_space<vmem_shared>>
    tpu.wait_indirect_dma semaphore(%arg11 : memref<!tpu.dma_semaphore, #tpu.memory_space<semaphore_mem>>) src(%dma_wait3A_260 : memref<128x128xf32, #tpu.memory_space<vmem>>) dst(%dma_wait3A_270 : memref<10112x128xf32, #tpu.memory_space<vmem_shared>>)
    %dma_wait3A_271 = arith.constant 0 : i32
    %dma_wait3A_272 = arith.constant 2 : i32
    %dma_wait3A_273 = arith.constant 0 : i32
    %dma_wait3A_274 = arith.constant 0 : i32
    %dma_wait3A_275 = tpu.memref_slice %arg6[%dma_wait3A_272, %dma_wait3A_273, %dma_wait3A_274] : memref<8x2x128xi32, #tpu.memory_space<vmem>> -> memref<1x2x128xi32, #tpu.memory_space<vmem>>
    %dma_wait3A_276 = tpu.memref_squeeze %dma_wait3A_275 : memref<1x2x128xi32, #tpu.memory_space<vmem>> -> memref<2x128xi32, #tpu.memory_space<vmem>>
    %dma_wait3A_277 = arith.constant 0 : i32
    %dma_wait3A_278 = arith.constant 0 : i32
    %dma_wait3A_279 = tpu.memref_slice %arg3[%add3A, %dma_wait3A_271, %dma_wait3A_277, %dma_wait3A_278] : memref<32x80x2x128xi32, #tpu.memory_space<hbm>> -> memref<1x1x2x128xi32, #tpu.memory_space<hbm>>
    %dma_wait3A_280 = tpu.memref_squeeze %dma_wait3A_279 : memref<1x1x2x128xi32, #tpu.memory_space<hbm>> -> memref<2x128xi32, #tpu.memory_space<hbm>>
    %dma_wait3A_281 = arith.constant 0 : i32
    %dma_wait3A_282 = arith.constant 0 : i32
    %dma_wait3A_283 = tpu.memref_slice %arg6[%dma_wait3A_272, %dma_wait3A_281, %dma_wait3A_282] : memref<8x2x128xi32, #tpu.memory_space<vmem>> -> memref<1x2x128xi32, #tpu.memory_space<vmem>>
    %dma_wait3A_284 = tpu.memref_squeeze %dma_wait3A_283 : memref<1x2x128xi32, #tpu.memory_space<vmem>> -> memref<2x128xi32, #tpu.memory_space<vmem>>
    %dma_wait3A_285 = arith.constant 0 : i32
    %dma_wait3A_286 = arith.constant 0 : i32
    %dma_wait3A_287 = tpu.memref_slice %arg3[%add3A, %dma_wait3A_271, %dma_wait3A_285, %dma_wait3A_286] : memref<32x80x2x128xi32, #tpu.memory_space<hbm>> -> memref<1x1x2x128xi32, #tpu.memory_space<hbm>>
    %dma_wait3A_288 = tpu.memref_squeeze %dma_wait3A_287 : memref<1x1x2x128xi32, #tpu.memory_space<hbm>> -> memref<2x128xi32, #tpu.memory_space<hbm>>
    tpu.wait_dma2 semaphore(%arg15 : memref<!tpu.dma_semaphore, #tpu.memory_space<semaphore_mem>>) src(%dma_wait3A_288 : memref<2x128xi32, #tpu.memory_space<hbm>>) dst(%dma_wait3A_284 : memref<2x128xi32, #tpu.memory_space<vmem>>)
    %dma_start3A_289 = arith.constant 2 : i32
    %dma_start3A_290 = arith.constant 0 : i32
    %dma_start3A_291 = arith.constant 0 : i32
    %dma_start3A_292 = arith.constant 0 : i32
    %dma_start3A_293 = arith.constant 0 : i32
    %dma_start3A_294 = tpu.memref_slice %arg7[%dma_start3A_291, %dma_start3A_292, %dma_start3A_293] : memref<2x128x128xf32, #tpu.memory_space<vmem>> -> memref<1x128x128xf32, #tpu.memory_space<vmem>>
    %dma_start3A_295 = tpu.memref_squeeze %dma_start3A_294 : memref<1x128x128xf32, #tpu.memory_space<vmem>> -> memref<128x128xf32, #tpu.memory_space<vmem>>
    %dma_start3A_296 = arith.constant 0 : i32
    %dma_start3A_297 = arith.constant 0 : i32
    %dma_start3A_298 = tpu.memref_slice %arg6[%dma_start3A_289, %dma_start3A_296, %dma_start3A_297] : memref<8x2x128xi32, #tpu.memory_space<vmem>> -> memref<1x2x128xi32, #tpu.memory_space<vmem>>
    %dma_start3A_299 = tpu.memref_squeeze %dma_start3A_298 : memref<1x2x128xi32, #tpu.memory_space<vmem>> -> memref<2x128xi32, #tpu.memory_space<vmem>>
    %dma_start3A_300 = arith.constant 0 : i32
    %dma_start3A_301 = tpu.memref_slice %dma_start3A_299[%dma_start3A_290, %dma_start3A_300] : memref<2x128xi32, #tpu.memory_space<vmem>> -> memref<1x128xi32, #tpu.memory_space<vmem>>
    %dma_start3A_302 = tpu.memref_squeeze %dma_start3A_301 : memref<1x128xi32, #tpu.memory_space<vmem>> -> memref<128xi32, #tpu.memory_space<vmem>>
    %dma_start3A_303 = arith.constant 0 : i32
    %dma_start3A_304 = arith.constant 0 : i32
    %dma_start3A_305 = tpu.memref_slice %arg2[%dma_start3A_303, %dma_start3A_304] : memref<10000x128xf32, #tpu.memory_space<hbm>> -> memref<10000x128xf32, #tpu.memory_space<hbm>>
    tpu.enqueue_indirect_dma source(%dma_start3A_305 : memref<10000x128xf32, #tpu.memory_space<hbm>>) target(%dma_start3A_295 : memref<128x128xf32, #tpu.memory_space<vmem>>) offsets(%dma_start3A_302 : memref<128xi32, #tpu.memory_space<vmem>>) semaphore(%arg9 : memref<!tpu.dma_semaphore, #tpu.memory_space<semaphore_mem>>)
    %dma_wait3A_306 = arith.constant 0 : i32
    %dma_wait3A_307 = arith.constant 0 : i32
    %dma_wait3A_308 = arith.constant 1 : i32
    %dma_wait3A_309 = arith.constant 0 : i32
    %dma_wait3A_310 = arith.constant 0 : i32
    %dma_wait3A_311 = tpu.memref_slice %arg7[%dma_wait3A_308, %dma_wait3A_309, %dma_wait3A_310] : memref<2x128x128xf32, #tpu.memory_space<vmem>> -> memref<1x128x128xf32, #tpu.memory_space<vmem>>
    %dma_wait3A_312 = tpu.memref_squeeze %dma_wait3A_311 : memref<1x128x128xf32, #tpu.memory_space<vmem>> -> memref<128x128xf32, #tpu.memory_space<vmem>>
    %dma_wait3A_313 = arith.constant 0 : i32
    %dma_wait3A_314 = arith.constant 0 : i32
    %dma_wait3A_315 = tpu.memref_slice %arg6[%dma_wait3A_306, %dma_wait3A_313, %dma_wait3A_314] : memref<8x2x128xi32, #tpu.memory_space<vmem>> -> memref<1x2x128xi32, #tpu.memory_space<vmem>>
    %dma_wait3A_316 = tpu.memref_squeeze %dma_wait3A_315 : memref<1x2x128xi32, #tpu.memory_space<vmem>> -> memref<2x128xi32, #tpu.memory_space<vmem>>
    %dma_wait3A_317 = arith.constant 0 : i32
    %dma_wait3A_318 = tpu.memref_slice %dma_wait3A_316[%dma_wait3A_307, %dma_wait3A_317] : memref<2x128xi32, #tpu.memory_space<vmem>> -> memref<1x128xi32, #tpu.memory_space<vmem>>
    %dma_wait3A_319 = tpu.memref_squeeze %dma_wait3A_318 : memref<1x128xi32, #tpu.memory_space<vmem>> -> memref<128xi32, #tpu.memory_space<vmem>>
    %dma_wait3A_320 = arith.constant 0 : i32
    %dma_wait3A_321 = arith.constant 0 : i32
    %dma_wait3A_322 = tpu.memref_slice %arg2[%dma_wait3A_320, %dma_wait3A_321] : memref<10000x128xf32, #tpu.memory_space<hbm>> -> memref<10000x128xf32, #tpu.memory_space<hbm>>
    tpu.wait_indirect_dma semaphore(%arg10 : memref<!tpu.dma_semaphore, #tpu.memory_space<semaphore_mem>>) src(%dma_wait3A_322 : memref<10000x128xf32, #tpu.memory_space<hbm>>) dst(%dma_wait3A_312 : memref<128x128xf32, #tpu.memory_space<vmem>>)
    %dma_start3A_323 = arith.constant 1 : i32
    %dma_start3A_324 = arith.constant 1 : i32
    %dma_start3A_325 = arith.constant 1 : i32
    %dma_start3A_326 = arith.constant 0 : i32
    %dma_start3A_327 = arith.constant 0 : i32
    %dma_start3A_328 = tpu.memref_slice %arg7[%dma_start3A_323, %dma_start3A_326, %dma_start3A_327] : memref<2x128x128xf32, #tpu.memory_space<vmem>> -> memref<1x128x128xf32, #tpu.memory_space<vmem>>
    %dma_start3A_329 = tpu.memref_squeeze %dma_start3A_328 : memref<1x128x128xf32, #tpu.memory_space<vmem>> -> memref<128x128xf32, #tpu.memory_space<vmem>>
    %dma_start3A_330 = arith.constant 0 : i32
    %dma_start3A_331 = arith.constant 0 : i32
    %dma_start3A_332 = tpu.memref_slice %arg6[%dma_start3A_324, %dma_start3A_330, %dma_start3A_331] : memref<8x2x128xi32, #tpu.memory_space<vmem>> -> memref<1x2x128xi32, #tpu.memory_space<vmem>>
    %dma_start3A_333 = tpu.memref_squeeze %dma_start3A_332 : memref<1x2x128xi32, #tpu.memory_space<vmem>> -> memref<2x128xi32, #tpu.memory_space<vmem>>
    %dma_start3A_334 = arith.constant 0 : i32
    %dma_start3A_335 = tpu.memref_slice %dma_start3A_333[%dma_start3A_325, %dma_start3A_334] : memref<2x128xi32, #tpu.memory_space<vmem>> -> memref<1x128xi32, #tpu.memory_space<vmem>>
    %dma_start3A_336 = tpu.memref_squeeze %dma_start3A_335 : memref<1x128xi32, #tpu.memory_space<vmem>> -> memref<128xi32, #tpu.memory_space<vmem>>
    %dma_start3A_337 = arith.constant 0 : i32
    %dma_start3A_338 = arith.constant 0 : i32
    %dma_start3A_339 = tpu.memref_slice %arg8[%dma_start3A_337, %dma_start3A_338] : memref<10112x128xf32, #tpu.memory_space<vmem_shared>> -> memref<10112x128xf32, #tpu.memory_space<vmem_shared>>
    tpu.enqueue_indirect_dma source(%dma_start3A_329 : memref<128x128xf32, #tpu.memory_space<vmem>>) target(%dma_start3A_339 : memref<10112x128xf32, #tpu.memory_space<vmem_shared>>) offsets(%dma_start3A_336 : memref<128xi32, #tpu.memory_space<vmem>>) semaphore(%arg12 : memref<!tpu.dma_semaphore, #tpu.memory_space<semaphore_mem>>) {add = true}
    %dma_wait3A_340 = arith.constant 1 : i32
    %dma_wait3A_341 = arith.constant 0 : i32
    %dma_wait3A_342 = arith.constant 1 : i32
    %dma_wait3A_343 = arith.constant 0 : i32
    %dma_wait3A_344 = arith.constant 0 : i32
    %dma_wait3A_345 = tpu.memref_slice %arg7[%dma_wait3A_340, %dma_wait3A_343, %dma_wait3A_344] : memref<2x128x128xf32, #tpu.memory_space<vmem>> -> memref<1x128x128xf32, #tpu.memory_space<vmem>>
    %dma_wait3A_346 = tpu.memref_squeeze %dma_wait3A_345 : memref<1x128x128xf32, #tpu.memory_space<vmem>> -> memref<128x128xf32, #tpu.memory_space<vmem>>
    %dma_wait3A_347 = arith.constant 0 : i32
    %dma_wait3A_348 = arith.constant 0 : i32
    %dma_wait3A_349 = tpu.memref_slice %arg6[%dma_wait3A_341, %dma_wait3A_347, %dma_wait3A_348] : memref<8x2x128xi32, #tpu.memory_space<vmem>> -> memref<1x2x128xi32, #tpu.memory_space<vmem>>
    %dma_wait3A_350 = tpu.memref_squeeze %dma_wait3A_349 : memref<1x2x128xi32, #tpu.memory_space<vmem>> -> memref<2x128xi32, #tpu.memory_space<vmem>>
    %dma_wait3A_351 = arith.constant 0 : i32
    %dma_wait3A_352 = tpu.memref_slice %dma_wait3A_350[%dma_wait3A_342, %dma_wait3A_351] : memref<2x128xi32, #tpu.memory_space<vmem>> -> memref<1x128xi32, #tpu.memory_space<vmem>>
    %dma_wait3A_353 = tpu.memref_squeeze %dma_wait3A_352 : memref<1x128xi32, #tpu.memory_space<vmem>> -> memref<128xi32, #tpu.memory_space<vmem>>
    %dma_wait3A_354 = arith.constant 0 : i32
    %dma_wait3A_355 = arith.constant 0 : i32
    %dma_wait3A_356 = tpu.memref_slice %arg8[%dma_wait3A_354, %dma_wait3A_355] : memref<10112x128xf32, #tpu.memory_space<vmem_shared>> -> memref<10112x128xf32, #tpu.memory_space<vmem_shared>>
    tpu.wait_indirect_dma semaphore(%arg12 : memref<!tpu.dma_semaphore, #tpu.memory_space<semaphore_mem>>) src(%dma_wait3A_346 : memref<128x128xf32, #tpu.memory_space<vmem>>) dst(%dma_wait3A_356 : memref<10112x128xf32, #tpu.memory_space<vmem_shared>>)
    %dma_wait3A_357 = arith.constant 0 : i32
    %dma_wait3A_358 = arith.constant 3 : i32
    %dma_wait3A_359 = arith.constant 0 : i32
    %dma_wait3A_360 = arith.constant 0 : i32
    %dma_wait3A_361 = tpu.memref_slice %arg6[%dma_wait3A_358, %dma_wait3A_359, %dma_wait3A_360] : memref<8x2x128xi32, #tpu.memory_space<vmem>> -> memref<1x2x128xi32, #tpu.memory_space<vmem>>
    %dma_wait3A_362 = tpu.memref_squeeze %dma_wait3A_361 : memref<1x2x128xi32, #tpu.memory_space<vmem>> -> memref<2x128xi32, #tpu.memory_space<vmem>>
    %dma_wait3A_363 = arith.constant 0 : i32
    %dma_wait3A_364 = arith.constant 0 : i32
    %dma_wait3A_365 = tpu.memref_slice %arg3[%add3A, %dma_wait3A_357, %dma_wait3A_363, %dma_wait3A_364] : memref<32x80x2x128xi32, #tpu.memory_space<hbm>> -> memref<1x1x2x128xi32, #tpu.memory_space<hbm>>
    %dma_wait3A_366 = tpu.memref_squeeze %dma_wait3A_365 : memref<1x1x2x128xi32, #tpu.memory_space<hbm>> -> memref<2x128xi32, #tpu.memory_space<hbm>>
    %dma_wait3A_367 = arith.constant 0 : i32
    %dma_wait3A_368 = arith.constant 0 : i32
    %dma_wait3A_369 = tpu.memref_slice %arg6[%dma_wait3A_358, %dma_wait3A_367, %dma_wait3A_368] : memref<8x2x128xi32, #tpu.memory_space<vmem>> -> memref<1x2x128xi32, #tpu.memory_space<vmem>>
    %dma_wait3A_370 = tpu.memref_squeeze %dma_wait3A_369 : memref<1x2x128xi32, #tpu.memory_space<vmem>> -> memref<2x128xi32, #tpu.memory_space<vmem>>
    %dma_wait3A_371 = arith.constant 0 : i32
    %dma_wait3A_372 = arith.constant 0 : i32
    %dma_wait3A_373 = tpu.memref_slice %arg3[%add3A, %dma_wait3A_357, %dma_wait3A_371, %dma_wait3A_372] : memref<32x80x2x128xi32, #tpu.memory_space<hbm>> -> memref<1x1x2x128xi32, #tpu.memory_space<hbm>>
    %dma_wait3A_374 = tpu.memref_squeeze %dma_wait3A_373 : memref<1x1x2x128xi32, #tpu.memory_space<hbm>> -> memref<2x128xi32, #tpu.memory_space<hbm>>
    tpu.wait_dma2 semaphore(%arg16 : memref<!tpu.dma_semaphore, #tpu.memory_space<semaphore_mem>>) src(%dma_wait3A_374 : memref<2x128xi32, #tpu.memory_space<hbm>>) dst(%dma_wait3A_370 : memref<2x128xi32, #tpu.memory_space<vmem>>)
    %dma_start3A_375 = arith.constant 3 : i32
    %dma_start3A_376 = arith.constant 0 : i32
    %dma_start3A_377 = arith.constant 1 : i32
    %dma_start3A_378 = arith.constant 0 : i32
    %dma_start3A_379 = arith.constant 0 : i32
    %dma_start3A_380 = tpu.memref_slice %arg7[%dma_start3A_377, %dma_start3A_378, %dma_start3A_379] : memref<2x128x128xf32, #tpu.memory_space<vmem>> -> memref<1x128x128xf32, #tpu.memory_space<vmem>>
    %dma_start3A_381 = tpu.memref_squeeze %dma_start3A_380 : memref<1x128x128xf32, #tpu.memory_space<vmem>> -> memref<128x128xf32, #tpu.memory_space<vmem>>
    %dma_start3A_382 = arith.constant 0 : i32
    %dma_start3A_383 = arith.constant 0 : i32
    %dma_start3A_384 = tpu.memref_slice %arg6[%dma_start3A_375, %dma_start3A_382, %dma_start3A_383] : memref<8x2x128xi32, #tpu.memory_space<vmem>> -> memref<1x2x128xi32, #tpu.memory_space<vmem>>
    %dma_start3A_385 = tpu.memref_squeeze %dma_start3A_384 : memref<1x2x128xi32, #tpu.memory_space<vmem>> -> memref<2x128xi32, #tpu.memory_space<vmem>>
    %dma_start3A_386 = arith.constant 0 : i32
    %dma_start3A_387 = tpu.memref_slice %dma_start3A_385[%dma_start3A_376, %dma_start3A_386] : memref<2x128xi32, #tpu.memory_space<vmem>> -> memref<1x128xi32, #tpu.memory_space<vmem>>
    %dma_start3A_388 = tpu.memref_squeeze %dma_start3A_387 : memref<1x128xi32, #tpu.memory_space<vmem>> -> memref<128xi32, #tpu.memory_space<vmem>>
    %dma_start3A_389 = arith.constant 0 : i32
    %dma_start3A_390 = arith.constant 0 : i32
    %dma_start3A_391 = tpu.memref_slice %arg2[%dma_start3A_389, %dma_start3A_390] : memref<10000x128xf32, #tpu.memory_space<hbm>> -> memref<10000x128xf32, #tpu.memory_space<hbm>>
    tpu.enqueue_indirect_dma source(%dma_start3A_391 : memref<10000x128xf32, #tpu.memory_space<hbm>>) target(%dma_start3A_381 : memref<128x128xf32, #tpu.memory_space<vmem>>) offsets(%dma_start3A_388 : memref<128xi32, #tpu.memory_space<vmem>>) semaphore(%arg10 : memref<!tpu.dma_semaphore, #tpu.memory_space<semaphore_mem>>)
    %dma_wait3A_392 = arith.constant 0 : i32
    %dma_wait3A_393 = arith.constant 0 : i32
    %dma_wait3A_394 = arith.constant 0 : i32
    %dma_wait3A_395 = arith.constant 0 : i32
    %dma_wait3A_396 = arith.constant 0 : i32
    %dma_wait3A_397 = tpu.memref_slice %arg7[%dma_wait3A_394, %dma_wait3A_395, %dma_wait3A_396] : memref<2x128x128xf32, #tpu.memory_space<vmem>> -> memref<1x128x128xf32, #tpu.memory_space<vmem>>
    %dma_wait3A_398 = tpu.memref_squeeze %dma_wait3A_397 : memref<1x128x128xf32, #tpu.memory_space<vmem>> -> memref<128x128xf32, #tpu.memory_space<vmem>>
    %dma_wait3A_399 = arith.constant 0 : i32
    %dma_wait3A_400 = arith.constant 0 : i32
    %dma_wait3A_401 = tpu.memref_slice %arg6[%dma_wait3A_392, %dma_wait3A_399, %dma_wait3A_400] : memref<8x2x128xi32, #tpu.memory_space<vmem>> -> memref<1x2x128xi32, #tpu.memory_space<vmem>>
    %dma_wait3A_402 = tpu.memref_squeeze %dma_wait3A_401 : memref<1x2x128xi32, #tpu.memory_space<vmem>> -> memref<2x128xi32, #tpu.memory_space<vmem>>
    %dma_wait3A_403 = arith.constant 0 : i32
    %dma_wait3A_404 = tpu.memref_slice %dma_wait3A_402[%dma_wait3A_393, %dma_wait3A_403] : memref<2x128xi32, #tpu.memory_space<vmem>> -> memref<1x128xi32, #tpu.memory_space<vmem>>
    %dma_wait3A_405 = tpu.memref_squeeze %dma_wait3A_404 : memref<1x128xi32, #tpu.memory_space<vmem>> -> memref<128xi32, #tpu.memory_space<vmem>>
    %dma_wait3A_406 = arith.constant 0 : i32
    %dma_wait3A_407 = arith.constant 0 : i32
    %dma_wait3A_408 = tpu.memref_slice %arg2[%dma_wait3A_406, %dma_wait3A_407] : memref<10000x128xf32, #tpu.memory_space<hbm>> -> memref<10000x128xf32, #tpu.memory_space<hbm>>
    tpu.wait_indirect_dma semaphore(%arg9 : memref<!tpu.dma_semaphore, #tpu.memory_space<semaphore_mem>>) src(%dma_wait3A_408 : memref<10000x128xf32, #tpu.memory_space<hbm>>) dst(%dma_wait3A_398 : memref<128x128xf32, #tpu.memory_space<vmem>>)
    %dma_start3A_409 = arith.constant 0 : i32
    %dma_start3A_410 = arith.constant 2 : i32
    %dma_start3A_411 = arith.constant 1 : i32
    %dma_start3A_412 = arith.constant 0 : i32
    %dma_start3A_413 = arith.constant 0 : i32
    %dma_start3A_414 = tpu.memref_slice %arg7[%dma_start3A_409, %dma_start3A_412, %dma_start3A_413] : memref<2x128x128xf32, #tpu.memory_space<vmem>> -> memref<1x128x128xf32, #tpu.memory_space<vmem>>
    %dma_start3A_415 = tpu.memref_squeeze %dma_start3A_414 : memref<1x128x128xf32, #tpu.memory_space<vmem>> -> memref<128x128xf32, #tpu.memory_space<vmem>>
    %dma_start3A_416 = arith.constant 0 : i32
    %dma_start3A_417 = arith.constant 0 : i32
    %dma_start3A_418 = tpu.memref_slice %arg6[%dma_start3A_410, %dma_start3A_416, %dma_start3A_417] : memref<8x2x128xi32, #tpu.memory_space<vmem>> -> memref<1x2x128xi32, #tpu.memory_space<vmem>>
    %dma_start3A_419 = tpu.memref_squeeze %dma_start3A_418 : memref<1x2x128xi32, #tpu.memory_space<vmem>> -> memref<2x128xi32, #tpu.memory_space<vmem>>
    %dma_start3A_420 = arith.constant 0 : i32
    %dma_start3A_421 = tpu.memref_slice %dma_start3A_419[%dma_start3A_411, %dma_start3A_420] : memref<2x128xi32, #tpu.memory_space<vmem>> -> memref<1x128xi32, #tpu.memory_space<vmem>>
    %dma_start3A_422 = tpu.memref_squeeze %dma_start3A_421 : memref<1x128xi32, #tpu.memory_space<vmem>> -> memref<128xi32, #tpu.memory_space<vmem>>
    %dma_start3A_423 = arith.constant 0 : i32
    %dma_start3A_424 = arith.constant 0 : i32
    %dma_start3A_425 = tpu.memref_slice %arg8[%dma_start3A_423, %dma_start3A_424] : memref<10112x128xf32, #tpu.memory_space<vmem_shared>> -> memref<10112x128xf32, #tpu.memory_space<vmem_shared>>
    tpu.enqueue_indirect_dma source(%dma_start3A_415 : memref<128x128xf32, #tpu.memory_space<vmem>>) target(%dma_start3A_425 : memref<10112x128xf32, #tpu.memory_space<vmem_shared>>) offsets(%dma_start3A_422 : memref<128xi32, #tpu.memory_space<vmem>>) semaphore(%arg11 : memref<!tpu.dma_semaphore, #tpu.memory_space<semaphore_mem>>) {add = true}
    %dma_wait3A_426 = arith.constant 0 : i32
    %dma_wait3A_427 = arith.constant 0 : i32
    %dma_wait3A_428 = arith.constant 1 : i32
    %dma_wait3A_429 = arith.constant 0 : i32
    %dma_wait3A_430 = arith.constant 0 : i32
    %dma_wait3A_431 = tpu.memref_slice %arg7[%dma_wait3A_426, %dma_wait3A_429, %dma_wait3A_430] : memref<2x128x128xf32, #tpu.memory_space<vmem>> -> memref<1x128x128xf32, #tpu.memory_space<vmem>>
    %dma_wait3A_432 = tpu.memref_squeeze %dma_wait3A_431 : memref<1x128x128xf32, #tpu.memory_space<vmem>> -> memref<128x128xf32, #tpu.memory_space<vmem>>
    %dma_wait3A_433 = arith.constant 0 : i32
    %dma_wait3A_434 = arith.constant 0 : i32
    %dma_wait3A_435 = tpu.memref_slice %arg6[%dma_wait3A_427, %dma_wait3A_433, %dma_wait3A_434] : memref<8x2x128xi32, #tpu.memory_space<vmem>> -> memref<1x2x128xi32, #tpu.memory_space<vmem>>
    %dma_wait3A_436 = tpu.memref_squeeze %dma_wait3A_435 : memref<1x2x128xi32, #tpu.memory_space<vmem>> -> memref<2x128xi32, #tpu.memory_space<vmem>>
    %dma_wait3A_437 = arith.constant 0 : i32
    %dma_wait3A_438 = tpu.memref_slice %dma_wait3A_436[%dma_wait3A_428, %dma_wait3A_437] : memref<2x128xi32, #tpu.memory_space<vmem>> -> memref<1x128xi32, #tpu.memory_space<vmem>>
    %dma_wait3A_439 = tpu.memref_squeeze %dma_wait3A_438 : memref<1x128xi32, #tpu.memory_space<vmem>> -> memref<128xi32, #tpu.memory_space<vmem>>
    %dma_wait3A_440 = arith.constant 0 : i32
    %dma_wait3A_441 = arith.constant 0 : i32
    %dma_wait3A_442 = tpu.memref_slice %arg8[%dma_wait3A_440, %dma_wait3A_441] : memref<10112x128xf32, #tpu.memory_space<vmem_shared>> -> memref<10112x128xf32, #tpu.memory_space<vmem_shared>>
    tpu.wait_indirect_dma semaphore(%arg11 : memref<!tpu.dma_semaphore, #tpu.memory_space<semaphore_mem>>) src(%dma_wait3A_432 : memref<128x128xf32, #tpu.memory_space<vmem>>) dst(%dma_wait3A_442 : memref<10112x128xf32, #tpu.memory_space<vmem_shared>>)
    %dma_wait3A_443 = arith.constant 0 : i32
    %dma_wait3A_444 = arith.constant 4 : i32
    %dma_wait3A_445 = arith.constant 0 : i32
    %dma_wait3A_446 = arith.constant 0 : i32
    %dma_wait3A_447 = tpu.memref_slice %arg6[%dma_wait3A_444, %dma_wait3A_445, %dma_wait3A_446] : memref<8x2x128xi32, #tpu.memory_space<vmem>> -> memref<1x2x128xi32, #tpu.memory_space<vmem>>
    %dma_wait3A_448 = tpu.memref_squeeze %dma_wait3A_447 : memref<1x2x128xi32, #tpu.memory_space<vmem>> -> memref<2x128xi32, #tpu.memory_space<vmem>>
    %dma_wait3A_449 = arith.constant 0 : i32
    %dma_wait3A_450 = arith.constant 0 : i32
    %dma_wait3A_451 = tpu.memref_slice %arg3[%add3A, %dma_wait3A_443, %dma_wait3A_449, %dma_wait3A_450] : memref<32x80x2x128xi32, #tpu.memory_space<hbm>> -> memref<1x1x2x128xi32, #tpu.memory_space<hbm>>
    %dma_wait3A_452 = tpu.memref_squeeze %dma_wait3A_451 : memref<1x1x2x128xi32, #tpu.memory_space<hbm>> -> memref<2x128xi32, #tpu.memory_space<hbm>>
    %dma_wait3A_453 = arith.constant 0 : i32
    %dma_wait3A_454 = arith.constant 0 : i32
    %dma_wait3A_455 = tpu.memref_slice %arg6[%dma_wait3A_444, %dma_wait3A_453, %dma_wait3A_454] : memref<8x2x128xi32, #tpu.memory_space<vmem>> -> memref<1x2x128xi32, #tpu.memory_space<vmem>>
    %dma_wait3A_456 = tpu.memref_squeeze %dma_wait3A_455 : memref<1x2x128xi32, #tpu.memory_space<vmem>> -> memref<2x128xi32, #tpu.memory_space<vmem>>
    %dma_wait3A_457 = arith.constant 0 : i32
    %dma_wait3A_458 = arith.constant 0 : i32
    %dma_wait3A_459 = tpu.memref_slice %arg3[%add3A, %dma_wait3A_443, %dma_wait3A_457, %dma_wait3A_458] : memref<32x80x2x128xi32, #tpu.memory_space<hbm>> -> memref<1x1x2x128xi32, #tpu.memory_space<hbm>>
    %dma_wait3A_460 = tpu.memref_squeeze %dma_wait3A_459 : memref<1x1x2x128xi32, #tpu.memory_space<hbm>> -> memref<2x128xi32, #tpu.memory_space<hbm>>
    tpu.wait_dma2 semaphore(%arg17 : memref<!tpu.dma_semaphore, #tpu.memory_space<semaphore_mem>>) src(%dma_wait3A_460 : memref<2x128xi32, #tpu.memory_space<hbm>>) dst(%dma_wait3A_456 : memref<2x128xi32, #tpu.memory_space<vmem>>)
    %dma_start3A_461 = arith.constant 4 : i32
    %dma_start3A_462 = arith.constant 0 : i32
    %dma_start3A_463 = arith.constant 0 : i32
    %dma_start3A_464 = arith.constant 0 : i32
    %dma_start3A_465 = arith.constant 0 : i32
    %dma_start3A_466 = tpu.memref_slice %arg7[%dma_start3A_463, %dma_start3A_464, %dma_start3A_465] : memref<2x128x128xf32, #tpu.memory_space<vmem>> -> memref<1x128x128xf32, #tpu.memory_space<vmem>>
    %dma_start3A_467 = tpu.memref_squeeze %dma_start3A_466 : memref<1x128x128xf32, #tpu.memory_space<vmem>> -> memref<128x128xf32, #tpu.memory_space<vmem>>
    %dma_start3A_468 = arith.constant 0 : i32
    %dma_start3A_469 = arith.constant 0 : i32
    %dma_start3A_470 = tpu.memref_slice %arg6[%dma_start3A_461, %dma_start3A_468, %dma_start3A_469] : memref<8x2x128xi32, #tpu.memory_space<vmem>> -> memref<1x2x128xi32, #tpu.memory_space<vmem>>
    %dma_start3A_471 = tpu.memref_squeeze %dma_start3A_470 : memref<1x2x128xi32, #tpu.memory_space<vmem>> -> memref<2x128xi32, #tpu.memory_space<vmem>>
    %dma_start3A_472 = arith.constant 0 : i32
    %dma_start3A_473 = tpu.memref_slice %dma_start3A_471[%dma_start3A_462, %dma_start3A_472] : memref<2x128xi32, #tpu.memory_space<vmem>> -> memref<1x128xi32, #tpu.memory_space<vmem>>
    %dma_start3A_474 = tpu.memref_squeeze %dma_start3A_473 : memref<1x128xi32, #tpu.memory_space<vmem>> -> memref<128xi32, #tpu.memory_space<vmem>>
    %dma_start3A_475 = arith.constant 0 : i32
    %dma_start3A_476 = arith.constant 0 : i32
    %dma_start3A_477 = tpu.memref_slice %arg2[%dma_start3A_475, %dma_start3A_476] : memref<10000x128xf32, #tpu.memory_space<hbm>> -> memref<10000x128xf32, #tpu.memory_space<hbm>>
    tpu.enqueue_indirect_dma source(%dma_start3A_477 : memref<10000x128xf32, #tpu.memory_space<hbm>>) target(%dma_start3A_467 : memref<128x128xf32, #tpu.memory_space<vmem>>) offsets(%dma_start3A_474 : memref<128xi32, #tpu.memory_space<vmem>>) semaphore(%arg9 : memref<!tpu.dma_semaphore, #tpu.memory_space<semaphore_mem>>)
    %dma_wait3A_478 = arith.constant 0 : i32
    %dma_wait3A_479 = arith.constant 0 : i32
    %dma_wait3A_480 = arith.constant 1 : i32
    %dma_wait3A_481 = arith.constant 0 : i32
    %dma_wait3A_482 = arith.constant 0 : i32
    %dma_wait3A_483 = tpu.memref_slice %arg7[%dma_wait3A_480, %dma_wait3A_481, %dma_wait3A_482] : memref<2x128x128xf32, #tpu.memory_space<vmem>> -> memref<1x128x128xf32, #tpu.memory_space<vmem>>
    %dma_wait3A_484 = tpu.memref_squeeze %dma_wait3A_483 : memref<1x128x128xf32, #tpu.memory_space<vmem>> -> memref<128x128xf32, #tpu.memory_space<vmem>>
    %dma_wait3A_485 = arith.constant 0 : i32
    %dma_wait3A_486 = arith.constant 0 : i32
    %dma_wait3A_487 = tpu.memref_slice %arg6[%dma_wait3A_478, %dma_wait3A_485, %dma_wait3A_486] : memref<8x2x128xi32, #tpu.memory_space<vmem>> -> memref<1x2x128xi32, #tpu.memory_space<vmem>>
    %dma_wait3A_488 = tpu.memref_squeeze %dma_wait3A_487 : memref<1x2x128xi32, #tpu.memory_space<vmem>> -> memref<2x128xi32, #tpu.memory_space<vmem>>
    %dma_wait3A_489 = arith.constant 0 : i32
    %dma_wait3A_490 = tpu.memref_slice %dma_wait3A_488[%dma_wait3A_479, %dma_wait3A_489] : memref<2x128xi32, #tpu.memory_space<vmem>> -> memref<1x128xi32, #tpu.memory_space<vmem>>
    %dma_wait3A_491 = tpu.memref_squeeze %dma_wait3A_490 : memref<1x128xi32, #tpu.memory_space<vmem>> -> memref<128xi32, #tpu.memory_space<vmem>>
    %dma_wait3A_492 = arith.constant 0 : i32
    %dma_wait3A_493 = arith.constant 0 : i32
    %dma_wait3A_494 = tpu.memref_slice %arg2[%dma_wait3A_492, %dma_wait3A_493] : memref<10000x128xf32, #tpu.memory_space<hbm>> -> memref<10000x128xf32, #tpu.memory_space<hbm>>
    tpu.wait_indirect_dma semaphore(%arg10 : memref<!tpu.dma_semaphore, #tpu.memory_space<semaphore_mem>>) src(%dma_wait3A_494 : memref<10000x128xf32, #tpu.memory_space<hbm>>) dst(%dma_wait3A_484 : memref<128x128xf32, #tpu.memory_space<vmem>>)
    %dma_start3A_495 = arith.constant 1 : i32
    %dma_start3A_496 = arith.constant 3 : i32
    %dma_start3A_497 = arith.constant 1 : i32
    %dma_start3A_498 = arith.constant 0 : i32
    %dma_start3A_499 = arith.constant 0 : i32
    %dma_start3A_500 = tpu.memref_slice %arg7[%dma_start3A_495, %dma_start3A_498, %dma_start3A_499] : memref<2x128x128xf32, #tpu.memory_space<vmem>> -> memref<1x128x128xf32, #tpu.memory_space<vmem>>
    %dma_start3A_501 = tpu.memref_squeeze %dma_start3A_500 : memref<1x128x128xf32, #tpu.memory_space<vmem>> -> memref<128x128xf32, #tpu.memory_space<vmem>>
    %dma_start3A_502 = arith.constant 0 : i32
    %dma_start3A_503 = arith.constant 0 : i32
    %dma_start3A_504 = tpu.memref_slice %arg6[%dma_start3A_496, %dma_start3A_502, %dma_start3A_503] : memref<8x2x128xi32, #tpu.memory_space<vmem>> -> memref<1x2x128xi32, #tpu.memory_space<vmem>>
    %dma_start3A_505 = tpu.memref_squeeze %dma_start3A_504 : memref<1x2x128xi32, #tpu.memory_space<vmem>> -> memref<2x128xi32, #tpu.memory_space<vmem>>
    %dma_start3A_506 = arith.constant 0 : i32
    %dma_start3A_507 = tpu.memref_slice %dma_start3A_505[%dma_start3A_497, %dma_start3A_506] : memref<2x128xi32, #tpu.memory_space<vmem>> -> memref<1x128xi32, #tpu.memory_space<vmem>>
    %dma_start3A_508 = tpu.memref_squeeze %dma_start3A_507 : memref<1x128xi32, #tpu.memory_space<vmem>> -> memref<128xi32, #tpu.memory_space<vmem>>
    %dma_start3A_509 = arith.constant 0 : i32
    %dma_start3A_510 = arith.constant 0 : i32
    %dma_start3A_511 = tpu.memref_slice %arg8[%dma_start3A_509, %dma_start3A_510] : memref<10112x128xf32, #tpu.memory_space<vmem_shared>> -> memref<10112x128xf32, #tpu.memory_space<vmem_shared>>
    tpu.enqueue_indirect_dma source(%dma_start3A_501 : memref<128x128xf32, #tpu.memory_space<vmem>>) target(%dma_start3A_511 : memref<10112x128xf32, #tpu.memory_space<vmem_shared>>) offsets(%dma_start3A_508 : memref<128xi32, #tpu.memory_space<vmem>>) semaphore(%arg12 : memref<!tpu.dma_semaphore, #tpu.memory_space<semaphore_mem>>) {add = true}
    %dma_wait3A_512 = arith.constant 1 : i32
    %dma_wait3A_513 = arith.constant 0 : i32
    %dma_wait3A_514 = arith.constant 1 : i32
    %dma_wait3A_515 = arith.constant 0 : i32
    %dma_wait3A_516 = arith.constant 0 : i32
    %dma_wait3A_517 = tpu.memref_slice %arg7[%dma_wait3A_512, %dma_wait3A_515, %dma_wait3A_516] : memref<2x128x128xf32, #tpu.memory_space<vmem>> -> memref<1x128x128xf32, #tpu.memory_space<vmem>>
    %dma_wait3A_518 = tpu.memref_squeeze %dma_wait3A_517 : memref<1x128x128xf32, #tpu.memory_space<vmem>> -> memref<128x128xf32, #tpu.memory_space<vmem>>
    %dma_wait3A_519 = arith.constant 0 : i32
    %dma_wait3A_520 = arith.constant 0 : i32
    %dma_wait3A_521 = tpu.memref_slice %arg6[%dma_wait3A_513, %dma_wait3A_519, %dma_wait3A_520] : memref<8x2x128xi32, #tpu.memory_space<vmem>> -> memref<1x2x128xi32, #tpu.memory_space<vmem>>
    %dma_wait3A_522 = tpu.memref_squeeze %dma_wait3A_521 : memref<1x2x128xi32, #tpu.memory_space<vmem>> -> memref<2x128xi32, #tpu.memory_space<vmem>>
    %dma_wait3A_523 = arith.constant 0 : i32
    %dma_wait3A_524 = tpu.memref_slice %dma_wait3A_522[%dma_wait3A_514, %dma_wait3A_523] : memref<2x128xi32, #tpu.memory_space<vmem>> -> memref<1x128xi32, #tpu.memory_space<vmem>>
    %dma_wait3A_525 = tpu.memref_squeeze %dma_wait3A_524 : memref<1x128xi32, #tpu.memory_space<vmem>> -> memref<128xi32, #tpu.memory_space<vmem>>
    %dma_wait3A_526 = arith.constant 0 : i32
    %dma_wait3A_527 = arith.constant 0 : i32
    %dma_wait3A_528 = tpu.memref_slice %arg8[%dma_wait3A_526, %dma_wait3A_527] : memref<10112x128xf32, #tpu.memory_space<vmem_shared>> -> memref<10112x128xf32, #tpu.memory_space<vmem_shared>>
    tpu.wait_indirect_dma semaphore(%arg12 : memref<!tpu.dma_semaphore, #tpu.memory_space<semaphore_mem>>) src(%dma_wait3A_518 : memref<128x128xf32, #tpu.memory_space<vmem>>) dst(%dma_wait3A_528 : memref<10112x128xf32, #tpu.memory_space<vmem_shared>>)
    %dma_wait3A_529 = arith.constant 0 : i32
    %dma_wait3A_530 = arith.constant 5 : i32
    %dma_wait3A_531 = arith.constant 0 : i32
    %dma_wait3A_532 = arith.constant 0 : i32
    %dma_wait3A_533 = tpu.memref_slice %arg6[%dma_wait3A_530, %dma_wait3A_531, %dma_wait3A_532] : memref<8x2x128xi32, #tpu.memory_space<vmem>> -> memref<1x2x128xi32, #tpu.memory_space<vmem>>
    %dma_wait3A_534 = tpu.memref_squeeze %dma_wait3A_533 : memref<1x2x128xi32, #tpu.memory_space<vmem>> -> memref<2x128xi32, #tpu.memory_space<vmem>>
    %dma_wait3A_535 = arith.constant 0 : i32
    %dma_wait3A_536 = arith.constant 0 : i32
    %dma_wait3A_537 = tpu.memref_slice %arg3[%add3A, %dma_wait3A_529, %dma_wait3A_535, %dma_wait3A_536] : memref<32x80x2x128xi32, #tpu.memory_space<hbm>> -> memref<1x1x2x128xi32, #tpu.memory_space<hbm>>
    %dma_wait3A_538 = tpu.memref_squeeze %dma_wait3A_537 : memref<1x1x2x128xi32, #tpu.memory_space<hbm>> -> memref<2x128xi32, #tpu.memory_space<hbm>>
    %dma_wait3A_539 = arith.constant 0 : i32
    %dma_wait3A_540 = arith.constant 0 : i32
    %dma_wait3A_541 = tpu.memref_slice %arg6[%dma_wait3A_530, %dma_wait3A_539, %dma_wait3A_540] : memref<8x2x128xi32, #tpu.memory_space<vmem>> -> memref<1x2x128xi32, #tpu.memory_space<vmem>>
    %dma_wait3A_542 = tpu.memref_squeeze %dma_wait3A_541 : memref<1x2x128xi32, #tpu.memory_space<vmem>> -> memref<2x128xi32, #tpu.memory_space<vmem>>
    %dma_wait3A_543 = arith.constant 0 : i32
    %dma_wait3A_544 = arith.constant 0 : i32
    %dma_wait3A_545 = tpu.memref_slice %arg3[%add3A, %dma_wait3A_529, %dma_wait3A_543, %dma_wait3A_544] : memref<32x80x2x128xi32, #tpu.memory_space<hbm>> -> memref<1x1x2x128xi32, #tpu.memory_space<hbm>>
    %dma_wait3A_546 = tpu.memref_squeeze %dma_wait3A_545 : memref<1x1x2x128xi32, #tpu.memory_space<hbm>> -> memref<2x128xi32, #tpu.memory_space<hbm>>
    tpu.wait_dma2 semaphore(%arg18 : memref<!tpu.dma_semaphore, #tpu.memory_space<semaphore_mem>>) src(%dma_wait3A_546 : memref<2x128xi32, #tpu.memory_space<hbm>>) dst(%dma_wait3A_542 : memref<2x128xi32, #tpu.memory_space<vmem>>)
    %dma_start3A_547 = arith.constant 5 : i32
    %dma_start3A_548 = arith.constant 0 : i32
    %dma_start3A_549 = arith.constant 1 : i32
    %dma_start3A_550 = arith.constant 0 : i32
    %dma_start3A_551 = arith.constant 0 : i32
    %dma_start3A_552 = tpu.memref_slice %arg7[%dma_start3A_549, %dma_start3A_550, %dma_start3A_551] : memref<2x128x128xf32, #tpu.memory_space<vmem>> -> memref<1x128x128xf32, #tpu.memory_space<vmem>>
    %dma_start3A_553 = tpu.memref_squeeze %dma_start3A_552 : memref<1x128x128xf32, #tpu.memory_space<vmem>> -> memref<128x128xf32, #tpu.memory_space<vmem>>
    %dma_start3A_554 = arith.constant 0 : i32
    %dma_start3A_555 = arith.constant 0 : i32
    %dma_start3A_556 = tpu.memref_slice %arg6[%dma_start3A_547, %dma_start3A_554, %dma_start3A_555] : memref<8x2x128xi32, #tpu.memory_space<vmem>> -> memref<1x2x128xi32, #tpu.memory_space<vmem>>
    %dma_start3A_557 = tpu.memref_squeeze %dma_start3A_556 : memref<1x2x128xi32, #tpu.memory_space<vmem>> -> memref<2x128xi32, #tpu.memory_space<vmem>>
    %dma_start3A_558 = arith.constant 0 : i32
    %dma_start3A_559 = tpu.memref_slice %dma_start3A_557[%dma_start3A_548, %dma_start3A_558] : memref<2x128xi32, #tpu.memory_space<vmem>> -> memref<1x128xi32, #tpu.memory_space<vmem>>
    %dma_start3A_560 = tpu.memref_squeeze %dma_start3A_559 : memref<1x128xi32, #tpu.memory_space<vmem>> -> memref<128xi32, #tpu.memory_space<vmem>>
    %dma_start3A_561 = arith.constant 0 : i32
    %dma_start3A_562 = arith.constant 0 : i32
    %dma_start3A_563 = tpu.memref_slice %arg2[%dma_start3A_561, %dma_start3A_562] : memref<10000x128xf32, #tpu.memory_space<hbm>> -> memref<10000x128xf32, #tpu.memory_space<hbm>>
    tpu.enqueue_indirect_dma source(%dma_start3A_563 : memref<10000x128xf32, #tpu.memory_space<hbm>>) target(%dma_start3A_553 : memref<128x128xf32, #tpu.memory_space<vmem>>) offsets(%dma_start3A_560 : memref<128xi32, #tpu.memory_space<vmem>>) semaphore(%arg10 : memref<!tpu.dma_semaphore, #tpu.memory_space<semaphore_mem>>)
    %dma_wait3A_564 = arith.constant 0 : i32
    %dma_wait3A_565 = arith.constant 0 : i32
    %dma_wait3A_566 = arith.constant 0 : i32
    %dma_wait3A_567 = arith.constant 0 : i32
    %dma_wait3A_568 = arith.constant 0 : i32
    %dma_wait3A_569 = tpu.memref_slice %arg7[%dma_wait3A_566, %dma_wait3A_567, %dma_wait3A_568] : memref<2x128x128xf32, #tpu.memory_space<vmem>> -> memref<1x128x128xf32, #tpu.memory_space<vmem>>
    %dma_wait3A_570 = tpu.memref_squeeze %dma_wait3A_569 : memref<1x128x128xf32, #tpu.memory_space<vmem>> -> memref<128x128xf32, #tpu.memory_space<vmem>>
    %dma_wait3A_571 = arith.constant 0 : i32
    %dma_wait3A_572 = arith.constant 0 : i32
    %dma_wait3A_573 = tpu.memref_slice %arg6[%dma_wait3A_564, %dma_wait3A_571, %dma_wait3A_572] : memref<8x2x128xi32, #tpu.memory_space<vmem>> -> memref<1x2x128xi32, #tpu.memory_space<vmem>>
    %dma_wait3A_574 = tpu.memref_squeeze %dma_wait3A_573 : memref<1x2x128xi32, #tpu.memory_space<vmem>> -> memref<2x128xi32, #tpu.memory_space<vmem>>
    %dma_wait3A_575 = arith.constant 0 : i32
    %dma_wait3A_576 = tpu.memref_slice %dma_wait3A_574[%dma_wait3A_565, %dma_wait3A_575] : memref<2x128xi32, #tpu.memory_space<vmem>> -> memref<1x128xi32, #tpu.memory_space<vmem>>
    %dma_wait3A_577 = tpu.memref_squeeze %dma_wait3A_576 : memref<1x128xi32, #tpu.memory_space<vmem>> -> memref<128xi32, #tpu.memory_space<vmem>>
    %dma_wait3A_578 = arith.constant 0 : i32
    %dma_wait3A_579 = arith.constant 0 : i32
    %dma_wait3A_580 = tpu.memref_slice %arg2[%dma_wait3A_578, %dma_wait3A_579] : memref<10000x128xf32, #tpu.memory_space<hbm>> -> memref<10000x128xf32, #tpu.memory_space<hbm>>
    tpu.wait_indirect_dma semaphore(%arg9 : memref<!tpu.dma_semaphore, #tpu.memory_space<semaphore_mem>>) src(%dma_wait3A_580 : memref<10000x128xf32, #tpu.memory_space<hbm>>) dst(%dma_wait3A_570 : memref<128x128xf32, #tpu.memory_space<vmem>>)
    %dma_start3A_581 = arith.constant 0 : i32
    %dma_start3A_582 = arith.constant 4 : i32
    %dma_start3A_583 = arith.constant 1 : i32
    %dma_start3A_584 = arith.constant 0 : i32
    %dma_start3A_585 = arith.constant 0 : i32
    %dma_start3A_586 = tpu.memref_slice %arg7[%dma_start3A_581, %dma_start3A_584, %dma_start3A_585] : memref<2x128x128xf32, #tpu.memory_space<vmem>> -> memref<1x128x128xf32, #tpu.memory_space<vmem>>
    %dma_start3A_587 = tpu.memref_squeeze %dma_start3A_586 : memref<1x128x128xf32, #tpu.memory_space<vmem>> -> memref<128x128xf32, #tpu.memory_space<vmem>>
    %dma_start3A_588 = arith.constant 0 : i32
    %dma_start3A_589 = arith.constant 0 : i32
    %dma_start3A_590 = tpu.memref_slice %arg6[%dma_start3A_582, %dma_start3A_588, %dma_start3A_589] : memref<8x2x128xi32, #tpu.memory_space<vmem>> -> memref<1x2x128xi32, #tpu.memory_space<vmem>>
    %dma_start3A_591 = tpu.memref_squeeze %dma_start3A_590 : memref<1x2x128xi32, #tpu.memory_space<vmem>> -> memref<2x128xi32, #tpu.memory_space<vmem>>
    %dma_start3A_592 = arith.constant 0 : i32
    %dma_start3A_593 = tpu.memref_slice %dma_start3A_591[%dma_start3A_583, %dma_start3A_592] : memref<2x128xi32, #tpu.memory_space<vmem>> -> memref<1x128xi32, #tpu.memory_space<vmem>>
    %dma_start3A_594 = tpu.memref_squeeze %dma_start3A_593 : memref<1x128xi32, #tpu.memory_space<vmem>> -> memref<128xi32, #tpu.memory_space<vmem>>
    %dma_start3A_595 = arith.constant 0 : i32
    %dma_start3A_596 = arith.constant 0 : i32
    %dma_start3A_597 = tpu.memref_slice %arg8[%dma_start3A_595, %dma_start3A_596] : memref<10112x128xf32, #tpu.memory_space<vmem_shared>> -> memref<10112x128xf32, #tpu.memory_space<vmem_shared>>
    tpu.enqueue_indirect_dma source(%dma_start3A_587 : memref<128x128xf32, #tpu.memory_space<vmem>>) target(%dma_start3A_597 : memref<10112x128xf32, #tpu.memory_space<vmem_shared>>) offsets(%dma_start3A_594 : memref<128xi32, #tpu.memory_space<vmem>>) semaphore(%arg11 : memref<!tpu.dma_semaphore, #tpu.memory_space<semaphore_mem>>) {add = true}
    %dma_wait3A_598 = arith.constant 0 : i32
    %dma_wait3A_599 = arith.constant 0 : i32
    %dma_wait3A_600 = arith.constant 1 : i32
    %dma_wait3A_601 = arith.constant 0 : i32
    %dma_wait3A_602 = arith.constant 0 : i32
    %dma_wait3A_603 = tpu.memref_slice %arg7[%dma_wait3A_598, %dma_wait3A_601, %dma_wait3A_602] : memref<2x128x128xf32, #tpu.memory_space<vmem>> -> memref<1x128x128xf32, #tpu.memory_space<vmem>>
    %dma_wait3A_604 = tpu.memref_squeeze %dma_wait3A_603 : memref<1x128x128xf32, #tpu.memory_space<vmem>> -> memref<128x128xf32, #tpu.memory_space<vmem>>
    %dma_wait3A_605 = arith.constant 0 : i32
    %dma_wait3A_606 = arith.constant 0 : i32
    %dma_wait3A_607 = tpu.memref_slice %arg6[%dma_wait3A_599, %dma_wait3A_605, %dma_wait3A_606] : memref<8x2x128xi32, #tpu.memory_space<vmem>> -> memref<1x2x128xi32, #tpu.memory_space<vmem>>
    %dma_wait3A_608 = tpu.memref_squeeze %dma_wait3A_607 : memref<1x2x128xi32, #tpu.memory_space<vmem>> -> memref<2x128xi32, #tpu.memory_space<vmem>>
    %dma_wait3A_609 = arith.constant 0 : i32
    %dma_wait3A_610 = tpu.memref_slice %dma_wait3A_608[%dma_wait3A_600, %dma_wait3A_609] : memref<2x128xi32, #tpu.memory_space<vmem>> -> memref<1x128xi32, #tpu.memory_space<vmem>>
    %dma_wait3A_611 = tpu.memref_squeeze %dma_wait3A_610 : memref<1x128xi32, #tpu.memory_space<vmem>> -> memref<128xi32, #tpu.memory_space<vmem>>
    %dma_wait3A_612 = arith.constant 0 : i32
    %dma_wait3A_613 = arith.constant 0 : i32
    %dma_wait3A_614 = tpu.memref_slice %arg8[%dma_wait3A_612, %dma_wait3A_613] : memref<10112x128xf32, #tpu.memory_space<vmem_shared>> -> memref<10112x128xf32, #tpu.memory_space<vmem_shared>>
    tpu.wait_indirect_dma semaphore(%arg11 : memref<!tpu.dma_semaphore, #tpu.memory_space<semaphore_mem>>) src(%dma_wait3A_604 : memref<128x128xf32, #tpu.memory_space<vmem>>) dst(%dma_wait3A_614 : memref<10112x128xf32, #tpu.memory_space<vmem_shared>>)
    %dma_wait3A_615 = arith.constant 0 : i32
    %dma_wait3A_616 = arith.constant 6 : i32
    %dma_wait3A_617 = arith.constant 0 : i32
    %dma_wait3A_618 = arith.constant 0 : i32
    %dma_wait3A_619 = tpu.memref_slice %arg6[%dma_wait3A_616, %dma_wait3A_617, %dma_wait3A_618] : memref<8x2x128xi32, #tpu.memory_space<vmem>> -> memref<1x2x128xi32, #tpu.memory_space<vmem>>
    %dma_wait3A_620 = tpu.memref_squeeze %dma_wait3A_619 : memref<1x2x128xi32, #tpu.memory_space<vmem>> -> memref<2x128xi32, #tpu.memory_space<vmem>>
    %dma_wait3A_621 = arith.constant 0 : i32
    %dma_wait3A_622 = arith.constant 0 : i32
    %dma_wait3A_623 = tpu.memref_slice %arg3[%add3A, %dma_wait3A_615, %dma_wait3A_621, %dma_wait3A_622] : memref<32x80x2x128xi32, #tpu.memory_space<hbm>> -> memref<1x1x2x128xi32, #tpu.memory_space<hbm>>
    %dma_wait3A_624 = tpu.memref_squeeze %dma_wait3A_623 : memref<1x1x2x128xi32, #tpu.memory_space<hbm>> -> memref<2x128xi32, #tpu.memory_space<hbm>>
    %dma_wait3A_625 = arith.constant 0 : i32
    %dma_wait3A_626 = arith.constant 0 : i32
    %dma_wait3A_627 = tpu.memref_slice %arg6[%dma_wait3A_616, %dma_wait3A_625, %dma_wait3A_626] : memref<8x2x128xi32, #tpu.memory_space<vmem>> -> memref<1x2x128xi32, #tpu.memory_space<vmem>>
    %dma_wait3A_628 = tpu.memref_squeeze %dma_wait3A_627 : memref<1x2x128xi32, #tpu.memory_space<vmem>> -> memref<2x128xi32, #tpu.memory_space<vmem>>
    %dma_wait3A_629 = arith.constant 0 : i32
    %dma_wait3A_630 = arith.constant 0 : i32
    %dma_wait3A_631 = tpu.memref_slice %arg3[%add3A, %dma_wait3A_615, %dma_wait3A_629, %dma_wait3A_630] : memref<32x80x2x128xi32, #tpu.memory_space<hbm>> -> memref<1x1x2x128xi32, #tpu.memory_space<hbm>>
    %dma_wait3A_632 = tpu.memref_squeeze %dma_wait3A_631 : memref<1x1x2x128xi32, #tpu.memory_space<hbm>> -> memref<2x128xi32, #tpu.memory_space<hbm>>
    tpu.wait_dma2 semaphore(%arg19 : memref<!tpu.dma_semaphore, #tpu.memory_space<semaphore_mem>>) src(%dma_wait3A_632 : memref<2x128xi32, #tpu.memory_space<hbm>>) dst(%dma_wait3A_628 : memref<2x128xi32, #tpu.memory_space<vmem>>)
    %dma_start3A_633 = arith.constant 6 : i32
    %dma_start3A_634 = arith.constant 0 : i32
    %dma_start3A_635 = arith.constant 0 : i32
    %dma_start3A_636 = arith.constant 0 : i32
    %dma_start3A_637 = arith.constant 0 : i32
    %dma_start3A_638 = tpu.memref_slice %arg7[%dma_start3A_635, %dma_start3A_636, %dma_start3A_637] : memref<2x128x128xf32, #tpu.memory_space<vmem>> -> memref<1x128x128xf32, #tpu.memory_space<vmem>>
    %dma_start3A_639 = tpu.memref_squeeze %dma_start3A_638 : memref<1x128x128xf32, #tpu.memory_space<vmem>> -> memref<128x128xf32, #tpu.memory_space<vmem>>
    %dma_start3A_640 = arith.constant 0 : i32
    %dma_start3A_641 = arith.constant 0 : i32
    %dma_start3A_642 = tpu.memref_slice %arg6[%dma_start3A_633, %dma_start3A_640, %dma_start3A_641] : memref<8x2x128xi32, #tpu.memory_space<vmem>> -> memref<1x2x128xi32, #tpu.memory_space<vmem>>
    %dma_start3A_643 = tpu.memref_squeeze %dma_start3A_642 : memref<1x2x128xi32, #tpu.memory_space<vmem>> -> memref<2x128xi32, #tpu.memory_space<vmem>>
    %dma_start3A_644 = arith.constant 0 : i32
    %dma_start3A_645 = tpu.memref_slice %dma_start3A_643[%dma_start3A_634, %dma_start3A_644] : memref<2x128xi32, #tpu.memory_space<vmem>> -> memref<1x128xi32, #tpu.memory_space<vmem>>
    %dma_start3A_646 = tpu.memref_squeeze %dma_start3A_645 : memref<1x128xi32, #tpu.memory_space<vmem>> -> memref<128xi32, #tpu.memory_space<vmem>>
    %dma_start3A_647 = arith.constant 0 : i32
    %dma_start3A_648 = arith.constant 0 : i32
    %dma_start3A_649 = tpu.memref_slice %arg2[%dma_start3A_647, %dma_start3A_648] : memref<10000x128xf32, #tpu.memory_space<hbm>> -> memref<10000x128xf32, #tpu.memory_space<hbm>>
    tpu.enqueue_indirect_dma source(%dma_start3A_649 : memref<10000x128xf32, #tpu.memory_space<hbm>>) target(%dma_start3A_639 : memref<128x128xf32, #tpu.memory_space<vmem>>) offsets(%dma_start3A_646 : memref<128xi32, #tpu.memory_space<vmem>>) semaphore(%arg9 : memref<!tpu.dma_semaphore, #tpu.memory_space<semaphore_mem>>)
    %dma_wait3A_650 = arith.constant 0 : i32
    %dma_wait3A_651 = arith.constant 0 : i32
    %dma_wait3A_652 = arith.constant 1 : i32
    %dma_wait3A_653 = arith.constant 0 : i32
    %dma_wait3A_654 = arith.constant 0 : i32
    %dma_wait3A_655 = tpu.memref_slice %arg7[%dma_wait3A_652, %dma_wait3A_653, %dma_wait3A_654] : memref<2x128x128xf32, #tpu.memory_space<vmem>> -> memref<1x128x128xf32, #tpu.memory_space<vmem>>
    %dma_wait3A_656 = tpu.memref_squeeze %dma_wait3A_655 : memref<1x128x128xf32, #tpu.memory_space<vmem>> -> memref<128x128xf32, #tpu.memory_space<vmem>>
    %dma_wait3A_657 = arith.constant 0 : i32
    %dma_wait3A_658 = arith.constant 0 : i32
    %dma_wait3A_659 = tpu.memref_slice %arg6[%dma_wait3A_650, %dma_wait3A_657, %dma_wait3A_658] : memref<8x2x128xi32, #tpu.memory_space<vmem>> -> memref<1x2x128xi32, #tpu.memory_space<vmem>>
    %dma_wait3A_660 = tpu.memref_squeeze %dma_wait3A_659 : memref<1x2x128xi32, #tpu.memory_space<vmem>> -> memref<2x128xi32, #tpu.memory_space<vmem>>
    %dma_wait3A_661 = arith.constant 0 : i32
    %dma_wait3A_662 = tpu.memref_slice %dma_wait3A_660[%dma_wait3A_651, %dma_wait3A_661] : memref<2x128xi32, #tpu.memory_space<vmem>> -> memref<1x128xi32, #tpu.memory_space<vmem>>
    %dma_wait3A_663 = tpu.memref_squeeze %dma_wait3A_662 : memref<1x128xi32, #tpu.memory_space<vmem>> -> memref<128xi32, #tpu.memory_space<vmem>>
    %dma_wait3A_664 = arith.constant 0 : i32
    %dma_wait3A_665 = arith.constant 0 : i32
    %dma_wait3A_666 = tpu.memref_slice %arg2[%dma_wait3A_664, %dma_wait3A_665] : memref<10000x128xf32, #tpu.memory_space<hbm>> -> memref<10000x128xf32, #tpu.memory_space<hbm>>
    tpu.wait_indirect_dma semaphore(%arg10 : memref<!tpu.dma_semaphore, #tpu.memory_space<semaphore_mem>>) src(%dma_wait3A_666 : memref<10000x128xf32, #tpu.memory_space<hbm>>) dst(%dma_wait3A_656 : memref<128x128xf32, #tpu.memory_space<vmem>>)
    %dma_start3A_667 = arith.constant 1 : i32
    %dma_start3A_668 = arith.constant 5 : i32
    %dma_start3A_669 = arith.constant 1 : i32
    %dma_start3A_670 = arith.constant 0 : i32
    %dma_start3A_671 = arith.constant 0 : i32
    %dma_start3A_672 = tpu.memref_slice %arg7[%dma_start3A_667, %dma_start3A_670, %dma_start3A_671] : memref<2x128x128xf32, #tpu.memory_space<vmem>> -> memref<1x128x128xf32, #tpu.memory_space<vmem>>
    %dma_start3A_673 = tpu.memref_squeeze %dma_start3A_672 : memref<1x128x128xf32, #tpu.memory_space<vmem>> -> memref<128x128xf32, #tpu.memory_space<vmem>>
    %dma_start3A_674 = arith.constant 0 : i32
    %dma_start3A_675 = arith.constant 0 : i32
    %dma_start3A_676 = tpu.memref_slice %arg6[%dma_start3A_668, %dma_start3A_674, %dma_start3A_675] : memref<8x2x128xi32, #tpu.memory_space<vmem>> -> memref<1x2x128xi32, #tpu.memory_space<vmem>>
    %dma_start3A_677 = tpu.memref_squeeze %dma_start3A_676 : memref<1x2x128xi32, #tpu.memory_space<vmem>> -> memref<2x128xi32, #tpu.memory_space<vmem>>
    %dma_start3A_678 = arith.constant 0 : i32
    %dma_start3A_679 = tpu.memref_slice %dma_start3A_677[%dma_start3A_669, %dma_start3A_678] : memref<2x128xi32, #tpu.memory_space<vmem>> -> memref<1x128xi32, #tpu.memory_space<vmem>>
    %dma_start3A_680 = tpu.memref_squeeze %dma_start3A_679 : memref<1x128xi32, #tpu.memory_space<vmem>> -> memref<128xi32, #tpu.memory_space<vmem>>
    %dma_start3A_681 = arith.constant 0 : i32
    %dma_start3A_682 = arith.constant 0 : i32
    %dma_start3A_683 = tpu.memref_slice %arg8[%dma_start3A_681, %dma_start3A_682] : memref<10112x128xf32, #tpu.memory_space<vmem_shared>> -> memref<10112x128xf32, #tpu.memory_space<vmem_shared>>
    tpu.enqueue_indirect_dma source(%dma_start3A_673 : memref<128x128xf32, #tpu.memory_space<vmem>>) target(%dma_start3A_683 : memref<10112x128xf32, #tpu.memory_space<vmem_shared>>) offsets(%dma_start3A_680 : memref<128xi32, #tpu.memory_space<vmem>>) semaphore(%arg12 : memref<!tpu.dma_semaphore, #tpu.memory_space<semaphore_mem>>) {add = true}
    %dma_wait3A_684 = arith.constant 1 : i32
    %dma_wait3A_685 = arith.constant 0 : i32
    %dma_wait3A_686 = arith.constant 1 : i32
    %dma_wait3A_687 = arith.constant 0 : i32
    %dma_wait3A_688 = arith.constant 0 : i32
    %dma_wait3A_689 = tpu.memref_slice %arg7[%dma_wait3A_684, %dma_wait3A_687, %dma_wait3A_688] : memref<2x128x128xf32, #tpu.memory_space<vmem>> -> memref<1x128x128xf32, #tpu.memory_space<vmem>>
    %dma_wait3A_690 = tpu.memref_squeeze %dma_wait3A_689 : memref<1x128x128xf32, #tpu.memory_space<vmem>> -> memref<128x128xf32, #tpu.memory_space<vmem>>
    %dma_wait3A_691 = arith.constant 0 : i32
    %dma_wait3A_692 = arith.constant 0 : i32
    %dma_wait3A_693 = tpu.memref_slice %arg6[%dma_wait3A_685, %dma_wait3A_691, %dma_wait3A_692] : memref<8x2x128xi32, #tpu.memory_space<vmem>> -> memref<1x2x128xi32, #tpu.memory_space<vmem>>
    %dma_wait3A_694 = tpu.memref_squeeze %dma_wait3A_693 : memref<1x2x128xi32, #tpu.memory_space<vmem>> -> memref<2x128xi32, #tpu.memory_space<vmem>>
    %dma_wait3A_695 = arith.constant 0 : i32
    %dma_wait3A_696 = tpu.memref_slice %dma_wait3A_694[%dma_wait3A_686, %dma_wait3A_695] : memref<2x128xi32, #tpu.memory_space<vmem>> -> memref<1x128xi32, #tpu.memory_space<vmem>>
    %dma_wait3A_697 = tpu.memref_squeeze %dma_wait3A_696 : memref<1x128xi32, #tpu.memory_space<vmem>> -> memref<128xi32, #tpu.memory_space<vmem>>
    %dma_wait3A_698 = arith.constant 0 : i32
    %dma_wait3A_699 = arith.constant 0 : i32
    %dma_wait3A_700 = tpu.memref_slice %arg8[%dma_wait3A_698, %dma_wait3A_699] : memref<10112x128xf32, #tpu.memory_space<vmem_shared>> -> memref<10112x128xf32, #tpu.memory_space<vmem_shared>>
    tpu.wait_indirect_dma semaphore(%arg12 : memref<!tpu.dma_semaphore, #tpu.memory_space<semaphore_mem>>) src(%dma_wait3A_690 : memref<128x128xf32, #tpu.memory_space<vmem>>) dst(%dma_wait3A_700 : memref<10112x128xf32, #tpu.memory_space<vmem_shared>>)
    %dma_wait3A_701 = arith.constant 0 : i32
    %dma_wait3A_702 = arith.constant 7 : i32
    %dma_wait3A_703 = arith.constant 0 : i32
    %dma_wait3A_704 = arith.constant 0 : i32
    %dma_wait3A_705 = tpu.memref_slice %arg6[%dma_wait3A_702, %dma_wait3A_703, %dma_wait3A_704] : memref<8x2x128xi32, #tpu.memory_space<vmem>> -> memref<1x2x128xi32, #tpu.memory_space<vmem>>
    %dma_wait3A_706 = tpu.memref_squeeze %dma_wait3A_705 : memref<1x2x128xi32, #tpu.memory_space<vmem>> -> memref<2x128xi32, #tpu.memory_space<vmem>>
    %dma_wait3A_707 = arith.constant 0 : i32
    %dma_wait3A_708 = arith.constant 0 : i32
    %dma_wait3A_709 = tpu.memref_slice %arg3[%add3A, %dma_wait3A_701, %dma_wait3A_707, %dma_wait3A_708] : memref<32x80x2x128xi32, #tpu.memory_space<hbm>> -> memref<1x1x2x128xi32, #tpu.memory_space<hbm>>
    %dma_wait3A_710 = tpu.memref_squeeze %dma_wait3A_709 : memref<1x1x2x128xi32, #tpu.memory_space<hbm>> -> memref<2x128xi32, #tpu.memory_space<hbm>>
    %dma_wait3A_711 = arith.constant 0 : i32
    %dma_wait3A_712 = arith.constant 0 : i32
    %dma_wait3A_713 = tpu.memref_slice %arg6[%dma_wait3A_702, %dma_wait3A_711, %dma_wait3A_712] : memref<8x2x128xi32, #tpu.memory_space<vmem>> -> memref<1x2x128xi32, #tpu.memory_space<vmem>>
    %dma_wait3A_714 = tpu.memref_squeeze %dma_wait3A_713 : memref<1x2x128xi32, #tpu.memory_space<vmem>> -> memref<2x128xi32, #tpu.memory_space<vmem>>
    %dma_wait3A_715 = arith.constant 0 : i32
    %dma_wait3A_716 = arith.constant 0 : i32
    %dma_wait3A_717 = tpu.memref_slice %arg3[%add3A, %dma_wait3A_701, %dma_wait3A_715, %dma_wait3A_716] : memref<32x80x2x128xi32, #tpu.memory_space<hbm>> -> memref<1x1x2x128xi32, #tpu.memory_space<hbm>>
    %dma_wait3A_718 = tpu.memref_squeeze %dma_wait3A_717 : memref<1x1x2x128xi32, #tpu.memory_space<hbm>> -> memref<2x128xi32, #tpu.memory_space<hbm>>
    tpu.wait_dma2 semaphore(%arg20 : memref<!tpu.dma_semaphore, #tpu.memory_space<semaphore_mem>>) src(%dma_wait3A_718 : memref<2x128xi32, #tpu.memory_space<hbm>>) dst(%dma_wait3A_714 : memref<2x128xi32, #tpu.memory_space<vmem>>)
    %dma_start3A_719 = arith.constant 7 : i32
    %dma_start3A_720 = arith.constant 0 : i32
    %dma_start3A_721 = arith.constant 1 : i32
    %dma_start3A_722 = arith.constant 0 : i32
    %dma_start3A_723 = arith.constant 0 : i32
    %dma_start3A_724 = tpu.memref_slice %arg7[%dma_start3A_721, %dma_start3A_722, %dma_start3A_723] : memref<2x128x128xf32, #tpu.memory_space<vmem>> -> memref<1x128x128xf32, #tpu.memory_space<vmem>>
    %dma_start3A_725 = tpu.memref_squeeze %dma_start3A_724 : memref<1x128x128xf32, #tpu.memory_space<vmem>> -> memref<128x128xf32, #tpu.memory_space<vmem>>
    %dma_start3A_726 = arith.constant 0 : i32
    %dma_start3A_727 = arith.constant 0 : i32
    %dma_start3A_728 = tpu.memref_slice %arg6[%dma_start3A_719, %dma_start3A_726, %dma_start3A_727] : memref<8x2x128xi32, #tpu.memory_space<vmem>> -> memref<1x2x128xi32, #tpu.memory_space<vmem>>
    %dma_start3A_729 = tpu.memref_squeeze %dma_start3A_728 : memref<1x2x128xi32, #tpu.memory_space<vmem>> -> memref<2x128xi32, #tpu.memory_space<vmem>>
    %dma_start3A_730 = arith.constant 0 : i32
    %dma_start3A_731 = tpu.memref_slice %dma_start3A_729[%dma_start3A_720, %dma_start3A_730] : memref<2x128xi32, #tpu.memory_space<vmem>> -> memref<1x128xi32, #tpu.memory_space<vmem>>
    %dma_start3A_732 = tpu.memref_squeeze %dma_start3A_731 : memref<1x128xi32, #tpu.memory_space<vmem>> -> memref<128xi32, #tpu.memory_space<vmem>>
    %dma_start3A_733 = arith.constant 0 : i32
    %dma_start3A_734 = arith.constant 0 : i32
    %dma_start3A_735 = tpu.memref_slice %arg2[%dma_start3A_733, %dma_start3A_734] : memref<10000x128xf32, #tpu.memory_space<hbm>> -> memref<10000x128xf32, #tpu.memory_space<hbm>>
    tpu.enqueue_indirect_dma source(%dma_start3A_735 : memref<10000x128xf32, #tpu.memory_space<hbm>>) target(%dma_start3A_725 : memref<128x128xf32, #tpu.memory_space<vmem>>) offsets(%dma_start3A_732 : memref<128xi32, #tpu.memory_space<vmem>>) semaphore(%arg10 : memref<!tpu.dma_semaphore, #tpu.memory_space<semaphore_mem>>)
    %dma_wait3A_736 = arith.constant 0 : i32
    %dma_wait3A_737 = arith.constant 0 : i32
    %dma_wait3A_738 = arith.constant 0 : i32
    %dma_wait3A_739 = arith.constant 0 : i32
    %dma_wait3A_740 = arith.constant 0 : i32
    %dma_wait3A_741 = tpu.memref_slice %arg7[%dma_wait3A_738, %dma_wait3A_739, %dma_wait3A_740] : memref<2x128x128xf32, #tpu.memory_space<vmem>> -> memref<1x128x128xf32, #tpu.memory_space<vmem>>
    %dma_wait3A_742 = tpu.memref_squeeze %dma_wait3A_741 : memref<1x128x128xf32, #tpu.memory_space<vmem>> -> memref<128x128xf32, #tpu.memory_space<vmem>>
    %dma_wait3A_743 = arith.constant 0 : i32
    %dma_wait3A_744 = arith.constant 0 : i32
    %dma_wait3A_745 = tpu.memref_slice %arg6[%dma_wait3A_736, %dma_wait3A_743, %dma_wait3A_744] : memref<8x2x128xi32, #tpu.memory_space<vmem>> -> memref<1x2x128xi32, #tpu.memory_space<vmem>>
    %dma_wait3A_746 = tpu.memref_squeeze %dma_wait3A_745 : memref<1x2x128xi32, #tpu.memory_space<vmem>> -> memref<2x128xi32, #tpu.memory_space<vmem>>
    %dma_wait3A_747 = arith.constant 0 : i32
    %dma_wait3A_748 = tpu.memref_slice %dma_wait3A_746[%dma_wait3A_737, %dma_wait3A_747] : memref<2x128xi32, #tpu.memory_space<vmem>> -> memref<1x128xi32, #tpu.memory_space<vmem>>
    %dma_wait3A_749 = tpu.memref_squeeze %dma_wait3A_748 : memref<1x128xi32, #tpu.memory_space<vmem>> -> memref<128xi32, #tpu.memory_space<vmem>>
    %dma_wait3A_750 = arith.constant 0 : i32
    %dma_wait3A_751 = arith.constant 0 : i32
    %dma_wait3A_752 = tpu.memref_slice %arg2[%dma_wait3A_750, %dma_wait3A_751] : memref<10000x128xf32, #tpu.memory_space<hbm>> -> memref<10000x128xf32, #tpu.memory_space<hbm>>
    tpu.wait_indirect_dma semaphore(%arg9 : memref<!tpu.dma_semaphore, #tpu.memory_space<semaphore_mem>>) src(%dma_wait3A_752 : memref<10000x128xf32, #tpu.memory_space<hbm>>) dst(%dma_wait3A_742 : memref<128x128xf32, #tpu.memory_space<vmem>>)
    %dma_start3A_753 = arith.constant 0 : i32
    %dma_start3A_754 = arith.constant 6 : i32
    %dma_start3A_755 = arith.constant 1 : i32
    %dma_start3A_756 = arith.constant 0 : i32
    %dma_start3A_757 = arith.constant 0 : i32
    %dma_start3A_758 = tpu.memref_slice %arg7[%dma_start3A_753, %dma_start3A_756, %dma_start3A_757] : memref<2x128x128xf32, #tpu.memory_space<vmem>> -> memref<1x128x128xf32, #tpu.memory_space<vmem>>
    %dma_start3A_759 = tpu.memref_squeeze %dma_start3A_758 : memref<1x128x128xf32, #tpu.memory_space<vmem>> -> memref<128x128xf32, #tpu.memory_space<vmem>>
    %dma_start3A_760 = arith.constant 0 : i32
    %dma_start3A_761 = arith.constant 0 : i32
    %dma_start3A_762 = tpu.memref_slice %arg6[%dma_start3A_754, %dma_start3A_760, %dma_start3A_761] : memref<8x2x128xi32, #tpu.memory_space<vmem>> -> memref<1x2x128xi32, #tpu.memory_space<vmem>>
    %dma_start3A_763 = tpu.memref_squeeze %dma_start3A_762 : memref<1x2x128xi32, #tpu.memory_space<vmem>> -> memref<2x128xi32, #tpu.memory_space<vmem>>
    %dma_start3A_764 = arith.constant 0 : i32
    %dma_start3A_765 = tpu.memref_slice %dma_start3A_763[%dma_start3A_755, %dma_start3A_764] : memref<2x128xi32, #tpu.memory_space<vmem>> -> memref<1x128xi32, #tpu.memory_space<vmem>>
    %dma_start3A_766 = tpu.memref_squeeze %dma_start3A_765 : memref<1x128xi32, #tpu.memory_space<vmem>> -> memref<128xi32, #tpu.memory_space<vmem>>
    %dma_start3A_767 = arith.constant 0 : i32
    %dma_start3A_768 = arith.constant 0 : i32
    %dma_start3A_769 = tpu.memref_slice %arg8[%dma_start3A_767, %dma_start3A_768] : memref<10112x128xf32, #tpu.memory_space<vmem_shared>> -> memref<10112x128xf32, #tpu.memory_space<vmem_shared>>
    tpu.enqueue_indirect_dma source(%dma_start3A_759 : memref<128x128xf32, #tpu.memory_space<vmem>>) target(%dma_start3A_769 : memref<10112x128xf32, #tpu.memory_space<vmem_shared>>) offsets(%dma_start3A_766 : memref<128xi32, #tpu.memory_space<vmem>>) semaphore(%arg11 : memref<!tpu.dma_semaphore, #tpu.memory_space<semaphore_mem>>) {add = true}
    %dma_wait3A_770 = arith.constant 0 : i32
    %dma_wait3A_771 = arith.constant 0 : i32
    %dma_wait3A_772 = arith.constant 1 : i32
    %dma_wait3A_773 = arith.constant 0 : i32
    %dma_wait3A_774 = arith.constant 0 : i32
    %dma_wait3A_775 = tpu.memref_slice %arg7[%dma_wait3A_770, %dma_wait3A_773, %dma_wait3A_774] : memref<2x128x128xf32, #tpu.memory_space<vmem>> -> memref<1x128x128xf32, #tpu.memory_space<vmem>>
    %dma_wait3A_776 = tpu.memref_squeeze %dma_wait3A_775 : memref<1x128x128xf32, #tpu.memory_space<vmem>> -> memref<128x128xf32, #tpu.memory_space<vmem>>
    %dma_wait3A_777 = arith.constant 0 : i32
    %dma_wait3A_778 = arith.constant 0 : i32
    %dma_wait3A_779 = tpu.memref_slice %arg6[%dma_wait3A_771, %dma_wait3A_777, %dma_wait3A_778] : memref<8x2x128xi32, #tpu.memory_space<vmem>> -> memref<1x2x128xi32, #tpu.memory_space<vmem>>
    %dma_wait3A_780 = tpu.memref_squeeze %dma_wait3A_779 : memref<1x2x128xi32, #tpu.memory_space<vmem>> -> memref<2x128xi32, #tpu.memory_space<vmem>>
    %dma_wait3A_781 = arith.constant 0 : i32
    %dma_wait3A_782 = tpu.memref_slice %dma_wait3A_780[%dma_wait3A_772, %dma_wait3A_781] : memref<2x128xi32, #tpu.memory_space<vmem>> -> memref<1x128xi32, #tpu.memory_space<vmem>>
    %dma_wait3A_783 = tpu.memref_squeeze %dma_wait3A_782 : memref<1x128xi32, #tpu.memory_space<vmem>> -> memref<128xi32, #tpu.memory_space<vmem>>
    %dma_wait3A_784 = arith.constant 0 : i32
    %dma_wait3A_785 = arith.constant 0 : i32
    %dma_wait3A_786 = tpu.memref_slice %arg8[%dma_wait3A_784, %dma_wait3A_785] : memref<10112x128xf32, #tpu.memory_space<vmem_shared>> -> memref<10112x128xf32, #tpu.memory_space<vmem_shared>>
    tpu.wait_indirect_dma semaphore(%arg11 : memref<!tpu.dma_semaphore, #tpu.memory_space<semaphore_mem>>) src(%dma_wait3A_776 : memref<128x128xf32, #tpu.memory_space<vmem>>) dst(%dma_wait3A_786 : memref<10112x128xf32, #tpu.memory_space<vmem_shared>>)
    %dma_wait3A_787 = arith.constant 0 : i32
    %dma_wait3A_788 = arith.constant 0 : i32
    %dma_wait3A_789 = arith.constant 1 : i32
    %dma_wait3A_790 = arith.constant 0 : i32
    %dma_wait3A_791 = arith.constant 0 : i32
    %dma_wait3A_792 = tpu.memref_slice %arg7[%dma_wait3A_789, %dma_wait3A_790, %dma_wait3A_791] : memref<2x128x128xf32, #tpu.memory_space<vmem>> -> memref<1x128x128xf32, #tpu.memory_space<vmem>>
    %dma_wait3A_793 = tpu.memref_squeeze %dma_wait3A_792 : memref<1x128x128xf32, #tpu.memory_space<vmem>> -> memref<128x128xf32, #tpu.memory_space<vmem>>
    %dma_wait3A_794 = arith.constant 0 : i32
    %dma_wait3A_795 = arith.constant 0 : i32
    %dma_wait3A_796 = tpu.memref_slice %arg6[%dma_wait3A_787, %dma_wait3A_794, %dma_wait3A_795] : memref<8x2x128xi32, #tpu.memory_space<vmem>> -> memref<1x2x128xi32, #tpu.memory_space<vmem>>
    %dma_wait3A_797 = tpu.memref_squeeze %dma_wait3A_796 : memref<1x2x128xi32, #tpu.memory_space<vmem>> -> memref<2x128xi32, #tpu.memory_space<vmem>>
    %dma_wait3A_798 = arith.constant 0 : i32
    %dma_wait3A_799 = tpu.memref_slice %dma_wait3A_797[%dma_wait3A_788, %dma_wait3A_798] : memref<2x128xi32, #tpu.memory_space<vmem>> -> memref<1x128xi32, #tpu.memory_space<vmem>>
    %dma_wait3A_800 = tpu.memref_squeeze %dma_wait3A_799 : memref<1x128xi32, #tpu.memory_space<vmem>> -> memref<128xi32, #tpu.memory_space<vmem>>
    %dma_wait3A_801 = arith.constant 0 : i32
    %dma_wait3A_802 = arith.constant 0 : i32
    %dma_wait3A_803 = tpu.memref_slice %arg2[%dma_wait3A_801, %dma_wait3A_802] : memref<10000x128xf32, #tpu.memory_space<hbm>> -> memref<10000x128xf32, #tpu.memory_space<hbm>>
    tpu.wait_indirect_dma semaphore(%arg10 : memref<!tpu.dma_semaphore, #tpu.memory_space<semaphore_mem>>) src(%dma_wait3A_803 : memref<10000x128xf32, #tpu.memory_space<hbm>>) dst(%dma_wait3A_793 : memref<128x128xf32, #tpu.memory_space<vmem>>)
    %dma_start3A_804 = arith.constant 1 : i32
    %dma_start3A_805 = arith.constant 7 : i32
    %dma_start3A_806 = arith.constant 1 : i32
    %dma_start3A_807 = arith.constant 0 : i32
    %dma_start3A_808 = arith.constant 0 : i32
    %dma_start3A_809 = tpu.memref_slice %arg7[%dma_start3A_804, %dma_start3A_807, %dma_start3A_808] : memref<2x128x128xf32, #tpu.memory_space<vmem>> -> memref<1x128x128xf32, #tpu.memory_space<vmem>>
    %dma_start3A_810 = tpu.memref_squeeze %dma_start3A_809 : memref<1x128x128xf32, #tpu.memory_space<vmem>> -> memref<128x128xf32, #tpu.memory_space<vmem>>
    %dma_start3A_811 = arith.constant 0 : i32
    %dma_start3A_812 = arith.constant 0 : i32
    %dma_start3A_813 = tpu.memref_slice %arg6[%dma_start3A_805, %dma_start3A_811, %dma_start3A_812] : memref<8x2x128xi32, #tpu.memory_space<vmem>> -> memref<1x2x128xi32, #tpu.memory_space<vmem>>
    %dma_start3A_814 = tpu.memref_squeeze %dma_start3A_813 : memref<1x2x128xi32, #tpu.memory_space<vmem>> -> memref<2x128xi32, #tpu.memory_space<vmem>>
    %dma_start3A_815 = arith.constant 0 : i32
    %dma_start3A_816 = tpu.memref_slice %dma_start3A_814[%dma_start3A_806, %dma_start3A_815] : memref<2x128xi32, #tpu.memory_space<vmem>> -> memref<1x128xi32, #tpu.memory_space<vmem>>
    %dma_start3A_817 = tpu.memref_squeeze %dma_start3A_816 : memref<1x128xi32, #tpu.memory_space<vmem>> -> memref<128xi32, #tpu.memory_space<vmem>>
    %dma_start3A_818 = arith.constant 0 : i32
    %dma_start3A_819 = arith.constant 0 : i32
    %dma_start3A_820 = tpu.memref_slice %arg8[%dma_start3A_818, %dma_start3A_819] : memref<10112x128xf32, #tpu.memory_space<vmem_shared>> -> memref<10112x128xf32, #tpu.memory_space<vmem_shared>>
    tpu.enqueue_indirect_dma source(%dma_start3A_810 : memref<128x128xf32, #tpu.memory_space<vmem>>) target(%dma_start3A_820 : memref<10112x128xf32, #tpu.memory_space<vmem_shared>>) offsets(%dma_start3A_817 : memref<128xi32, #tpu.memory_space<vmem>>) semaphore(%arg12 : memref<!tpu.dma_semaphore, #tpu.memory_space<semaphore_mem>>) {add = true}
    %dma_wait3A_821 = arith.constant 1 : i32
    %dma_wait3A_822 = arith.constant 0 : i32
    %dma_wait3A_823 = arith.constant 1 : i32
    %dma_wait3A_824 = arith.constant 0 : i32
    %dma_wait3A_825 = arith.constant 0 : i32
    %dma_wait3A_826 = tpu.memref_slice %arg7[%dma_wait3A_821, %dma_wait3A_824, %dma_wait3A_825] : memref<2x128x128xf32, #tpu.memory_space<vmem>> -> memref<1x128x128xf32, #tpu.memory_space<vmem>>
    %dma_wait3A_827 = tpu.memref_squeeze %dma_wait3A_826 : memref<1x128x128xf32, #tpu.memory_space<vmem>> -> memref<128x128xf32, #tpu.memory_space<vmem>>
    %dma_wait3A_828 = arith.constant 0 : i32
    %dma_wait3A_829 = arith.constant 0 : i32
    %dma_wait3A_830 = tpu.memref_slice %arg6[%dma_wait3A_822, %dma_wait3A_828, %dma_wait3A_829] : memref<8x2x128xi32, #tpu.memory_space<vmem>> -> memref<1x2x128xi32, #tpu.memory_space<vmem>>
    %dma_wait3A_831 = tpu.memref_squeeze %dma_wait3A_830 : memref<1x2x128xi32, #tpu.memory_space<vmem>> -> memref<2x128xi32, #tpu.memory_space<vmem>>
    %dma_wait3A_832 = arith.constant 0 : i32
    %dma_wait3A_833 = tpu.memref_slice %dma_wait3A_831[%dma_wait3A_823, %dma_wait3A_832] : memref<2x128xi32, #tpu.memory_space<vmem>> -> memref<1x128xi32, #tpu.memory_space<vmem>>
    %dma_wait3A_834 = tpu.memref_squeeze %dma_wait3A_833 : memref<1x128xi32, #tpu.memory_space<vmem>> -> memref<128xi32, #tpu.memory_space<vmem>>
    %dma_wait3A_835 = arith.constant 0 : i32
    %dma_wait3A_836 = arith.constant 0 : i32
    %dma_wait3A_837 = tpu.memref_slice %arg8[%dma_wait3A_835, %dma_wait3A_836] : memref<10112x128xf32, #tpu.memory_space<vmem_shared>> -> memref<10112x128xf32, #tpu.memory_space<vmem_shared>>
    tpu.wait_indirect_dma semaphore(%arg12 : memref<!tpu.dma_semaphore, #tpu.memory_space<semaphore_mem>>) src(%dma_wait3A_827 : memref<128x128xf32, #tpu.memory_space<vmem>>) dst(%dma_wait3A_837 : memref<10112x128xf32, #tpu.memory_space<vmem_shared>>)
    %barrier3A_838 = arith.constant 0 : index
    tpu.barrier barrier_id(%barrier3A_838)
    %mul3A_839 = arith.constant 632 : i32
    %mul3A_840 = arith.muli %arg1, %mul3A_839 : i32
    %mul3A_841 = arith.constant 632 : i32
    %mul3A_842 = arith.muli %arg1, %mul3A_841 : i32
    "tpu.region"() ({
      %run_scoped3A = tpu.sem_alloc : memref<!tpu.dma_semaphore, #tpu.memory_space<semaphore_mem>>
      %dma_start3A_843 = arith.constant 0 : i32
      %dma_start3A_844 = tpu.memref_slice %arg5[%arg0, %mul3A_842, %dma_start3A_843] : memref<2x10112x128xf32, #tpu.memory_space<hbm>> -> memref<1x632x128xf32, #tpu.memory_space<hbm>>
      %dma_start3A_845 = tpu.memref_squeeze %dma_start3A_844 : memref<1x632x128xf32, #tpu.memory_space<hbm>> -> memref<632x128xf32, #tpu.memory_space<hbm>>
      %dma_start3A_846 = arith.constant 0 : i32
      %dma_start3A_847 = tpu.memref_slice %arg8[%mul3A_840, %dma_start3A_846] : memref<10112x128xf32, #tpu.memory_space<vmem_shared>> -> memref<632x128xf32, #tpu.memory_space<vmem_shared>>
      tpu.enqueue_dma source(%dma_start3A_847 : memref<632x128xf32, #tpu.memory_space<vmem_shared>>) target(%dma_start3A_845 : memref<632x128xf32, #tpu.memory_space<hbm>>) target_semaphore(%run_scoped3A : memref<!tpu.dma_semaphore, #tpu.memory_space<semaphore_mem>>)
      %dma_wait3A_848 = arith.constant 0 : i32
      %dma_wait3A_849 = tpu.memref_slice %arg5[%arg0, %mul3A_842, %dma_wait3A_848] : memref<2x10112x128xf32, #tpu.memory_space<hbm>> -> memref<1x632x128xf32, #tpu.memory_space<hbm>>
      %dma_wait3A_850 = tpu.memref_squeeze %dma_wait3A_849 : memref<1x632x128xf32, #tpu.memory_space<hbm>> -> memref<632x128xf32, #tpu.memory_space<hbm>>
      %dma_wait3A_851 = arith.constant 0 : i32
      %dma_wait3A_852 = tpu.memref_slice %arg8[%mul3A_840, %dma_wait3A_851] : memref<10112x128xf32, #tpu.memory_space<vmem_shared>> -> memref<632x128xf32, #tpu.memory_space<vmem_shared>>
      tpu.wait_dma2 semaphore(%run_scoped3A : memref<!tpu.dma_semaphore, #tpu.memory_space<semaphore_mem>>) src(%dma_wait3A_852 : memref<632x128xf32, #tpu.memory_space<vmem_shared>>) dst(%dma_wait3A_850 : memref<632x128xf32, #tpu.memory_space<hbm>>)
      tpu.yield
    }) : () -> ()
    return
  }
}

module attributes {stable_mosaic.version = 14 : i64} {
  func.func @_mm_relu_body(%arg0: i32, %arg1: memref<2000x128xf32, #tpu.memory_space<vmem>>, %arg2: memref<2x2000x128xf32, #tpu.memory_space<vmem>>, %arg3: memref<128x128xf32, #tpu.memory_space<vmem>>, %arg4: memref<1x128xf32, #tpu.memory_space<vmem>>, %arg5: memref<2000x128xf32, #tpu.memory_space<vmem>>) attributes {dimension_semantics = [#tpu.dimension_semantics<arbitrary>], iteration_bounds = array<i64: 5>, scalar_prefetch = 0 : i64, scratch_operands = 0 : i64, tpu.core_type = #tpu.core_type<tc>, window_params = [{transform_indices = @transform_0, window_bounds = array<i64: 2000, 128>}, {transform_indices = @transform_1, window_bounds = array<i64: 2, 2000, 128>}, {pipeline_mode = #tpu.pipeline_mode<synchronous>, transform_indices = @transform_2, window_bounds = array<i64: 128, 128>}, {pipeline_mode = #tpu.pipeline_mode<synchronous>, transform_indices = @transform_3, window_bounds = array<i64: 1, 128>}, {transform_indices = @transform_4, window_bounds = array<i64: 2000, 128>}]} {
    %get3A = arith.constant 0 : index
    %get3A_0 = arith.constant 0 : index
    %get3A_1 = vector.load %arg1[%get3A, %get3A_0] : memref<2000x128xf32, #tpu.memory_space<vmem>>, vector<2000x128xf32>
    %get3A_2 = arith.constant 0 : index
    %get3A_3 = arith.constant 0 : index
    %get3A_4 = arith.constant 0 : index
    %get3A_5 = vector.load %arg2[%get3A_2, %get3A_3, %get3A_4] : memref<2x2000x128xf32, #tpu.memory_space<vmem>>, vector<1x2000x128xf32>
    %get3A_6 = vector.shape_cast %get3A_5 : vector<1x2000x128xf32> to vector<2000x128xf32>
    %add3A = arith.addf %get3A_1, %get3A_6 : vector<2000x128xf32>
    %get3A_7 = arith.constant 1 : index
    %get3A_8 = arith.constant 0 : index
    %get3A_9 = arith.constant 0 : index
    %get3A_10 = vector.load %arg2[%get3A_7, %get3A_8, %get3A_9] : memref<2x2000x128xf32, #tpu.memory_space<vmem>>, vector<1x2000x128xf32>
    %get3A_11 = vector.shape_cast %get3A_10 : vector<1x2000x128xf32> to vector<2000x128xf32>
    %add3A_12 = arith.addf %add3A, %get3A_11 : vector<2000x128xf32>
    %get3A_13 = arith.constant 0 : index
    %get3A_14 = arith.constant 0 : index
    %get3A_15 = vector.load %arg3[%get3A_13, %get3A_14] : memref<128x128xf32, #tpu.memory_space<vmem>>, vector<128x128xf32>
    %dot_general3A = arith.constant dense<0.000000e+00> : vector<2000x128xf32>
    %dot_general3A_16 = tpu.matmul %add3A_12, %get3A_15, %dot_general3A {dimension_numbers = #tpu.dot_dimension_numbers<[1], [0], [0], [1], [0, 0, 1, 1], [], []>, transpose_lhs_hint = false} : vector<2000x128xf32>, vector<128x128xf32>, vector<2000x128xf32> -> vector<2000x128xf32>
    %get3A_17 = arith.constant 0 : index
    %get3A_18 = arith.constant 0 : index
    %get3A_19 = vector.load %arg4[%get3A_17, %get3A_18] : memref<1x128xf32, #tpu.memory_space<vmem>>, vector<1x128xf32>
    %add3A_20 = vector.broadcast %get3A_19 : vector<1x128xf32> to vector<2000x128xf32>
    %add3A_21 = arith.addf %dot_general3A_16, %add3A_20 : vector<2000x128xf32>
    %max3A = arith.constant 0.000000e+00 : f32
    %max3A_22 = vector.broadcast %max3A : f32 to vector<2000x128xf32>
    %max3A_23 = arith.maximumf %add3A_21, %max3A_22 : vector<2000x128xf32>
    %swap3A = arith.constant 0 : index
    %swap3A_24 = arith.constant 0 : index
    %swap3A_25 = vector.load %arg5[%swap3A, %swap3A_24] : memref<2000x128xf32, #tpu.memory_space<vmem>>, vector<2000x128xf32>
    tpu.vector_store %arg5[%swap3A, %swap3A_24], %max3A_23 {strides = array<i32>} : memref<2000x128xf32, #tpu.memory_space<vmem>>, vector<2000x128xf32>,
    return
  }
  func.func @transform_0(%arg0: i32) -> (i32, i32) {
    %c0_i32 = arith.constant 0 : i32
    %c0_i32_0 = arith.constant 0 : i32
    return %arg0, %c0_i32 : i32, i32
  }
  func.func @transform_1(%arg0: i32) -> (i32, i32, i32) {
    %c0_i32 = arith.constant 0 : i32
    %c0_i32_0 = arith.constant 0 : i32
    %c0_i32_1 = arith.constant 0 : i32
    return %c0_i32, %arg0, %c0_i32_0 : i32, i32, i32
  }
  func.func @transform_2(%arg0: i32) -> (i32, i32) {
    %c0_i32 = arith.constant 0 : i32
    %c0_i32_0 = arith.constant 0 : i32
    %c0_i32_1 = arith.constant 0 : i32
    return %c0_i32, %c0_i32_0 : i32, i32
  }
  func.func @transform_3(%arg0: i32) -> (i32, i32) {
    %c0_i32 = arith.constant 0 : i32
    %c0_i32_0 = arith.constant 0 : i32
    %c0_i32_1 = arith.constant 0 : i32
    return %c0_i32, %c0_i32_0 : i32, i32
  }
  func.func @transform_4(%arg0: i32) -> (i32, i32) {
    %c0_i32 = arith.constant 0 : i32
    %c0_i32_0 = arith.constant 0 : i32
    return %arg0, %c0_i32 : i32, i32
  }
}

module attributes {stable_mosaic.version = 14 : i64} {
  func.func @_mm_pool_body(%arg0: i32, %arg1: memref<2000x128xf32, #tpu.memory_space<vmem>>, %arg2: memref<2x2000x128xf32, #tpu.memory_space<vmem>>, %arg3: memref<128x128xf32, #tpu.memory_space<vmem>>, %arg4: memref<1x128xf32, #tpu.memory_space<vmem>>, %arg5: memref<1x1x2000xi32, #tpu.memory_space<vmem>>, %arg6: memref<128x10xf32, #tpu.memory_space<vmem>>, %arg7: memref<1x10xf32, #tpu.memory_space<vmem>>, %arg8: memref<64x10xf32, #tpu.memory_space<vmem>>, %arg9: memref<64x128xf32, #tpu.memory_space<vmem>>, %arg10: memref<64x128xf32, #tpu.memory_space<vmem>>) attributes {dimension_semantics = [#tpu.dimension_semantics<arbitrary>], iteration_bounds = array<i64: 5>, scalar_prefetch = 0 : i64, scratch_operands = 0 : i64, tpu.core_type = #tpu.core_type<tc>, window_params = [{transform_indices = @transform_0, window_bounds = array<i64: 2000, 128>}, {transform_indices = @transform_1, window_bounds = array<i64: 2, 2000, 128>}, {pipeline_mode = #tpu.pipeline_mode<synchronous>, transform_indices = @transform_2, window_bounds = array<i64: 128, 128>}, {pipeline_mode = #tpu.pipeline_mode<synchronous>, transform_indices = @transform_3, window_bounds = array<i64: 1, 128>}, {transform_indices = @transform_4, window_bounds = array<i64: 1, 1, 2000>}, {pipeline_mode = #tpu.pipeline_mode<synchronous>, transform_indices = @transform_5, window_bounds = array<i64: 128, 10>}, {pipeline_mode = #tpu.pipeline_mode<synchronous>, transform_indices = @transform_6, window_bounds = array<i64: 1, 10>}, {pipeline_mode = #tpu.pipeline_mode<synchronous>, transform_indices = @transform_7, window_bounds = array<i64: 64, 10>}, {pipeline_mode = #tpu.pipeline_mode<synchronous>, transform_indices = @transform_8, window_bounds = array<i64: 64, 128>}, {pipeline_mode = #tpu.pipeline_mode<synchronous>, transform_indices = @transform_9, window_bounds = array<i64: 64, 128>}]} {
    %get3A = arith.constant 0 : index
    %get3A_0 = arith.constant 0 : index
    %get3A_1 = vector.load %arg1[%get3A, %get3A_0] : memref<2000x128xf32, #tpu.memory_space<vmem>>, vector<2000x128xf32>
    %get3A_2 = arith.constant 0 : index
    %get3A_3 = arith.constant 0 : index
    %get3A_4 = arith.constant 0 : index
    %get3A_5 = vector.load %arg2[%get3A_2, %get3A_3, %get3A_4] : memref<2x2000x128xf32, #tpu.memory_space<vmem>>, vector<1x2000x128xf32>
    %get3A_6 = vector.shape_cast %get3A_5 : vector<1x2000x128xf32> to vector<2000x128xf32>
    %add3A = arith.addf %get3A_1, %get3A_6 : vector<2000x128xf32>
    %get3A_7 = arith.constant 1 : index
    %get3A_8 = arith.constant 0 : index
    %get3A_9 = arith.constant 0 : index
    %get3A_10 = vector.load %arg2[%get3A_7, %get3A_8, %get3A_9] : memref<2x2000x128xf32, #tpu.memory_space<vmem>>, vector<1x2000x128xf32>
    %get3A_11 = vector.shape_cast %get3A_10 : vector<1x2000x128xf32> to vector<2000x128xf32>
    %add3A_12 = arith.addf %add3A, %get3A_11 : vector<2000x128xf32>
    %get3A_13 = arith.constant 0 : index
    %get3A_14 = arith.constant 0 : index
    %get3A_15 = vector.load %arg3[%get3A_13, %get3A_14] : memref<128x128xf32, #tpu.memory_space<vmem>>, vector<128x128xf32>
    %dot_general3A = arith.constant dense<0.000000e+00> : vector<2000x128xf32>
    %dot_general3A_16 = tpu.matmul %add3A_12, %get3A_15, %dot_general3A {dimension_numbers = #tpu.dot_dimension_numbers<[1], [0], [0], [1], [0, 0, 1, 1], [], []>, transpose_lhs_hint = false} : vector<2000x128xf32>, vector<128x128xf32>, vector<2000x128xf32> -> vector<2000x128xf32>
    %get3A_17 = arith.constant 0 : index
    %get3A_18 = arith.constant 0 : index
    %get3A_19 = vector.load %arg4[%get3A_17, %get3A_18] : memref<1x128xf32, #tpu.memory_space<vmem>>, vector<1x128xf32>
    %add3A_20 = vector.broadcast %get3A_19 : vector<1x128xf32> to vector<2000x128xf32>
    %add3A_21 = arith.addf %dot_general3A_16, %add3A_20 : vector<2000x128xf32>
    %max3A = arith.constant 0.000000e+00 : f32
    %max3A_22 = vector.broadcast %max3A : f32 to vector<2000x128xf32>
    %max3A_23 = arith.maximumf %add3A_21, %max3A_22 : vector<2000x128xf32>
    %get3A_24 = arith.constant 0 : index
    %get3A_25 = arith.constant 0 : index
    %get3A_26 = arith.constant 0 : index
    %get3A_27 = vector.load %arg5[%get3A_24, %get3A_25, %get3A_26] : memref<1x1x2000xi32, #tpu.memory_space<vmem>>, vector<1x1x2000xi32>
    %get3A_28 = vector.shape_cast %get3A_27 : vector<1x1x2000xi32> to vector<2000xi32>
    %broadcast_in_dim3A = vector.shape_cast %get3A_28 : vector<2000xi32> to vector<2000x1xi32>
    %iota3A = tpu.iota {dimensions = array<i32: 1>} : vector<2000x64xi32>
    %eq3A = vector.broadcast %broadcast_in_dim3A : vector<2000x1xi32> to vector<2000x64xi32>
    %eq3A_29 = arith.cmpi eq, %eq3A, %iota3A : vector<2000x64xi32>
    %convert_element_type3A = arith.extui %eq3A_29 : vector<2000x64xi1> to vector<2000x64xi32>
    %convert_element_type3A_30 = arith.sitofp %convert_element_type3A : vector<2000x64xi32> to vector<2000x64xf32>
    %dot_general3A_31 = arith.constant dense<0.000000e+00> : vector<64x128xf32>
    %dot_general3A_32 = tpu.matmul %convert_element_type3A_30, %max3A_23, %dot_general3A_31 {dimension_numbers = #tpu.dot_dimension_numbers<[0], [0], [1], [1], [0, 1, 1, 1], [], []>, transpose_lhs_hint = false} : vector<2000x64xf32>, vector<2000x128xf32>, vector<64x128xf32> -> vector<64x128xf32>
    %broadcast_in_dim3A_33 = arith.constant 1.000000e+00 : f32
    %broadcast_in_dim3A_34 = vector.broadcast %broadcast_in_dim3A_33 : f32 to vector<2000x128xf32>
    %dot_general3A_35 = arith.constant dense<0.000000e+00> : vector<64x128xf32>
    %dot_general3A_36 = tpu.matmul %convert_element_type3A_30, %broadcast_in_dim3A_34, %dot_general3A_35 {dimension_numbers = #tpu.dot_dimension_numbers<[0], [0], [1], [1], [0, 1, 1, 1], [], []>, transpose_lhs_hint = false} : vector<2000x64xf32>, vector<2000x128xf32>, vector<64x128xf32> -> vector<64x128xf32>
    %eq3A_37 = arith.constant 0 : i32
    %eq3A_38 = arith.cmpi eq, %arg0, %eq3A_37 : i32
    %convert_element_type3A_39 = arith.extui %eq3A_38 : i1 to i32
    %cond3A = arith.constant 0 : i32
    %cond3A_40 = arith.cmpi ne, %convert_element_type3A_39, %cond3A : i32
    scf.if %cond3A_40 {
      %broadcast_in_dim3A_59 = arith.constant 0.000000e+00 : f32
      %broadcast_in_dim3A_60 = vector.broadcast %broadcast_in_dim3A_59 : f32 to vector<64x128xf32>
      %swap3A_61 = arith.constant 0 : index
      %swap3A_62 = arith.constant 0 : index
      %swap3A_63 = vector.load %arg9[%swap3A_61, %swap3A_62] : memref<64x128xf32, #tpu.memory_space<vmem>>, vector<64x128xf32>
      tpu.vector_store %arg9[%swap3A_61, %swap3A_62], %broadcast_in_dim3A_60 {strides = array<i32>} : memref<64x128xf32, #tpu.memory_space<vmem>>, vector<64x128xf32>,
      %broadcast_in_dim3A_64 = arith.constant 0.000000e+00 : f32
      %broadcast_in_dim3A_65 = vector.broadcast %broadcast_in_dim3A_64 : f32 to vector<64x128xf32>
      %swap3A_66 = arith.constant 0 : index
      %swap3A_67 = arith.constant 0 : index
      %swap3A_68 = vector.load %arg10[%swap3A_66, %swap3A_67] : memref<64x128xf32, #tpu.memory_space<vmem>>, vector<64x128xf32>
      tpu.vector_store %arg10[%swap3A_66, %swap3A_67], %broadcast_in_dim3A_65 {strides = array<i32>} : memref<64x128xf32, #tpu.memory_space<vmem>>, vector<64x128xf32>,
    } else {
    }
    %get3A_41 = arith.constant 0 : index
    %get3A_42 = arith.constant 0 : index
    %get3A_43 = vector.load %arg9[%get3A_41, %get3A_42] : memref<64x128xf32, #tpu.memory_space<vmem>>, vector<64x128xf32>
    %add3A_44 = arith.addf %get3A_43, %dot_general3A_32 : vector<64x128xf32>
    %swap3A = arith.constant 0 : index
    %swap3A_45 = arith.constant 0 : index
    %swap3A_46 = vector.load %arg9[%swap3A, %swap3A_45] : memref<64x128xf32, #tpu.memory_space<vmem>>, vector<64x128xf32>
    tpu.vector_store %arg9[%swap3A, %swap3A_45], %add3A_44 {strides = array<i32>} : memref<64x128xf32, #tpu.memory_space<vmem>>, vector<64x128xf32>,
    %get3A_47 = arith.constant 0 : index
    %get3A_48 = arith.constant 0 : index
    %get3A_49 = vector.load %arg10[%get3A_47, %get3A_48] : memref<64x128xf32, #tpu.memory_space<vmem>>, vector<64x128xf32>
    %add3A_50 = arith.addf %get3A_49, %dot_general3A_36 : vector<64x128xf32>
    %swap3A_51 = arith.constant 0 : index
    %swap3A_52 = arith.constant 0 : index
    %swap3A_53 = vector.load %arg10[%swap3A_51, %swap3A_52] : memref<64x128xf32, #tpu.memory_space<vmem>>, vector<64x128xf32>
    tpu.vector_store %arg10[%swap3A_51, %swap3A_52], %add3A_50 {strides = array<i32>} : memref<64x128xf32, #tpu.memory_space<vmem>>, vector<64x128xf32>,
    %eq3A_54 = arith.constant 4 : i32
    %eq3A_55 = arith.cmpi eq, %arg0, %eq3A_54 : i32
    %convert_element_type3A_56 = arith.extui %eq3A_55 : i1 to i32
    %cond3A_57 = arith.constant 0 : i32
    %cond3A_58 = arith.cmpi ne, %convert_element_type3A_56, %cond3A_57 : i32
    scf.if %cond3A_58 {
      %get3A_59 = arith.constant 0 : index
      %get3A_60 = arith.constant 0 : index
      %get3A_61 = vector.load %arg9[%get3A_59, %get3A_60] : memref<64x128xf32, #tpu.memory_space<vmem>>, vector<64x128xf32>
      %get3A_62 = arith.constant 0 : index
      %get3A_63 = arith.constant 0 : index
      %get3A_64 = vector.load %arg10[%get3A_62, %get3A_63] : memref<64x128xf32, #tpu.memory_space<vmem>>, vector<64x128xf32>
      %max3A_65 = arith.constant 1.000000e+00 : f32
      %max3A_66 = vector.broadcast %max3A_65 : f32 to vector<64x128xf32>
      %max3A_67 = arith.maximumf %get3A_64, %max3A_66 : vector<64x128xf32>
      %div3A = arith.divf %get3A_61, %max3A_67 : vector<64x128xf32>
      %get3A_68 = arith.constant 0 : index
      %get3A_69 = arith.constant 0 : index
      %get3A_70 = vector.load %arg6[%get3A_68, %get3A_69] : memref<128x10xf32, #tpu.memory_space<vmem>>, vector<128x10xf32>
      %dot_general3A_71 = arith.constant dense<0.000000e+00> : vector<64x10xf32>
      %dot_general3A_72 = tpu.matmul %div3A, %get3A_70, %dot_general3A_71 {dimension_numbers = #tpu.dot_dimension_numbers<[1], [0], [0], [1], [0, 0, 1, 1], [], []>, transpose_lhs_hint = false} : vector<64x128xf32>, vector<128x10xf32>, vector<64x10xf32> -> vector<64x10xf32>
      %get3A_73 = arith.constant 0 : index
      %get3A_74 = arith.constant 0 : index
      %get3A_75 = vector.load %arg7[%get3A_73, %get3A_74] : memref<1x10xf32, #tpu.memory_space<vmem>>, vector<1x10xf32>
      %add3A_76 = vector.broadcast %get3A_75 : vector<1x10xf32> to vector<64x10xf32>
      %add3A_77 = arith.addf %dot_general3A_72, %add3A_76 : vector<64x10xf32>
      %swap3A_78 = arith.constant 0 : index
      %swap3A_79 = arith.constant 0 : index
      %swap3A_80 = vector.load %arg8[%swap3A_78, %swap3A_79] : memref<64x10xf32, #tpu.memory_space<vmem>>, vector<64x10xf32>
      tpu.vector_store %arg8[%swap3A_78, %swap3A_79], %add3A_77 {strides = array<i32>} : memref<64x10xf32, #tpu.memory_space<vmem>>, vector<64x10xf32>,
    } else {
    }
    return
  }
  func.func @transform_0(%arg0: i32) -> (i32, i32) {
    %c0_i32 = arith.constant 0 : i32
    %c0_i32_0 = arith.constant 0 : i32
    return %arg0, %c0_i32 : i32, i32
  }
  func.func @transform_1(%arg0: i32) -> (i32, i32, i32) {
    %c0_i32 = arith.constant 0 : i32
    %c0_i32_0 = arith.constant 0 : i32
    %c0_i32_1 = arith.constant 0 : i32
    return %c0_i32, %arg0, %c0_i32_0 : i32, i32, i32
  }
  func.func @transform_2(%arg0: i32) -> (i32, i32) {
    %c0_i32 = arith.constant 0 : i32
    %c0_i32_0 = arith.constant 0 : i32
    %c0_i32_1 = arith.constant 0 : i32
    return %c0_i32, %c0_i32_0 : i32, i32
  }
  func.func @transform_3(%arg0: i32) -> (i32, i32) {
    %c0_i32 = arith.constant 0 : i32
    %c0_i32_0 = arith.constant 0 : i32
    %c0_i32_1 = arith.constant 0 : i32
    return %c0_i32, %c0_i32_0 : i32, i32
  }
  func.func @transform_4(%arg0: i32) -> (i32, i32, i32) {
    %c0_i32 = arith.constant 0 : i32
    %c0_i32_0 = arith.constant 0 : i32
    %c0_i32_1 = arith.constant 0 : i32
    return %arg0, %c0_i32, %c0_i32_0 : i32, i32, i32
  }
  func.func @transform_5(%arg0: i32) -> (i32, i32) {
    %c0_i32 = arith.constant 0 : i32
    %c0_i32_0 = arith.constant 0 : i32
    %c0_i32_1 = arith.constant 0 : i32
    return %c0_i32, %c0_i32_0 : i32, i32
  }
  func.func @transform_6(%arg0: i32) -> (i32, i32) {
    %c0_i32 = arith.constant 0 : i32
    %c0_i32_0 = arith.constant 0 : i32
    %c0_i32_1 = arith.constant 0 : i32
    return %c0_i32, %c0_i32_0 : i32, i32
  }
  func.func @transform_7(%arg0: i32) -> (i32, i32) {
    %c0_i32 = arith.constant 0 : i32
    %c0_i32_0 = arith.constant 0 : i32
    %c0_i32_1 = arith.constant 0 : i32
    return %c0_i32, %c0_i32_0 : i32, i32
  }
  func.func @transform_8(%arg0: i32) -> (i32, i32) {
    %c0_i32 = arith.constant 0 : i32
    %c0_i32_0 = arith.constant 0 : i32
    %c0_i32_1 = arith.constant 0 : i32
    return %c0_i32, %c0_i32_0 : i32, i32
  }
  func.func @transform_9(%arg0: i32) -> (i32, i32) {
    %c0_i32 = arith.constant 0 : i32
    %c0_i32_0 = arith.constant 0 : i32
    %c0_i32_1 = arith.constant 0 : i32
    return %c0_i32, %c0_i32_0 : i32, i32
  }
}

</mosaic_0001>

<sc_bundles>
// kernel: kernel.6.cloned.1.call-start
scs
__scs_entry_jumppad:
0x0: {  	(pc) =	sbr.rel $0x88, $3  }
0x1: {  	(tag) =	ssettag $0x0;
	lr =	simm.s32 $0x1  }
0x2: {  	[smem:$0x3F98] =	sst lr;
	_ =	strace $0xD0000000  }
0x3: {  	_ = 	snop  }
0x4: {  	_ = 	snop  }
0x5: {  	_ = 	snop  }
0x6: {  	_ = 	snop  }
0x7: {  	_ = 	snop  }
__scs_overlays_trampoline_lowered:
0x8: {  	[smem:$0x3FA7] =	sst s0  }
0x9: {  	[smem:$0x3FA8] =	sst s1  }
0xa: {  	[smem:$0x3FA9] =	sst s2  }
0xb: {  	[smem:$0x3FAA] =	sst s3  }
0xc: {  	[smem:$0x3FAB] =	sst s4  }
0xd: {  	[smem:$0x3FAC] =	sst s5  }
0xe: {  	[smem:$0x3FAD] =	sst s6  }
0xf: {  	[smem:$0x3FAE] =	sst s7  }
0x10: {  	[smem:$0x3FAF] =	sst s8  }
0x11: {  	[smem:$0x3FB0] =	sst s9;
	s0 =	simm.s32 @!p0 $0x0  }
0x12: {  	s1 =	sld [smem:$0x3F96];
	s0 =	simm.s32 @p0 $0x1  }
0x13: {  	[smem:$0x3FB1] =	sst s0;
	s0 =	simm.s32 @!p1 $0x0  }
0x14: {  	s2 =	sld [smem:$0x3F95];
	s0 =	simm.s32 @p1 $0x1  }
0x15: {  	[smem:$0x3FB2] =	sst s0;
	s0 =	simm.s32 @!p2 $0x0  }
0x16: {  	s3 =	sld [smem:$0x3FDB];
	s0 =	simm.s32 @p2 $0x1  }
0x17: {  	s4 =	simm.s32 $0x1BF5;
	[smem:$0x3FB4] =	sst s0  }
0x18: {  	s0 =	sld [smem:$0x3F97];
	_ =	swait.ge [sflag:s4], $0x0  }
0x19: {  	s7 =	sld [smem:$0x3F98]  }
0x1a: {  	s8 =	sadd.s32 $0xFFFFE003, lr  }
0x1b: {  	s9 =	sadd.s32 $0xFFFFFEF7, lr;
	s5 =	simm.s32 $0xFFFFFFFF;
	p2 =	slt.u32 s8, $0xFFFFF086  }
0x1c: {  	p1 =	slt.u32 s9, $0xF7A;
	s5 =	simm.s32 @!p2 $0x0  }
0x1d: {  	s5 =	simm.s32 @p1 $0x1;
	p0 =	seq.s32 s7, s2  }
0x1e: {  	s7 =	smul.u32 @!p0 $0xF7A, s2;
	p2 =	seq.s32 @!p0 s5, $0x0  }
0x1f: {  	s9 =	smul.u32 $0xF7A, s1;
	s8 =	simm.s32 @!p0 $0x1BF5;
	p2 =	por !p2, p0  }
0x20: {  	[sflag:s8] =	ssyncset.s32 @!p0 $0xFFFFF086;
	s6 =	sadd.s32 @!p0 s3, s7;
	s7 =	simm.s32 @!p0 $0x108  }
0x21: {  	s3 =	sadd.s32 s3, s9;
	s6 =	sadd.s32 @!p0 $0x88, s6;
	s7 =	simm.s32 @p2 $0x1082  }
0x22: {  	[simem:s7], [sflag:s8] =	dma.local @!p0 [hbm:s6], $0xF7A  }
0x23: {  	s9 =	sor.u32 $0xD0000000, s2;
	s6 =	simm.s32 $0x108;
	_ =	swait.ge @!p0 [sflag:s8], $0x0  }
0x24: {  	s3 =	sadd.s32 $0x88, s3;
	s6 =	simm.s32 @!p1 $0x1082;
	[sflag:s4] =	ssyncset.s32 $0xFFFFF086  }
0x25: {  	[simem:s6], [sflag:s4] =	dma.local [hbm:s3], $0xF7A  }
0x26: {  	[smem:$0x3F98] =	sst s1;
	(tag) =	ssettag s2;
	_ =	strace s9  }
0x27: {  	s1 =	sld [smem:$0x3FA8]  }
0x28: {  	s2 =	sld [smem:$0x3FA9]  }
0x29: {  	s4 =	sld [smem:$0x3FAB]  }
0x2a: {  	p0 =	seq.s32 s5, $0x0;
	s5 =	sld [smem:$0x3FAC]  }
0x2b: {  	s6 =	sld [smem:$0x3FAD]  }
0x2c: {  	s7 =	sld [smem:$0x3FAE]  }
0x2d: {  	s3 =	simm.s32 $0x108;
	s8 =	sld [smem:$0x3FAF]  }
0x2e: {  	s3 =	simm.s32 @!p0 $0x1082;
	s9 =	sld [smem:$0x3FB0]  }
0x2f: {  	lr =	sadd.s32 s0, s3;
	s0 =	sld [smem:$0x3FA7]  }
0x30: {  	s3 =	sld [smem:$0x3FAA]  }
0x31: {  	[smem:$0x3FB3] =	sst s10  }
0x32: {  	s10 =	sld [smem:$0x3FB1];
	_ =	sdelay $0x3  }
0x33: {  	p0 =	seq.s32 s10, $0x1;
	s10 =	sld [smem:$0x3FB3];
	_ =	sdelay $0x3  }
0x34: {  	[smem:$0x3FB3] =	sst s10  }
0x35: {  	s10 =	sld [smem:$0x3FB2];
	_ =	sdelay $0x3  }
0x36: {  	p1 =	seq.s32 s10, $0x1;
	s10 =	sld [smem:$0x3FB3];
	_ =	sdelay $0x3  }
0x37: {  	[smem:$0x3FB3] =	sst s10  }
0x38: {  	s10 =	sld [smem:$0x3FB4]  }
0x39: {  	_ = 	snop;
	(pc) =	sbr.ind lr, $3  }
0x3a: {  	_ = 	snop  }
0x3b: {  	_ = 	snop  }
0x3c: {  	p2 =	seq.s32 s10, $0x1;
	s10 =	sld [smem:$0x3FB3]  }
0x3d: {  	_ =	shalt  }
0x3e: {  	_ =	shalt  }
0x3f: {  	_ =	shalt  }
0x40: {  	_ =	shalt  }
0x41: {  	_ =	shalt  }
0x42: {  	_ =	shalt  }
0x43: {  	_ =	shalt  }
0x44: {  	_ =	shalt  }
0x45: {  	_ =	shalt  }
0x46: {  	_ =	shalt  }
0x47: {  	_ =	shalt  }
0x48: {  	_ =	shalt  }
0x49: {  	_ =	shalt  }
0x4a: {  	_ =	shalt  }
0x4b: {  	_ =	shalt  }
0x4c: {  	_ =	shalt  }
0x4d: {  	_ =	shalt  }
0x4e: {  	_ =	shalt  }
0x4f: {  	_ =	shalt  }
0x50: {  	_ =	shalt  }
0x51: {  	_ =	shalt  }
0x52: {  	_ =	shalt  }
0x53: {  	_ =	shalt  }
0x54: {  	_ =	shalt  }
0x55: {  	_ =	shalt  }
0x56: {  	_ =	shalt  }
0x57: {  	_ =	shalt  }
0x58: {  	_ =	shalt  }
0x59: {  	_ =	shalt  }
0x5a: {  	_ =	shalt  }
0x5b: {  	_ =	shalt  }
0x5c: {  	_ =	shalt  }
0x5d: {  	_ =	shalt  }
0x5e: {  	_ =	shalt  }
0x5f: {  	_ =	shalt  }
0x60: {  	_ =	shalt  }
0x61: {  	_ =	shalt  }
0x62: {  	_ =	shalt  }
0x63: {  	_ =	shalt  }
0x64: {  	_ =	shalt  }
0x65: {  	_ =	shalt  }
0x66: {  	_ =	shalt  }
0x67: {  	_ =	shalt  }
0x68: {  	_ =	shalt  }
0x69: {  	_ =	shalt  }
0x6a: {  	_ =	shalt  }
0x6b: {  	_ =	shalt  }
0x6c: {  	_ =	shalt  }
0x6d: {  	_ =	shalt  }
0x6e: {  	_ =	shalt  }
0x6f: {  	_ =	shalt  }
0x70: {  	_ =	shalt  }
0x71: {  	_ =	shalt  }
0x72: {  	_ =	shalt  }
0x73: {  	_ =	shalt  }
0x74: {  	_ =	shalt  }
0x75: {  	_ =	shalt  }
0x76: {  	_ =	shalt  }
0x77: {  	_ =	shalt  }
0x78: {  	_ =	shalt  }
0x79: {  	_ =	shalt  }
0x7a: {  	_ =	shalt  }
0x7b: {  	_ =	shalt  }
0x7c: {  	_ =	shalt  }
0x7d: {  	_ =	shalt  }
0x7e: {  	_ =	shalt  }
0x7f: {  	_ =	shalt  }
0x80: {  	_ =	shalt  }
0x81: {  	_ =	shalt  }
0x82: {  	_ =	shalt  }
0x83: {  	_ =	shalt  }
0x84: {  	_ =	shalt  }
0x85: {  	_ =	shalt  }
0x86: {  	_ =	shalt  }
0x87: {  	_ =	shalt  }
.Lfunc_end0:
.L_simem_size_0:
called_computation_lowered:
.L_overlay_start_0:
0x88: {  	s2 =	sld [smem:$0x3FD9]  }
0x89: {  	s3 =	sld [smem:$0x3FFE];
	_ =	sdelay $0x1  }
0x8a: {  	s1 =	srdreg.scid  }
0x8b: {  	s0 =	sand.u32 $0x1, s1  }
0x8c: {  	s17 =	sshll.u32 s0, $0xA;
	s2 =	sadd.s32 s3, s2  }
0x8d: {  	s2 =	sadd.s32 s2, s17  }
0x8e: {  	[smem:$0x3FBF] =	sst s2  }
0x8f: {  	_ = 	snop  }
0x90: {  	s2 =	sld [smem:$0x3FC9];
	(tm) =	ssettm $0x1  }
0x91: {  	s18 =	sld [smem:$0x3FFB];
	_ =	sdelay $0x3  }
0x92: {  	_ =	strace s18  }
0x93: {  	s3 =	sld [smem:$0x3FFC];
	_ =	sdelay $0x3  }
0x94: {  	_ =	strace s3  }
0x95: {  	s3 =	sld [smem:$0x3FFD];
	_ =	sdelay $0x3  }
0x96: {  	_ =	strace s3  }
0x97: {  	_ =	strace $0x8FFFFFFF  }
0x98: {  	s19 =	sld [smem:$0x3FDB];
	_ =	sdelay $0x1  }
0x99: {  	s4 =	simm.s32 $_scs_section_size  }
0x9a: {  	s5 =	simm.s32 $_size__tile_overlayer_lowered;
	s6 =	simm.s32 $_tile_overlayer_lowered  }
0x9b: {  	s22 =	simm.s32 $0x1BFF;
	s21 =	sshll.u32 s6, $0x1;
	s3 =	sadd.s32 s4, s19  }
0x9c: {  	s7 =	simm.s32 $0x0;
	s20 =	sshll.u32 s5, $0x1;
	s5 =	sadd.s32 s21, s3  }
0x9d: {  	[timem:s7], [sflag:s22] =	dma.local [hbm:s5], s20  }
0x9e: {  	_ =	swait.ge [sflag:s22], s20  }
0x9f: {  	s4 =	ssub.s32 $0x0, s20;
	[sflag:s22] =	ssyncset.done $0x0  }
0xa0: {  	[sflag:s22] =	ssyncadd.s32 s4;
	_ =	sdelay $0x1  }
0xa1: {  	s23 =	simm.s32 $0x1B8B  }
0xa2: {  	_ =	swait.ge [sflag:s23], $0x1  }
0xa3: {  	[sflag:s23] =	ssyncset.done $0x0  }
0xa4: {  	s25 =	simm.s32 $0x1B8E;
	s24 =	sld [smem:$0x3FFE];
	[sflag:s23] =	ssyncadd.s32 $0xFFFFFFFF  }
0xa5: {  	s26 =	simm.s32 $execute0_lowered;
	[smem:$0x3FD2] =	sst s25  }
0xa6: {  	s5 =	sshll.u32 s26, $0x1;
	_ =	strace $0x80000046;
	[dreg:$0x1] =	wrdreg $0xFFFFFFFF  }
0xa7: {  	s28 =	simm.s32 $_size_execute0_lowered;
	s3 =	sadd.s32 s3, s5;
	[dreg:$0x0] =	wrdreg $0x0  }
0xa8: {  	s5 =	sshll.u32 s28, $0x1;
	[dreg:$0x2] =	wrdreg s3  }
0xa9: {  	[dreg:$0x3] =	wrdreg s5  }
0xaa: {  	[dreg:$0x4] =	wrdreg $0xC0  }
0xab: {  	_ =	task [dreg:s7], $0x5FFFF  }
0xac: {  	[dreg:$0x1] =	wrdreg $0xFFFFFFFF  }
0xad: {  	[dreg:$0x0] =	wrdreg $0x60  }
0xae: {  	[dreg:$0x2] =	wrdreg s2  }
0xaf: {  	[dreg:$0x3] =	wrdreg s24  }
0xb0: {  	[dreg:$0x4] =	wrdreg $0x88000  }
0xb1: {  	[dreg:$0x5] =	wrdreg $0x9  }
0xb2: {  	_ =	task.clear_ibuf [dreg:s7], $0x6FFFF;
	_ =	strace $0x90000046  }
0xb3: {  	s29 =	simm.s32 $0x9;
	_ =	strace $0x80000048  }
0xb4: {  	_ =	swait.ge [sflag:s29], $0x1  }
0xb5: {  	[sflag:s29] =	ssyncadd.s32 $0xFFFFFFFF  }
0xb6: {  	_ =	strace $0x90000048  }
0xb7: {  	_ =	sfence  }
0xb8: {  	s30 =	sld [smem:$0x0];
	_ =	sdelay $0x2  }
0xb9: {  	s31 =	sshll.u32 s1, $0xD;
	s1 =	sshrl.u32 s1, $0x2  }
0xba: {  	s3 =	sand.u32 $0x4000, s31;
	s1 =	sadd.s32 s1, s30  }
0xbb: {  	s0 =	sor.u32 s3, s0;
	s1 =	sshll.u32 s1, $0x11  }
0xbc: {  	s0 =	sor.u32 s1, s0  }
0xbd: {  	s0 =	sadd.s32 $0x8F2B, s0  }
0xbe: {  	[sflag:s0] =	ssyncadd.remote.s32 $0x1  }
0xbf: {  	_ =	sfence.sel $0xFFFF  }
0xc0: {  	[dreg:$0x0] =	wrdreg $0xFFFFFFFF;
	(pc) =	sbr.abs _section_cstart, $3  }
0xc1: {  	[dreg:$0x1] =	wrdreg $0xFFFFFFFF  }
0xc2: {  	_ =	task.clear_ibuf [dreg:s7], $0x2FFFF;
	_ =	strace $0x9FFFFFFF  }
0xc3: {  	(tm) =	ssettm $0x7FFFFFFF  }
tec
execute0_lowered:
.L_overlay_start_1:
0x0: {  	(tag) =	ssettag $0x1  }
0x1: {  	s1 =	rddreg [dreg:$0x0]  }
0x2: {  	s0 =	rddreg [dreg:$0x1]  }
0x3: {  	s2 =	rddreg [dreg:$0x2];
	s3 =	srdreg.scid;
	s4 =	simm.s32 $0x0  }
0x4: {  	s11 =	stileid.u32;
	s28 =	simm.s32 $0x80;
	s29 =	simm.s32 $0x800  }
0x5: {  	s30 =	simm.s32 $0x6;
	s31 =	simm.s32 $0x4800;
	s6 =	smul.u32 $0x13C00, s11  }
0x6: {  	s3 =	sand.u32 $0x1, s3;
	[smem:$0x7FF] =	sst s4;
	s9 =	smul.u32 $0x4F000, s11  }
0x7: {  	s7 =	sadd.s32 $0x2200, s0;
	s21 =	sshll.u32 s11, $0x1;
	s23 =	smul.u32 $0xA000, s11  }
0x8: {  	s12 =	sadd.s32 $0x16200, s0;
	s24 =	sshll.u32 s11, $0x6;
	s5 =	smul.u32 $0x13C000, s3  }
0x9: {  	_ =	strace $0x80000047;
	s8 =	ssub.s32 $0x2, s3;
	[dreg:$0xc] =	wrdreg s12  }
0xa: {  	s10 =	sshrl.u32 s8, $0x1;
	s22 =	sshrl.u32 s9, $0x2;
	s5 =	sadd.s32 s6, s5  }
0xb: {  	s6 =	sor.u32 s3, s21;
	s3 =	smul.u32 $0x5000, s3;
	s26 =	sadd.s32 s22, s2  }
0xc: {  	s5 =	sshrl.u32 s5, $0x3;
	s6 =	smul.u32 $0x5000, s6;
	[dreg:$0xe] =	wrdreg s26  }
0xd: {  	s0 =	sadd.s32 s5, s0;
	s5 =	ssub.s32 s8, s10;
	s8 =	sor.u32 $0x1C0D, s24  }
0xe: {  	s3 =	sadd.s32 s3, s23;
	s6 =	sshrl.u32 s6, $0x3;
	[dreg:$0xf] =	wrdreg s8  }
0xf: {  	s16 =	sor.u32 $0xF00, s3;
	s18 =	sor.u32 $0xE00, s3;
	s21 =	sor.u32 $0xD00, s3  }
0x10: {  	s23 =	sor.u32 $0xC00, s3;
	s24 =	sor.u32 $0xB00, s3;
	s0 =	sadd.s32 $0x18A00, s0  }
0x11: {  	s25 =	sadd.s32 s7, s6;
	s6 =	sshrl.u32 s16, $0x3;
	[dreg:$0x17] =	wrdreg s0  }
0x12: {  	s8 =	sshrl.u32 s18, $0x3;
	s16 =	simm.s32 $0x0;
	[dreg:$0xd] =	wrdreg s25  }
0x13: {  	s22 =	sshrl.u32 s21, $0x3;
	s10 =	sadd.s32 $0x20, s25;
	[dreg:$0x19] =	wrdreg s16  }
0x14: {  	s26 =	sshrl.u32 s24, $0x3;
	s12 =	sadd.s32 $0x40, s25;
	[dreg:$0x10] =	wrdreg s10  }
0x15: {  	s21 =	simm.s32 $0x300;
	s13 =	sadd.s32 $0x60, s25;
	[dreg:$0x11] =	wrdreg s12  }
0x16: {  	s24 =	simm.s32 $0x600;
	s14 =	sadd.s32 $0x80, s25;
	[dreg:$0x12] =	wrdreg s13  }
0x17: {  	s0 =	simm.s32 $0x1;
	s15 =	sadd.s32 $0xA0, s25;
	[dreg:$0x13] =	wrdreg s14  }
0x18: {  	s18 =	simm.s32 $0x680;
	s17 =	sadd.s32 $0xC0, s25;
	[dreg:$0x14] =	wrdreg s15  }
0x19: {  	s19 =	sadd.s32 $0xE0, s25;
	s6 =	sadd.s32 s6, s7;
	[dreg:$0x15] =	wrdreg s17  }
0x1a: {  	s20 =	sadd.s32 s8, s7;
	s8 =	sshrl.u32 s23, $0x3;
	[dreg:$0x16] =	wrdreg s19  }
0x1b: {  	s9 =	sadd.s32 s26, s7;
	s23 =	simm.s32 $0x500;
	[dreg:$0x4] =	wrdreg s6  }
0x1c: {  	s26 =	simm.s32 $0x5;
	[dreg:$0x5] =	wrdreg s20;
	s6 =	sadd.s32 s22, s7  }
0x1d: {  	s25 =	sadd.s32 s8, s7;
	s10 =	sor.u32 $0xA00, s3;
	[dreg:$0x8] =	wrdreg s9  }
0x1e: {  	s12 =	sor.u32 $0x900, s3;
	s3 =	sor.u32 $0x800, s3;
	s15 =	smax.u32 s5, $0x1  }
0x1f: {  	s19 =	simm.s32 $0x100;
	s20 =	simm.s32 $0x200;
	s22 =	simm.s32 $0x400  }
0x20: {  	s5 =	simm.s32 $0x3;
	s17 =	simm.s32 $0xB;
	[dreg:$0x6] =	wrdreg s6  }
0x21: {  	s9 =	simm.s32 $0x780;
	[dreg:$0x7] =	wrdreg s25;
	s11 =	sshrl.u32 s10, $0x3  }
0x22: {  	s8 =	sshrl.u32 s12, $0x3;
	s3 =	sshrl.u32 s3, $0x3;
	[dreg:$0x18] =	wrdreg s15  }
0x23: {  	s25 =	simm.s32 $0x700;
	s10 =	simm.s32 $0x8;
	s15 =	simm.s32 $0xA  }
0x24: {  	s6 =	sadd.s32 s11, s7;
	s13 =	sadd.s32 s8, s7;
	s14 =	sadd.s32 s3, s7  }
0x25: {  	s3 =	simm.s32 $0x7;
	s7 =	simm.s32 $0x2;
	[dreg:$0x9] =	wrdreg s6  }
0x26: {  	s11 =	simm.s32 $0x4;
	s8 =	simm.s32 $0xC;
	[dreg:$0xa] =	wrdreg s13  }
0x27: {  	[dreg:$0xb] =	wrdreg s14;
	s13 =	simm.s32 $0x9;
	s6 =	simm.s32 $0x580  }
.LBB2_1:
0x28: {  	s12 =	rddreg [dreg:$0xe]  }
0x29: {  	s16 =	rddreg [dreg:$0xf];
	s12 =	sshrl.u32 s12, $0x3  }
0x2a: {  	[dreg:$0x1a] =	wrdreg s12  }
0x2b: {  	s12 =	rddreg [dreg:$0xc]  }
0x2c: {  	s14 =	rddreg [dreg:$0x1a]  }
0x2d: {  	[spmem:s14], [sflag:s16] =	dma.local [hbm:s12], $0x2780  }
0x2e: {  	s16 =	simm.s32 $0xD  }
0x2f: {  	_ =	swait.ge [sflag:s16], $0x2780  }
0x30: {  	[sflag:s16] =	ssyncset.done $0x0  }
0x31: {  	[sflag:s16] =	ssyncadd.s32 $0xFFFFD880  }
0x32: {  	[bflag:$0x0] =	sbarrier.arrive $0xFFFF  }
0x33: {  	s14 =	rddreg [dreg:$0xd]  }
0x34: {  	[tilespmem:s4], [sflag:$0x5] =	stream.linear.gather [hbm4b:s14+s4], $0x100, $0x38;
	[tilespmem:$0x1C400] =	vst v63  }
0x35: {  	s16 =	rddreg [dreg:$0x10]  }
0x36: {  	[tilespmem:s19], [sflag:$0x6] =	stream.linear.gather [hbm4b:s16+s4], $0x100, $0x38;
	[tilespmem:$0x1C400] =	vst v63  }
0x37: {  	s14 =	rddreg [dreg:$0x11]  }
0x38: {  	[tilespmem:s20], [sflag:$0x7] =	stream.linear.gather [hbm4b:s14+s4], $0x100, $0x38;
	[tilespmem:$0x1C400] =	vst v63  }
0x39: {  	s16 =	rddreg [dreg:$0x12]  }
0x3a: {  	[tilespmem:s21], [sflag:$0x8] =	stream.linear.gather [hbm4b:s16+s4], $0x100, $0x38;
	[tilespmem:$0x1C400] =	vst v63  }
0x3b: {  	s14 =	rddreg [dreg:$0x13]  }
0x3c: {  	[tilespmem:s22], [sflag:$0x9] =	stream.linear.gather [hbm4b:s14+s4], $0x100, $0x38;
	[tilespmem:$0x1C400] =	vst v63  }
0x3d: {  	s16 =	rddreg [dreg:$0x14]  }
0x3e: {  	[tilespmem:s23], [sflag:$0xA] =	stream.linear.gather [hbm4b:s16+s4], $0x100, $0x38;
	[tilespmem:$0x1C400] =	vst v63  }
0x3f: {  	s14 =	rddreg [dreg:$0x15]  }
0x40: {  	[tilespmem:s24], [sflag:$0xB] =	stream.linear.gather [hbm4b:s14+s4], $0x100, $0x38;
	[tilespmem:$0x1C400] =	vst v63  }
0x41: {  	s16 =	rddreg [dreg:$0x16]  }
0x42: {  	[tilespmem:s25], [sflag:$0xC] =	stream.linear.gather [hbm4b:s16+s4], $0x100, $0x38;
	[tilespmem:$0x1C400] =	vst v63  }
0x43: {  	_ =	swait.ge [sflag:s26], $0x100  }
0x44: {  	[sflag:s26] =	ssyncset.done $0x0  }
0x45: {  	[sflag:s26] =	ssyncadd.s32 $0xFFFFFF00  }
0x46: {  	[tilespmem:s29], [sflag:$0x1] =	stream.indirect.gather [hbm4b:s1+s28], $0x80, s4, s28, $0xb8;
	[tilespmem:$0x1C400] =	vst v63  }
0x47: {  	_ =	swait.ge [sflag:s30], $0x100  }
0x48: {  	[sflag:s30] =	ssyncset.done $0x0  }
0x49: {  	[sflag:s30] =	ssyncadd.s32 $0xFFFFFF00  }
0x4a: {  	[tilespmem:s31], [sflag:$0x2] =	stream.indirect.gather [hbm4b:s1+s28], $0x80, s19, s28, $0xb8;
	[tilespmem:$0x1C400] =	vst v63  }
0x4b: {  	_ =	swait.ge [sflag:s0], $0x4000  }
0x4c: {  	[sflag:s0] =	ssyncset.done $0x0  }
0x4d: {  	[sflag:s0] =	ssyncadd.s32 $0xFFFFC000  }
0x4e: {  	[spmem:s2] =	stream.indirect.scatter.add.f32 [tilespmem:s29], [sflag:$0x3], $0x80, s28, s28, $0xb8;
	[tilespmem:$0x1C400] =	vst v63  }
0x4f: {  	_ =	swait.ge [sflag:s3], $0x100  }
0x50: {  	[sflag:s3] =	ssyncset.done $0x0  }
0x51: {  	[sflag:s3] =	ssyncadd.s32 $0xFFFFFF00  }
0x52: {  	_ =	swait.ge [sflag:s5], $0x4000  }
0x53: {  	s14 =	rddreg [dreg:$0xb];
	[sflag:s5] =	ssyncset.done $0x0  }
0x54: {  	[sflag:s5] =	ssyncadd.s32 $0xFFFFC000;
	s12 =	sadd.s32 $0x0, s14  }
0x55: {  	[tilespmem:s4], [sflag:$0x5] =	stream.linear.gather [hbm4b:s12+s4], $0x100, $0x38;
	[tilespmem:$0x1C400] =	vst v63  }
0x56: {  	_ = 	snop  }
0x57: {  	[tilespmem:s29], [sflag:$0x1] =	stream.indirect.gather [hbm4b:s1+s28], $0x80, s20, s28, $0xb8;
	[tilespmem:$0x1C400] =	vst v63  }
0x58: {  	_ =	swait.ge [sflag:s7], $0x4000  }
0x59: {  	[sflag:s7] =	ssyncset.done $0x0  }
0x5a: {  	s16 =	simm.s32 $0x180;
	[sflag:s7] =	ssyncadd.s32 $0xFFFFC000  }
0x5b: {  	[spmem:s2] =	stream.indirect.scatter.add.f32 [tilespmem:s31], [sflag:$0x4], $0x80, s16, s28, $0xb8;
	[tilespmem:$0x1C400] =	vst v63  }
0x5c: {  	_ =	swait.ge [sflag:s10], $0x100  }
0x5d: {  	[sflag:s10] =	ssyncset.done $0x0  }
0x5e: {  	[sflag:s10] =	ssyncadd.s32 $0xFFFFFF00  }
0x5f: {  	_ =	swait.ge [sflag:s11], $0x4000  }
0x60: {  	s14 =	rddreg [dreg:$0xa];
	[sflag:s11] =	ssyncset.done $0x0  }
0x61: {  	[sflag:s11] =	ssyncadd.s32 $0xFFFFC000;
	s12 =	sadd.s32 $0x0, s14  }
0x62: {  	[tilespmem:s19], [sflag:$0x6] =	stream.linear.gather [hbm4b:s12+s4], $0x100, $0x38;
	[tilespmem:$0x1C400] =	vst v63  }
0x63: {  	_ = 	snop  }
0x64: {  	[tilespmem:s31], [sflag:$0x2] =	stream.indirect.gather [hbm4b:s1+s28], $0x80, s21, s28, $0xb8;
	[tilespmem:$0x1C400] =	vst v63  }
0x65: {  	_ =	swait.ge [sflag:s0], $0x4000  }
0x66: {  	[sflag:s0] =	ssyncset.done $0x0  }
0x67: {  	s16 =	simm.s32 $0x280;
	[sflag:s0] =	ssyncadd.s32 $0xFFFFC000  }
0x68: {  	[spmem:s2] =	stream.indirect.scatter.add.f32 [tilespmem:s29], [sflag:$0x3], $0x80, s16, s28, $0xb8;
	[tilespmem:$0x1C400] =	vst v63  }
0x69: {  	_ =	swait.ge [sflag:s13], $0x100  }
0x6a: {  	[sflag:s13] =	ssyncset.done $0x0  }
0x6b: {  	[sflag:s13] =	ssyncadd.s32 $0xFFFFFF00  }
0x6c: {  	_ =	swait.ge [sflag:s5], $0x4000  }
0x6d: {  	s14 =	rddreg [dreg:$0x9];
	[sflag:s5] =	ssyncset.done $0x0  }
0x6e: {  	[sflag:s5] =	ssyncadd.s32 $0xFFFFC000;
	s12 =	sadd.s32 $0x0, s14  }
0x6f: {  	[tilespmem:s20], [sflag:$0x7] =	stream.linear.gather [hbm4b:s12+s4], $0x100, $0x38;
	[tilespmem:$0x1C400] =	vst v63  }
0x70: {  	_ = 	snop  }
0x71: {  	[tilespmem:s29], [sflag:$0x1] =	stream.indirect.gather [hbm4b:s1+s28], $0x80, s22, s28, $0xb8;
	[tilespmem:$0x1C400] =	vst v63  }
0x72: {  	_ =	swait.ge [sflag:s7], $0x4000  }
0x73: {  	[sflag:s7] =	ssyncset.done $0x0  }
0x74: {  	s16 =	simm.s32 $0x380;
	[sflag:s7] =	ssyncadd.s32 $0xFFFFC000  }
0x75: {  	[spmem:s2] =	stream.indirect.scatter.add.f32 [tilespmem:s31], [sflag:$0x4], $0x80, s16, s28, $0xb8;
	[tilespmem:$0x1C400] =	vst v63  }
0x76: {  	_ =	swait.ge [sflag:s15], $0x100  }
0x77: {  	[sflag:s15] =	ssyncset.done $0x0  }
0x78: {  	[sflag:s15] =	ssyncadd.s32 $0xFFFFFF00  }
0x79: {  	_ =	swait.ge [sflag:s11], $0x4000  }
0x7a: {  	s14 =	rddreg [dreg:$0x8];
	[sflag:s11] =	ssyncset.done $0x0  }
0x7b: {  	[sflag:s11] =	ssyncadd.s32 $0xFFFFC000;
	s12 =	sadd.s32 $0x0, s14  }
0x7c: {  	[tilespmem:s21], [sflag:$0x8] =	stream.linear.gather [hbm4b:s12+s4], $0x100, $0x38;
	[tilespmem:$0x1C400] =	vst v63  }
0x7d: {  	_ = 	snop  }
0x7e: {  	[tilespmem:s31], [sflag:$0x2] =	stream.indirect.gather [hbm4b:s1+s28], $0x80, s23, s28, $0xb8;
	[tilespmem:$0x1C400] =	vst v63  }
0x7f: {  	_ =	swait.ge [sflag:s0], $0x4000  }
0x80: {  	[sflag:s0] =	ssyncset.done $0x0  }
0x81: {  	s16 =	simm.s32 $0x480;
	[sflag:s0] =	ssyncadd.s32 $0xFFFFC000  }
0x82: {  	[spmem:s2] =	stream.indirect.scatter.add.f32 [tilespmem:s29], [sflag:$0x3], $0x80, s16, s28, $0xb8;
	[tilespmem:$0x1C400] =	vst v63  }
0x83: {  	_ =	swait.ge [sflag:s17], $0x100  }
0x84: {  	[sflag:s17] =	ssyncset.done $0x0  }
0x85: {  	[sflag:s17] =	ssyncadd.s32 $0xFFFFFF00  }
0x86: {  	_ =	swait.ge [sflag:s5], $0x4000  }
0x87: {  	s14 =	rddreg [dreg:$0x7];
	[sflag:s5] =	ssyncset.done $0x0  }
0x88: {  	[sflag:s5] =	ssyncadd.s32 $0xFFFFC000;
	s12 =	sadd.s32 $0x0, s14  }
0x89: {  	[tilespmem:s22], [sflag:$0x9] =	stream.linear.gather [hbm4b:s12+s4], $0x100, $0x38;
	[tilespmem:$0x1C400] =	vst v63  }
0x8a: {  	_ = 	snop  }
0x8b: {  	[tilespmem:s29], [sflag:$0x1] =	stream.indirect.gather [hbm4b:s1+s28], $0x80, s24, s28, $0xb8;
	[tilespmem:$0x1C400] =	vst v63  }
0x8c: {  	_ =	swait.ge [sflag:s7], $0x4000  }
0x8d: {  	[sflag:s7] =	ssyncset.done $0x0  }
0x8e: {  	[sflag:s7] =	ssyncadd.s32 $0xFFFFC000  }
0x8f: {  	[spmem:s2] =	stream.indirect.scatter.add.f32 [tilespmem:s31], [sflag:$0x4], $0x80, s6, s28, $0xb8;
	[tilespmem:$0x1C400] =	vst v63  }
0x90: {  	_ =	swait.ge [sflag:s8], $0x100  }
0x91: {  	[sflag:s8] =	ssyncset.done $0x0  }
0x92: {  	[sflag:s8] =	ssyncadd.s32 $0xFFFFFF00  }
0x93: {  	_ =	swait.ge [sflag:s11], $0x4000  }
0x94: {  	s16 =	rddreg [dreg:$0x6];
	[sflag:s11] =	ssyncset.done $0x0  }
0x95: {  	[sflag:s11] =	ssyncadd.s32 $0xFFFFC000;
	s12 =	sadd.s32 $0x0, s16  }
0x96: {  	[tilespmem:s23], [sflag:$0xA] =	stream.linear.gather [hbm4b:s12+s4], $0x100, $0x38;
	[tilespmem:$0x1C400] =	vst v63  }
0x97: {  	_ = 	snop  }
0x98: {  	[tilespmem:s31], [sflag:$0x2] =	stream.indirect.gather [hbm4b:s1+s28], $0x80, s25, s28, $0xb8;
	[tilespmem:$0x1C400] =	vst v63  }
0x99: {  	_ =	swait.ge [sflag:s0], $0x4000  }
0x9a: {  	[sflag:s0] =	ssyncset.done $0x0  }
0x9b: {  	[sflag:s0] =	ssyncadd.s32 $0xFFFFC000  }
0x9c: {  	[spmem:s2] =	stream.indirect.scatter.add.f32 [tilespmem:s29], [sflag:$0x3], $0x80, s18, s28, $0xb8;
	[tilespmem:$0x1C400] =	vst v63  }
0x9d: {  	_ =	swait.ge [sflag:s26], $0x100  }
0x9e: {  	[sflag:s26] =	ssyncset.done $0x0  }
0x9f: {  	[sflag:s26] =	ssyncadd.s32 $0xFFFFFF00  }
0xa0: {  	_ =	swait.ge [sflag:s5], $0x4000  }
0xa1: {  	s14 =	rddreg [dreg:$0x5];
	[sflag:s5] =	ssyncset.done $0x0  }
0xa2: {  	[sflag:s5] =	ssyncadd.s32 $0xFFFFC000;
	s12 =	sadd.s32 $0x0, s14  }
0xa3: {  	[tilespmem:s24], [sflag:$0xB] =	stream.linear.gather [hbm4b:s12+s4], $0x100, $0x38;
	[tilespmem:$0x1C400] =	vst v63  }
0xa4: {  	_ = 	snop  }
0xa5: {  	[tilespmem:s29], [sflag:$0x1] =	stream.indirect.gather [hbm4b:s1+s28], $0x80, s4, s28, $0xb8;
	[tilespmem:$0x1C400] =	vst v63  }
0xa6: {  	_ =	swait.ge [sflag:s7], $0x4000  }
0xa7: {  	[sflag:s7] =	ssyncset.done $0x0  }
0xa8: {  	[sflag:s7] =	ssyncadd.s32 $0xFFFFC000  }
0xa9: {  	[spmem:s2] =	stream.indirect.scatter.add.f32 [tilespmem:s31], [sflag:$0x4], $0x80, s9, s28, $0xb8;
	[tilespmem:$0x1C400] =	vst v63  }
0xaa: {  	_ =	swait.ge [sflag:s30], $0x100  }
0xab: {  	[sflag:s30] =	ssyncset.done $0x0  }
0xac: {  	[sflag:s30] =	ssyncadd.s32 $0xFFFFFF00  }
0xad: {  	_ =	swait.ge [sflag:s11], $0x4000  }
0xae: {  	s16 =	rddreg [dreg:$0x4];
	[sflag:s11] =	ssyncset.done $0x0  }
0xaf: {  	[sflag:s11] =	ssyncadd.s32 $0xFFFFC000;
	s12 =	sadd.s32 $0x0, s16  }
0xb0: {  	[tilespmem:s25], [sflag:$0xC] =	stream.linear.gather [hbm4b:s12+s4], $0x100, $0x38;
	[tilespmem:$0x1C400] =	vst v63  }
0xb1: {  	s12 =	simm.s32 $0x100  }
.LBB2_2:
0xb2: {  	[tilespmem:s31], [sflag:$0x2] =	stream.indirect.gather [hbm4b:s1+s28], $0x80, s19, s28, $0xb8;
	[tilespmem:$0x1C400] =	vst v63  }
0xb3: {  	_ =	swait.ge [sflag:s0], $0x4000  }
0xb4: {  	[sflag:s0] =	ssyncset.done $0x0  }
0xb5: {  	[sflag:s0] =	ssyncadd.s32 $0xFFFFC000  }
0xb6: {  	[spmem:s2] =	stream.indirect.scatter.add.f32 [tilespmem:s29], [sflag:$0x3], $0x80, s28, s28, $0xb8;
	[tilespmem:$0x1C400] =	vst v63  }
0xb7: {  	_ =	swait.ge [sflag:s3], $0x100  }
0xb8: {  	[sflag:s3] =	ssyncset.done $0x0  }
0xb9: {  	[sflag:s3] =	ssyncadd.s32 $0xFFFFFF00  }
0xba: {  	_ =	swait.ge [sflag:s5], $0x4000  }
0xbb: {  	s14 =	smov.u32 s12;
	s16 =	rddreg [dreg:$0xb];
	[sflag:s5] =	ssyncset.done $0x0  }
0xbc: {  	[sflag:s5] =	ssyncadd.s32 $0xFFFFC000;
	s16 =	sadd.s32 s14, s16  }
0xbd: {  	[tilespmem:s4], [sflag:$0x5] =	stream.linear.gather [hbm4b:s16+s4], $0x100, $0x38;
	[tilespmem:$0x1C400] =	vst v63  }
0xbe: {  	_ = 	snop  }
0xbf: {  	[tilespmem:s29], [sflag:$0x1] =	stream.indirect.gather [hbm4b:s1+s28], $0x80, s20, s28, $0xb8;
	[tilespmem:$0x1C400] =	vst v63  }
0xc0: {  	_ =	swait.ge [sflag:s7], $0x4000  }
0xc1: {  	[sflag:s7] =	ssyncset.done $0x0  }
0xc2: {  	s16 =	simm.s32 $0x180;
	[sflag:s7] =	ssyncadd.s32 $0xFFFFC000  }
0xc3: {  	[spmem:s2] =	stream.indirect.scatter.add.f32 [tilespmem:s31], [sflag:$0x4], $0x80, s16, s28, $0xb8;
	[tilespmem:$0x1C400] =	vst v63  }
0xc4: {  	_ =	swait.ge [sflag:s10], $0x100  }
0xc5: {  	[sflag:s10] =	ssyncset.done $0x0  }
0xc6: {  	[sflag:s10] =	ssyncadd.s32 $0xFFFFFF00  }
0xc7: {  	_ =	swait.ge [sflag:s11], $0x4000  }
0xc8: {  	s16 =	rddreg [dreg:$0xa];
	[sflag:s11] =	ssyncset.done $0x0  }
0xc9: {  	[sflag:s11] =	ssyncadd.s32 $0xFFFFC000;
	s16 =	sadd.s32 s14, s16  }
0xca: {  	[tilespmem:s19], [sflag:$0x6] =	stream.linear.gather [hbm4b:s16+s4], $0x100, $0x38;
	[tilespmem:$0x1C400] =	vst v63  }
0xcb: {  	_ = 	snop  }
0xcc: {  	[tilespmem:s31], [sflag:$0x2] =	stream.indirect.gather [hbm4b:s1+s28], $0x80, s21, s28, $0xb8;
	[tilespmem:$0x1C400] =	vst v63  }
0xcd: {  	_ =	swait.ge [sflag:s0], $0x4000  }
0xce: {  	[sflag:s0] =	ssyncset.done $0x0  }
0xcf: {  	s16 =	simm.s32 $0x280;
	[sflag:s0] =	ssyncadd.s32 $0xFFFFC000  }
0xd0: {  	[spmem:s2] =	stream.indirect.scatter.add.f32 [tilespmem:s29], [sflag:$0x3], $0x80, s16, s28, $0xb8;
	[tilespmem:$0x1C400] =	vst v63  }
0xd1: {  	_ =	swait.ge [sflag:s13], $0x100  }
0xd2: {  	[sflag:s13] =	ssyncset.done $0x0  }
0xd3: {  	[sflag:s13] =	ssyncadd.s32 $0xFFFFFF00  }
0xd4: {  	_ =	swait.ge [sflag:s5], $0x4000  }
0xd5: {  	s16 =	rddreg [dreg:$0x9];
	[sflag:s5] =	ssyncset.done $0x0  }
0xd6: {  	[sflag:s5] =	ssyncadd.s32 $0xFFFFC000;
	s16 =	sadd.s32 s14, s16  }
0xd7: {  	[tilespmem:s20], [sflag:$0x7] =	stream.linear.gather [hbm4b:s16+s4], $0x100, $0x38;
	[tilespmem:$0x1C400] =	vst v63  }
0xd8: {  	_ = 	snop  }
0xd9: {  	[tilespmem:s29], [sflag:$0x1] =	stream.indirect.gather [hbm4b:s1+s28], $0x80, s22, s28, $0xb8;
	[tilespmem:$0x1C400] =	vst v63  }
0xda: {  	_ =	swait.ge [sflag:s7], $0x4000  }
0xdb: {  	[sflag:s7] =	ssyncset.done $0x0  }
0xdc: {  	s16 =	simm.s32 $0x380;
	[sflag:s7] =	ssyncadd.s32 $0xFFFFC000  }
0xdd: {  	[spmem:s2] =	stream.indirect.scatter.add.f32 [tilespmem:s31], [sflag:$0x4], $0x80, s16, s28, $0xb8;
	[tilespmem:$0x1C400] =	vst v63  }
0xde: {  	_ =	swait.ge [sflag:s15], $0x100  }
0xdf: {  	[sflag:s15] =	ssyncset.done $0x0  }
0xe0: {  	[sflag:s15] =	ssyncadd.s32 $0xFFFFFF00  }
0xe1: {  	_ =	swait.ge [sflag:s11], $0x4000  }
0xe2: {  	s16 =	rddreg [dreg:$0x8];
	[sflag:s11] =	ssyncset.done $0x0  }
0xe3: {  	[sflag:s11] =	ssyncadd.s32 $0xFFFFC000;
	s16 =	sadd.s32 s14, s16  }
0xe4: {  	[tilespmem:s21], [sflag:$0x8] =	stream.linear.gather [hbm4b:s16+s4], $0x100, $0x38;
	[tilespmem:$0x1C400] =	vst v63  }
0xe5: {  	_ = 	snop  }
0xe6: {  	[tilespmem:s31], [sflag:$0x2] =	stream.indirect.gather [hbm4b:s1+s28], $0x80, s23, s28, $0xb8;
	[tilespmem:$0x1C400] =	vst v63  }
0xe7: {  	_ =	swait.ge [sflag:s0], $0x4000  }
0xe8: {  	[sflag:s0] =	ssyncset.done $0x0  }
0xe9: {  	s16 =	simm.s32 $0x480;
	[sflag:s0] =	ssyncadd.s32 $0xFFFFC000  }
0xea: {  	[spmem:s2] =	stream.indirect.scatter.add.f32 [tilespmem:s29], [sflag:$0x3], $0x80, s16, s28, $0xb8;
	[tilespmem:$0x1C400] =	vst v63  }
0xeb: {  	_ =	swait.ge [sflag:s17], $0x100  }
0xec: {  	[sflag:s17] =	ssyncset.done $0x0  }
0xed: {  	[sflag:s17] =	ssyncadd.s32 $0xFFFFFF00  }
0xee: {  	_ =	swait.ge [sflag:s5], $0x4000  }
0xef: {  	s16 =	rddreg [dreg:$0x7];
	[sflag:s5] =	ssyncset.done $0x0  }
0xf0: {  	[sflag:s5] =	ssyncadd.s32 $0xFFFFC000;
	s16 =	sadd.s32 s14, s16  }
0xf1: {  	[tilespmem:s22], [sflag:$0x9] =	stream.linear.gather [hbm4b:s16+s4], $0x100, $0x38;
	[tilespmem:$0x1C400] =	vst v63  }
0xf2: {  	_ = 	snop  }
0xf3: {  	[tilespmem:s29], [sflag:$0x1] =	stream.indirect.gather [hbm4b:s1+s28], $0x80, s24, s28, $0xb8;
	[tilespmem:$0x1C400] =	vst v63  }
0xf4: {  	_ =	swait.ge [sflag:s7], $0x4000  }
0xf5: {  	[sflag:s7] =	ssyncset.done $0x0  }
0xf6: {  	[sflag:s7] =	ssyncadd.s32 $0xFFFFC000  }
0xf7: {  	[spmem:s2] =	stream.indirect.scatter.add.f32 [tilespmem:s31], [sflag:$0x4], $0x80, s6, s28, $0xb8;
	[tilespmem:$0x1C400] =	vst v63  }
0xf8: {  	_ =	swait.ge [sflag:s8], $0x100  }
0xf9: {  	[sflag:s8] =	ssyncset.done $0x0  }
0xfa: {  	[sflag:s8] =	ssyncadd.s32 $0xFFFFFF00  }
0xfb: {  	_ =	swait.ge [sflag:s11], $0x4000  }
0xfc: {  	s16 =	rddreg [dreg:$0x6];
	[sflag:s11] =	ssyncset.done $0x0  }
0xfd: {  	[sflag:s11] =	ssyncadd.s32 $0xFFFFC000;
	s16 =	sadd.s32 s14, s16  }
0xfe: {  	[tilespmem:s23], [sflag:$0xA] =	stream.linear.gather [hbm4b:s16+s4], $0x100, $0x38;
	[tilespmem:$0x1C400] =	vst v63  }
0xff: {  	_ = 	snop  }
0x100: {  	[tilespmem:s31], [sflag:$0x2] =	stream.indirect.gather [hbm4b:s1+s28], $0x80, s25, s28, $0xb8;
	[tilespmem:$0x1C400] =	vst v63  }
0x101: {  	_ =	swait.ge [sflag:s0], $0x4000  }
0x102: {  	[sflag:s0] =	ssyncset.done $0x0  }
0x103: {  	[sflag:s0] =	ssyncadd.s32 $0xFFFFC000  }
0x104: {  	[spmem:s2] =	stream.indirect.scatter.add.f32 [tilespmem:s29], [sflag:$0x3], $0x80, s18, s28, $0xb8;
	[tilespmem:$0x1C400] =	vst v63  }
0x105: {  	_ =	swait.ge [sflag:s26], $0x100  }
0x106: {  	[sflag:s26] =	ssyncset.done $0x0  }
0x107: {  	[sflag:s26] =	ssyncadd.s32 $0xFFFFFF00  }
0x108: {  	_ =	swait.ge [sflag:s5], $0x4000  }
0x109: {  	s16 =	rddreg [dreg:$0x5];
	[sflag:s5] =	ssyncset.done $0x0  }
0x10a: {  	[sflag:s5] =	ssyncadd.s32 $0xFFFFC000;
	s16 =	sadd.s32 s14, s16  }
0x10b: {  	[tilespmem:s24], [sflag:$0xB] =	stream.linear.gather [hbm4b:s16+s4], $0x100, $0x38;
	[tilespmem:$0x1C400] =	vst v63  }
0x10c: {  	_ = 	snop  }
0x10d: {  	[tilespmem:s29], [sflag:$0x1] =	stream.indirect.gather [hbm4b:s1+s28], $0x80, s4, s28, $0xb8;
	[tilespmem:$0x1C400] =	vst v63  }
0x10e: {  	_ =	swait.ge [sflag:s7], $0x4000  }
0x10f: {  	[sflag:s7] =	ssyncset.done $0x0  }
0x110: {  	[sflag:s7] =	ssyncadd.s32 $0xFFFFC000  }
0x111: {  	[spmem:s2] =	stream.indirect.scatter.add.f32 [tilespmem:s31], [sflag:$0x4], $0x80, s9, s28, $0xb8;
	[tilespmem:$0x1C400] =	vst v63  }
0x112: {  	_ =	swait.ge [sflag:s30], $0x100  }
0x113: {  	p0 =	sne.s32 s12, $0x800;
	[sflag:s30] =	ssyncset.done $0x0  }
.Ltmp0:
0x114: {  	[sflag:s30] =	ssyncadd.s32 $0xFFFFFF00;
	(pc) =	sbr.rel @p0 .LBB2_2-.Ltmp0, $4  }
0x115: {  	_ =	swait.ge [sflag:s11], $0x4000  }
0x116: {  	s16 =	rddreg [dreg:$0x4];
	[sflag:s11] =	ssyncset.done $0x0  }
0x117: {  	s12 =	sadd.s32 $0x100, s12;
	[sflag:s11] =	ssyncadd.s32 $0xFFFFC000;
	s14 =	sadd.s32 s14, s16  }
0x118: {  	[tilespmem:s25], [sflag:$0xC] =	stream.linear.gather [hbm4b:s14+s4], $0x100, $0x38;
	[tilespmem:$0x1C400] =	vst v63  }
0x119: {  	[tilespmem:s31], [sflag:$0x2] =	stream.indirect.gather [hbm4b:s1+s28], $0x80, s19, s28, $0xb8;
	[tilespmem:$0x1C400] =	vst v63  }
0x11a: {  	_ =	swait.ge [sflag:s0], $0x4000  }
0x11b: {  	[sflag:s0] =	ssyncset.done $0x0  }
0x11c: {  	[sflag:s0] =	ssyncadd.s32 $0xFFFFC000  }
0x11d: {  	[spmem:s2] =	stream.indirect.scatter.add.f32 [tilespmem:s29], [sflag:$0x3], $0x80, s28, s28, $0xb8;
	[tilespmem:$0x1C400] =	vst v63  }
0x11e: {  	_ =	swait.ge [sflag:s5], $0x4000  }
0x11f: {  	[sflag:s5] =	ssyncset.done $0x0  }
0x120: {  	[sflag:s5] =	ssyncadd.s32 $0xFFFFC000  }
0x121: {  	_ =	swait.ge [sflag:s3], $0x100  }
0x122: {  	[sflag:s3] =	ssyncset.done $0x0  }
0x123: {  	[sflag:s3] =	ssyncadd.s32 $0xFFFFFF00  }
0x124: {  	[tilespmem:s29], [sflag:$0x1] =	stream.indirect.gather [hbm4b:s1+s28], $0x80, s20, s28, $0xb8;
	[tilespmem:$0x1C400] =	vst v63  }
0x125: {  	_ =	swait.ge [sflag:s7], $0x4000  }
0x126: {  	[sflag:s7] =	ssyncset.done $0x0  }
0x127: {  	s12 =	simm.s32 $0x180;
	[sflag:s7] =	ssyncadd.s32 $0xFFFFC000  }
0x128: {  	[spmem:s2] =	stream.indirect.scatter.add.f32 [tilespmem:s31], [sflag:$0x4], $0x80, s12, s28, $0xb8;
	[tilespmem:$0x1C400] =	vst v63  }
0x129: {  	_ =	swait.ge [sflag:s11], $0x4000  }
0x12a: {  	[sflag:s11] =	ssyncset.done $0x0  }
0x12b: {  	[sflag:s11] =	ssyncadd.s32 $0xFFFFC000  }
0x12c: {  	_ =	swait.ge [sflag:s10], $0x100  }
0x12d: {  	[sflag:s10] =	ssyncset.done $0x0  }
0x12e: {  	[sflag:s10] =	ssyncadd.s32 $0xFFFFFF00  }
0x12f: {  	[tilespmem:s31], [sflag:$0x2] =	stream.indirect.gather [hbm4b:s1+s28], $0x80, s21, s28, $0xb8;
	[tilespmem:$0x1C400] =	vst v63  }
0x130: {  	_ =	swait.ge [sflag:s0], $0x4000  }
0x131: {  	[sflag:s0] =	ssyncset.done $0x0  }
0x132: {  	s16 =	simm.s32 $0x280;
	[sflag:s0] =	ssyncadd.s32 $0xFFFFC000  }
0x133: {  	[spmem:s2] =	stream.indirect.scatter.add.f32 [tilespmem:s29], [sflag:$0x3], $0x80, s16, s28, $0xb8;
	[tilespmem:$0x1C400] =	vst v63  }
0x134: {  	_ =	swait.ge [sflag:s5], $0x4000  }
0x135: {  	[sflag:s5] =	ssyncset.done $0x0  }
0x136: {  	[sflag:s5] =	ssyncadd.s32 $0xFFFFC000  }
0x137: {  	_ =	swait.ge [sflag:s13], $0x100  }
0x138: {  	[sflag:s13] =	ssyncset.done $0x0  }
0x139: {  	[sflag:s13] =	ssyncadd.s32 $0xFFFFFF00  }
0x13a: {  	[tilespmem:s29], [sflag:$0x1] =	stream.indirect.gather [hbm4b:s1+s28], $0x80, s22, s28, $0xb8;
	[tilespmem:$0x1C400] =	vst v63  }
0x13b: {  	_ =	swait.ge [sflag:s7], $0x4000  }
0x13c: {  	[sflag:s7] =	ssyncset.done $0x0  }
0x13d: {  	s14 =	simm.s32 $0x380;
	[sflag:s7] =	ssyncadd.s32 $0xFFFFC000  }
0x13e: {  	[spmem:s2] =	stream.indirect.scatter.add.f32 [tilespmem:s31], [sflag:$0x4], $0x80, s14, s28, $0xb8;
	[tilespmem:$0x1C400] =	vst v63  }
0x13f: {  	_ =	swait.ge [sflag:s11], $0x4000  }
0x140: {  	[sflag:s11] =	ssyncset.done $0x0  }
0x141: {  	[sflag:s11] =	ssyncadd.s32 $0xFFFFC000  }
0x142: {  	_ =	swait.ge [sflag:s15], $0x100  }
0x143: {  	[sflag:s15] =	ssyncset.done $0x0  }
0x144: {  	[sflag:s15] =	ssyncadd.s32 $0xFFFFFF00  }
0x145: {  	[tilespmem:s31], [sflag:$0x2] =	stream.indirect.gather [hbm4b:s1+s28], $0x80, s23, s28, $0xb8;
	[tilespmem:$0x1C400] =	vst v63  }
0x146: {  	_ =	swait.ge [sflag:s0], $0x4000  }
0x147: {  	[sflag:s0] =	ssyncset.done $0x0  }
0x148: {  	s16 =	simm.s32 $0x480;
	[sflag:s0] =	ssyncadd.s32 $0xFFFFC000  }
0x149: {  	[spmem:s2] =	stream.indirect.scatter.add.f32 [tilespmem:s29], [sflag:$0x3], $0x80, s16, s28, $0xb8;
	[tilespmem:$0x1C400] =	vst v63  }
0x14a: {  	_ =	swait.ge [sflag:s5], $0x4000  }
0x14b: {  	[sflag:s5] =	ssyncset.done $0x0  }
0x14c: {  	[sflag:s5] =	ssyncadd.s32 $0xFFFFC000  }
0x14d: {  	_ =	swait.ge [sflag:s17], $0x100  }
0x14e: {  	[sflag:s17] =	ssyncset.done $0x0  }
0x14f: {  	[sflag:s17] =	ssyncadd.s32 $0xFFFFFF00  }
0x150: {  	[tilespmem:s29], [sflag:$0x1] =	stream.indirect.gather [hbm4b:s1+s28], $0x80, s24, s28, $0xb8;
	[tilespmem:$0x1C400] =	vst v63  }
0x151: {  	_ =	swait.ge [sflag:s7], $0x4000  }
0x152: {  	[sflag:s7] =	ssyncset.done $0x0  }
0x153: {  	[sflag:s7] =	ssyncadd.s32 $0xFFFFC000  }
0x154: {  	[spmem:s2] =	stream.indirect.scatter.add.f32 [tilespmem:s31], [sflag:$0x4], $0x80, s6, s28, $0xb8;
	[tilespmem:$0x1C400] =	vst v63  }
0x155: {  	_ =	swait.ge [sflag:s11], $0x4000  }
0x156: {  	[sflag:s11] =	ssyncset.done $0x0  }
0x157: {  	[sflag:s11] =	ssyncadd.s32 $0xFFFFC000  }
0x158: {  	_ =	swait.ge [sflag:s8], $0x100  }
0x159: {  	[sflag:s8] =	ssyncset.done $0x0  }
0x15a: {  	[sflag:s8] =	ssyncadd.s32 $0xFFFFFF00  }
0x15b: {  	[tilespmem:s31], [sflag:$0x2] =	stream.indirect.gather [hbm4b:s1+s28], $0x80, s25, s28, $0xb8;
	[tilespmem:$0x1C400] =	vst v63  }
0x15c: {  	_ =	swait.ge [sflag:s0], $0x4000  }
0x15d: {  	[sflag:s0] =	ssyncset.done $0x0  }
0x15e: {  	[sflag:s0] =	ssyncadd.s32 $0xFFFFC000  }
0x15f: {  	[spmem:s2] =	stream.indirect.scatter.add.f32 [tilespmem:s29], [sflag:$0x3], $0x80, s18, s28, $0xb8;
	[tilespmem:$0x1C400] =	vst v63  }
0x160: {  	_ =	swait.ge [sflag:s5], $0x4000  }
0x161: {  	[sflag:s5] =	ssyncset.done $0x0  }
0x162: {  	[sflag:s5] =	ssyncadd.s32 $0xFFFFC000  }
0x163: {  	_ =	swait.ge [sflag:s7], $0x4000  }
0x164: {  	[sflag:s7] =	ssyncset.done $0x0  }
0x165: {  	[sflag:s7] =	ssyncadd.s32 $0xFFFFC000  }
0x166: {  	[spmem:s2] =	stream.indirect.scatter.add.f32 [tilespmem:s31], [sflag:$0x4], $0x80, s9, s28, $0xb8;
	[tilespmem:$0x1C400] =	vst v63  }
0x167: {  	_ =	swait.ge [sflag:s11], $0x4000  }
0x168: {  	[sflag:s11] =	ssyncset.done $0x0  }
0x169: {  	[sflag:s11] =	ssyncadd.s32 $0xFFFFC000  }
0x16a: {  	[bflag:$0x0] =	sbarrier.arrive $0xFFFF  }
0x16b: {  	s16 =	rddreg [dreg:$0xf]  }
0x16c: {  	s12 =	rddreg [dreg:$0x17]  }
0x16d: {  	s14 =	rddreg [dreg:$0x1a]  }
0x16e: {  	[hbm:s12], [sflag:s16] =	dma.local [spmem:s14], $0x2780  }
0x16f: {  	s16 =	simm.s32 $0xD  }
0x170: {  	_ =	swait.ge [sflag:s16], $0x2780  }
0x171: {  	s12 =	rddreg [dreg:$0x19]  }
0x172: {  	s14 =	sadd.s32 $0x1, s12;
	s12 =	rddreg [dreg:$0x18]  }
0x173: {  	p0 =	sne.s32 s14, s12  }
.Ltmp1:
0x174: {  	_ = 	snop;
	(pc) =	sbr.rel @p0 .LBB2_1-.Ltmp1, $3  }
0x175: {  	_ =	sdelay $0x1  }
0x176: {  	[sflag:s16] =	ssyncset.done $0x0  }
0x177: {  	[sflag:s16] =	ssyncadd.s32 $0xFFFFD880;
	[dreg:$0x19] =	wrdreg s14  }
0x178: {  	_ =	sfence.sel $0x180000  }
0x179: {  	[bflag:$0x0] =	sbarrier.arrive $0xFFFF  }
0x17a: {  	_ =	strace $0x90000047  }
0x17b: {  	s0 =	stileid.u32;
	[bflag:$0x2] =	sbarrier.arrive $0xFFFF  }
0x17c: {  	p0 =	sne.s32 s0, $0x0;
	s0 =	rddreg [dreg:$0x3]  }
0x17d: {  	s0 =	sadd.s32 @!p0 $0x100000, s0  }
0x17e: {  	[sflag:s0] =	ssyncadd.tile.s32 @!p0 $0x1;
	_ =	shalt  }
.Lfunc_end2:
_tile_overlayer_lowered:
.L_overlay_start_2:
0x17f: {  	(tag) =	ssettag $0x2  }
0x180: {  	s0 =	rddreg [dreg:$0x0];
	s2 =	stileid.u32  }
0x181: {  	s1 =	rddreg [dreg:$0x1];
	p0 =	sne.s32 s2, $0x0  }
0x182: {  	s3 =	rddreg [dreg:$0x2];
	[bflag:$0x3] =	sbarrier.arrive $0xFFFF;
	s2 =	simm.s32 @!p0 $0x1C0D  }
0x183: {  	[timem:s3], [sflag:s2] =	dma.local @!p0 [hbm:s0], s1  }
0x184: {  	s0 =	simm.s32 @!p0 $0xD  }
0x185: {  	_ =	swait.ge @!p0 [sflag:s0], s1  }
0x186: {  	s1 =	ssub.s32 @!p0 $0x0, s1;
	[sflag:s0] =	ssyncset.done @!p0 $0x0  }
0x187: {  	[sflag:s0] =	ssyncadd.s32 @!p0 s1  }
0x188: {  	[bflag:$0x3] =	sbarrier.arrive $0xFFFF  }
0x189: {  	_ =	shalt  }

// kernel: kernel.9.cloned.1.call-start
scs
__scs_entry_jumppad:
0x0: {  	(pc) =	sbr.rel $0x88, $3  }
0x1: {  	(tag) =	ssettag $0x0;
	lr =	simm.s32 $0x1  }
0x2: {  	[smem:$0x3F98] =	sst lr;
	_ =	strace $0xD0000000  }
0x3: {  	_ = 	snop  }
0x4: {  	_ = 	snop  }
0x5: {  	_ = 	snop  }
0x6: {  	_ = 	snop  }
0x7: {  	_ = 	snop  }
__scs_overlays_trampoline_lowered:
0x8: {  	[smem:$0x3FA7] =	sst s0  }
0x9: {  	[smem:$0x3FA8] =	sst s1  }
0xa: {  	[smem:$0x3FA9] =	sst s2  }
0xb: {  	[smem:$0x3FAA] =	sst s3  }
0xc: {  	[smem:$0x3FAB] =	sst s4  }
0xd: {  	[smem:$0x3FAC] =	sst s5  }
0xe: {  	[smem:$0x3FAD] =	sst s6  }
0xf: {  	[smem:$0x3FAE] =	sst s7  }
0x10: {  	[smem:$0x3FAF] =	sst s8  }
0x11: {  	[smem:$0x3FB0] =	sst s9;
	s0 =	simm.s32 @!p0 $0x0  }
0x12: {  	s1 =	sld [smem:$0x3F96];
	s0 =	simm.s32 @p0 $0x1  }
0x13: {  	[smem:$0x3FB1] =	sst s0;
	s0 =	simm.s32 @!p1 $0x0  }
0x14: {  	s2 =	sld [smem:$0x3F95];
	s0 =	simm.s32 @p1 $0x1  }
0x15: {  	[smem:$0x3FB2] =	sst s0;
	s0 =	simm.s32 @!p2 $0x0  }
0x16: {  	s3 =	sld [smem:$0x3FDB];
	s0 =	simm.s32 @p2 $0x1  }
0x17: {  	s4 =	simm.s32 $0x1BF5;
	[smem:$0x3FB4] =	sst s0  }
0x18: {  	s0 =	sld [smem:$0x3F97];
	_ =	swait.ge [sflag:s4], $0x0  }
0x19: {  	s7 =	sld [smem:$0x3F98]  }
0x1a: {  	s8 =	sadd.s32 $0xFFFFE003, lr  }
0x1b: {  	s9 =	sadd.s32 $0xFFFFFEF7, lr;
	s5 =	simm.s32 $0xFFFFFFFF;
	p2 =	slt.u32 s8, $0xFFFFF086  }
0x1c: {  	p1 =	slt.u32 s9, $0xF7A;
	s5 =	simm.s32 @!p2 $0x0  }
0x1d: {  	s5 =	simm.s32 @p1 $0x1;
	p0 =	seq.s32 s7, s2  }
0x1e: {  	s7 =	smul.u32 @!p0 $0xF7A, s2;
	p2 =	seq.s32 @!p0 s5, $0x0  }
0x1f: {  	s9 =	smul.u32 $0xF7A, s1;
	s8 =	simm.s32 @!p0 $0x1BF5;
	p2 =	por !p2, p0  }
0x20: {  	[sflag:s8] =	ssyncset.s32 @!p0 $0xFFFFF086;
	s6 =	sadd.s32 @!p0 s3, s7;
	s7 =	simm.s32 @!p0 $0x108  }
0x21: {  	s3 =	sadd.s32 s3, s9;
	s6 =	sadd.s32 @!p0 $0x88, s6;
	s7 =	simm.s32 @p2 $0x1082  }
0x22: {  	[simem:s7], [sflag:s8] =	dma.local @!p0 [hbm:s6], $0xF7A  }
0x23: {  	s9 =	sor.u32 $0xD0000000, s2;
	s6 =	simm.s32 $0x108;
	_ =	swait.ge @!p0 [sflag:s8], $0x0  }
0x24: {  	s3 =	sadd.s32 $0x88, s3;
	s6 =	simm.s32 @!p1 $0x1082;
	[sflag:s4] =	ssyncset.s32 $0xFFFFF086  }
0x25: {  	[simem:s6], [sflag:s4] =	dma.local [hbm:s3], $0xF7A  }
0x26: {  	[smem:$0x3F98] =	sst s1;
	(tag) =	ssettag s2;
	_ =	strace s9  }
0x27: {  	s1 =	sld [smem:$0x3FA8]  }
0x28: {  	s2 =	sld [smem:$0x3FA9]  }
0x29: {  	s4 =	sld [smem:$0x3FAB]  }
0x2a: {  	p0 =	seq.s32 s5, $0x0;
	s5 =	sld [smem:$0x3FAC]  }
0x2b: {  	s6 =	sld [smem:$0x3FAD]  }
0x2c: {  	s7 =	sld [smem:$0x3FAE]  }
0x2d: {  	s3 =	simm.s32 $0x108;
	s8 =	sld [smem:$0x3FAF]  }
0x2e: {  	s3 =	simm.s32 @!p0 $0x1082;
	s9 =	sld [smem:$0x3FB0]  }
0x2f: {  	lr =	sadd.s32 s0, s3;
	s0 =	sld [smem:$0x3FA7]  }
0x30: {  	s3 =	sld [smem:$0x3FAA]  }
0x31: {  	[smem:$0x3FB3] =	sst s10  }
0x32: {  	s10 =	sld [smem:$0x3FB1];
	_ =	sdelay $0x3  }
0x33: {  	p0 =	seq.s32 s10, $0x1;
	s10 =	sld [smem:$0x3FB3];
	_ =	sdelay $0x3  }
0x34: {  	[smem:$0x3FB3] =	sst s10  }
0x35: {  	s10 =	sld [smem:$0x3FB2];
	_ =	sdelay $0x3  }
0x36: {  	p1 =	seq.s32 s10, $0x1;
	s10 =	sld [smem:$0x3FB3];
	_ =	sdelay $0x3  }
0x37: {  	[smem:$0x3FB3] =	sst s10  }
0x38: {  	s10 =	sld [smem:$0x3FB4]  }
0x39: {  	_ = 	snop;
	(pc) =	sbr.ind lr, $3  }
0x3a: {  	_ = 	snop  }
0x3b: {  	_ = 	snop  }
0x3c: {  	p2 =	seq.s32 s10, $0x1;
	s10 =	sld [smem:$0x3FB3]  }
0x3d: {  	_ =	shalt  }
0x3e: {  	_ =	shalt  }
0x3f: {  	_ =	shalt  }
0x40: {  	_ =	shalt  }
0x41: {  	_ =	shalt  }
0x42: {  	_ =	shalt  }
0x43: {  	_ =	shalt  }
0x44: {  	_ =	shalt  }
0x45: {  	_ =	shalt  }
0x46: {  	_ =	shalt  }
0x47: {  	_ =	shalt  }
0x48: {  	_ =	shalt  }
0x49: {  	_ =	shalt  }
0x4a: {  	_ =	shalt  }
0x4b: {  	_ =	shalt  }
0x4c: {  	_ =	shalt  }
0x4d: {  	_ =	shalt  }
0x4e: {  	_ =	shalt  }
0x4f: {  	_ =	shalt  }
0x50: {  	_ =	shalt  }
0x51: {  	_ =	shalt  }
0x52: {  	_ =	shalt  }
0x53: {  	_ =	shalt  }
0x54: {  	_ =	shalt  }
0x55: {  	_ =	shalt  }
0x56: {  	_ =	shalt  }
0x57: {  	_ =	shalt  }
0x58: {  	_ =	shalt  }
0x59: {  	_ =	shalt  }
0x5a: {  	_ =	shalt  }
0x5b: {  	_ =	shalt  }
0x5c: {  	_ =	shalt  }
0x5d: {  	_ =	shalt  }
0x5e: {  	_ =	shalt  }
0x5f: {  	_ =	shalt  }
0x60: {  	_ =	shalt  }
0x61: {  	_ =	shalt  }
0x62: {  	_ =	shalt  }
0x63: {  	_ =	shalt  }
0x64: {  	_ =	shalt  }
0x65: {  	_ =	shalt  }
0x66: {  	_ =	shalt  }
0x67: {  	_ =	shalt  }
0x68: {  	_ =	shalt  }
0x69: {  	_ =	shalt  }
0x6a: {  	_ =	shalt  }
0x6b: {  	_ =	shalt  }
0x6c: {  	_ =	shalt  }
0x6d: {  	_ =	shalt  }
0x6e: {  	_ =	shalt  }
0x6f: {  	_ =	shalt  }
0x70: {  	_ =	shalt  }
0x71: {  	_ =	shalt  }
0x72: {  	_ =	shalt  }
0x73: {  	_ =	shalt  }
0x74: {  	_ =	shalt  }
0x75: {  	_ =	shalt  }
0x76: {  	_ =	shalt  }
0x77: {  	_ =	shalt  }
0x78: {  	_ =	shalt  }
0x79: {  	_ =	shalt  }
0x7a: {  	_ =	shalt  }
0x7b: {  	_ =	shalt  }
0x7c: {  	_ =	shalt  }
0x7d: {  	_ =	shalt  }
0x7e: {  	_ =	shalt  }
0x7f: {  	_ =	shalt  }
0x80: {  	_ =	shalt  }
0x81: {  	_ =	shalt  }
0x82: {  	_ =	shalt  }
0x83: {  	_ =	shalt  }
0x84: {  	_ =	shalt  }
0x85: {  	_ =	shalt  }
0x86: {  	_ =	shalt  }
0x87: {  	_ =	shalt  }
.Lfunc_end0:
.L_simem_size_0:
called_computation.1_lowered:
.L_overlay_start_0:
0x88: {  	s2 =	sld [smem:$0x3FD9]  }
0x89: {  	s3 =	sld [smem:$0x3FFE];
	_ =	sdelay $0x1  }
0x8a: {  	s1 =	srdreg.scid  }
0x8b: {  	s0 =	sand.u32 $0x1, s1  }
0x8c: {  	s16 =	sshll.u32 s0, $0xA;
	s2 =	sadd.s32 s3, s2  }
0x8d: {  	s2 =	sadd.s32 s2, s16  }
0x8e: {  	[smem:$0x3FBF] =	sst s2  }
0x8f: {  	_ = 	snop  }
0x90: {  	(tm) =	ssettm $0x1  }
0x91: {  	s17 =	sld [smem:$0x3FFB];
	_ =	sdelay $0x3  }
0x92: {  	_ =	strace s17  }
0x93: {  	s2 =	sld [smem:$0x3FFC];
	_ =	sdelay $0x3  }
0x94: {  	_ =	strace s2  }
0x95: {  	s2 =	sld [smem:$0x3FFD];
	_ =	sdelay $0x3  }
0x96: {  	_ =	strace s2  }
0x97: {  	_ =	strace $0x8FFFFFFF  }
0x98: {  	s18 =	sld [smem:$0x3FDB];
	_ =	sdelay $0x1  }
0x99: {  	s19 =	simm.s32 $_scs_section_size  }
0x9a: {  	s4 =	simm.s32 $_size__tile_overlayer_lowered;
	s5 =	simm.s32 $_tile_overlayer_lowered  }
0x9b: {  	s22 =	simm.s32 $0x1BFF;
	s21 =	sshll.u32 s5, $0x1;
	s2 =	sadd.s32 s19, s18  }
0x9c: {  	s6 =	simm.s32 $0x0;
	s20 =	sshll.u32 s4, $0x1;
	s4 =	sadd.s32 s21, s2  }
0x9d: {  	[timem:s6], [sflag:s22] =	dma.local [hbm:s4], s20  }
0x9e: {  	_ =	swait.ge [sflag:s22], s20  }
0x9f: {  	s3 =	ssub.s32 $0x0, s20;
	[sflag:s22] =	ssyncset.done $0x0  }
0xa0: {  	[sflag:s22] =	ssyncadd.s32 s3;
	_ =	sdelay $0x1  }
0xa1: {  	s23 =	simm.s32 $0x1B8B  }
0xa2: {  	_ =	swait.ge [sflag:s23], $0x1  }
0xa3: {  	[sflag:s23] =	ssyncset.done $0x0  }
0xa4: {  	s25 =	simm.s32 $0x1B8E;
	s24 =	sld [smem:$0x3FFE];
	[sflag:s23] =	ssyncadd.s32 $0xFFFFFFFF  }
0xa5: {  	s26 =	simm.s32 $execute0_lowered;
	[smem:$0x3FD2] =	sst s25  }
0xa6: {  	s4 =	sshll.u32 s26, $0x1;
	_ =	strace $0x80000049;
	[dreg:$0x1] =	wrdreg $0xFFFFFFFF  }
0xa7: {  	s28 =	simm.s32 $_size_execute0_lowered;
	s2 =	sadd.s32 s2, s4;
	[dreg:$0x0] =	wrdreg $0x0  }
0xa8: {  	s4 =	sshll.u32 s28, $0x1;
	[dreg:$0x2] =	wrdreg s2  }
0xa9: {  	[dreg:$0x3] =	wrdreg s4  }
0xaa: {  	[dreg:$0x4] =	wrdreg $0xC0  }
0xab: {  	_ =	task [dreg:s6], $0x5FFFF  }
0xac: {  	[dreg:$0x1] =	wrdreg $0xFFFFFFFF  }
0xad: {  	[dreg:$0x0] =	wrdreg $0x60  }
0xae: {  	[dreg:$0x2] =	wrdreg s24  }
0xaf: {  	[dreg:$0x3] =	wrdreg $0x88000  }
0xb0: {  	[dreg:$0x4] =	wrdreg $0x9  }
0xb1: {  	_ =	task.clear_ibuf [dreg:s6], $0x5FFFF;
	_ =	strace $0x90000049  }
0xb2: {  	s29 =	simm.s32 $0x9;
	_ =	strace $0x8000004B  }
0xb3: {  	_ =	swait.ge [sflag:s29], $0x1  }
0xb4: {  	[sflag:s29] =	ssyncadd.s32 $0xFFFFFFFF  }
0xb5: {  	_ =	strace $0x9000004B  }
0xb6: {  	_ =	sfence  }
0xb7: {  	s30 =	sld [smem:$0x0];
	_ =	sdelay $0x2  }
0xb8: {  	s31 =	sshll.u32 s1, $0xD;
	s1 =	sshrl.u32 s1, $0x2  }
0xb9: {  	s3 =	sand.u32 $0x4000, s31;
	s1 =	sadd.s32 s1, s30  }
0xba: {  	s0 =	sor.u32 s3, s0;
	s1 =	sshll.u32 s1, $0x11  }
0xbb: {  	s0 =	sor.u32 s1, s0  }
0xbc: {  	s0 =	sadd.s32 $0x8F2B, s0  }
0xbd: {  	[sflag:s0] =	ssyncadd.remote.s32 $0x1  }
0xbe: {  	_ =	sfence.sel $0xFFFF  }
0xbf: {  	[dreg:$0x0] =	wrdreg $0xFFFFFFFF;
	(pc) =	sbr.abs _section_cstart, $3  }
0xc0: {  	[dreg:$0x1] =	wrdreg $0xFFFFFFFF  }
0xc1: {  	_ =	task.clear_ibuf [dreg:s6], $0x2FFFF;
	_ =	strace $0x9FFFFFFF  }
0xc2: {  	(tm) =	ssettm $0x7FFFFFFF  }
0xc3: {  	_ =	shalt  }
tec
execute0_lowered:
.L_overlay_start_1:
0x0: {  	(tag) =	ssettag $0x1  }
0x1: {  	s0 =	rddreg [dreg:$0x0]  }
0x2: {  	s1 =	rddreg [dreg:$0x1]  }
0x3: {  	s2 =	srdreg.scid;
	s3 =	simm.s32 $0x0;
	s11 =	stileid.u32  }
0x4: {  	s28 =	simm.s32 $0x80;
	s29 =	simm.s32 $0x800;
	s30 =	simm.s32 $0x6  }
0x5: {  	s31 =	simm.s32 $0x4800;
	s2 =	sand.u32 $0x1, s2;
	s6 =	smul.u32 $0x13C00, s11  }
0x6: {  	[smem:$0x7FF] =	sst s3;
	s4 =	sadd.s32 $0x18A00, s0;
	s9 =	smul.u32 $0x4F000, s11  }
0x7: {  	s7 =	sadd.s32 $0x2200, s0;
	s21 =	sshll.u32 s11, $0x1;
	s23 =	smul.u32 $0xA000, s11  }
0x8: {  	s12 =	sadd.s32 $0x16200, s0;
	s24 =	sshll.u32 s11, $0x6;
	s5 =	smul.u32 $0x13C000, s2  }
0x9: {  	_ =	strace $0x8000004A;
	s8 =	ssub.s32 $0x2, s2;
	[dreg:$0xb] =	wrdreg s12  }
0xa: {  	s10 =	sshrl.u32 s8, $0x1;
	s22 =	sshrl.u32 s9, $0x2;
	s5 =	sadd.s32 s6, s5  }
0xb: {  	s6 =	sor.u32 s2, s21;
	s2 =	smul.u32 $0x5000, s2;
	s26 =	sadd.s32 s22, s1  }
0xc: {  	s5 =	sshrl.u32 s5, $0x3;
	s6 =	smul.u32 $0x5000, s6;
	[dreg:$0xd] =	wrdreg s26  }
0xd: {  	s0 =	sadd.s32 s5, s0;
	s5 =	ssub.s32 s8, s10;
	s8 =	sor.u32 $0x1C0D, s24  }
0xe: {  	s2 =	sadd.s32 s2, s23;
	s6 =	sshrl.u32 s6, $0x3;
	[dreg:$0xe] =	wrdreg s8  }
0xf: {  	s16 =	sor.u32 $0xF00, s2;
	s18 =	sor.u32 $0xE00, s2;
	s21 =	sor.u32 $0xD00, s2  }
0x10: {  	s23 =	sor.u32 $0xC00, s2;
	s24 =	sor.u32 $0xB00, s2;
	s0 =	sadd.s32 $0x3FC00, s0  }
0x11: {  	s25 =	sadd.s32 s7, s6;
	s6 =	sshrl.u32 s16, $0x3;
	[dreg:$0x16] =	wrdreg s0  }
0x12: {  	s8 =	sshrl.u32 s18, $0x3;
	s16 =	simm.s32 $0x0;
	[dreg:$0xc] =	wrdreg s25  }
0x13: {  	s22 =	sshrl.u32 s21, $0x3;
	s10 =	sadd.s32 $0x20, s25;
	[dreg:$0x18] =	wrdreg s16  }
0x14: {  	s26 =	sshrl.u32 s24, $0x3;
	s12 =	sadd.s32 $0x40, s25;
	[dreg:$0xf] =	wrdreg s10  }
0x15: {  	s21 =	simm.s32 $0x300;
	s13 =	sadd.s32 $0x60, s25;
	[dreg:$0x10] =	wrdreg s12  }
0x16: {  	s24 =	simm.s32 $0x600;
	s14 =	sadd.s32 $0x80, s25;
	[dreg:$0x11] =	wrdreg s13  }
0x17: {  	s0 =	simm.s32 $0x1;
	s15 =	sadd.s32 $0xA0, s25;
	[dreg:$0x12] =	wrdreg s14  }
0x18: {  	s18 =	simm.s32 $0x680;
	s17 =	sadd.s32 $0xC0, s25;
	[dreg:$0x13] =	wrdreg s15  }
0x19: {  	s19 =	sadd.s32 $0xE0, s25;
	s6 =	sadd.s32 s6, s7;
	[dreg:$0x14] =	wrdreg s17  }
0x1a: {  	s20 =	sadd.s32 s8, s7;
	s8 =	sshrl.u32 s23, $0x3;
	[dreg:$0x15] =	wrdreg s19  }
0x1b: {  	s9 =	sadd.s32 s26, s7;
	s23 =	simm.s32 $0x500;
	[dreg:$0x3] =	wrdreg s6  }
0x1c: {  	s26 =	simm.s32 $0x5;
	[dreg:$0x4] =	wrdreg s20;
	s6 =	sadd.s32 s22, s7  }
0x1d: {  	s25 =	sadd.s32 s8, s7;
	s10 =	sor.u32 $0xA00, s2;
	[dreg:$0x7] =	wrdreg s9  }
0x1e: {  	s12 =	sor.u32 $0x900, s2;
	s2 =	sor.u32 $0x800, s2;
	s15 =	smax.u32 s5, $0x1  }
0x1f: {  	s19 =	simm.s32 $0x100;
	s20 =	simm.s32 $0x200;
	s22 =	simm.s32 $0x400  }
0x20: {  	s5 =	simm.s32 $0x3;
	s17 =	simm.s32 $0xB;
	[dreg:$0x5] =	wrdreg s6  }
0x21: {  	s9 =	simm.s32 $0x780;
	[dreg:$0x6] =	wrdreg s25;
	s11 =	sshrl.u32 s10, $0x3  }
0x22: {  	s8 =	sshrl.u32 s12, $0x3;
	s2 =	sshrl.u32 s2, $0x3;
	[dreg:$0x17] =	wrdreg s15  }
0x23: {  	s25 =	simm.s32 $0x700;
	s10 =	simm.s32 $0x8;
	s15 =	simm.s32 $0xA  }
0x24: {  	s6 =	sadd.s32 s11, s7;
	s13 =	sadd.s32 s8, s7;
	s14 =	sadd.s32 s2, s7  }
0x25: {  	s2 =	simm.s32 $0x7;
	s7 =	simm.s32 $0x2;
	[dreg:$0x8] =	wrdreg s6  }
0x26: {  	s11 =	simm.s32 $0x4;
	s8 =	simm.s32 $0xC;
	[dreg:$0x9] =	wrdreg s13  }
0x27: {  	[dreg:$0xa] =	wrdreg s14;
	s13 =	simm.s32 $0x9;
	s6 =	simm.s32 $0x580  }
.LBB2_1:
0x28: {  	s12 =	rddreg [dreg:$0xd]  }
0x29: {  	s16 =	rddreg [dreg:$0xe];
	s12 =	sshrl.u32 s12, $0x3  }
0x2a: {  	[dreg:$0x19] =	wrdreg s12  }
0x2b: {  	s12 =	rddreg [dreg:$0xb]  }
0x2c: {  	s14 =	rddreg [dreg:$0x19]  }
0x2d: {  	[spmem:s14], [sflag:s16] =	dma.local [hbm:s12], $0x2780  }
0x2e: {  	s16 =	simm.s32 $0xD  }
0x2f: {  	_ =	swait.ge [sflag:s16], $0x2780  }
0x30: {  	[sflag:s16] =	ssyncset.done $0x0  }
0x31: {  	[sflag:s16] =	ssyncadd.s32 $0xFFFFD880  }
0x32: {  	[bflag:$0x0] =	sbarrier.arrive $0xFFFF  }
0x33: {  	s14 =	rddreg [dreg:$0xc]  }
0x34: {  	[tilespmem:s3], [sflag:$0x5] =	stream.linear.gather [hbm4b:s14+s3], $0x100, $0x38;
	[tilespmem:$0x1C400] =	vst v63  }
0x35: {  	s16 =	rddreg [dreg:$0xf]  }
0x36: {  	[tilespmem:s19], [sflag:$0x6] =	stream.linear.gather [hbm4b:s16+s3], $0x100, $0x38;
	[tilespmem:$0x1C400] =	vst v63  }
0x37: {  	s14 =	rddreg [dreg:$0x10]  }
0x38: {  	[tilespmem:s20], [sflag:$0x7] =	stream.linear.gather [hbm4b:s14+s3], $0x100, $0x38;
	[tilespmem:$0x1C400] =	vst v63  }
0x39: {  	s16 =	rddreg [dreg:$0x11]  }
0x3a: {  	[tilespmem:s21], [sflag:$0x8] =	stream.linear.gather [hbm4b:s16+s3], $0x100, $0x38;
	[tilespmem:$0x1C400] =	vst v63  }
0x3b: {  	s14 =	rddreg [dreg:$0x12]  }
0x3c: {  	[tilespmem:s22], [sflag:$0x9] =	stream.linear.gather [hbm4b:s14+s3], $0x100, $0x38;
	[tilespmem:$0x1C400] =	vst v63  }
0x3d: {  	s16 =	rddreg [dreg:$0x13]  }
0x3e: {  	[tilespmem:s23], [sflag:$0xA] =	stream.linear.gather [hbm4b:s16+s3], $0x100, $0x38;
	[tilespmem:$0x1C400] =	vst v63  }
0x3f: {  	s14 =	rddreg [dreg:$0x14]  }
0x40: {  	[tilespmem:s24], [sflag:$0xB] =	stream.linear.gather [hbm4b:s14+s3], $0x100, $0x38;
	[tilespmem:$0x1C400] =	vst v63  }
0x41: {  	s16 =	rddreg [dreg:$0x15]  }
0x42: {  	[tilespmem:s25], [sflag:$0xC] =	stream.linear.gather [hbm4b:s16+s3], $0x100, $0x38;
	[tilespmem:$0x1C400] =	vst v63  }
0x43: {  	_ =	swait.ge [sflag:s26], $0x100  }
0x44: {  	[sflag:s26] =	ssyncset.done $0x0  }
0x45: {  	[sflag:s26] =	ssyncadd.s32 $0xFFFFFF00  }
0x46: {  	[tilespmem:s29], [sflag:$0x1] =	stream.indirect.gather [hbm4b:s4+s28], $0x80, s3, s28, $0xb8;
	[tilespmem:$0x1C400] =	vst v63  }
0x47: {  	_ =	swait.ge [sflag:s30], $0x100  }
0x48: {  	[sflag:s30] =	ssyncset.done $0x0  }
0x49: {  	[sflag:s30] =	ssyncadd.s32 $0xFFFFFF00  }
0x4a: {  	[tilespmem:s31], [sflag:$0x2] =	stream.indirect.gather [hbm4b:s4+s28], $0x80, s19, s28, $0xb8;
	[tilespmem:$0x1C400] =	vst v63  }
0x4b: {  	_ =	swait.ge [sflag:s0], $0x4000  }
0x4c: {  	[sflag:s0] =	ssyncset.done $0x0  }
0x4d: {  	[sflag:s0] =	ssyncadd.s32 $0xFFFFC000  }
0x4e: {  	[spmem:s1] =	stream.indirect.scatter.add.f32 [tilespmem:s29], [sflag:$0x3], $0x80, s28, s28, $0xb8;
	[tilespmem:$0x1C400] =	vst v63  }
0x4f: {  	_ =	swait.ge [sflag:s2], $0x100  }
0x50: {  	[sflag:s2] =	ssyncset.done $0x0  }
0x51: {  	[sflag:s2] =	ssyncadd.s32 $0xFFFFFF00  }
0x52: {  	_ =	swait.ge [sflag:s5], $0x4000  }
0x53: {  	s14 =	rddreg [dreg:$0xa];
	[sflag:s5] =	ssyncset.done $0x0  }
0x54: {  	[sflag:s5] =	ssyncadd.s32 $0xFFFFC000;
	s12 =	sadd.s32 $0x0, s14  }
0x55: {  	[tilespmem:s3], [sflag:$0x5] =	stream.linear.gather [hbm4b:s12+s3], $0x100, $0x38;
	[tilespmem:$0x1C400] =	vst v63  }
0x56: {  	_ = 	snop  }
0x57: {  	[tilespmem:s29], [sflag:$0x1] =	stream.indirect.gather [hbm4b:s4+s28], $0x80, s20, s28, $0xb8;
	[tilespmem:$0x1C400] =	vst v63  }
0x58: {  	_ =	swait.ge [sflag:s7], $0x4000  }
0x59: {  	[sflag:s7] =	ssyncset.done $0x0  }
0x5a: {  	s16 =	simm.s32 $0x180;
	[sflag:s7] =	ssyncadd.s32 $0xFFFFC000  }
0x5b: {  	[spmem:s1] =	stream.indirect.scatter.add.f32 [tilespmem:s31], [sflag:$0x4], $0x80, s16, s28, $0xb8;
	[tilespmem:$0x1C400] =	vst v63  }
0x5c: {  	_ =	swait.ge [sflag:s10], $0x100  }
0x5d: {  	[sflag:s10] =	ssyncset.done $0x0  }
0x5e: {  	[sflag:s10] =	ssyncadd.s32 $0xFFFFFF00  }
0x5f: {  	_ =	swait.ge [sflag:s11], $0x4000  }
0x60: {  	s14 =	rddreg [dreg:$0x9];
	[sflag:s11] =	ssyncset.done $0x0  }
0x61: {  	[sflag:s11] =	ssyncadd.s32 $0xFFFFC000;
	s12 =	sadd.s32 $0x0, s14  }
0x62: {  	[tilespmem:s19], [sflag:$0x6] =	stream.linear.gather [hbm4b:s12+s3], $0x100, $0x38;
	[tilespmem:$0x1C400] =	vst v63  }
0x63: {  	_ = 	snop  }
0x64: {  	[tilespmem:s31], [sflag:$0x2] =	stream.indirect.gather [hbm4b:s4+s28], $0x80, s21, s28, $0xb8;
	[tilespmem:$0x1C400] =	vst v63  }
0x65: {  	_ =	swait.ge [sflag:s0], $0x4000  }
0x66: {  	[sflag:s0] =	ssyncset.done $0x0  }
0x67: {  	s16 =	simm.s32 $0x280;
	[sflag:s0] =	ssyncadd.s32 $0xFFFFC000  }
0x68: {  	[spmem:s1] =	stream.indirect.scatter.add.f32 [tilespmem:s29], [sflag:$0x3], $0x80, s16, s28, $0xb8;
	[tilespmem:$0x1C400] =	vst v63  }
0x69: {  	_ =	swait.ge [sflag:s13], $0x100  }
0x6a: {  	[sflag:s13] =	ssyncset.done $0x0  }
0x6b: {  	[sflag:s13] =	ssyncadd.s32 $0xFFFFFF00  }
0x6c: {  	_ =	swait.ge [sflag:s5], $0x4000  }
0x6d: {  	s14 =	rddreg [dreg:$0x8];
	[sflag:s5] =	ssyncset.done $0x0  }
0x6e: {  	[sflag:s5] =	ssyncadd.s32 $0xFFFFC000;
	s12 =	sadd.s32 $0x0, s14  }
0x6f: {  	[tilespmem:s20], [sflag:$0x7] =	stream.linear.gather [hbm4b:s12+s3], $0x100, $0x38;
	[tilespmem:$0x1C400] =	vst v63  }
0x70: {  	_ = 	snop  }
0x71: {  	[tilespmem:s29], [sflag:$0x1] =	stream.indirect.gather [hbm4b:s4+s28], $0x80, s22, s28, $0xb8;
	[tilespmem:$0x1C400] =	vst v63  }
0x72: {  	_ =	swait.ge [sflag:s7], $0x4000  }
0x73: {  	[sflag:s7] =	ssyncset.done $0x0  }
0x74: {  	s16 =	simm.s32 $0x380;
	[sflag:s7] =	ssyncadd.s32 $0xFFFFC000  }
0x75: {  	[spmem:s1] =	stream.indirect.scatter.add.f32 [tilespmem:s31], [sflag:$0x4], $0x80, s16, s28, $0xb8;
	[tilespmem:$0x1C400] =	vst v63  }
0x76: {  	_ =	swait.ge [sflag:s15], $0x100  }
0x77: {  	[sflag:s15] =	ssyncset.done $0x0  }
0x78: {  	[sflag:s15] =	ssyncadd.s32 $0xFFFFFF00  }
0x79: {  	_ =	swait.ge [sflag:s11], $0x4000  }
0x7a: {  	s14 =	rddreg [dreg:$0x7];
	[sflag:s11] =	ssyncset.done $0x0  }
0x7b: {  	[sflag:s11] =	ssyncadd.s32 $0xFFFFC000;
	s12 =	sadd.s32 $0x0, s14  }
0x7c: {  	[tilespmem:s21], [sflag:$0x8] =	stream.linear.gather [hbm4b:s12+s3], $0x100, $0x38;
	[tilespmem:$0x1C400] =	vst v63  }
0x7d: {  	_ = 	snop  }
0x7e: {  	[tilespmem:s31], [sflag:$0x2] =	stream.indirect.gather [hbm4b:s4+s28], $0x80, s23, s28, $0xb8;
	[tilespmem:$0x1C400] =	vst v63  }
0x7f: {  	_ =	swait.ge [sflag:s0], $0x4000  }
0x80: {  	[sflag:s0] =	ssyncset.done $0x0  }
0x81: {  	s16 =	simm.s32 $0x480;
	[sflag:s0] =	ssyncadd.s32 $0xFFFFC000  }
0x82: {  	[spmem:s1] =	stream.indirect.scatter.add.f32 [tilespmem:s29], [sflag:$0x3], $0x80, s16, s28, $0xb8;
	[tilespmem:$0x1C400] =	vst v63  }
0x83: {  	_ =	swait.ge [sflag:s17], $0x100  }
0x84: {  	[sflag:s17] =	ssyncset.done $0x0  }
0x85: {  	[sflag:s17] =	ssyncadd.s32 $0xFFFFFF00  }
0x86: {  	_ =	swait.ge [sflag:s5], $0x4000  }
0x87: {  	s14 =	rddreg [dreg:$0x6];
	[sflag:s5] =	ssyncset.done $0x0  }
0x88: {  	[sflag:s5] =	ssyncadd.s32 $0xFFFFC000;
	s12 =	sadd.s32 $0x0, s14  }
0x89: {  	[tilespmem:s22], [sflag:$0x9] =	stream.linear.gather [hbm4b:s12+s3], $0x100, $0x38;
	[tilespmem:$0x1C400] =	vst v63  }
0x8a: {  	_ = 	snop  }
0x8b: {  	[tilespmem:s29], [sflag:$0x1] =	stream.indirect.gather [hbm4b:s4+s28], $0x80, s24, s28, $0xb8;
	[tilespmem:$0x1C400] =	vst v63  }
0x8c: {  	_ =	swait.ge [sflag:s7], $0x4000  }
0x8d: {  	[sflag:s7] =	ssyncset.done $0x0  }
0x8e: {  	[sflag:s7] =	ssyncadd.s32 $0xFFFFC000  }
0x8f: {  	[spmem:s1] =	stream.indirect.scatter.add.f32 [tilespmem:s31], [sflag:$0x4], $0x80, s6, s28, $0xb8;
	[tilespmem:$0x1C400] =	vst v63  }
0x90: {  	_ =	swait.ge [sflag:s8], $0x100  }
0x91: {  	[sflag:s8] =	ssyncset.done $0x0  }
0x92: {  	[sflag:s8] =	ssyncadd.s32 $0xFFFFFF00  }
0x93: {  	_ =	swait.ge [sflag:s11], $0x4000  }
0x94: {  	s16 =	rddreg [dreg:$0x5];
	[sflag:s11] =	ssyncset.done $0x0  }
0x95: {  	[sflag:s11] =	ssyncadd.s32 $0xFFFFC000;
	s12 =	sadd.s32 $0x0, s16  }
0x96: {  	[tilespmem:s23], [sflag:$0xA] =	stream.linear.gather [hbm4b:s12+s3], $0x100, $0x38;
	[tilespmem:$0x1C400] =	vst v63  }
0x97: {  	_ = 	snop  }
0x98: {  	[tilespmem:s31], [sflag:$0x2] =	stream.indirect.gather [hbm4b:s4+s28], $0x80, s25, s28, $0xb8;
	[tilespmem:$0x1C400] =	vst v63  }
0x99: {  	_ =	swait.ge [sflag:s0], $0x4000  }
0x9a: {  	[sflag:s0] =	ssyncset.done $0x0  }
0x9b: {  	[sflag:s0] =	ssyncadd.s32 $0xFFFFC000  }
0x9c: {  	[spmem:s1] =	stream.indirect.scatter.add.f32 [tilespmem:s29], [sflag:$0x3], $0x80, s18, s28, $0xb8;
	[tilespmem:$0x1C400] =	vst v63  }
0x9d: {  	_ =	swait.ge [sflag:s26], $0x100  }
0x9e: {  	[sflag:s26] =	ssyncset.done $0x0  }
0x9f: {  	[sflag:s26] =	ssyncadd.s32 $0xFFFFFF00  }
0xa0: {  	_ =	swait.ge [sflag:s5], $0x4000  }
0xa1: {  	s14 =	rddreg [dreg:$0x4];
	[sflag:s5] =	ssyncset.done $0x0  }
0xa2: {  	[sflag:s5] =	ssyncadd.s32 $0xFFFFC000;
	s12 =	sadd.s32 $0x0, s14  }
0xa3: {  	[tilespmem:s24], [sflag:$0xB] =	stream.linear.gather [hbm4b:s12+s3], $0x100, $0x38;
	[tilespmem:$0x1C400] =	vst v63  }
0xa4: {  	_ = 	snop  }
0xa5: {  	[tilespmem:s29], [sflag:$0x1] =	stream.indirect.gather [hbm4b:s4+s28], $0x80, s3, s28, $0xb8;
	[tilespmem:$0x1C400] =	vst v63  }
0xa6: {  	_ =	swait.ge [sflag:s7], $0x4000  }
0xa7: {  	[sflag:s7] =	ssyncset.done $0x0  }
0xa8: {  	[sflag:s7] =	ssyncadd.s32 $0xFFFFC000  }
0xa9: {  	[spmem:s1] =	stream.indirect.scatter.add.f32 [tilespmem:s31], [sflag:$0x4], $0x80, s9, s28, $0xb8;
	[tilespmem:$0x1C400] =	vst v63  }
0xaa: {  	_ =	swait.ge [sflag:s30], $0x100  }
0xab: {  	[sflag:s30] =	ssyncset.done $0x0  }
0xac: {  	[sflag:s30] =	ssyncadd.s32 $0xFFFFFF00  }
0xad: {  	_ =	swait.ge [sflag:s11], $0x4000  }
0xae: {  	s16 =	rddreg [dreg:$0x3];
	[sflag:s11] =	ssyncset.done $0x0  }
0xaf: {  	[sflag:s11] =	ssyncadd.s32 $0xFFFFC000;
	s12 =	sadd.s32 $0x0, s16  }
0xb0: {  	[tilespmem:s25], [sflag:$0xC] =	stream.linear.gather [hbm4b:s12+s3], $0x100, $0x38;
	[tilespmem:$0x1C400] =	vst v63  }
0xb1: {  	s12 =	simm.s32 $0x100  }
.LBB2_2:
0xb2: {  	[tilespmem:s31], [sflag:$0x2] =	stream.indirect.gather [hbm4b:s4+s28], $0x80, s19, s28, $0xb8;
	[tilespmem:$0x1C400] =	vst v63  }
0xb3: {  	_ =	swait.ge [sflag:s0], $0x4000  }
0xb4: {  	[sflag:s0] =	ssyncset.done $0x0  }
0xb5: {  	[sflag:s0] =	ssyncadd.s32 $0xFFFFC000  }
0xb6: {  	[spmem:s1] =	stream.indirect.scatter.add.f32 [tilespmem:s29], [sflag:$0x3], $0x80, s28, s28, $0xb8;
	[tilespmem:$0x1C400] =	vst v63  }
0xb7: {  	_ =	swait.ge [sflag:s2], $0x100  }
0xb8: {  	[sflag:s2] =	ssyncset.done $0x0  }
0xb9: {  	[sflag:s2] =	ssyncadd.s32 $0xFFFFFF00  }
0xba: {  	_ =	swait.ge [sflag:s5], $0x4000  }
0xbb: {  	s14 =	smov.u32 s12;
	s16 =	rddreg [dreg:$0xa];
	[sflag:s5] =	ssyncset.done $0x0  }
0xbc: {  	[sflag:s5] =	ssyncadd.s32 $0xFFFFC000;
	s16 =	sadd.s32 s14, s16  }
0xbd: {  	[tilespmem:s3], [sflag:$0x5] =	stream.linear.gather [hbm4b:s16+s3], $0x100, $0x38;
	[tilespmem:$0x1C400] =	vst v63  }
0xbe: {  	_ = 	snop  }
0xbf: {  	[tilespmem:s29], [sflag:$0x1] =	stream.indirect.gather [hbm4b:s4+s28], $0x80, s20, s28, $0xb8;
	[tilespmem:$0x1C400] =	vst v63  }
0xc0: {  	_ =	swait.ge [sflag:s7], $0x4000  }
0xc1: {  	[sflag:s7] =	ssyncset.done $0x0  }
0xc2: {  	s16 =	simm.s32 $0x180;
	[sflag:s7] =	ssyncadd.s32 $0xFFFFC000  }
0xc3: {  	[spmem:s1] =	stream.indirect.scatter.add.f32 [tilespmem:s31], [sflag:$0x4], $0x80, s16, s28, $0xb8;
	[tilespmem:$0x1C400] =	vst v63  }
0xc4: {  	_ =	swait.ge [sflag:s10], $0x100  }
0xc5: {  	[sflag:s10] =	ssyncset.done $0x0  }
0xc6: {  	[sflag:s10] =	ssyncadd.s32 $0xFFFFFF00  }
0xc7: {  	_ =	swait.ge [sflag:s11], $0x4000  }
0xc8: {  	s16 =	rddreg [dreg:$0x9];
	[sflag:s11] =	ssyncset.done $0x0  }
0xc9: {  	[sflag:s11] =	ssyncadd.s32 $0xFFFFC000;
	s16 =	sadd.s32 s14, s16  }
0xca: {  	[tilespmem:s19], [sflag:$0x6] =	stream.linear.gather [hbm4b:s16+s3], $0x100, $0x38;
	[tilespmem:$0x1C400] =	vst v63  }
0xcb: {  	_ = 	snop  }
0xcc: {  	[tilespmem:s31], [sflag:$0x2] =	stream.indirect.gather [hbm4b:s4+s28], $0x80, s21, s28, $0xb8;
	[tilespmem:$0x1C400] =	vst v63  }
0xcd: {  	_ =	swait.ge [sflag:s0], $0x4000  }
0xce: {  	[sflag:s0] =	ssyncset.done $0x0  }
0xcf: {  	s16 =	simm.s32 $0x280;
	[sflag:s0] =	ssyncadd.s32 $0xFFFFC000  }
0xd0: {  	[spmem:s1] =	stream.indirect.scatter.add.f32 [tilespmem:s29], [sflag:$0x3], $0x80, s16, s28, $0xb8;
	[tilespmem:$0x1C400] =	vst v63  }
0xd1: {  	_ =	swait.ge [sflag:s13], $0x100  }
0xd2: {  	[sflag:s13] =	ssyncset.done $0x0  }
0xd3: {  	[sflag:s13] =	ssyncadd.s32 $0xFFFFFF00  }
0xd4: {  	_ =	swait.ge [sflag:s5], $0x4000  }
0xd5: {  	s16 =	rddreg [dreg:$0x8];
	[sflag:s5] =	ssyncset.done $0x0  }
0xd6: {  	[sflag:s5] =	ssyncadd.s32 $0xFFFFC000;
	s16 =	sadd.s32 s14, s16  }
0xd7: {  	[tilespmem:s20], [sflag:$0x7] =	stream.linear.gather [hbm4b:s16+s3], $0x100, $0x38;
	[tilespmem:$0x1C400] =	vst v63  }
0xd8: {  	_ = 	snop  }
0xd9: {  	[tilespmem:s29], [sflag:$0x1] =	stream.indirect.gather [hbm4b:s4+s28], $0x80, s22, s28, $0xb8;
	[tilespmem:$0x1C400] =	vst v63  }
0xda: {  	_ =	swait.ge [sflag:s7], $0x4000  }
0xdb: {  	[sflag:s7] =	ssyncset.done $0x0  }
0xdc: {  	s16 =	simm.s32 $0x380;
	[sflag:s7] =	ssyncadd.s32 $0xFFFFC000  }
0xdd: {  	[spmem:s1] =	stream.indirect.scatter.add.f32 [tilespmem:s31], [sflag:$0x4], $0x80, s16, s28, $0xb8;
	[tilespmem:$0x1C400] =	vst v63  }
0xde: {  	_ =	swait.ge [sflag:s15], $0x100  }
0xdf: {  	[sflag:s15] =	ssyncset.done $0x0  }
0xe0: {  	[sflag:s15] =	ssyncadd.s32 $0xFFFFFF00  }
0xe1: {  	_ =	swait.ge [sflag:s11], $0x4000  }
0xe2: {  	s16 =	rddreg [dreg:$0x7];
	[sflag:s11] =	ssyncset.done $0x0  }
0xe3: {  	[sflag:s11] =	ssyncadd.s32 $0xFFFFC000;
	s16 =	sadd.s32 s14, s16  }
0xe4: {  	[tilespmem:s21], [sflag:$0x8] =	stream.linear.gather [hbm4b:s16+s3], $0x100, $0x38;
	[tilespmem:$0x1C400] =	vst v63  }
0xe5: {  	_ = 	snop  }
0xe6: {  	[tilespmem:s31], [sflag:$0x2] =	stream.indirect.gather [hbm4b:s4+s28], $0x80, s23, s28, $0xb8;
	[tilespmem:$0x1C400] =	vst v63  }
0xe7: {  	_ =	swait.ge [sflag:s0], $0x4000  }
0xe8: {  	[sflag:s0] =	ssyncset.done $0x0  }
0xe9: {  	s16 =	simm.s32 $0x480;
	[sflag:s0] =	ssyncadd.s32 $0xFFFFC000  }
0xea: {  	[spmem:s1] =	stream.indirect.scatter.add.f32 [tilespmem:s29], [sflag:$0x3], $0x80, s16, s28, $0xb8;
	[tilespmem:$0x1C400] =	vst v63  }
0xeb: {  	_ =	swait.ge [sflag:s17], $0x100  }
0xec: {  	[sflag:s17] =	ssyncset.done $0x0  }
0xed: {  	[sflag:s17] =	ssyncadd.s32 $0xFFFFFF00  }
0xee: {  	_ =	swait.ge [sflag:s5], $0x4000  }
0xef: {  	s16 =	rddreg [dreg:$0x6];
	[sflag:s5] =	ssyncset.done $0x0  }
0xf0: {  	[sflag:s5] =	ssyncadd.s32 $0xFFFFC000;
	s16 =	sadd.s32 s14, s16  }
0xf1: {  	[tilespmem:s22], [sflag:$0x9] =	stream.linear.gather [hbm4b:s16+s3], $0x100, $0x38;
	[tilespmem:$0x1C400] =	vst v63  }
0xf2: {  	_ = 	snop  }
0xf3: {  	[tilespmem:s29], [sflag:$0x1] =	stream.indirect.gather [hbm4b:s4+s28], $0x80, s24, s28, $0xb8;
	[tilespmem:$0x1C400] =	vst v63  }
0xf4: {  	_ =	swait.ge [sflag:s7], $0x4000  }
0xf5: {  	[sflag:s7] =	ssyncset.done $0x0  }
0xf6: {  	[sflag:s7] =	ssyncadd.s32 $0xFFFFC000  }
0xf7: {  	[spmem:s1] =	stream.indirect.scatter.add.f32 [tilespmem:s31], [sflag:$0x4], $0x80, s6, s28, $0xb8;
	[tilespmem:$0x1C400] =	vst v63  }
0xf8: {  	_ =	swait.ge [sflag:s8], $0x100  }
0xf9: {  	[sflag:s8] =	ssyncset.done $0x0  }
0xfa: {  	[sflag:s8] =	ssyncadd.s32 $0xFFFFFF00  }
0xfb: {  	_ =	swait.ge [sflag:s11], $0x4000  }
0xfc: {  	s16 =	rddreg [dreg:$0x5];
	[sflag:s11] =	ssyncset.done $0x0  }
0xfd: {  	[sflag:s11] =	ssyncadd.s32 $0xFFFFC000;
	s16 =	sadd.s32 s14, s16  }
0xfe: {  	[tilespmem:s23], [sflag:$0xA] =	stream.linear.gather [hbm4b:s16+s3], $0x100, $0x38;
	[tilespmem:$0x1C400] =	vst v63  }
0xff: {  	_ = 	snop  }
0x100: {  	[tilespmem:s31], [sflag:$0x2] =	stream.indirect.gather [hbm4b:s4+s28], $0x80, s25, s28, $0xb8;
	[tilespmem:$0x1C400] =	vst v63  }
0x101: {  	_ =	swait.ge [sflag:s0], $0x4000  }
0x102: {  	[sflag:s0] =	ssyncset.done $0x0  }
0x103: {  	[sflag:s0] =	ssyncadd.s32 $0xFFFFC000  }
0x104: {  	[spmem:s1] =	stream.indirect.scatter.add.f32 [tilespmem:s29], [sflag:$0x3], $0x80, s18, s28, $0xb8;
	[tilespmem:$0x1C400] =	vst v63  }
0x105: {  	_ =	swait.ge [sflag:s26], $0x100  }
0x106: {  	[sflag:s26] =	ssyncset.done $0x0  }
0x107: {  	[sflag:s26] =	ssyncadd.s32 $0xFFFFFF00  }
0x108: {  	_ =	swait.ge [sflag:s5], $0x4000  }
0x109: {  	s16 =	rddreg [dreg:$0x4];
	[sflag:s5] =	ssyncset.done $0x0  }
0x10a: {  	[sflag:s5] =	ssyncadd.s32 $0xFFFFC000;
	s16 =	sadd.s32 s14, s16  }
0x10b: {  	[tilespmem:s24], [sflag:$0xB] =	stream.linear.gather [hbm4b:s16+s3], $0x100, $0x38;
	[tilespmem:$0x1C400] =	vst v63  }
0x10c: {  	_ = 	snop  }
0x10d: {  	[tilespmem:s29], [sflag:$0x1] =	stream.indirect.gather [hbm4b:s4+s28], $0x80, s3, s28, $0xb8;
	[tilespmem:$0x1C400] =	vst v63  }
0x10e: {  	_ =	swait.ge [sflag:s7], $0x4000  }
0x10f: {  	[sflag:s7] =	ssyncset.done $0x0  }
0x110: {  	[sflag:s7] =	ssyncadd.s32 $0xFFFFC000  }
0x111: {  	[spmem:s1] =	stream.indirect.scatter.add.f32 [tilespmem:s31], [sflag:$0x4], $0x80, s9, s28, $0xb8;
	[tilespmem:$0x1C400] =	vst v63  }
0x112: {  	_ =	swait.ge [sflag:s30], $0x100  }
0x113: {  	p0 =	sne.s32 s12, $0x800;
	[sflag:s30] =	ssyncset.done $0x0  }
.Ltmp0:
0x114: {  	[sflag:s30] =	ssyncadd.s32 $0xFFFFFF00;
	(pc) =	sbr.rel @p0 .LBB2_2-.Ltmp0, $4  }
0x115: {  	_ =	swait.ge [sflag:s11], $0x4000  }
0x116: {  	s16 =	rddreg [dreg:$0x3];
	[sflag:s11] =	ssyncset.done $0x0  }
0x117: {  	s12 =	sadd.s32 $0x100, s12;
	[sflag:s11] =	ssyncadd.s32 $0xFFFFC000;
	s14 =	sadd.s32 s14, s16  }
0x118: {  	[tilespmem:s25], [sflag:$0xC] =	stream.linear.gather [hbm4b:s14+s3], $0x100, $0x38;
	[tilespmem:$0x1C400] =	vst v63  }
0x119: {  	[tilespmem:s31], [sflag:$0x2] =	stream.indirect.gather [hbm4b:s4+s28], $0x80, s19, s28, $0xb8;
	[tilespmem:$0x1C400] =	vst v63  }
0x11a: {  	_ =	swait.ge [sflag:s0], $0x4000  }
0x11b: {  	[sflag:s0] =	ssyncset.done $0x0  }
0x11c: {  	[sflag:s0] =	ssyncadd.s32 $0xFFFFC000  }
0x11d: {  	[spmem:s1] =	stream.indirect.scatter.add.f32 [tilespmem:s29], [sflag:$0x3], $0x80, s28, s28, $0xb8;
	[tilespmem:$0x1C400] =	vst v63  }
0x11e: {  	_ =	swait.ge [sflag:s5], $0x4000  }
0x11f: {  	[sflag:s5] =	ssyncset.done $0x0  }
0x120: {  	[sflag:s5] =	ssyncadd.s32 $0xFFFFC000  }
0x121: {  	_ =	swait.ge [sflag:s2], $0x100  }
0x122: {  	[sflag:s2] =	ssyncset.done $0x0  }
0x123: {  	[sflag:s2] =	ssyncadd.s32 $0xFFFFFF00  }
0x124: {  	[tilespmem:s29], [sflag:$0x1] =	stream.indirect.gather [hbm4b:s4+s28], $0x80, s20, s28, $0xb8;
	[tilespmem:$0x1C400] =	vst v63  }
0x125: {  	_ =	swait.ge [sflag:s7], $0x4000  }
0x126: {  	[sflag:s7] =	ssyncset.done $0x0  }
0x127: {  	s12 =	simm.s32 $0x180;
	[sflag:s7] =	ssyncadd.s32 $0xFFFFC000  }
0x128: {  	[spmem:s1] =	stream.indirect.scatter.add.f32 [tilespmem:s31], [sflag:$0x4], $0x80, s12, s28, $0xb8;
	[tilespmem:$0x1C400] =	vst v63  }
0x129: {  	_ =	swait.ge [sflag:s11], $0x4000  }
0x12a: {  	[sflag:s11] =	ssyncset.done $0x0  }
0x12b: {  	[sflag:s11] =	ssyncadd.s32 $0xFFFFC000  }
0x12c: {  	_ =	swait.ge [sflag:s10], $0x100  }
0x12d: {  	[sflag:s10] =	ssyncset.done $0x0  }
0x12e: {  	[sflag:s10] =	ssyncadd.s32 $0xFFFFFF00  }
0x12f: {  	[tilespmem:s31], [sflag:$0x2] =	stream.indirect.gather [hbm4b:s4+s28], $0x80, s21, s28, $0xb8;
	[tilespmem:$0x1C400] =	vst v63  }
0x130: {  	_ =	swait.ge [sflag:s0], $0x4000  }
0x131: {  	[sflag:s0] =	ssyncset.done $0x0  }
0x132: {  	s16 =	simm.s32 $0x280;
	[sflag:s0] =	ssyncadd.s32 $0xFFFFC000  }
0x133: {  	[spmem:s1] =	stream.indirect.scatter.add.f32 [tilespmem:s29], [sflag:$0x3], $0x80, s16, s28, $0xb8;
	[tilespmem:$0x1C400] =	vst v63  }
0x134: {  	_ =	swait.ge [sflag:s5], $0x4000  }
0x135: {  	[sflag:s5] =	ssyncset.done $0x0  }
0x136: {  	[sflag:s5] =	ssyncadd.s32 $0xFFFFC000  }
0x137: {  	_ =	swait.ge [sflag:s13], $0x100  }
0x138: {  	[sflag:s13] =	ssyncset.done $0x0  }
0x139: {  	[sflag:s13] =	ssyncadd.s32 $0xFFFFFF00  }
0x13a: {  	[tilespmem:s29], [sflag:$0x1] =	stream.indirect.gather [hbm4b:s4+s28], $0x80, s22, s28, $0xb8;
	[tilespmem:$0x1C400] =	vst v63  }
0x13b: {  	_ =	swait.ge [sflag:s7], $0x4000  }
0x13c: {  	[sflag:s7] =	ssyncset.done $0x0  }
0x13d: {  	s14 =	simm.s32 $0x380;
	[sflag:s7] =	ssyncadd.s32 $0xFFFFC000  }
0x13e: {  	[spmem:s1] =	stream.indirect.scatter.add.f32 [tilespmem:s31], [sflag:$0x4], $0x80, s14, s28, $0xb8;
	[tilespmem:$0x1C400] =	vst v63  }
0x13f: {  	_ =	swait.ge [sflag:s11], $0x4000  }
0x140: {  	[sflag:s11] =	ssyncset.done $0x0  }
0x141: {  	[sflag:s11] =	ssyncadd.s32 $0xFFFFC000  }
0x142: {  	_ =	swait.ge [sflag:s15], $0x100  }
0x143: {  	[sflag:s15] =	ssyncset.done $0x0  }
0x144: {  	[sflag:s15] =	ssyncadd.s32 $0xFFFFFF00  }
0x145: {  	[tilespmem:s31], [sflag:$0x2] =	stream.indirect.gather [hbm4b:s4+s28], $0x80, s23, s28, $0xb8;
	[tilespmem:$0x1C400] =	vst v63  }
0x146: {  	_ =	swait.ge [sflag:s0], $0x4000  }
0x147: {  	[sflag:s0] =	ssyncset.done $0x0  }
0x148: {  	s16 =	simm.s32 $0x480;
	[sflag:s0] =	ssyncadd.s32 $0xFFFFC000  }
0x149: {  	[spmem:s1] =	stream.indirect.scatter.add.f32 [tilespmem:s29], [sflag:$0x3], $0x80, s16, s28, $0xb8;
	[tilespmem:$0x1C400] =	vst v63  }
0x14a: {  	_ =	swait.ge [sflag:s5], $0x4000  }
0x14b: {  	[sflag:s5] =	ssyncset.done $0x0  }
0x14c: {  	[sflag:s5] =	ssyncadd.s32 $0xFFFFC000  }
0x14d: {  	_ =	swait.ge [sflag:s17], $0x100  }
0x14e: {  	[sflag:s17] =	ssyncset.done $0x0  }
0x14f: {  	[sflag:s17] =	ssyncadd.s32 $0xFFFFFF00  }
0x150: {  	[tilespmem:s29], [sflag:$0x1] =	stream.indirect.gather [hbm4b:s4+s28], $0x80, s24, s28, $0xb8;
	[tilespmem:$0x1C400] =	vst v63  }
0x151: {  	_ =	swait.ge [sflag:s7], $0x4000  }
0x152: {  	[sflag:s7] =	ssyncset.done $0x0  }
0x153: {  	[sflag:s7] =	ssyncadd.s32 $0xFFFFC000  }
0x154: {  	[spmem:s1] =	stream.indirect.scatter.add.f32 [tilespmem:s31], [sflag:$0x4], $0x80, s6, s28, $0xb8;
	[tilespmem:$0x1C400] =	vst v63  }
0x155: {  	_ =	swait.ge [sflag:s11], $0x4000  }
0x156: {  	[sflag:s11] =	ssyncset.done $0x0  }
0x157: {  	[sflag:s11] =	ssyncadd.s32 $0xFFFFC000  }
0x158: {  	_ =	swait.ge [sflag:s8], $0x100  }
0x159: {  	[sflag:s8] =	ssyncset.done $0x0  }
0x15a: {  	[sflag:s8] =	ssyncadd.s32 $0xFFFFFF00  }
0x15b: {  	[tilespmem:s31], [sflag:$0x2] =	stream.indirect.gather [hbm4b:s4+s28], $0x80, s25, s28, $0xb8;
	[tilespmem:$0x1C400] =	vst v63  }
0x15c: {  	_ =	swait.ge [sflag:s0], $0x4000  }
0x15d: {  	[sflag:s0] =	ssyncset.done $0x0  }
0x15e: {  	[sflag:s0] =	ssyncadd.s32 $0xFFFFC000  }
0x15f: {  	[spmem:s1] =	stream.indirect.scatter.add.f32 [tilespmem:s29], [sflag:$0x3], $0x80, s18, s28, $0xb8;
	[tilespmem:$0x1C400] =	vst v63  }
0x160: {  	_ =	swait.ge [sflag:s5], $0x4000  }
0x161: {  	[sflag:s5] =	ssyncset.done $0x0  }
0x162: {  	[sflag:s5] =	ssyncadd.s32 $0xFFFFC000  }
0x163: {  	_ =	swait.ge [sflag:s7], $0x4000  }
0x164: {  	[sflag:s7] =	ssyncset.done $0x0  }
0x165: {  	[sflag:s7] =	ssyncadd.s32 $0xFFFFC000  }
0x166: {  	[spmem:s1] =	stream.indirect.scatter.add.f32 [tilespmem:s31], [sflag:$0x4], $0x80, s9, s28, $0xb8;
	[tilespmem:$0x1C400] =	vst v63  }
0x167: {  	_ =	swait.ge [sflag:s11], $0x4000  }
0x168: {  	[sflag:s11] =	ssyncset.done $0x0  }
0x169: {  	[sflag:s11] =	ssyncadd.s32 $0xFFFFC000  }
0x16a: {  	[bflag:$0x0] =	sbarrier.arrive $0xFFFF  }
0x16b: {  	s16 =	rddreg [dreg:$0xe]  }
0x16c: {  	s12 =	rddreg [dreg:$0x16]  }
0x16d: {  	s14 =	rddreg [dreg:$0x19]  }
0x16e: {  	[hbm:s12], [sflag:s16] =	dma.local [spmem:s14], $0x2780  }
0x16f: {  	s16 =	simm.s32 $0xD  }
0x170: {  	_ =	swait.ge [sflag:s16], $0x2780  }
0x171: {  	s12 =	rddreg [dreg:$0x18]  }
0x172: {  	s14 =	sadd.s32 $0x1, s12;
	s12 =	rddreg [dreg:$0x17]  }
0x173: {  	p0 =	sne.s32 s14, s12  }
.Ltmp1:
0x174: {  	_ = 	snop;
	(pc) =	sbr.rel @p0 .LBB2_1-.Ltmp1, $3  }
0x175: {  	_ =	sdelay $0x1  }
0x176: {  	[sflag:s16] =	ssyncset.done $0x0  }
0x177: {  	[sflag:s16] =	ssyncadd.s32 $0xFFFFD880;
	[dreg:$0x18] =	wrdreg s14  }
0x178: {  	_ =	sfence.sel $0x180000  }
0x179: {  	[bflag:$0x0] =	sbarrier.arrive $0xFFFF  }
0x17a: {  	_ =	strace $0x9000004A  }
0x17b: {  	s0 =	stileid.u32;
	[bflag:$0x2] =	sbarrier.arrive $0xFFFF  }
0x17c: {  	p0 =	sne.s32 s0, $0x0;
	s0 =	rddreg [dreg:$0x2]  }
0x17d: {  	s0 =	sadd.s32 @!p0 $0x100000, s0  }
0x17e: {  	[sflag:s0] =	ssyncadd.tile.s32 @!p0 $0x1;
	_ =	shalt  }
.Lfunc_end2:
_tile_overlayer_lowered:
.L_overlay_start_2:
0x17f: {  	(tag) =	ssettag $0x2  }
0x180: {  	s0 =	rddreg [dreg:$0x0];
	s2 =	stileid.u32  }
0x181: {  	s1 =	rddreg [dreg:$0x1];
	p0 =	sne.s32 s2, $0x0  }
0x182: {  	s3 =	rddreg [dreg:$0x2];
	[bflag:$0x3] =	sbarrier.arrive $0xFFFF;
	s2 =	simm.s32 @!p0 $0x1C0D  }
0x183: {  	[timem:s3], [sflag:s2] =	dma.local @!p0 [hbm:s0], s1  }
0x184: {  	s0 =	simm.s32 @!p0 $0xD  }
0x185: {  	_ =	swait.ge @!p0 [sflag:s0], s1  }
0x186: {  	s1 =	ssub.s32 @!p0 $0x0, s1;
	[sflag:s0] =	ssyncset.done @!p0 $0x0  }
0x187: {  	[sflag:s0] =	ssyncadd.s32 @!p0 s1  }
0x188: {  	[bflag:$0x3] =	sbarrier.arrive $0xFFFF  }
0x189: {  	_ =	shalt  }

</sc_bundles>
